<compile_context>
chip_gen: v7x
topology: tpu7x:2x2x1
jax: 0.10.2.dev20260603
libtpu: 0.0.44.dev20260713+nightly
codegen_flags: <defaults>
</compile_context>

<pallas_src>
import functools

import jax
import jax.numpy as jnp
from jax import lax
from jax.experimental import pallas as pl
from jax.experimental.pallas import tpu as pltpu
from jax.experimental.pallas import tpu_sc as plsc

N, E, D, OUT = 10000, 320000, 128, 1

NC, NS, L = 2, 16, 16
NW = NC * NS
EDGES_PER_W = E // NW
BLK = 80
NBLK = EDGES_PER_W // BLK
GROUPS = BLK // L
WPN = D // 2


def _project_body(h_ref, ws_ref, wd_ref, us_ref, ud_ref):
    h = h_ref[...]
    for w_ref, out_ref in ((ws_ref, us_ref), (wd_ref, ud_ref)):
        p = lax.dot_general(h, w_ref[...], (((1,), (1,)), ((), ())),
                            preferred_element_type=jnp.float32)
        inv = lax.rsqrt(jnp.sum(p * p, axis=1, keepdims=True))
        u = (p * inv).astype(jnp.bfloat16)
        lo = lax.bitcast_convert_type(u[:, :WPN], jnp.uint16).astype(jnp.uint32)
        hi = lax.bitcast_convert_type(u[:, WPN:], jnp.uint16).astype(jnp.uint32)
        out_ref[...] = lax.bitcast_convert_type(lo | (hi << 16), jnp.int32)


def _project(h, w_src, w_dst):
    blk = 10000
    grid = N // blk
    return pl.pallas_call(
        _project_body,
        grid=(grid,),
        in_specs=[
            pl.BlockSpec((blk, D), lambda i: (i, 0)),
            pl.BlockSpec((D, D), lambda i: (0, 0)),
            pl.BlockSpec((D, D), lambda i: (0, 0)),
        ],
        out_specs=[
            pl.BlockSpec((blk, WPN), lambda i: (i, 0)),
            pl.BlockSpec((blk, WPN), lambda i: (i, 0)),
        ],
        out_shape=[
            jax.ShapeDtypeStruct((N, WPN), jnp.int32),
            jax.ShapeDtypeStruct((N, WPN), jnp.int32),
        ],
    )(h, w_src, w_dst)


def _edge_body(us_hbm, ud_hbm, ei_hbm, out_hbm,
               idx_s, idx_d, rows_s0, rows_d0, rows_s1, rows_d1, out_v,
               sem_s0, sem_d0, sem_s1, sem_d1):
    wid = lax.axis_index("s") * NC + lax.axis_index("c")
    lane = lax.iota(jnp.int32, L)
    base = wid * EDGES_PER_W

    pltpu.sync_copy(ei_hbm.at[0, pl.ds(base, EDGES_PER_W)], idx_s)
    pltpu.sync_copy(ei_hbm.at[1, pl.ds(base, EDGES_PER_W)], idx_d)

    def issue(j, rows_s, rows_d, sem_s, sem_d):
        cs = pltpu.async_copy(
            us_hbm.at[idx_s.at[pl.ds(j * BLK, BLK)]],
            rows_s, sem_s)
        cd = pltpu.async_copy(
            ud_hbm.at[idx_d.at[pl.ds(j * BLK, BLK)]],
            rows_d, sem_d)
        return cs, cd

    def compute(j, rows_s, rows_d):
        def group_body(g, c):
            res = jnp.zeros((L,), jnp.float32)
            for i in range(L):
                e = g * L + i
                acc = jnp.zeros((L,), jnp.float32)
                for k in range(WPN // L):
                    a = plsc.bitcast(rows_s[e, pl.ds(k * L, L)], jnp.bfloat16)
                    b = plsc.bitcast(rows_d[e, pl.ds(k * L, L)], jnp.bfloat16)
                    p0, p1 = plsc.unpack(a * b,
                                         format=plsc.PackFormat.INTERLEAVED)
                    acc = acc + p0 + p1
                res = jnp.where(lane == i, jnp.sum(acc), res)
            out_v[pl.ds(j * BLK + g * L, L)] = res
            return c

        lax.fori_loop(0, GROUPS, group_body, 0, unroll=False)

    def wait(j, rows_s, rows_d, sem_s, sem_d):
        pltpu.make_async_copy(
            us_hbm.at[idx_s.at[pl.ds(j * BLK, BLK)]],
            rows_s, sem_s).wait()
        pltpu.make_async_copy(
            ud_hbm.at[idx_d.at[pl.ds(j * BLK, BLK)]],
            rows_d, sem_d).wait()

    issue(0, rows_s0, rows_d0, sem_s0, sem_d0)

    def pair_body(p, carry):
        j0 = 2 * p
        issue(j0 + 1, rows_s1, rows_d1, sem_s1, sem_d1)
        wait(j0, rows_s0, rows_d0, sem_s0, sem_d0)
        compute(j0, rows_s0, rows_d0)
        issue(j0 + 2, rows_s0, rows_d0, sem_s0, sem_d0)
        wait(j0 + 1, rows_s1, rows_d1, sem_s1, sem_d1)
        compute(j0 + 1, rows_s1, rows_d1)
        return carry

    lax.fori_loop(0, (NBLK - 1) // 2, pair_body, 0, unroll=False)
    wait(NBLK - 1, rows_s0, rows_d0, sem_s0, sem_d0)
    compute(NBLK - 1, rows_s0, rows_d0)

    pltpu.sync_copy(out_v, out_hbm.at[pl.ds(base, EDGES_PER_W)])


@functools.partial(jax.jit)
def _edge_scores(us, ud, ei):
    mesh = plsc.VectorSubcoreMesh(core_axis_name="c", subcore_axis_name="s",
                                  num_cores=NC, num_subcores=NS)
    return pl.kernel(
        _edge_body,
        out_type=jax.ShapeDtypeStruct((E,), jnp.float32),
        mesh=mesh,
        scratch_types=[
            pltpu.VMEM((EDGES_PER_W,), jnp.int32),
            pltpu.VMEM((EDGES_PER_W,), jnp.int32),
            pltpu.VMEM((BLK, WPN), jnp.int32),
            pltpu.VMEM((BLK, WPN), jnp.int32),
            pltpu.VMEM((BLK, WPN), jnp.int32),
            pltpu.VMEM((BLK, WPN), jnp.int32),
            pltpu.VMEM((EDGES_PER_W,), jnp.float32),
            pltpu.SemaphoreType.DMA,
            pltpu.SemaphoreType.DMA,
            pltpu.SemaphoreType.DMA,
            pltpu.SemaphoreType.DMA,
        ],
        compiler_params=pltpu.CompilerParams(needs_layout_passes=False,
                                             use_tc_tiling_on_sc=False),
    )(us, ud, ei)


def kernel(h, edge_index, W_src, W_dst):
    us, ud = _project(h, W_src, W_dst)
    return _edge_scores(us, ud, edge_index)

# --- scband reference (transcript-rebuilt; emitter-appended) ---
"""Pipeline reference for scband-cos-predictor-35390530519861 (READ-ONLY COPY).

The authoritative reference and input builder live on the scoring server;
editing this copy changes nothing except your own understanding.
"""

import jax, jax.numpy as jnp
import numpy as np

N, E, D, OUT = 10000, 320000, 128, 1


def setup_inputs(seed: int = 0):
    key = jax.random.key(seed)
    k1, k2, k3, k4 = jax.random.split(key, 4)
    h = jax.random.normal(k1, (N, D), dtype=jnp.float32)
    edge_index = jax.random.randint(k2, (2, E), 0, N, dtype=jnp.int32)
    # EdgePredictor('cos', in_feats=128, out_feats=1): separate src/dst linear
    # projections of shape [out_feats * in_feats, in_feats], bias=False (default).
    W_src = jax.random.normal(k3, (OUT * D, D), dtype=jnp.float32) * 0.05
    W_dst = jax.random.normal(k4, (OUT * D, D), dtype=jnp.float32) * 0.05
    return {"h": h, "edge_index": edge_index, "W_src": W_src, "W_dst": W_dst}


def reference(h, edge_index, W_src, W_dst):
    src = edge_index[0]
    dst = edge_index[1]
    # gather endpoint features for every edge
    h_src = jnp.take(h, src, axis=0)
    h_dst = jnp.take(h, dst, axis=0)
    # linear projections, reshaped to [E, out_feats, in_feats]
    hs = (h_src @ W_src.T).reshape(-1, OUT, D)
    hd = (h_dst @ W_dst.T).reshape(-1, OUT, D)
    # cosine similarity along feature dim -> [E, out_feats]
    num = jnp.sum(hs * hd, axis=-1)
    denom = jnp.linalg.norm(hs, axis=-1) * jnp.linalg.norm(hd, axis=-1)
    score = num / denom
    # CosPredictor.forward returns .view(-1)
    return score.reshape(-1)

if __name__ == "__main__":
    import jax
    _d = setup_inputs()
    print(jax.jit(kernel)(*tuple(_d.values())))

</pallas_src>

<mosaic_0001>
#map = affine_map<(d0, d1) -> (0, 0)>
#map1 = affine_map<(d0, d1) -> (0)>
module attributes {stable_mosaic.version = 14 : i64} {
  func.func @_edge_body(%arg0: i32, %arg1: i32, %arg2: memref<10000x64xi32, #tpu.memory_space<hbm>>, %arg3: memref<10000x64xi32, #tpu.memory_space<hbm>>, %arg4: memref<2x320000xi32, #tpu.memory_space<hbm>>, %arg5: memref<320000xf32, #tpu.memory_space<hbm>>, %arg6: memref<10000xi32, #tpu.memory_space<vmem>>, %arg7: memref<10000xi32, #tpu.memory_space<vmem>>, %arg8: memref<80x64xi32, #tpu.memory_space<vmem>>, %arg9: memref<80x64xi32, #tpu.memory_space<vmem>>, %arg10: memref<80x64xi32, #tpu.memory_space<vmem>>, %arg11: memref<80x64xi32, #tpu.memory_space<vmem>>, %arg12: memref<10000xf32, #tpu.memory_space<vmem>>, %arg13: memref<!tpu.dma_semaphore, #tpu.memory_space<semaphore_mem>>, %arg14: memref<!tpu.dma_semaphore, #tpu.memory_space<semaphore_mem>>, %arg15: memref<!tpu.dma_semaphore, #tpu.memory_space<semaphore_mem>>, %arg16: memref<!tpu.dma_semaphore, #tpu.memory_space<semaphore_mem>>) attributes {dimension_semantics = [#tpu.dimension_semantics<core_parallel>, #tpu.dimension_semantics<subcore_parallel>], iteration_bounds = array<i64: 2, 16>, scalar_prefetch = 0 : i64, scratch_operands = 11 : i64, tpu.core_type = #tpu.core_type<sc_vector_subcore>, window_params = [{transform_indices = #map}, {transform_indices = #map}, {transform_indices = #map}, {transform_indices = #map1}]} {
    %mul3A = arith.constant 2 : i32
    %mul3A_0 = arith.muli %arg1, %mul3A : i32
    %add3A = arith.addi %mul3A_0, %arg0 : i32
    %iota3A = tpu.iota {dimensions = array<i32: 0>} : vector<16xi32>
    %mul3A_1 = arith.constant 10000 : i32
    %mul3A_2 = arith.muli %add3A, %mul3A_1 : i32
    %run_scoped3A = arith.constant 0 : i32
    "tpu.region"() ({
      %run_scoped3A_33 = tpu.sem_alloc : memref<!tpu.dma_semaphore, #tpu.memory_space<semaphore_mem>>
      %dma_start3A_34 = tpu.memref_slice %arg4[%run_scoped3A, %mul3A_2] : memref<2x320000xi32, #tpu.memory_space<hbm>> -> memref<1x10000xi32, #tpu.memory_space<hbm>>
      %dma_start3A_35 = tpu.memref_squeeze %dma_start3A_34 : memref<1x10000xi32, #tpu.memory_space<hbm>> -> memref<10000xi32, #tpu.memory_space<hbm>>
      %dma_start3A_36 = tpu.memref_slice %arg4[%run_scoped3A, %mul3A_2] : memref<2x320000xi32, #tpu.memory_space<hbm>> -> memref<1x10000xi32, #tpu.memory_space<hbm>>
      %dma_start3A_37 = tpu.memref_squeeze %dma_start3A_36 : memref<1x10000xi32, #tpu.memory_space<hbm>> -> memref<10000xi32, #tpu.memory_space<hbm>>
      tpu.enqueue_dma source(%dma_start3A_37 : memref<10000xi32, #tpu.memory_space<hbm>>) target(%arg6 : memref<10000xi32, #tpu.memory_space<vmem>>) target_semaphore(%run_scoped3A_33 : memref<!tpu.dma_semaphore, #tpu.memory_space<semaphore_mem>>)
      %dma_wait3A_38 = tpu.memref_slice %arg4[%run_scoped3A, %mul3A_2] : memref<2x320000xi32, #tpu.memory_space<hbm>> -> memref<1x10000xi32, #tpu.memory_space<hbm>>
      %dma_wait3A_39 = tpu.memref_squeeze %dma_wait3A_38 : memref<1x10000xi32, #tpu.memory_space<hbm>> -> memref<10000xi32, #tpu.memory_space<hbm>>
      %dma_wait3A_40 = tpu.memref_slice %arg4[%run_scoped3A, %mul3A_2] : memref<2x320000xi32, #tpu.memory_space<hbm>> -> memref<1x10000xi32, #tpu.memory_space<hbm>>
      %dma_wait3A_41 = tpu.memref_squeeze %dma_wait3A_40 : memref<1x10000xi32, #tpu.memory_space<hbm>> -> memref<10000xi32, #tpu.memory_space<hbm>>
      tpu.wait_dma2 semaphore(%run_scoped3A_33 : memref<!tpu.dma_semaphore, #tpu.memory_space<semaphore_mem>>) src(%dma_wait3A_41 : memref<10000xi32, #tpu.memory_space<hbm>>) dst(%arg6 : memref<10000xi32, #tpu.memory_space<vmem>>)
      tpu.yield
    }) : () -> ()
    %run_scoped3A_3 = arith.constant 1 : i32
    "tpu.region"() ({
      %run_scoped3A_33 = tpu.sem_alloc : memref<!tpu.dma_semaphore, #tpu.memory_space<semaphore_mem>>
      %dma_start3A_34 = tpu.memref_slice %arg4[%run_scoped3A_3, %mul3A_2] : memref<2x320000xi32, #tpu.memory_space<hbm>> -> memref<1x10000xi32, #tpu.memory_space<hbm>>
      %dma_start3A_35 = tpu.memref_squeeze %dma_start3A_34 : memref<1x10000xi32, #tpu.memory_space<hbm>> -> memref<10000xi32, #tpu.memory_space<hbm>>
      %dma_start3A_36 = tpu.memref_slice %arg4[%run_scoped3A_3, %mul3A_2] : memref<2x320000xi32, #tpu.memory_space<hbm>> -> memref<1x10000xi32, #tpu.memory_space<hbm>>
      %dma_start3A_37 = tpu.memref_squeeze %dma_start3A_36 : memref<1x10000xi32, #tpu.memory_space<hbm>> -> memref<10000xi32, #tpu.memory_space<hbm>>
      tpu.enqueue_dma source(%dma_start3A_37 : memref<10000xi32, #tpu.memory_space<hbm>>) target(%arg7 : memref<10000xi32, #tpu.memory_space<vmem>>) target_semaphore(%run_scoped3A_33 : memref<!tpu.dma_semaphore, #tpu.memory_space<semaphore_mem>>)
      %dma_wait3A_38 = tpu.memref_slice %arg4[%run_scoped3A_3, %mul3A_2] : memref<2x320000xi32, #tpu.memory_space<hbm>> -> memref<1x10000xi32, #tpu.memory_space<hbm>>
      %dma_wait3A_39 = tpu.memref_squeeze %dma_wait3A_38 : memref<1x10000xi32, #tpu.memory_space<hbm>> -> memref<10000xi32, #tpu.memory_space<hbm>>
      %dma_wait3A_40 = tpu.memref_slice %arg4[%run_scoped3A_3, %mul3A_2] : memref<2x320000xi32, #tpu.memory_space<hbm>> -> memref<1x10000xi32, #tpu.memory_space<hbm>>
      %dma_wait3A_41 = tpu.memref_squeeze %dma_wait3A_40 : memref<1x10000xi32, #tpu.memory_space<hbm>> -> memref<10000xi32, #tpu.memory_space<hbm>>
      tpu.wait_dma2 semaphore(%run_scoped3A_33 : memref<!tpu.dma_semaphore, #tpu.memory_space<semaphore_mem>>) src(%dma_wait3A_41 : memref<10000xi32, #tpu.memory_space<hbm>>) dst(%arg7 : memref<10000xi32, #tpu.memory_space<vmem>>)
      tpu.yield
    }) : () -> ()
    %dma_start3A = arith.constant 0 : i32
    %dma_start3A_4 = tpu.memref_slice %arg6[%dma_start3A] : memref<10000xi32, #tpu.memory_space<vmem>> -> memref<80xi32, #tpu.memory_space<vmem>>
    %dma_start3A_5 = arith.constant 0 : i32
    %dma_start3A_6 = arith.constant 0 : i32
    %dma_start3A_7 = tpu.memref_slice %arg2[%dma_start3A_5, %dma_start3A_6] : memref<10000x64xi32, #tpu.memory_space<hbm>> -> memref<10000x64xi32, #tpu.memory_space<hbm>>
    tpu.enqueue_indirect_dma source(%dma_start3A_7 : memref<10000x64xi32, #tpu.memory_space<hbm>>) target(%arg8 : memref<80x64xi32, #tpu.memory_space<vmem>>) offsets(%dma_start3A_4 : memref<80xi32, #tpu.memory_space<vmem>>) semaphore(%arg13 : memref<!tpu.dma_semaphore, #tpu.memory_space<semaphore_mem>>)
    %dma_start3A_8 = arith.constant 0 : i32
    %dma_start3A_9 = tpu.memref_slice %arg7[%dma_start3A_8] : memref<10000xi32, #tpu.memory_space<vmem>> -> memref<80xi32, #tpu.memory_space<vmem>>
    %dma_start3A_10 = arith.constant 0 : i32
    %dma_start3A_11 = arith.constant 0 : i32
    %dma_start3A_12 = tpu.memref_slice %arg3[%dma_start3A_10, %dma_start3A_11] : memref<10000x64xi32, #tpu.memory_space<hbm>> -> memref<10000x64xi32, #tpu.memory_space<hbm>>
    tpu.enqueue_indirect_dma source(%dma_start3A_12 : memref<10000x64xi32, #tpu.memory_space<hbm>>) target(%arg9 : memref<80x64xi32, #tpu.memory_space<vmem>>) offsets(%dma_start3A_9 : memref<80xi32, #tpu.memory_space<vmem>>) semaphore(%arg14 : memref<!tpu.dma_semaphore, #tpu.memory_space<semaphore_mem>>)
    %scan3A = arith.constant 0 : i32
    %scan3A_13 = arith.constant 0 : i32
    %scan3A_14 = arith.constant 62 : i32
    %scan3A_15 = arith.addi %scan3A_13, %scan3A_14 : i32
    %scan3A_16 = arith.constant 1 : i32
    scf.for %scan3A_33 = %scan3A_13 to %scan3A_15 step %scan3A_16  : i32 {
      %mul3A_34 = arith.constant 2 : i32
      %mul3A_35 = arith.muli %mul3A_34, %scan3A_33 : i32
      %add3A_36 = arith.constant 1 : i32
      %add3A_37 = arith.addi %mul3A_35, %add3A_36 : i32
      %mul3A_38 = arith.constant 80 : i32
      %mul3A_39 = arith.muli %add3A_37, %mul3A_38 : i32
      %dma_start3A_40 = tpu.memref_slice %arg6[%mul3A_39] : memref<10000xi32, #tpu.memory_space<vmem>> -> memref<80xi32, #tpu.memory_space<vmem>>
      %dma_start3A_41 = arith.constant 0 : i32
      %dma_start3A_42 = arith.constant 0 : i32
      %dma_start3A_43 = tpu.memref_slice %arg2[%dma_start3A_41, %dma_start3A_42] : memref<10000x64xi32, #tpu.memory_space<hbm>> -> memref<10000x64xi32, #tpu.memory_space<hbm>>
      tpu.enqueue_indirect_dma source(%dma_start3A_43 : memref<10000x64xi32, #tpu.memory_space<hbm>>) target(%arg10 : memref<80x64xi32, #tpu.memory_space<vmem>>) offsets(%dma_start3A_40 : memref<80xi32, #tpu.memory_space<vmem>>) semaphore(%arg15 : memref<!tpu.dma_semaphore, #tpu.memory_space<semaphore_mem>>)
      %mul3A_44 = arith.constant 80 : i32
      %mul3A_45 = arith.muli %add3A_37, %mul3A_44 : i32
      %dma_start3A_46 = tpu.memref_slice %arg7[%mul3A_45] : memref<10000xi32, #tpu.memory_space<vmem>> -> memref<80xi32, #tpu.memory_space<vmem>>
      %dma_start3A_47 = arith.constant 0 : i32
      %dma_start3A_48 = arith.constant 0 : i32
      %dma_start3A_49 = tpu.memref_slice %arg3[%dma_start3A_47, %dma_start3A_48] : memref<10000x64xi32, #tpu.memory_space<hbm>> -> memref<10000x64xi32, #tpu.memory_space<hbm>>
      tpu.enqueue_indirect_dma source(%dma_start3A_49 : memref<10000x64xi32, #tpu.memory_space<hbm>>) target(%arg11 : memref<80x64xi32, #tpu.memory_space<vmem>>) offsets(%dma_start3A_46 : memref<80xi32, #tpu.memory_space<vmem>>) semaphore(%arg16 : memref<!tpu.dma_semaphore, #tpu.memory_space<semaphore_mem>>)
      %mul3A_50 = arith.constant 80 : i32
      %mul3A_51 = arith.muli %mul3A_35, %mul3A_50 : i32
      %dma_wait3A_52 = tpu.memref_slice %arg6[%mul3A_51] : memref<10000xi32, #tpu.memory_space<vmem>> -> memref<80xi32, #tpu.memory_space<vmem>>
      %dma_wait3A_53 = arith.constant 0 : i32
      %dma_wait3A_54 = arith.constant 0 : i32
      %dma_wait3A_55 = tpu.memref_slice %arg2[%dma_wait3A_53, %dma_wait3A_54] : memref<10000x64xi32, #tpu.memory_space<hbm>> -> memref<10000x64xi32, #tpu.memory_space<hbm>>
      tpu.wait_indirect_dma semaphore(%arg13 : memref<!tpu.dma_semaphore, #tpu.memory_space<semaphore_mem>>) src(%dma_wait3A_55 : memref<10000x64xi32, #tpu.memory_space<hbm>>) dst(%arg8 : memref<80x64xi32, #tpu.memory_space<vmem>>)
      %mul3A_56 = arith.constant 80 : i32
      %mul3A_57 = arith.muli %mul3A_35, %mul3A_56 : i32
      %dma_wait3A_58 = tpu.memref_slice %arg7[%mul3A_57] : memref<10000xi32, #tpu.memory_space<vmem>> -> memref<80xi32, #tpu.memory_space<vmem>>
      %dma_wait3A_59 = arith.constant 0 : i32
      %dma_wait3A_60 = arith.constant 0 : i32
      %dma_wait3A_61 = tpu.memref_slice %arg3[%dma_wait3A_59, %dma_wait3A_60] : memref<10000x64xi32, #tpu.memory_space<hbm>> -> memref<10000x64xi32, #tpu.memory_space<hbm>>
      tpu.wait_indirect_dma semaphore(%arg14 : memref<!tpu.dma_semaphore, #tpu.memory_space<semaphore_mem>>) src(%dma_wait3A_61 : memref<10000x64xi32, #tpu.memory_space<hbm>>) dst(%arg9 : memref<80x64xi32, #tpu.memory_space<vmem>>)
      %scan3A_62 = arith.constant 0 : i32
      %scan3A_63 = arith.constant 0 : i32
      %scan3A_64 = arith.constant 5 : i32
      %scan3A_65 = arith.addi %scan3A_63, %scan3A_64 : i32
      %scan3A_66 = arith.constant 1 : i32
      scf.for %scan3A_104 = %scan3A_63 to %scan3A_65 step %scan3A_66  : i32 {
        %broadcast_in_dim3A = arith.constant 0.000000e+00 : f32
        %broadcast_in_dim3A_105 = vector.broadcast %broadcast_in_dim3A : f32 to vector<16xf32>
        %mul3A_106 = arith.constant 16 : i32
        %mul3A_107 = arith.muli %scan3A_104, %mul3A_106 : i32
        %add3A_108 = arith.constant 0 : i32
        %add3A_109 = arith.addi %mul3A_107, %add3A_108 : i32
        %broadcast_in_dim3A_110 = arith.constant 0.000000e+00 : f32
        %broadcast_in_dim3A_111 = vector.broadcast %broadcast_in_dim3A_110 : f32 to vector<16xf32>
        %get3A = arith.index_cast %add3A_109 : i32 to index
        %get3A_112 = arith.constant 0 : index
        %get3A_113 = tpu.vector_load %arg8[%get3A, %get3A_112] {strides = array<i32>} : memref<80x64xi32, #tpu.memory_space<vmem>>, vector<16xi32>,
        %bitcast3A = vector.bitcast %get3A_113 : vector<16xi32> to vector<32xbf16>
        %get3A_114 = arith.index_cast %add3A_109 : i32 to index
        %get3A_115 = arith.constant 0 : index
        %get3A_116 = tpu.vector_load %arg9[%get3A_114, %get3A_115] {strides = array<i32>} : memref<80x64xi32, #tpu.memory_space<vmem>>, vector<16xi32>,
        %bitcast3A_117 = vector.bitcast %get3A_116 : vector<16xi32> to vector<32xbf16>
        %mul3A_118 = arith.mulf %bitcast3A, %bitcast3A_117 : vector<32xbf16>
        %unpack3A = tpu.unpack_subelements %mul3A_118, 0 {pack_format = #tpu.pack_format<interleaved>} : vector<32xbf16> -> vector<16xf32>
        %unpack3A_119 = tpu.unpack_subelements %mul3A_118, 1 {pack_format = #tpu.pack_format<interleaved>} : vector<32xbf16> -> vector<16xf32>
        %add3A_120 = arith.addf %broadcast_in_dim3A_111, %unpack3A : vector<16xf32>
        %add3A_121 = arith.addf %add3A_120, %unpack3A_119 : vector<16xf32>
        %get3A_122 = arith.index_cast %add3A_109 : i32 to index
        %get3A_123 = arith.constant 16 : index
        %get3A_124 = tpu.vector_load %arg8[%get3A_122, %get3A_123] {strides = array<i32>} : memref<80x64xi32, #tpu.memory_space<vmem>>, vector<16xi32>,
        %bitcast3A_125 = vector.bitcast %get3A_124 : vector<16xi32> to vector<32xbf16>
        %get3A_126 = arith.index_cast %add3A_109 : i32 to index
        %get3A_127 = arith.constant 16 : index
        %get3A_128 = tpu.vector_load %arg9[%get3A_126, %get3A_127] {strides = array<i32>} : memref<80x64xi32, #tpu.memory_space<vmem>>, vector<16xi32>,
        %bitcast3A_129 = vector.bitcast %get3A_128 : vector<16xi32> to vector<32xbf16>
        %mul3A_130 = arith.mulf %bitcast3A_125, %bitcast3A_129 : vector<32xbf16>
        %unpack3A_131 = tpu.unpack_subelements %mul3A_130, 0 {pack_format = #tpu.pack_format<interleaved>} : vector<32xbf16> -> vector<16xf32>
        %unpack3A_132 = tpu.unpack_subelements %mul3A_130, 1 {pack_format = #tpu.pack_format<interleaved>} : vector<32xbf16> -> vector<16xf32>
        %add3A_133 = arith.addf %add3A_121, %unpack3A_131 : vector<16xf32>
        %add3A_134 = arith.addf %add3A_133, %unpack3A_132 : vector<16xf32>
        %get3A_135 = arith.index_cast %add3A_109 : i32 to index
        %get3A_136 = arith.constant 32 : index
        %get3A_137 = tpu.vector_load %arg8[%get3A_135, %get3A_136] {strides = array<i32>} : memref<80x64xi32, #tpu.memory_space<vmem>>, vector<16xi32>,
        %bitcast3A_138 = vector.bitcast %get3A_137 : vector<16xi32> to vector<32xbf16>
        %get3A_139 = arith.index_cast %add3A_109 : i32 to index
        %get3A_140 = arith.constant 32 : index
        %get3A_141 = tpu.vector_load %arg9[%get3A_139, %get3A_140] {strides = array<i32>} : memref<80x64xi32, #tpu.memory_space<vmem>>, vector<16xi32>,
        %bitcast3A_142 = vector.bitcast %get3A_141 : vector<16xi32> to vector<32xbf16>
        %mul3A_143 = arith.mulf %bitcast3A_138, %bitcast3A_142 : vector<32xbf16>
        %unpack3A_144 = tpu.unpack_subelements %mul3A_143, 0 {pack_format = #tpu.pack_format<interleaved>} : vector<32xbf16> -> vector<16xf32>
        %unpack3A_145 = tpu.unpack_subelements %mul3A_143, 1 {pack_format = #tpu.pack_format<interleaved>} : vector<32xbf16> -> vector<16xf32>
        %add3A_146 = arith.addf %add3A_134, %unpack3A_144 : vector<16xf32>
        %add3A_147 = arith.addf %add3A_146, %unpack3A_145 : vector<16xf32>
        %get3A_148 = arith.index_cast %add3A_109 : i32 to index
        %get3A_149 = arith.constant 48 : index
        %get3A_150 = tpu.vector_load %arg8[%get3A_148, %get3A_149] {strides = array<i32>} : memref<80x64xi32, #tpu.memory_space<vmem>>, vector<16xi32>,
        %bitcast3A_151 = vector.bitcast %get3A_150 : vector<16xi32> to vector<32xbf16>
        %get3A_152 = arith.index_cast %add3A_109 : i32 to index
        %get3A_153 = arith.constant 48 : index
        %get3A_154 = tpu.vector_load %arg9[%get3A_152, %get3A_153] {strides = array<i32>} : memref<80x64xi32, #tpu.memory_space<vmem>>, vector<16xi32>,
        %bitcast3A_155 = vector.bitcast %get3A_154 : vector<16xi32> to vector<32xbf16>
        %mul3A_156 = arith.mulf %bitcast3A_151, %bitcast3A_155 : vector<32xbf16>
        %unpack3A_157 = tpu.unpack_subelements %mul3A_156, 0 {pack_format = #tpu.pack_format<interleaved>} : vector<32xbf16> -> vector<16xf32>
        %unpack3A_158 = tpu.unpack_subelements %mul3A_156, 1 {pack_format = #tpu.pack_format<interleaved>} : vector<32xbf16> -> vector<16xf32>
        %add3A_159 = arith.addf %add3A_147, %unpack3A_157 : vector<16xf32>
        %add3A_160 = arith.addf %add3A_159, %unpack3A_158 : vector<16xf32>
        %eq3A = arith.constant 0 : i32
        %eq3A_161 = vector.broadcast %eq3A : i32 to vector<16xi32>
        %eq3A_162 = arith.cmpi eq, %iota3A, %eq3A_161 : vector<16xi32>
        %reduce_sum3A = arith.constant true
        %reduce_sum3A_163 = vector.broadcast %reduce_sum3A : i1 to vector<16xi1>
        %reduce_sum3A_164 = tpu.scan <sum>, %add3A_160 masked %reduce_sum3A_163 : vector<16xf32>, vector<16xi1> -> vector<16xf32>
        %reduce_sum3A_165 = vector.extract %reduce_sum3A_164[15] : f32 from vector<16xf32>
        %broadcast_in_dim3A_166 = vector.broadcast %reduce_sum3A_165 : f32 to vector<16xf32>
        %select_n3A = arith.select %eq3A_162, %broadcast_in_dim3A_166, %broadcast_in_dim3A_105 : vector<16xi1>, vector<16xf32>
        %mul3A_167 = arith.constant 16 : i32
        %mul3A_168 = arith.muli %scan3A_104, %mul3A_167 : i32
        %add3A_169 = arith.constant 1 : i32
        %add3A_170 = arith.addi %mul3A_168, %add3A_169 : i32
        %broadcast_in_dim3A_171 = arith.constant 0.000000e+00 : f32
        %broadcast_in_dim3A_172 = vector.broadcast %broadcast_in_dim3A_171 : f32 to vector<16xf32>
        %get3A_173 = arith.index_cast %add3A_170 : i32 to index
        %get3A_174 = arith.constant 0 : index
        %get3A_175 = tpu.vector_load %arg8[%get3A_173, %get3A_174] {strides = array<i32>} : memref<80x64xi32, #tpu.memory_space<vmem>>, vector<16xi32>,
        %bitcast3A_176 = vector.bitcast %get3A_175 : vector<16xi32> to vector<32xbf16>
        %get3A_177 = arith.index_cast %add3A_170 : i32 to index
        %get3A_178 = arith.constant 0 : index
        %get3A_179 = tpu.vector_load %arg9[%get3A_177, %get3A_178] {strides = array<i32>} : memref<80x64xi32, #tpu.memory_space<vmem>>, vector<16xi32>,
        %bitcast3A_180 = vector.bitcast %get3A_179 : vector<16xi32> to vector<32xbf16>
        %mul3A_181 = arith.mulf %bitcast3A_176, %bitcast3A_180 : vector<32xbf16>
        %unpack3A_182 = tpu.unpack_subelements %mul3A_181, 0 {pack_format = #tpu.pack_format<interleaved>} : vector<32xbf16> -> vector<16xf32>
        %unpack3A_183 = tpu.unpack_subelements %mul3A_181, 1 {pack_format = #tpu.pack_format<interleaved>} : vector<32xbf16> -> vector<16xf32>
        %add3A_184 = arith.addf %broadcast_in_dim3A_172, %unpack3A_182 : vector<16xf32>
        %add3A_185 = arith.addf %add3A_184, %unpack3A_183 : vector<16xf32>
        %get3A_186 = arith.index_cast %add3A_170 : i32 to index
        %get3A_187 = arith.constant 16 : index
        %get3A_188 = tpu.vector_load %arg8[%get3A_186, %get3A_187] {strides = array<i32>} : memref<80x64xi32, #tpu.memory_space<vmem>>, vector<16xi32>,
        %bitcast3A_189 = vector.bitcast %get3A_188 : vector<16xi32> to vector<32xbf16>
        %get3A_190 = arith.index_cast %add3A_170 : i32 to index
        %get3A_191 = arith.constant 16 : index
        %get3A_192 = tpu.vector_load %arg9[%get3A_190, %get3A_191] {strides = array<i32>} : memref<80x64xi32, #tpu.memory_space<vmem>>, vector<16xi32>,
        %bitcast3A_193 = vector.bitcast %get3A_192 : vector<16xi32> to vector<32xbf16>
        %mul3A_194 = arith.mulf %bitcast3A_189, %bitcast3A_193 : vector<32xbf16>
        %unpack3A_195 = tpu.unpack_subelements %mul3A_194, 0 {pack_format = #tpu.pack_format<interleaved>} : vector<32xbf16> -> vector<16xf32>
        %unpack3A_196 = tpu.unpack_subelements %mul3A_194, 1 {pack_format = #tpu.pack_format<interleaved>} : vector<32xbf16> -> vector<16xf32>
        %add3A_197 = arith.addf %add3A_185, %unpack3A_195 : vector<16xf32>
        %add3A_198 = arith.addf %add3A_197, %unpack3A_196 : vector<16xf32>
        %get3A_199 = arith.index_cast %add3A_170 : i32 to index
        %get3A_200 = arith.constant 32 : index
        %get3A_201 = tpu.vector_load %arg8[%get3A_199, %get3A_200] {strides = array<i32>} : memref<80x64xi32, #tpu.memory_space<vmem>>, vector<16xi32>,
        %bitcast3A_202 = vector.bitcast %get3A_201 : vector<16xi32> to vector<32xbf16>
        %get3A_203 = arith.index_cast %add3A_170 : i32 to index
        %get3A_204 = arith.constant 32 : index
        %get3A_205 = tpu.vector_load %arg9[%get3A_203, %get3A_204] {strides = array<i32>} : memref<80x64xi32, #tpu.memory_space<vmem>>, vector<16xi32>,
        %bitcast3A_206 = vector.bitcast %get3A_205 : vector<16xi32> to vector<32xbf16>
        %mul3A_207 = arith.mulf %bitcast3A_202, %bitcast3A_206 : vector<32xbf16>
        %unpack3A_208 = tpu.unpack_subelements %mul3A_207, 0 {pack_format = #tpu.pack_format<interleaved>} : vector<32xbf16> -> vector<16xf32>
        %unpack3A_209 = tpu.unpack_subelements %mul3A_207, 1 {pack_format = #tpu.pack_format<interleaved>} : vector<32xbf16> -> vector<16xf32>
        %add3A_210 = arith.addf %add3A_198, %unpack3A_208 : vector<16xf32>
        %add3A_211 = arith.addf %add3A_210, %unpack3A_209 : vector<16xf32>
        %get3A_212 = arith.index_cast %add3A_170 : i32 to index
        %get3A_213 = arith.constant 48 : index
        %get3A_214 = tpu.vector_load %arg8[%get3A_212, %get3A_213] {strides = array<i32>} : memref<80x64xi32, #tpu.memory_space<vmem>>, vector<16xi32>,
        %bitcast3A_215 = vector.bitcast %get3A_214 : vector<16xi32> to vector<32xbf16>
        %get3A_216 = arith.index_cast %add3A_170 : i32 to index
        %get3A_217 = arith.constant 48 : index
        %get3A_218 = tpu.vector_load %arg9[%get3A_216, %get3A_217] {strides = array<i32>} : memref<80x64xi32, #tpu.memory_space<vmem>>, vector<16xi32>,
        %bitcast3A_219 = vector.bitcast %get3A_218 : vector<16xi32> to vector<32xbf16>
        %mul3A_220 = arith.mulf %bitcast3A_215, %bitcast3A_219 : vector<32xbf16>
        %unpack3A_221 = tpu.unpack_subelements %mul3A_220, 0 {pack_format = #tpu.pack_format<interleaved>} : vector<32xbf16> -> vector<16xf32>
        %unpack3A_222 = tpu.unpack_subelements %mul3A_220, 1 {pack_format = #tpu.pack_format<interleaved>} : vector<32xbf16> -> vector<16xf32>
        %add3A_223 = arith.addf %add3A_211, %unpack3A_221 : vector<16xf32>
        %add3A_224 = arith.addf %add3A_223, %unpack3A_222 : vector<16xf32>
        %eq3A_225 = arith.constant 1 : i32
        %eq3A_226 = vector.broadcast %eq3A_225 : i32 to vector<16xi32>
        %eq3A_227 = arith.cmpi eq, %iota3A, %eq3A_226 : vector<16xi32>
        %reduce_sum3A_228 = arith.constant true
        %reduce_sum3A_229 = vector.broadcast %reduce_sum3A_228 : i1 to vector<16xi1>
        %reduce_sum3A_230 = tpu.scan <sum>, %add3A_224 masked %reduce_sum3A_229 : vector<16xf32>, vector<16xi1> -> vector<16xf32>
        %reduce_sum3A_231 = vector.extract %reduce_sum3A_230[15] : f32 from vector<16xf32>
        %broadcast_in_dim3A_232 = vector.broadcast %reduce_sum3A_231 : f32 to vector<16xf32>
        %select_n3A_233 = arith.select %eq3A_227, %broadcast_in_dim3A_232, %select_n3A : vector<16xi1>, vector<16xf32>
        %mul3A_234 = arith.constant 16 : i32
        %mul3A_235 = arith.muli %scan3A_104, %mul3A_234 : i32
        %add3A_236 = arith.constant 2 : i32
        %add3A_237 = arith.addi %mul3A_235, %add3A_236 : i32
        %broadcast_in_dim3A_238 = arith.constant 0.000000e+00 : f32
        %broadcast_in_dim3A_239 = vector.broadcast %broadcast_in_dim3A_238 : f32 to vector<16xf32>
        %get3A_240 = arith.index_cast %add3A_237 : i32 to index
        %get3A_241 = arith.constant 0 : index
        %get3A_242 = tpu.vector_load %arg8[%get3A_240, %get3A_241] {strides = array<i32>} : memref<80x64xi32, #tpu.memory_space<vmem>>, vector<16xi32>,
        %bitcast3A_243 = vector.bitcast %get3A_242 : vector<16xi32> to vector<32xbf16>
        %get3A_244 = arith.index_cast %add3A_237 : i32 to index
        %get3A_245 = arith.constant 0 : index
        %get3A_246 = tpu.vector_load %arg9[%get3A_244, %get3A_245] {strides = array<i32>} : memref<80x64xi32, #tpu.memory_space<vmem>>, vector<16xi32>,
        %bitcast3A_247 = vector.bitcast %get3A_246 : vector<16xi32> to vector<32xbf16>
        %mul3A_248 = arith.mulf %bitcast3A_243, %bitcast3A_247 : vector<32xbf16>
        %unpack3A_249 = tpu.unpack_subelements %mul3A_248, 0 {pack_format = #tpu.pack_format<interleaved>} : vector<32xbf16> -> vector<16xf32>
        %unpack3A_250 = tpu.unpack_subelements %mul3A_248, 1 {pack_format = #tpu.pack_format<interleaved>} : vector<32xbf16> -> vector<16xf32>
        %add3A_251 = arith.addf %broadcast_in_dim3A_239, %unpack3A_249 : vector<16xf32>
        %add3A_252 = arith.addf %add3A_251, %unpack3A_250 : vector<16xf32>
        %get3A_253 = arith.index_cast %add3A_237 : i32 to index
        %get3A_254 = arith.constant 16 : index
        %get3A_255 = tpu.vector_load %arg8[%get3A_253, %get3A_254] {strides = array<i32>} : memref<80x64xi32, #tpu.memory_space<vmem>>, vector<16xi32>,
        %bitcast3A_256 = vector.bitcast %get3A_255 : vector<16xi32> to vector<32xbf16>
        %get3A_257 = arith.index_cast %add3A_237 : i32 to index
        %get3A_258 = arith.constant 16 : index
        %get3A_259 = tpu.vector_load %arg9[%get3A_257, %get3A_258] {strides = array<i32>} : memref<80x64xi32, #tpu.memory_space<vmem>>, vector<16xi32>,
        %bitcast3A_260 = vector.bitcast %get3A_259 : vector<16xi32> to vector<32xbf16>
        %mul3A_261 = arith.mulf %bitcast3A_256, %bitcast3A_260 : vector<32xbf16>
        %unpack3A_262 = tpu.unpack_subelements %mul3A_261, 0 {pack_format = #tpu.pack_format<interleaved>} : vector<32xbf16> -> vector<16xf32>
        %unpack3A_263 = tpu.unpack_subelements %mul3A_261, 1 {pack_format = #tpu.pack_format<interleaved>} : vector<32xbf16> -> vector<16xf32>
        %add3A_264 = arith.addf %add3A_252, %unpack3A_262 : vector<16xf32>
        %add3A_265 = arith.addf %add3A_264, %unpack3A_263 : vector<16xf32>
        %get3A_266 = arith.index_cast %add3A_237 : i32 to index
        %get3A_267 = arith.constant 32 : index
        %get3A_268 = tpu.vector_load %arg8[%get3A_266, %get3A_267] {strides = array<i32>} : memref<80x64xi32, #tpu.memory_space<vmem>>, vector<16xi32>,
        %bitcast3A_269 = vector.bitcast %get3A_268 : vector<16xi32> to vector<32xbf16>
        %get3A_270 = arith.index_cast %add3A_237 : i32 to index
        %get3A_271 = arith.constant 32 : index
        %get3A_272 = tpu.vector_load %arg9[%get3A_270, %get3A_271] {strides = array<i32>} : memref<80x64xi32, #tpu.memory_space<vmem>>, vector<16xi32>,
        %bitcast3A_273 = vector.bitcast %get3A_272 : vector<16xi32> to vector<32xbf16>
        %mul3A_274 = arith.mulf %bitcast3A_269, %bitcast3A_273 : vector<32xbf16>
        %unpack3A_275 = tpu.unpack_subelements %mul3A_274, 0 {pack_format = #tpu.pack_format<interleaved>} : vector<32xbf16> -> vector<16xf32>
        %unpack3A_276 = tpu.unpack_subelements %mul3A_274, 1 {pack_format = #tpu.pack_format<interleaved>} : vector<32xbf16> -> vector<16xf32>
        %add3A_277 = arith.addf %add3A_265, %unpack3A_275 : vector<16xf32>
        %add3A_278 = arith.addf %add3A_277, %unpack3A_276 : vector<16xf32>
        %get3A_279 = arith.index_cast %add3A_237 : i32 to index
        %get3A_280 = arith.constant 48 : index
        %get3A_281 = tpu.vector_load %arg8[%get3A_279, %get3A_280] {strides = array<i32>} : memref<80x64xi32, #tpu.memory_space<vmem>>, vector<16xi32>,
        %bitcast3A_282 = vector.bitcast %get3A_281 : vector<16xi32> to vector<32xbf16>
        %get3A_283 = arith.index_cast %add3A_237 : i32 to index
        %get3A_284 = arith.constant 48 : index
        %get3A_285 = tpu.vector_load %arg9[%get3A_283, %get3A_284] {strides = array<i32>} : memref<80x64xi32, #tpu.memory_space<vmem>>, vector<16xi32>,
        %bitcast3A_286 = vector.bitcast %get3A_285 : vector<16xi32> to vector<32xbf16>
        %mul3A_287 = arith.mulf %bitcast3A_282, %bitcast3A_286 : vector<32xbf16>
        %unpack3A_288 = tpu.unpack_subelements %mul3A_287, 0 {pack_format = #tpu.pack_format<interleaved>} : vector<32xbf16> -> vector<16xf32>
        %unpack3A_289 = tpu.unpack_subelements %mul3A_287, 1 {pack_format = #tpu.pack_format<interleaved>} : vector<32xbf16> -> vector<16xf32>
        %add3A_290 = arith.addf %add3A_278, %unpack3A_288 : vector<16xf32>
        %add3A_291 = arith.addf %add3A_290, %unpack3A_289 : vector<16xf32>
        %eq3A_292 = arith.constant 2 : i32
        %eq3A_293 = vector.broadcast %eq3A_292 : i32 to vector<16xi32>
        %eq3A_294 = arith.cmpi eq, %iota3A, %eq3A_293 : vector<16xi32>
        %reduce_sum3A_295 = arith.constant true
        %reduce_sum3A_296 = vector.broadcast %reduce_sum3A_295 : i1 to vector<16xi1>
        %reduce_sum3A_297 = tpu.scan <sum>, %add3A_291 masked %reduce_sum3A_296 : vector<16xf32>, vector<16xi1> -> vector<16xf32>
        %reduce_sum3A_298 = vector.extract %reduce_sum3A_297[15] : f32 from vector<16xf32>
        %broadcast_in_dim3A_299 = vector.broadcast %reduce_sum3A_298 : f32 to vector<16xf32>
        %select_n3A_300 = arith.select %eq3A_294, %broadcast_in_dim3A_299, %select_n3A_233 : vector<16xi1>, vector<16xf32>
        %mul3A_301 = arith.constant 16 : i32
        %mul3A_302 = arith.muli %scan3A_104, %mul3A_301 : i32
        %add3A_303 = arith.constant 3 : i32
        %add3A_304 = arith.addi %mul3A_302, %add3A_303 : i32
        %broadcast_in_dim3A_305 = arith.constant 0.000000e+00 : f32
        %broadcast_in_dim3A_306 = vector.broadcast %broadcast_in_dim3A_305 : f32 to vector<16xf32>
        %get3A_307 = arith.index_cast %add3A_304 : i32 to index
        %get3A_308 = arith.constant 0 : index
        %get3A_309 = tpu.vector_load %arg8[%get3A_307, %get3A_308] {strides = array<i32>} : memref<80x64xi32, #tpu.memory_space<vmem>>, vector<16xi32>,
        %bitcast3A_310 = vector.bitcast %get3A_309 : vector<16xi32> to vector<32xbf16>
        %get3A_311 = arith.index_cast %add3A_304 : i32 to index
        %get3A_312 = arith.constant 0 : index
        %get3A_313 = tpu.vector_load %arg9[%get3A_311, %get3A_312] {strides = array<i32>} : memref<80x64xi32, #tpu.memory_space<vmem>>, vector<16xi32>,
        %bitcast3A_314 = vector.bitcast %get3A_313 : vector<16xi32> to vector<32xbf16>
        %mul3A_315 = arith.mulf %bitcast3A_310, %bitcast3A_314 : vector<32xbf16>
        %unpack3A_316 = tpu.unpack_subelements %mul3A_315, 0 {pack_format = #tpu.pack_format<interleaved>} : vector<32xbf16> -> vector<16xf32>
        %unpack3A_317 = tpu.unpack_subelements %mul3A_315, 1 {pack_format = #tpu.pack_format<interleaved>} : vector<32xbf16> -> vector<16xf32>
        %add3A_318 = arith.addf %broadcast_in_dim3A_306, %unpack3A_316 : vector<16xf32>
        %add3A_319 = arith.addf %add3A_318, %unpack3A_317 : vector<16xf32>
        %get3A_320 = arith.index_cast %add3A_304 : i32 to index
        %get3A_321 = arith.constant 16 : index
        %get3A_322 = tpu.vector_load %arg8[%get3A_320, %get3A_321] {strides = array<i32>} : memref<80x64xi32, #tpu.memory_space<vmem>>, vector<16xi32>,
        %bitcast3A_323 = vector.bitcast %get3A_322 : vector<16xi32> to vector<32xbf16>
        %get3A_324 = arith.index_cast %add3A_304 : i32 to index
        %get3A_325 = arith.constant 16 : index
        %get3A_326 = tpu.vector_load %arg9[%get3A_324, %get3A_325] {strides = array<i32>} : memref<80x64xi32, #tpu.memory_space<vmem>>, vector<16xi32>,
        %bitcast3A_327 = vector.bitcast %get3A_326 : vector<16xi32> to vector<32xbf16>
        %mul3A_328 = arith.mulf %bitcast3A_323, %bitcast3A_327 : vector<32xbf16>
        %unpack3A_329 = tpu.unpack_subelements %mul3A_328, 0 {pack_format = #tpu.pack_format<interleaved>} : vector<32xbf16> -> vector<16xf32>
        %unpack3A_330 = tpu.unpack_subelements %mul3A_328, 1 {pack_format = #tpu.pack_format<interleaved>} : vector<32xbf16> -> vector<16xf32>
        %add3A_331 = arith.addf %add3A_319, %unpack3A_329 : vector<16xf32>
        %add3A_332 = arith.addf %add3A_331, %unpack3A_330 : vector<16xf32>
        %get3A_333 = arith.index_cast %add3A_304 : i32 to index
        %get3A_334 = arith.constant 32 : index
        %get3A_335 = tpu.vector_load %arg8[%get3A_333, %get3A_334] {strides = array<i32>} : memref<80x64xi32, #tpu.memory_space<vmem>>, vector<16xi32>,
        %bitcast3A_336 = vector.bitcast %get3A_335 : vector<16xi32> to vector<32xbf16>
        %get3A_337 = arith.index_cast %add3A_304 : i32 to index
        %get3A_338 = arith.constant 32 : index
        %get3A_339 = tpu.vector_load %arg9[%get3A_337, %get3A_338] {strides = array<i32>} : memref<80x64xi32, #tpu.memory_space<vmem>>, vector<16xi32>,
        %bitcast3A_340 = vector.bitcast %get3A_339 : vector<16xi32> to vector<32xbf16>
        %mul3A_341 = arith.mulf %bitcast3A_336, %bitcast3A_340 : vector<32xbf16>
        %unpack3A_342 = tpu.unpack_subelements %mul3A_341, 0 {pack_format = #tpu.pack_format<interleaved>} : vector<32xbf16> -> vector<16xf32>
        %unpack3A_343 = tpu.unpack_subelements %mul3A_341, 1 {pack_format = #tpu.pack_format<interleaved>} : vector<32xbf16> -> vector<16xf32>
        %add3A_344 = arith.addf %add3A_332, %unpack3A_342 : vector<16xf32>
        %add3A_345 = arith.addf %add3A_344, %unpack3A_343 : vector<16xf32>
        %get3A_346 = arith.index_cast %add3A_304 : i32 to index
        %get3A_347 = arith.constant 48 : index
        %get3A_348 = tpu.vector_load %arg8[%get3A_346, %get3A_347] {strides = array<i32>} : memref<80x64xi32, #tpu.memory_space<vmem>>, vector<16xi32>,
        %bitcast3A_349 = vector.bitcast %get3A_348 : vector<16xi32> to vector<32xbf16>
        %get3A_350 = arith.index_cast %add3A_304 : i32 to index
        %get3A_351 = arith.constant 48 : index
        %get3A_352 = tpu.vector_load %arg9[%get3A_350, %get3A_351] {strides = array<i32>} : memref<80x64xi32, #tpu.memory_space<vmem>>, vector<16xi32>,
        %bitcast3A_353 = vector.bitcast %get3A_352 : vector<16xi32> to vector<32xbf16>
        %mul3A_354 = arith.mulf %bitcast3A_349, %bitcast3A_353 : vector<32xbf16>
        %unpack3A_355 = tpu.unpack_subelements %mul3A_354, 0 {pack_format = #tpu.pack_format<interleaved>} : vector<32xbf16> -> vector<16xf32>
        %unpack3A_356 = tpu.unpack_subelements %mul3A_354, 1 {pack_format = #tpu.pack_format<interleaved>} : vector<32xbf16> -> vector<16xf32>
        %add3A_357 = arith.addf %add3A_345, %unpack3A_355 : vector<16xf32>
        %add3A_358 = arith.addf %add3A_357, %unpack3A_356 : vector<16xf32>
        %eq3A_359 = arith.constant 3 : i32
        %eq3A_360 = vector.broadcast %eq3A_359 : i32 to vector<16xi32>
        %eq3A_361 = arith.cmpi eq, %iota3A, %eq3A_360 : vector<16xi32>
        %reduce_sum3A_362 = arith.constant true
        %reduce_sum3A_363 = vector.broadcast %reduce_sum3A_362 : i1 to vector<16xi1>
        %reduce_sum3A_364 = tpu.scan <sum>, %add3A_358 masked %reduce_sum3A_363 : vector<16xf32>, vector<16xi1> -> vector<16xf32>
        %reduce_sum3A_365 = vector.extract %reduce_sum3A_364[15] : f32 from vector<16xf32>
        %broadcast_in_dim3A_366 = vector.broadcast %reduce_sum3A_365 : f32 to vector<16xf32>
        %select_n3A_367 = arith.select %eq3A_361, %broadcast_in_dim3A_366, %select_n3A_300 : vector<16xi1>, vector<16xf32>
        %mul3A_368 = arith.constant 16 : i32
        %mul3A_369 = arith.muli %scan3A_104, %mul3A_368 : i32
        %add3A_370 = arith.constant 4 : i32
        %add3A_371 = arith.addi %mul3A_369, %add3A_370 : i32
        %broadcast_in_dim3A_372 = arith.constant 0.000000e+00 : f32
        %broadcast_in_dim3A_373 = vector.broadcast %broadcast_in_dim3A_372 : f32 to vector<16xf32>
        %get3A_374 = arith.index_cast %add3A_371 : i32 to index
        %get3A_375 = arith.constant 0 : index
        %get3A_376 = tpu.vector_load %arg8[%get3A_374, %get3A_375] {strides = array<i32>} : memref<80x64xi32, #tpu.memory_space<vmem>>, vector<16xi32>,
        %bitcast3A_377 = vector.bitcast %get3A_376 : vector<16xi32> to vector<32xbf16>
        %get3A_378 = arith.index_cast %add3A_371 : i32 to index
        %get3A_379 = arith.constant 0 : index
        %get3A_380 = tpu.vector_load %arg9[%get3A_378, %get3A_379] {strides = array<i32>} : memref<80x64xi32, #tpu.memory_space<vmem>>, vector<16xi32>,
        %bitcast3A_381 = vector.bitcast %get3A_380 : vector<16xi32> to vector<32xbf16>
        %mul3A_382 = arith.mulf %bitcast3A_377, %bitcast3A_381 : vector<32xbf16>
        %unpack3A_383 = tpu.unpack_subelements %mul3A_382, 0 {pack_format = #tpu.pack_format<interleaved>} : vector<32xbf16> -> vector<16xf32>
        %unpack3A_384 = tpu.unpack_subelements %mul3A_382, 1 {pack_format = #tpu.pack_format<interleaved>} : vector<32xbf16> -> vector<16xf32>
        %add3A_385 = arith.addf %broadcast_in_dim3A_373, %unpack3A_383 : vector<16xf32>
        %add3A_386 = arith.addf %add3A_385, %unpack3A_384 : vector<16xf32>
        %get3A_387 = arith.index_cast %add3A_371 : i32 to index
        %get3A_388 = arith.constant 16 : index
        %get3A_389 = tpu.vector_load %arg8[%get3A_387, %get3A_388] {strides = array<i32>} : memref<80x64xi32, #tpu.memory_space<vmem>>, vector<16xi32>,
        %bitcast3A_390 = vector.bitcast %get3A_389 : vector<16xi32> to vector<32xbf16>
        %get3A_391 = arith.index_cast %add3A_371 : i32 to index
        %get3A_392 = arith.constant 16 : index
        %get3A_393 = tpu.vector_load %arg9[%get3A_391, %get3A_392] {strides = array<i32>} : memref<80x64xi32, #tpu.memory_space<vmem>>, vector<16xi32>,
        %bitcast3A_394 = vector.bitcast %get3A_393 : vector<16xi32> to vector<32xbf16>
        %mul3A_395 = arith.mulf %bitcast3A_390, %bitcast3A_394 : vector<32xbf16>
        %unpack3A_396 = tpu.unpack_subelements %mul3A_395, 0 {pack_format = #tpu.pack_format<interleaved>} : vector<32xbf16> -> vector<16xf32>
        %unpack3A_397 = tpu.unpack_subelements %mul3A_395, 1 {pack_format = #tpu.pack_format<interleaved>} : vector<32xbf16> -> vector<16xf32>
        %add3A_398 = arith.addf %add3A_386, %unpack3A_396 : vector<16xf32>
        %add3A_399 = arith.addf %add3A_398, %unpack3A_397 : vector<16xf32>
        %get3A_400 = arith.index_cast %add3A_371 : i32 to index
        %get3A_401 = arith.constant 32 : index
        %get3A_402 = tpu.vector_load %arg8[%get3A_400, %get3A_401] {strides = array<i32>} : memref<80x64xi32, #tpu.memory_space<vmem>>, vector<16xi32>,
        %bitcast3A_403 = vector.bitcast %get3A_402 : vector<16xi32> to vector<32xbf16>
        %get3A_404 = arith.index_cast %add3A_371 : i32 to index
        %get3A_405 = arith.constant 32 : index
        %get3A_406 = tpu.vector_load %arg9[%get3A_404, %get3A_405] {strides = array<i32>} : memref<80x64xi32, #tpu.memory_space<vmem>>, vector<16xi32>,
        %bitcast3A_407 = vector.bitcast %get3A_406 : vector<16xi32> to vector<32xbf16>
        %mul3A_408 = arith.mulf %bitcast3A_403, %bitcast3A_407 : vector<32xbf16>
        %unpack3A_409 = tpu.unpack_subelements %mul3A_408, 0 {pack_format = #tpu.pack_format<interleaved>} : vector<32xbf16> -> vector<16xf32>
        %unpack3A_410 = tpu.unpack_subelements %mul3A_408, 1 {pack_format = #tpu.pack_format<interleaved>} : vector<32xbf16> -> vector<16xf32>
        %add3A_411 = arith.addf %add3A_399, %unpack3A_409 : vector<16xf32>
        %add3A_412 = arith.addf %add3A_411, %unpack3A_410 : vector<16xf32>
        %get3A_413 = arith.index_cast %add3A_371 : i32 to index
        %get3A_414 = arith.constant 48 : index
        %get3A_415 = tpu.vector_load %arg8[%get3A_413, %get3A_414] {strides = array<i32>} : memref<80x64xi32, #tpu.memory_space<vmem>>, vector<16xi32>,
        %bitcast3A_416 = vector.bitcast %get3A_415 : vector<16xi32> to vector<32xbf16>
        %get3A_417 = arith.index_cast %add3A_371 : i32 to index
        %get3A_418 = arith.constant 48 : index
        %get3A_419 = tpu.vector_load %arg9[%get3A_417, %get3A_418] {strides = array<i32>} : memref<80x64xi32, #tpu.memory_space<vmem>>, vector<16xi32>,
        %bitcast3A_420 = vector.bitcast %get3A_419 : vector<16xi32> to vector<32xbf16>
        %mul3A_421 = arith.mulf %bitcast3A_416, %bitcast3A_420 : vector<32xbf16>
        %unpack3A_422 = tpu.unpack_subelements %mul3A_421, 0 {pack_format = #tpu.pack_format<interleaved>} : vector<32xbf16> -> vector<16xf32>
        %unpack3A_423 = tpu.unpack_subelements %mul3A_421, 1 {pack_format = #tpu.pack_format<interleaved>} : vector<32xbf16> -> vector<16xf32>
        %add3A_424 = arith.addf %add3A_412, %unpack3A_422 : vector<16xf32>
        %add3A_425 = arith.addf %add3A_424, %unpack3A_423 : vector<16xf32>
        %eq3A_426 = arith.constant 4 : i32
        %eq3A_427 = vector.broadcast %eq3A_426 : i32 to vector<16xi32>
        %eq3A_428 = arith.cmpi eq, %iota3A, %eq3A_427 : vector<16xi32>
        %reduce_sum3A_429 = arith.constant true
        %reduce_sum3A_430 = vector.broadcast %reduce_sum3A_429 : i1 to vector<16xi1>
        %reduce_sum3A_431 = tpu.scan <sum>, %add3A_425 masked %reduce_sum3A_430 : vector<16xf32>, vector<16xi1> -> vector<16xf32>
        %reduce_sum3A_432 = vector.extract %reduce_sum3A_431[15] : f32 from vector<16xf32>
        %broadcast_in_dim3A_433 = vector.broadcast %reduce_sum3A_432 : f32 to vector<16xf32>
        %select_n3A_434 = arith.select %eq3A_428, %broadcast_in_dim3A_433, %select_n3A_367 : vector<16xi1>, vector<16xf32>
        %mul3A_435 = arith.constant 16 : i32
        %mul3A_436 = arith.muli %scan3A_104, %mul3A_435 : i32
        %add3A_437 = arith.constant 5 : i32
        %add3A_438 = arith.addi %mul3A_436, %add3A_437 : i32
        %broadcast_in_dim3A_439 = arith.constant 0.000000e+00 : f32
        %broadcast_in_dim3A_440 = vector.broadcast %broadcast_in_dim3A_439 : f32 to vector<16xf32>
        %get3A_441 = arith.index_cast %add3A_438 : i32 to index
        %get3A_442 = arith.constant 0 : index
        %get3A_443 = tpu.vector_load %arg8[%get3A_441, %get3A_442] {strides = array<i32>} : memref<80x64xi32, #tpu.memory_space<vmem>>, vector<16xi32>,
        %bitcast3A_444 = vector.bitcast %get3A_443 : vector<16xi32> to vector<32xbf16>
        %get3A_445 = arith.index_cast %add3A_438 : i32 to index
        %get3A_446 = arith.constant 0 : index
        %get3A_447 = tpu.vector_load %arg9[%get3A_445, %get3A_446] {strides = array<i32>} : memref<80x64xi32, #tpu.memory_space<vmem>>, vector<16xi32>,
        %bitcast3A_448 = vector.bitcast %get3A_447 : vector<16xi32> to vector<32xbf16>
        %mul3A_449 = arith.mulf %bitcast3A_444, %bitcast3A_448 : vector<32xbf16>
        %unpack3A_450 = tpu.unpack_subelements %mul3A_449, 0 {pack_format = #tpu.pack_format<interleaved>} : vector<32xbf16> -> vector<16xf32>
        %unpack3A_451 = tpu.unpack_subelements %mul3A_449, 1 {pack_format = #tpu.pack_format<interleaved>} : vector<32xbf16> -> vector<16xf32>
        %add3A_452 = arith.addf %broadcast_in_dim3A_440, %unpack3A_450 : vector<16xf32>
        %add3A_453 = arith.addf %add3A_452, %unpack3A_451 : vector<16xf32>
        %get3A_454 = arith.index_cast %add3A_438 : i32 to index
        %get3A_455 = arith.constant 16 : index
        %get3A_456 = tpu.vector_load %arg8[%get3A_454, %get3A_455] {strides = array<i32>} : memref<80x64xi32, #tpu.memory_space<vmem>>, vector<16xi32>,
        %bitcast3A_457 = vector.bitcast %get3A_456 : vector<16xi32> to vector<32xbf16>
        %get3A_458 = arith.index_cast %add3A_438 : i32 to index
        %get3A_459 = arith.constant 16 : index
        %get3A_460 = tpu.vector_load %arg9[%get3A_458, %get3A_459] {strides = array<i32>} : memref<80x64xi32, #tpu.memory_space<vmem>>, vector<16xi32>,
        %bitcast3A_461 = vector.bitcast %get3A_460 : vector<16xi32> to vector<32xbf16>
        %mul3A_462 = arith.mulf %bitcast3A_457, %bitcast3A_461 : vector<32xbf16>
        %unpack3A_463 = tpu.unpack_subelements %mul3A_462, 0 {pack_format = #tpu.pack_format<interleaved>} : vector<32xbf16> -> vector<16xf32>
        %unpack3A_464 = tpu.unpack_subelements %mul3A_462, 1 {pack_format = #tpu.pack_format<interleaved>} : vector<32xbf16> -> vector<16xf32>
        %add3A_465 = arith.addf %add3A_453, %unpack3A_463 : vector<16xf32>
        %add3A_466 = arith.addf %add3A_465, %unpack3A_464 : vector<16xf32>
        %get3A_467 = arith.index_cast %add3A_438 : i32 to index
        %get3A_468 = arith.constant 32 : index
        %get3A_469 = tpu.vector_load %arg8[%get3A_467, %get3A_468] {strides = array<i32>} : memref<80x64xi32, #tpu.memory_space<vmem>>, vector<16xi32>,
        %bitcast3A_470 = vector.bitcast %get3A_469 : vector<16xi32> to vector<32xbf16>
        %get3A_471 = arith.index_cast %add3A_438 : i32 to index
        %get3A_472 = arith.constant 32 : index
        %get3A_473 = tpu.vector_load %arg9[%get3A_471, %get3A_472] {strides = array<i32>} : memref<80x64xi32, #tpu.memory_space<vmem>>, vector<16xi32>,
        %bitcast3A_474 = vector.bitcast %get3A_473 : vector<16xi32> to vector<32xbf16>
        %mul3A_475 = arith.mulf %bitcast3A_470, %bitcast3A_474 : vector<32xbf16>
        %unpack3A_476 = tpu.unpack_subelements %mul3A_475, 0 {pack_format = #tpu.pack_format<interleaved>} : vector<32xbf16> -> vector<16xf32>
        %unpack3A_477 = tpu.unpack_subelements %mul3A_475, 1 {pack_format = #tpu.pack_format<interleaved>} : vector<32xbf16> -> vector<16xf32>
        %add3A_478 = arith.addf %add3A_466, %unpack3A_476 : vector<16xf32>
        %add3A_479 = arith.addf %add3A_478, %unpack3A_477 : vector<16xf32>
        %get3A_480 = arith.index_cast %add3A_438 : i32 to index
        %get3A_481 = arith.constant 48 : index
        %get3A_482 = tpu.vector_load %arg8[%get3A_480, %get3A_481] {strides = array<i32>} : memref<80x64xi32, #tpu.memory_space<vmem>>, vector<16xi32>,
        %bitcast3A_483 = vector.bitcast %get3A_482 : vector<16xi32> to vector<32xbf16>
        %get3A_484 = arith.index_cast %add3A_438 : i32 to index
        %get3A_485 = arith.constant 48 : index
        %get3A_486 = tpu.vector_load %arg9[%get3A_484, %get3A_485] {strides = array<i32>} : memref<80x64xi32, #tpu.memory_space<vmem>>, vector<16xi32>,
        %bitcast3A_487 = vector.bitcast %get3A_486 : vector<16xi32> to vector<32xbf16>
        %mul3A_488 = arith.mulf %bitcast3A_483, %bitcast3A_487 : vector<32xbf16>
        %unpack3A_489 = tpu.unpack_subelements %mul3A_488, 0 {pack_format = #tpu.pack_format<interleaved>} : vector<32xbf16> -> vector<16xf32>
        %unpack3A_490 = tpu.unpack_subelements %mul3A_488, 1 {pack_format = #tpu.pack_format<interleaved>} : vector<32xbf16> -> vector<16xf32>
        %add3A_491 = arith.addf %add3A_479, %unpack3A_489 : vector<16xf32>
        %add3A_492 = arith.addf %add3A_491, %unpack3A_490 : vector<16xf32>
        %eq3A_493 = arith.constant 5 : i32
        %eq3A_494 = vector.broadcast %eq3A_493 : i32 to vector<16xi32>
        %eq3A_495 = arith.cmpi eq, %iota3A, %eq3A_494 : vector<16xi32>
        %reduce_sum3A_496 = arith.constant true
        %reduce_sum3A_497 = vector.broadcast %reduce_sum3A_496 : i1 to vector<16xi1>
        %reduce_sum3A_498 = tpu.scan <sum>, %add3A_492 masked %reduce_sum3A_497 : vector<16xf32>, vector<16xi1> -> vector<16xf32>
        %reduce_sum3A_499 = vector.extract %reduce_sum3A_498[15] : f32 from vector<16xf32>
        %broadcast_in_dim3A_500 = vector.broadcast %reduce_sum3A_499 : f32 to vector<16xf32>
        %select_n3A_501 = arith.select %eq3A_495, %broadcast_in_dim3A_500, %select_n3A_434 : vector<16xi1>, vector<16xf32>
        %mul3A_502 = arith.constant 16 : i32
        %mul3A_503 = arith.muli %scan3A_104, %mul3A_502 : i32
        %add3A_504 = arith.constant 6 : i32
        %add3A_505 = arith.addi %mul3A_503, %add3A_504 : i32
        %broadcast_in_dim3A_506 = arith.constant 0.000000e+00 : f32
        %broadcast_in_dim3A_507 = vector.broadcast %broadcast_in_dim3A_506 : f32 to vector<16xf32>
        %get3A_508 = arith.index_cast %add3A_505 : i32 to index
        %get3A_509 = arith.constant 0 : index
        %get3A_510 = tpu.vector_load %arg8[%get3A_508, %get3A_509] {strides = array<i32>} : memref<80x64xi32, #tpu.memory_space<vmem>>, vector<16xi32>,
        %bitcast3A_511 = vector.bitcast %get3A_510 : vector<16xi32> to vector<32xbf16>
        %get3A_512 = arith.index_cast %add3A_505 : i32 to index
        %get3A_513 = arith.constant 0 : index
        %get3A_514 = tpu.vector_load %arg9[%get3A_512, %get3A_513] {strides = array<i32>} : memref<80x64xi32, #tpu.memory_space<vmem>>, vector<16xi32>,
        %bitcast3A_515 = vector.bitcast %get3A_514 : vector<16xi32> to vector<32xbf16>
        %mul3A_516 = arith.mulf %bitcast3A_511, %bitcast3A_515 : vector<32xbf16>
        %unpack3A_517 = tpu.unpack_subelements %mul3A_516, 0 {pack_format = #tpu.pack_format<interleaved>} : vector<32xbf16> -> vector<16xf32>
        %unpack3A_518 = tpu.unpack_subelements %mul3A_516, 1 {pack_format = #tpu.pack_format<interleaved>} : vector<32xbf16> -> vector<16xf32>
        %add3A_519 = arith.addf %broadcast_in_dim3A_507, %unpack3A_517 : vector<16xf32>
        %add3A_520 = arith.addf %add3A_519, %unpack3A_518 : vector<16xf32>
        %get3A_521 = arith.index_cast %add3A_505 : i32 to index
        %get3A_522 = arith.constant 16 : index
        %get3A_523 = tpu.vector_load %arg8[%get3A_521, %get3A_522] {strides = array<i32>} : memref<80x64xi32, #tpu.memory_space<vmem>>, vector<16xi32>,
        %bitcast3A_524 = vector.bitcast %get3A_523 : vector<16xi32> to vector<32xbf16>
        %get3A_525 = arith.index_cast %add3A_505 : i32 to index
        %get3A_526 = arith.constant 16 : index
        %get3A_527 = tpu.vector_load %arg9[%get3A_525, %get3A_526] {strides = array<i32>} : memref<80x64xi32, #tpu.memory_space<vmem>>, vector<16xi32>,
        %bitcast3A_528 = vector.bitcast %get3A_527 : vector<16xi32> to vector<32xbf16>
        %mul3A_529 = arith.mulf %bitcast3A_524, %bitcast3A_528 : vector<32xbf16>
        %unpack3A_530 = tpu.unpack_subelements %mul3A_529, 0 {pack_format = #tpu.pack_format<interleaved>} : vector<32xbf16> -> vector<16xf32>
        %unpack3A_531 = tpu.unpack_subelements %mul3A_529, 1 {pack_format = #tpu.pack_format<interleaved>} : vector<32xbf16> -> vector<16xf32>
        %add3A_532 = arith.addf %add3A_520, %unpack3A_530 : vector<16xf32>
        %add3A_533 = arith.addf %add3A_532, %unpack3A_531 : vector<16xf32>
        %get3A_534 = arith.index_cast %add3A_505 : i32 to index
        %get3A_535 = arith.constant 32 : index
        %get3A_536 = tpu.vector_load %arg8[%get3A_534, %get3A_535] {strides = array<i32>} : memref<80x64xi32, #tpu.memory_space<vmem>>, vector<16xi32>,
        %bitcast3A_537 = vector.bitcast %get3A_536 : vector<16xi32> to vector<32xbf16>
        %get3A_538 = arith.index_cast %add3A_505 : i32 to index
        %get3A_539 = arith.constant 32 : index
        %get3A_540 = tpu.vector_load %arg9[%get3A_538, %get3A_539] {strides = array<i32>} : memref<80x64xi32, #tpu.memory_space<vmem>>, vector<16xi32>,
        %bitcast3A_541 = vector.bitcast %get3A_540 : vector<16xi32> to vector<32xbf16>
        %mul3A_542 = arith.mulf %bitcast3A_537, %bitcast3A_541 : vector<32xbf16>
        %unpack3A_543 = tpu.unpack_subelements %mul3A_542, 0 {pack_format = #tpu.pack_format<interleaved>} : vector<32xbf16> -> vector<16xf32>
        %unpack3A_544 = tpu.unpack_subelements %mul3A_542, 1 {pack_format = #tpu.pack_format<interleaved>} : vector<32xbf16> -> vector<16xf32>
        %add3A_545 = arith.addf %add3A_533, %unpack3A_543 : vector<16xf32>
        %add3A_546 = arith.addf %add3A_545, %unpack3A_544 : vector<16xf32>
        %get3A_547 = arith.index_cast %add3A_505 : i32 to index
        %get3A_548 = arith.constant 48 : index
        %get3A_549 = tpu.vector_load %arg8[%get3A_547, %get3A_548] {strides = array<i32>} : memref<80x64xi32, #tpu.memory_space<vmem>>, vector<16xi32>,
        %bitcast3A_550 = vector.bitcast %get3A_549 : vector<16xi32> to vector<32xbf16>
        %get3A_551 = arith.index_cast %add3A_505 : i32 to index
        %get3A_552 = arith.constant 48 : index
        %get3A_553 = tpu.vector_load %arg9[%get3A_551, %get3A_552] {strides = array<i32>} : memref<80x64xi32, #tpu.memory_space<vmem>>, vector<16xi32>,
        %bitcast3A_554 = vector.bitcast %get3A_553 : vector<16xi32> to vector<32xbf16>
        %mul3A_555 = arith.mulf %bitcast3A_550, %bitcast3A_554 : vector<32xbf16>
        %unpack3A_556 = tpu.unpack_subelements %mul3A_555, 0 {pack_format = #tpu.pack_format<interleaved>} : vector<32xbf16> -> vector<16xf32>
        %unpack3A_557 = tpu.unpack_subelements %mul3A_555, 1 {pack_format = #tpu.pack_format<interleaved>} : vector<32xbf16> -> vector<16xf32>
        %add3A_558 = arith.addf %add3A_546, %unpack3A_556 : vector<16xf32>
        %add3A_559 = arith.addf %add3A_558, %unpack3A_557 : vector<16xf32>
        %eq3A_560 = arith.constant 6 : i32
        %eq3A_561 = vector.broadcast %eq3A_560 : i32 to vector<16xi32>
        %eq3A_562 = arith.cmpi eq, %iota3A, %eq3A_561 : vector<16xi32>
        %reduce_sum3A_563 = arith.constant true
        %reduce_sum3A_564 = vector.broadcast %reduce_sum3A_563 : i1 to vector<16xi1>
        %reduce_sum3A_565 = tpu.scan <sum>, %add3A_559 masked %reduce_sum3A_564 : vector<16xf32>, vector<16xi1> -> vector<16xf32>
        %reduce_sum3A_566 = vector.extract %reduce_sum3A_565[15] : f32 from vector<16xf32>
        %broadcast_in_dim3A_567 = vector.broadcast %reduce_sum3A_566 : f32 to vector<16xf32>
        %select_n3A_568 = arith.select %eq3A_562, %broadcast_in_dim3A_567, %select_n3A_501 : vector<16xi1>, vector<16xf32>
        %mul3A_569 = arith.constant 16 : i32
        %mul3A_570 = arith.muli %scan3A_104, %mul3A_569 : i32
        %add3A_571 = arith.constant 7 : i32
        %add3A_572 = arith.addi %mul3A_570, %add3A_571 : i32
        %broadcast_in_dim3A_573 = arith.constant 0.000000e+00 : f32
        %broadcast_in_dim3A_574 = vector.broadcast %broadcast_in_dim3A_573 : f32 to vector<16xf32>
        %get3A_575 = arith.index_cast %add3A_572 : i32 to index
        %get3A_576 = arith.constant 0 : index
        %get3A_577 = tpu.vector_load %arg8[%get3A_575, %get3A_576] {strides = array<i32>} : memref<80x64xi32, #tpu.memory_space<vmem>>, vector<16xi32>,
        %bitcast3A_578 = vector.bitcast %get3A_577 : vector<16xi32> to vector<32xbf16>
        %get3A_579 = arith.index_cast %add3A_572 : i32 to index
        %get3A_580 = arith.constant 0 : index
        %get3A_581 = tpu.vector_load %arg9[%get3A_579, %get3A_580] {strides = array<i32>} : memref<80x64xi32, #tpu.memory_space<vmem>>, vector<16xi32>,
        %bitcast3A_582 = vector.bitcast %get3A_581 : vector<16xi32> to vector<32xbf16>
        %mul3A_583 = arith.mulf %bitcast3A_578, %bitcast3A_582 : vector<32xbf16>
        %unpack3A_584 = tpu.unpack_subelements %mul3A_583, 0 {pack_format = #tpu.pack_format<interleaved>} : vector<32xbf16> -> vector<16xf32>
        %unpack3A_585 = tpu.unpack_subelements %mul3A_583, 1 {pack_format = #tpu.pack_format<interleaved>} : vector<32xbf16> -> vector<16xf32>
        %add3A_586 = arith.addf %broadcast_in_dim3A_574, %unpack3A_584 : vector<16xf32>
        %add3A_587 = arith.addf %add3A_586, %unpack3A_585 : vector<16xf32>
        %get3A_588 = arith.index_cast %add3A_572 : i32 to index
        %get3A_589 = arith.constant 16 : index
        %get3A_590 = tpu.vector_load %arg8[%get3A_588, %get3A_589] {strides = array<i32>} : memref<80x64xi32, #tpu.memory_space<vmem>>, vector<16xi32>,
        %bitcast3A_591 = vector.bitcast %get3A_590 : vector<16xi32> to vector<32xbf16>
        %get3A_592 = arith.index_cast %add3A_572 : i32 to index
        %get3A_593 = arith.constant 16 : index
        %get3A_594 = tpu.vector_load %arg9[%get3A_592, %get3A_593] {strides = array<i32>} : memref<80x64xi32, #tpu.memory_space<vmem>>, vector<16xi32>,
        %bitcast3A_595 = vector.bitcast %get3A_594 : vector<16xi32> to vector<32xbf16>
        %mul3A_596 = arith.mulf %bitcast3A_591, %bitcast3A_595 : vector<32xbf16>
        %unpack3A_597 = tpu.unpack_subelements %mul3A_596, 0 {pack_format = #tpu.pack_format<interleaved>} : vector<32xbf16> -> vector<16xf32>
        %unpack3A_598 = tpu.unpack_subelements %mul3A_596, 1 {pack_format = #tpu.pack_format<interleaved>} : vector<32xbf16> -> vector<16xf32>
        %add3A_599 = arith.addf %add3A_587, %unpack3A_597 : vector<16xf32>
        %add3A_600 = arith.addf %add3A_599, %unpack3A_598 : vector<16xf32>
        %get3A_601 = arith.index_cast %add3A_572 : i32 to index
        %get3A_602 = arith.constant 32 : index
        %get3A_603 = tpu.vector_load %arg8[%get3A_601, %get3A_602] {strides = array<i32>} : memref<80x64xi32, #tpu.memory_space<vmem>>, vector<16xi32>,
        %bitcast3A_604 = vector.bitcast %get3A_603 : vector<16xi32> to vector<32xbf16>
        %get3A_605 = arith.index_cast %add3A_572 : i32 to index
        %get3A_606 = arith.constant 32 : index
        %get3A_607 = tpu.vector_load %arg9[%get3A_605, %get3A_606] {strides = array<i32>} : memref<80x64xi32, #tpu.memory_space<vmem>>, vector<16xi32>,
        %bitcast3A_608 = vector.bitcast %get3A_607 : vector<16xi32> to vector<32xbf16>
        %mul3A_609 = arith.mulf %bitcast3A_604, %bitcast3A_608 : vector<32xbf16>
        %unpack3A_610 = tpu.unpack_subelements %mul3A_609, 0 {pack_format = #tpu.pack_format<interleaved>} : vector<32xbf16> -> vector<16xf32>
        %unpack3A_611 = tpu.unpack_subelements %mul3A_609, 1 {pack_format = #tpu.pack_format<interleaved>} : vector<32xbf16> -> vector<16xf32>
        %add3A_612 = arith.addf %add3A_600, %unpack3A_610 : vector<16xf32>
        %add3A_613 = arith.addf %add3A_612, %unpack3A_611 : vector<16xf32>
        %get3A_614 = arith.index_cast %add3A_572 : i32 to index
        %get3A_615 = arith.constant 48 : index
        %get3A_616 = tpu.vector_load %arg8[%get3A_614, %get3A_615] {strides = array<i32>} : memref<80x64xi32, #tpu.memory_space<vmem>>, vector<16xi32>,
        %bitcast3A_617 = vector.bitcast %get3A_616 : vector<16xi32> to vector<32xbf16>
        %get3A_618 = arith.index_cast %add3A_572 : i32 to index
        %get3A_619 = arith.constant 48 : index
        %get3A_620 = tpu.vector_load %arg9[%get3A_618, %get3A_619] {strides = array<i32>} : memref<80x64xi32, #tpu.memory_space<vmem>>, vector<16xi32>,
        %bitcast3A_621 = vector.bitcast %get3A_620 : vector<16xi32> to vector<32xbf16>
        %mul3A_622 = arith.mulf %bitcast3A_617, %bitcast3A_621 : vector<32xbf16>
        %unpack3A_623 = tpu.unpack_subelements %mul3A_622, 0 {pack_format = #tpu.pack_format<interleaved>} : vector<32xbf16> -> vector<16xf32>
        %unpack3A_624 = tpu.unpack_subelements %mul3A_622, 1 {pack_format = #tpu.pack_format<interleaved>} : vector<32xbf16> -> vector<16xf32>
        %add3A_625 = arith.addf %add3A_613, %unpack3A_623 : vector<16xf32>
        %add3A_626 = arith.addf %add3A_625, %unpack3A_624 : vector<16xf32>
        %eq3A_627 = arith.constant 7 : i32
        %eq3A_628 = vector.broadcast %eq3A_627 : i32 to vector<16xi32>
        %eq3A_629 = arith.cmpi eq, %iota3A, %eq3A_628 : vector<16xi32>
        %reduce_sum3A_630 = arith.constant true
        %reduce_sum3A_631 = vector.broadcast %reduce_sum3A_630 : i1 to vector<16xi1>
        %reduce_sum3A_632 = tpu.scan <sum>, %add3A_626 masked %reduce_sum3A_631 : vector<16xf32>, vector<16xi1> -> vector<16xf32>
        %reduce_sum3A_633 = vector.extract %reduce_sum3A_632[15] : f32 from vector<16xf32>
        %broadcast_in_dim3A_634 = vector.broadcast %reduce_sum3A_633 : f32 to vector<16xf32>
        %select_n3A_635 = arith.select %eq3A_629, %broadcast_in_dim3A_634, %select_n3A_568 : vector<16xi1>, vector<16xf32>
        %mul3A_636 = arith.constant 16 : i32
        %mul3A_637 = arith.muli %scan3A_104, %mul3A_636 : i32
        %add3A_638 = arith.constant 8 : i32
        %add3A_639 = arith.addi %mul3A_637, %add3A_638 : i32
        %broadcast_in_dim3A_640 = arith.constant 0.000000e+00 : f32
        %broadcast_in_dim3A_641 = vector.broadcast %broadcast_in_dim3A_640 : f32 to vector<16xf32>
        %get3A_642 = arith.index_cast %add3A_639 : i32 to index
        %get3A_643 = arith.constant 0 : index
        %get3A_644 = tpu.vector_load %arg8[%get3A_642, %get3A_643] {strides = array<i32>} : memref<80x64xi32, #tpu.memory_space<vmem>>, vector<16xi32>,
        %bitcast3A_645 = vector.bitcast %get3A_644 : vector<16xi32> to vector<32xbf16>
        %get3A_646 = arith.index_cast %add3A_639 : i32 to index
        %get3A_647 = arith.constant 0 : index
        %get3A_648 = tpu.vector_load %arg9[%get3A_646, %get3A_647] {strides = array<i32>} : memref<80x64xi32, #tpu.memory_space<vmem>>, vector<16xi32>,
        %bitcast3A_649 = vector.bitcast %get3A_648 : vector<16xi32> to vector<32xbf16>
        %mul3A_650 = arith.mulf %bitcast3A_645, %bitcast3A_649 : vector<32xbf16>
        %unpack3A_651 = tpu.unpack_subelements %mul3A_650, 0 {pack_format = #tpu.pack_format<interleaved>} : vector<32xbf16> -> vector<16xf32>
        %unpack3A_652 = tpu.unpack_subelements %mul3A_650, 1 {pack_format = #tpu.pack_format<interleaved>} : vector<32xbf16> -> vector<16xf32>
        %add3A_653 = arith.addf %broadcast_in_dim3A_641, %unpack3A_651 : vector<16xf32>
        %add3A_654 = arith.addf %add3A_653, %unpack3A_652 : vector<16xf32>
        %get3A_655 = arith.index_cast %add3A_639 : i32 to index
        %get3A_656 = arith.constant 16 : index
        %get3A_657 = tpu.vector_load %arg8[%get3A_655, %get3A_656] {strides = array<i32>} : memref<80x64xi32, #tpu.memory_space<vmem>>, vector<16xi32>,
        %bitcast3A_658 = vector.bitcast %get3A_657 : vector<16xi32> to vector<32xbf16>
        %get3A_659 = arith.index_cast %add3A_639 : i32 to index
        %get3A_660 = arith.constant 16 : index
        %get3A_661 = tpu.vector_load %arg9[%get3A_659, %get3A_660] {strides = array<i32>} : memref<80x64xi32, #tpu.memory_space<vmem>>, vector<16xi32>,
        %bitcast3A_662 = vector.bitcast %get3A_661 : vector<16xi32> to vector<32xbf16>
        %mul3A_663 = arith.mulf %bitcast3A_658, %bitcast3A_662 : vector<32xbf16>
        %unpack3A_664 = tpu.unpack_subelements %mul3A_663, 0 {pack_format = #tpu.pack_format<interleaved>} : vector<32xbf16> -> vector<16xf32>
        %unpack3A_665 = tpu.unpack_subelements %mul3A_663, 1 {pack_format = #tpu.pack_format<interleaved>} : vector<32xbf16> -> vector<16xf32>
        %add3A_666 = arith.addf %add3A_654, %unpack3A_664 : vector<16xf32>
        %add3A_667 = arith.addf %add3A_666, %unpack3A_665 : vector<16xf32>
        %get3A_668 = arith.index_cast %add3A_639 : i32 to index
        %get3A_669 = arith.constant 32 : index
        %get3A_670 = tpu.vector_load %arg8[%get3A_668, %get3A_669] {strides = array<i32>} : memref<80x64xi32, #tpu.memory_space<vmem>>, vector<16xi32>,
        %bitcast3A_671 = vector.bitcast %get3A_670 : vector<16xi32> to vector<32xbf16>
        %get3A_672 = arith.index_cast %add3A_639 : i32 to index
        %get3A_673 = arith.constant 32 : index
        %get3A_674 = tpu.vector_load %arg9[%get3A_672, %get3A_673] {strides = array<i32>} : memref<80x64xi32, #tpu.memory_space<vmem>>, vector<16xi32>,
        %bitcast3A_675 = vector.bitcast %get3A_674 : vector<16xi32> to vector<32xbf16>
        %mul3A_676 = arith.mulf %bitcast3A_671, %bitcast3A_675 : vector<32xbf16>
        %unpack3A_677 = tpu.unpack_subelements %mul3A_676, 0 {pack_format = #tpu.pack_format<interleaved>} : vector<32xbf16> -> vector<16xf32>
        %unpack3A_678 = tpu.unpack_subelements %mul3A_676, 1 {pack_format = #tpu.pack_format<interleaved>} : vector<32xbf16> -> vector<16xf32>
        %add3A_679 = arith.addf %add3A_667, %unpack3A_677 : vector<16xf32>
        %add3A_680 = arith.addf %add3A_679, %unpack3A_678 : vector<16xf32>
        %get3A_681 = arith.index_cast %add3A_639 : i32 to index
        %get3A_682 = arith.constant 48 : index
        %get3A_683 = tpu.vector_load %arg8[%get3A_681, %get3A_682] {strides = array<i32>} : memref<80x64xi32, #tpu.memory_space<vmem>>, vector<16xi32>,
        %bitcast3A_684 = vector.bitcast %get3A_683 : vector<16xi32> to vector<32xbf16>
        %get3A_685 = arith.index_cast %add3A_639 : i32 to index
        %get3A_686 = arith.constant 48 : index
        %get3A_687 = tpu.vector_load %arg9[%get3A_685, %get3A_686] {strides = array<i32>} : memref<80x64xi32, #tpu.memory_space<vmem>>, vector<16xi32>,
        %bitcast3A_688 = vector.bitcast %get3A_687 : vector<16xi32> to vector<32xbf16>
        %mul3A_689 = arith.mulf %bitcast3A_684, %bitcast3A_688 : vector<32xbf16>
        %unpack3A_690 = tpu.unpack_subelements %mul3A_689, 0 {pack_format = #tpu.pack_format<interleaved>} : vector<32xbf16> -> vector<16xf32>
        %unpack3A_691 = tpu.unpack_subelements %mul3A_689, 1 {pack_format = #tpu.pack_format<interleaved>} : vector<32xbf16> -> vector<16xf32>
        %add3A_692 = arith.addf %add3A_680, %unpack3A_690 : vector<16xf32>
        %add3A_693 = arith.addf %add3A_692, %unpack3A_691 : vector<16xf32>
        %eq3A_694 = arith.constant 8 : i32
        %eq3A_695 = vector.broadcast %eq3A_694 : i32 to vector<16xi32>
        %eq3A_696 = arith.cmpi eq, %iota3A, %eq3A_695 : vector<16xi32>
        %reduce_sum3A_697 = arith.constant true
        %reduce_sum3A_698 = vector.broadcast %reduce_sum3A_697 : i1 to vector<16xi1>
        %reduce_sum3A_699 = tpu.scan <sum>, %add3A_693 masked %reduce_sum3A_698 : vector<16xf32>, vector<16xi1> -> vector<16xf32>
        %reduce_sum3A_700 = vector.extract %reduce_sum3A_699[15] : f32 from vector<16xf32>
        %broadcast_in_dim3A_701 = vector.broadcast %reduce_sum3A_700 : f32 to vector<16xf32>
        %select_n3A_702 = arith.select %eq3A_696, %broadcast_in_dim3A_701, %select_n3A_635 : vector<16xi1>, vector<16xf32>
        %mul3A_703 = arith.constant 16 : i32
        %mul3A_704 = arith.muli %scan3A_104, %mul3A_703 : i32
        %add3A_705 = arith.constant 9 : i32
        %add3A_706 = arith.addi %mul3A_704, %add3A_705 : i32
        %broadcast_in_dim3A_707 = arith.constant 0.000000e+00 : f32
        %broadcast_in_dim3A_708 = vector.broadcast %broadcast_in_dim3A_707 : f32 to vector<16xf32>
        %get3A_709 = arith.index_cast %add3A_706 : i32 to index
        %get3A_710 = arith.constant 0 : index
        %get3A_711 = tpu.vector_load %arg8[%get3A_709, %get3A_710] {strides = array<i32>} : memref<80x64xi32, #tpu.memory_space<vmem>>, vector<16xi32>,
        %bitcast3A_712 = vector.bitcast %get3A_711 : vector<16xi32> to vector<32xbf16>
        %get3A_713 = arith.index_cast %add3A_706 : i32 to index
        %get3A_714 = arith.constant 0 : index
        %get3A_715 = tpu.vector_load %arg9[%get3A_713, %get3A_714] {strides = array<i32>} : memref<80x64xi32, #tpu.memory_space<vmem>>, vector<16xi32>,
        %bitcast3A_716 = vector.bitcast %get3A_715 : vector<16xi32> to vector<32xbf16>
        %mul3A_717 = arith.mulf %bitcast3A_712, %bitcast3A_716 : vector<32xbf16>
        %unpack3A_718 = tpu.unpack_subelements %mul3A_717, 0 {pack_format = #tpu.pack_format<interleaved>} : vector<32xbf16> -> vector<16xf32>
        %unpack3A_719 = tpu.unpack_subelements %mul3A_717, 1 {pack_format = #tpu.pack_format<interleaved>} : vector<32xbf16> -> vector<16xf32>
        %add3A_720 = arith.addf %broadcast_in_dim3A_708, %unpack3A_718 : vector<16xf32>
        %add3A_721 = arith.addf %add3A_720, %unpack3A_719 : vector<16xf32>
        %get3A_722 = arith.index_cast %add3A_706 : i32 to index
        %get3A_723 = arith.constant 16 : index
        %get3A_724 = tpu.vector_load %arg8[%get3A_722, %get3A_723] {strides = array<i32>} : memref<80x64xi32, #tpu.memory_space<vmem>>, vector<16xi32>,
        %bitcast3A_725 = vector.bitcast %get3A_724 : vector<16xi32> to vector<32xbf16>
        %get3A_726 = arith.index_cast %add3A_706 : i32 to index
        %get3A_727 = arith.constant 16 : index
        %get3A_728 = tpu.vector_load %arg9[%get3A_726, %get3A_727] {strides = array<i32>} : memref<80x64xi32, #tpu.memory_space<vmem>>, vector<16xi32>,
        %bitcast3A_729 = vector.bitcast %get3A_728 : vector<16xi32> to vector<32xbf16>
        %mul3A_730 = arith.mulf %bitcast3A_725, %bitcast3A_729 : vector<32xbf16>
        %unpack3A_731 = tpu.unpack_subelements %mul3A_730, 0 {pack_format = #tpu.pack_format<interleaved>} : vector<32xbf16> -> vector<16xf32>
        %unpack3A_732 = tpu.unpack_subelements %mul3A_730, 1 {pack_format = #tpu.pack_format<interleaved>} : vector<32xbf16> -> vector<16xf32>
        %add3A_733 = arith.addf %add3A_721, %unpack3A_731 : vector<16xf32>
        %add3A_734 = arith.addf %add3A_733, %unpack3A_732 : vector<16xf32>
        %get3A_735 = arith.index_cast %add3A_706 : i32 to index
        %get3A_736 = arith.constant 32 : index
        %get3A_737 = tpu.vector_load %arg8[%get3A_735, %get3A_736] {strides = array<i32>} : memref<80x64xi32, #tpu.memory_space<vmem>>, vector<16xi32>,
        %bitcast3A_738 = vector.bitcast %get3A_737 : vector<16xi32> to vector<32xbf16>
        %get3A_739 = arith.index_cast %add3A_706 : i32 to index
        %get3A_740 = arith.constant 32 : index
        %get3A_741 = tpu.vector_load %arg9[%get3A_739, %get3A_740] {strides = array<i32>} : memref<80x64xi32, #tpu.memory_space<vmem>>, vector<16xi32>,
        %bitcast3A_742 = vector.bitcast %get3A_741 : vector<16xi32> to vector<32xbf16>
        %mul3A_743 = arith.mulf %bitcast3A_738, %bitcast3A_742 : vector<32xbf16>
        %unpack3A_744 = tpu.unpack_subelements %mul3A_743, 0 {pack_format = #tpu.pack_format<interleaved>} : vector<32xbf16> -> vector<16xf32>
        %unpack3A_745 = tpu.unpack_subelements %mul3A_743, 1 {pack_format = #tpu.pack_format<interleaved>} : vector<32xbf16> -> vector<16xf32>
        %add3A_746 = arith.addf %add3A_734, %unpack3A_744 : vector<16xf32>
        %add3A_747 = arith.addf %add3A_746, %unpack3A_745 : vector<16xf32>
        %get3A_748 = arith.index_cast %add3A_706 : i32 to index
        %get3A_749 = arith.constant 48 : index
        %get3A_750 = tpu.vector_load %arg8[%get3A_748, %get3A_749] {strides = array<i32>} : memref<80x64xi32, #tpu.memory_space<vmem>>, vector<16xi32>,
        %bitcast3A_751 = vector.bitcast %get3A_750 : vector<16xi32> to vector<32xbf16>
        %get3A_752 = arith.index_cast %add3A_706 : i32 to index
        %get3A_753 = arith.constant 48 : index
        %get3A_754 = tpu.vector_load %arg9[%get3A_752, %get3A_753] {strides = array<i32>} : memref<80x64xi32, #tpu.memory_space<vmem>>, vector<16xi32>,
        %bitcast3A_755 = vector.bitcast %get3A_754 : vector<16xi32> to vector<32xbf16>
        %mul3A_756 = arith.mulf %bitcast3A_751, %bitcast3A_755 : vector<32xbf16>
        %unpack3A_757 = tpu.unpack_subelements %mul3A_756, 0 {pack_format = #tpu.pack_format<interleaved>} : vector<32xbf16> -> vector<16xf32>
        %unpack3A_758 = tpu.unpack_subelements %mul3A_756, 1 {pack_format = #tpu.pack_format<interleaved>} : vector<32xbf16> -> vector<16xf32>
        %add3A_759 = arith.addf %add3A_747, %unpack3A_757 : vector<16xf32>
        %add3A_760 = arith.addf %add3A_759, %unpack3A_758 : vector<16xf32>
        %eq3A_761 = arith.constant 9 : i32
        %eq3A_762 = vector.broadcast %eq3A_761 : i32 to vector<16xi32>
        %eq3A_763 = arith.cmpi eq, %iota3A, %eq3A_762 : vector<16xi32>
        %reduce_sum3A_764 = arith.constant true
        %reduce_sum3A_765 = vector.broadcast %reduce_sum3A_764 : i1 to vector<16xi1>
        %reduce_sum3A_766 = tpu.scan <sum>, %add3A_760 masked %reduce_sum3A_765 : vector<16xf32>, vector<16xi1> -> vector<16xf32>
        %reduce_sum3A_767 = vector.extract %reduce_sum3A_766[15] : f32 from vector<16xf32>
        %broadcast_in_dim3A_768 = vector.broadcast %reduce_sum3A_767 : f32 to vector<16xf32>
        %select_n3A_769 = arith.select %eq3A_763, %broadcast_in_dim3A_768, %select_n3A_702 : vector<16xi1>, vector<16xf32>
        %mul3A_770 = arith.constant 16 : i32
        %mul3A_771 = arith.muli %scan3A_104, %mul3A_770 : i32
        %add3A_772 = arith.constant 10 : i32
        %add3A_773 = arith.addi %mul3A_771, %add3A_772 : i32
        %broadcast_in_dim3A_774 = arith.constant 0.000000e+00 : f32
        %broadcast_in_dim3A_775 = vector.broadcast %broadcast_in_dim3A_774 : f32 to vector<16xf32>
        %get3A_776 = arith.index_cast %add3A_773 : i32 to index
        %get3A_777 = arith.constant 0 : index
        %get3A_778 = tpu.vector_load %arg8[%get3A_776, %get3A_777] {strides = array<i32>} : memref<80x64xi32, #tpu.memory_space<vmem>>, vector<16xi32>,
        %bitcast3A_779 = vector.bitcast %get3A_778 : vector<16xi32> to vector<32xbf16>
        %get3A_780 = arith.index_cast %add3A_773 : i32 to index
        %get3A_781 = arith.constant 0 : index
        %get3A_782 = tpu.vector_load %arg9[%get3A_780, %get3A_781] {strides = array<i32>} : memref<80x64xi32, #tpu.memory_space<vmem>>, vector<16xi32>,
        %bitcast3A_783 = vector.bitcast %get3A_782 : vector<16xi32> to vector<32xbf16>
        %mul3A_784 = arith.mulf %bitcast3A_779, %bitcast3A_783 : vector<32xbf16>
        %unpack3A_785 = tpu.unpack_subelements %mul3A_784, 0 {pack_format = #tpu.pack_format<interleaved>} : vector<32xbf16> -> vector<16xf32>
        %unpack3A_786 = tpu.unpack_subelements %mul3A_784, 1 {pack_format = #tpu.pack_format<interleaved>} : vector<32xbf16> -> vector<16xf32>
        %add3A_787 = arith.addf %broadcast_in_dim3A_775, %unpack3A_785 : vector<16xf32>
        %add3A_788 = arith.addf %add3A_787, %unpack3A_786 : vector<16xf32>
        %get3A_789 = arith.index_cast %add3A_773 : i32 to index
        %get3A_790 = arith.constant 16 : index
        %get3A_791 = tpu.vector_load %arg8[%get3A_789, %get3A_790] {strides = array<i32>} : memref<80x64xi32, #tpu.memory_space<vmem>>, vector<16xi32>,
        %bitcast3A_792 = vector.bitcast %get3A_791 : vector<16xi32> to vector<32xbf16>
        %get3A_793 = arith.index_cast %add3A_773 : i32 to index
        %get3A_794 = arith.constant 16 : index
        %get3A_795 = tpu.vector_load %arg9[%get3A_793, %get3A_794] {strides = array<i32>} : memref<80x64xi32, #tpu.memory_space<vmem>>, vector<16xi32>,
        %bitcast3A_796 = vector.bitcast %get3A_795 : vector<16xi32> to vector<32xbf16>
        %mul3A_797 = arith.mulf %bitcast3A_792, %bitcast3A_796 : vector<32xbf16>
        %unpack3A_798 = tpu.unpack_subelements %mul3A_797, 0 {pack_format = #tpu.pack_format<interleaved>} : vector<32xbf16> -> vector<16xf32>
        %unpack3A_799 = tpu.unpack_subelements %mul3A_797, 1 {pack_format = #tpu.pack_format<interleaved>} : vector<32xbf16> -> vector<16xf32>
        %add3A_800 = arith.addf %add3A_788, %unpack3A_798 : vector<16xf32>
        %add3A_801 = arith.addf %add3A_800, %unpack3A_799 : vector<16xf32>
        %get3A_802 = arith.index_cast %add3A_773 : i32 to index
        %get3A_803 = arith.constant 32 : index
        %get3A_804 = tpu.vector_load %arg8[%get3A_802, %get3A_803] {strides = array<i32>} : memref<80x64xi32, #tpu.memory_space<vmem>>, vector<16xi32>,
        %bitcast3A_805 = vector.bitcast %get3A_804 : vector<16xi32> to vector<32xbf16>
        %get3A_806 = arith.index_cast %add3A_773 : i32 to index
        %get3A_807 = arith.constant 32 : index
        %get3A_808 = tpu.vector_load %arg9[%get3A_806, %get3A_807] {strides = array<i32>} : memref<80x64xi32, #tpu.memory_space<vmem>>, vector<16xi32>,
        %bitcast3A_809 = vector.bitcast %get3A_808 : vector<16xi32> to vector<32xbf16>
        %mul3A_810 = arith.mulf %bitcast3A_805, %bitcast3A_809 : vector<32xbf16>
        %unpack3A_811 = tpu.unpack_subelements %mul3A_810, 0 {pack_format = #tpu.pack_format<interleaved>} : vector<32xbf16> -> vector<16xf32>
        %unpack3A_812 = tpu.unpack_subelements %mul3A_810, 1 {pack_format = #tpu.pack_format<interleaved>} : vector<32xbf16> -> vector<16xf32>
        %add3A_813 = arith.addf %add3A_801, %unpack3A_811 : vector<16xf32>
        %add3A_814 = arith.addf %add3A_813, %unpack3A_812 : vector<16xf32>
        %get3A_815 = arith.index_cast %add3A_773 : i32 to index
        %get3A_816 = arith.constant 48 : index
        %get3A_817 = tpu.vector_load %arg8[%get3A_815, %get3A_816] {strides = array<i32>} : memref<80x64xi32, #tpu.memory_space<vmem>>, vector<16xi32>,
        %bitcast3A_818 = vector.bitcast %get3A_817 : vector<16xi32> to vector<32xbf16>
        %get3A_819 = arith.index_cast %add3A_773 : i32 to index
        %get3A_820 = arith.constant 48 : index
        %get3A_821 = tpu.vector_load %arg9[%get3A_819, %get3A_820] {strides = array<i32>} : memref<80x64xi32, #tpu.memory_space<vmem>>, vector<16xi32>,
        %bitcast3A_822 = vector.bitcast %get3A_821 : vector<16xi32> to vector<32xbf16>
        %mul3A_823 = arith.mulf %bitcast3A_818, %bitcast3A_822 : vector<32xbf16>
        %unpack3A_824 = tpu.unpack_subelements %mul3A_823, 0 {pack_format = #tpu.pack_format<interleaved>} : vector<32xbf16> -> vector<16xf32>
        %unpack3A_825 = tpu.unpack_subelements %mul3A_823, 1 {pack_format = #tpu.pack_format<interleaved>} : vector<32xbf16> -> vector<16xf32>
        %add3A_826 = arith.addf %add3A_814, %unpack3A_824 : vector<16xf32>
        %add3A_827 = arith.addf %add3A_826, %unpack3A_825 : vector<16xf32>
        %eq3A_828 = arith.constant 10 : i32
        %eq3A_829 = vector.broadcast %eq3A_828 : i32 to vector<16xi32>
        %eq3A_830 = arith.cmpi eq, %iota3A, %eq3A_829 : vector<16xi32>
        %reduce_sum3A_831 = arith.constant true
        %reduce_sum3A_832 = vector.broadcast %reduce_sum3A_831 : i1 to vector<16xi1>
        %reduce_sum3A_833 = tpu.scan <sum>, %add3A_827 masked %reduce_sum3A_832 : vector<16xf32>, vector<16xi1> -> vector<16xf32>
        %reduce_sum3A_834 = vector.extract %reduce_sum3A_833[15] : f32 from vector<16xf32>
        %broadcast_in_dim3A_835 = vector.broadcast %reduce_sum3A_834 : f32 to vector<16xf32>
        %select_n3A_836 = arith.select %eq3A_830, %broadcast_in_dim3A_835, %select_n3A_769 : vector<16xi1>, vector<16xf32>
        %mul3A_837 = arith.constant 16 : i32
        %mul3A_838 = arith.muli %scan3A_104, %mul3A_837 : i32
        %add3A_839 = arith.constant 11 : i32
        %add3A_840 = arith.addi %mul3A_838, %add3A_839 : i32
        %broadcast_in_dim3A_841 = arith.constant 0.000000e+00 : f32
        %broadcast_in_dim3A_842 = vector.broadcast %broadcast_in_dim3A_841 : f32 to vector<16xf32>
        %get3A_843 = arith.index_cast %add3A_840 : i32 to index
        %get3A_844 = arith.constant 0 : index
        %get3A_845 = tpu.vector_load %arg8[%get3A_843, %get3A_844] {strides = array<i32>} : memref<80x64xi32, #tpu.memory_space<vmem>>, vector<16xi32>,
        %bitcast3A_846 = vector.bitcast %get3A_845 : vector<16xi32> to vector<32xbf16>
        %get3A_847 = arith.index_cast %add3A_840 : i32 to index
        %get3A_848 = arith.constant 0 : index
        %get3A_849 = tpu.vector_load %arg9[%get3A_847, %get3A_848] {strides = array<i32>} : memref<80x64xi32, #tpu.memory_space<vmem>>, vector<16xi32>,
        %bitcast3A_850 = vector.bitcast %get3A_849 : vector<16xi32> to vector<32xbf16>
        %mul3A_851 = arith.mulf %bitcast3A_846, %bitcast3A_850 : vector<32xbf16>
        %unpack3A_852 = tpu.unpack_subelements %mul3A_851, 0 {pack_format = #tpu.pack_format<interleaved>} : vector<32xbf16> -> vector<16xf32>
        %unpack3A_853 = tpu.unpack_subelements %mul3A_851, 1 {pack_format = #tpu.pack_format<interleaved>} : vector<32xbf16> -> vector<16xf32>
        %add3A_854 = arith.addf %broadcast_in_dim3A_842, %unpack3A_852 : vector<16xf32>
        %add3A_855 = arith.addf %add3A_854, %unpack3A_853 : vector<16xf32>
        %get3A_856 = arith.index_cast %add3A_840 : i32 to index
        %get3A_857 = arith.constant 16 : index
        %get3A_858 = tpu.vector_load %arg8[%get3A_856, %get3A_857] {strides = array<i32>} : memref<80x64xi32, #tpu.memory_space<vmem>>, vector<16xi32>,
        %bitcast3A_859 = vector.bitcast %get3A_858 : vector<16xi32> to vector<32xbf16>
        %get3A_860 = arith.index_cast %add3A_840 : i32 to index
        %get3A_861 = arith.constant 16 : index
        %get3A_862 = tpu.vector_load %arg9[%get3A_860, %get3A_861] {strides = array<i32>} : memref<80x64xi32, #tpu.memory_space<vmem>>, vector<16xi32>,
        %bitcast3A_863 = vector.bitcast %get3A_862 : vector<16xi32> to vector<32xbf16>
        %mul3A_864 = arith.mulf %bitcast3A_859, %bitcast3A_863 : vector<32xbf16>
        %unpack3A_865 = tpu.unpack_subelements %mul3A_864, 0 {pack_format = #tpu.pack_format<interleaved>} : vector<32xbf16> -> vector<16xf32>
        %unpack3A_866 = tpu.unpack_subelements %mul3A_864, 1 {pack_format = #tpu.pack_format<interleaved>} : vector<32xbf16> -> vector<16xf32>
        %add3A_867 = arith.addf %add3A_855, %unpack3A_865 : vector<16xf32>
        %add3A_868 = arith.addf %add3A_867, %unpack3A_866 : vector<16xf32>
        %get3A_869 = arith.index_cast %add3A_840 : i32 to index
        %get3A_870 = arith.constant 32 : index
        %get3A_871 = tpu.vector_load %arg8[%get3A_869, %get3A_870] {strides = array<i32>} : memref<80x64xi32, #tpu.memory_space<vmem>>, vector<16xi32>,
        %bitcast3A_872 = vector.bitcast %get3A_871 : vector<16xi32> to vector<32xbf16>
        %get3A_873 = arith.index_cast %add3A_840 : i32 to index
        %get3A_874 = arith.constant 32 : index
        %get3A_875 = tpu.vector_load %arg9[%get3A_873, %get3A_874] {strides = array<i32>} : memref<80x64xi32, #tpu.memory_space<vmem>>, vector<16xi32>,
        %bitcast3A_876 = vector.bitcast %get3A_875 : vector<16xi32> to vector<32xbf16>
        %mul3A_877 = arith.mulf %bitcast3A_872, %bitcast3A_876 : vector<32xbf16>
        %unpack3A_878 = tpu.unpack_subelements %mul3A_877, 0 {pack_format = #tpu.pack_format<interleaved>} : vector<32xbf16> -> vector<16xf32>
        %unpack3A_879 = tpu.unpack_subelements %mul3A_877, 1 {pack_format = #tpu.pack_format<interleaved>} : vector<32xbf16> -> vector<16xf32>
        %add3A_880 = arith.addf %add3A_868, %unpack3A_878 : vector<16xf32>
        %add3A_881 = arith.addf %add3A_880, %unpack3A_879 : vector<16xf32>
        %get3A_882 = arith.index_cast %add3A_840 : i32 to index
        %get3A_883 = arith.constant 48 : index
        %get3A_884 = tpu.vector_load %arg8[%get3A_882, %get3A_883] {strides = array<i32>} : memref<80x64xi32, #tpu.memory_space<vmem>>, vector<16xi32>,
        %bitcast3A_885 = vector.bitcast %get3A_884 : vector<16xi32> to vector<32xbf16>
        %get3A_886 = arith.index_cast %add3A_840 : i32 to index
        %get3A_887 = arith.constant 48 : index
        %get3A_888 = tpu.vector_load %arg9[%get3A_886, %get3A_887] {strides = array<i32>} : memref<80x64xi32, #tpu.memory_space<vmem>>, vector<16xi32>,
        %bitcast3A_889 = vector.bitcast %get3A_888 : vector<16xi32> to vector<32xbf16>
        %mul3A_890 = arith.mulf %bitcast3A_885, %bitcast3A_889 : vector<32xbf16>
        %unpack3A_891 = tpu.unpack_subelements %mul3A_890, 0 {pack_format = #tpu.pack_format<interleaved>} : vector<32xbf16> -> vector<16xf32>
        %unpack3A_892 = tpu.unpack_subelements %mul3A_890, 1 {pack_format = #tpu.pack_format<interleaved>} : vector<32xbf16> -> vector<16xf32>
        %add3A_893 = arith.addf %add3A_881, %unpack3A_891 : vector<16xf32>
        %add3A_894 = arith.addf %add3A_893, %unpack3A_892 : vector<16xf32>
        %eq3A_895 = arith.constant 11 : i32
        %eq3A_896 = vector.broadcast %eq3A_895 : i32 to vector<16xi32>
        %eq3A_897 = arith.cmpi eq, %iota3A, %eq3A_896 : vector<16xi32>
        %reduce_sum3A_898 = arith.constant true
        %reduce_sum3A_899 = vector.broadcast %reduce_sum3A_898 : i1 to vector<16xi1>
        %reduce_sum3A_900 = tpu.scan <sum>, %add3A_894 masked %reduce_sum3A_899 : vector<16xf32>, vector<16xi1> -> vector<16xf32>
        %reduce_sum3A_901 = vector.extract %reduce_sum3A_900[15] : f32 from vector<16xf32>
        %broadcast_in_dim3A_902 = vector.broadcast %reduce_sum3A_901 : f32 to vector<16xf32>
        %select_n3A_903 = arith.select %eq3A_897, %broadcast_in_dim3A_902, %select_n3A_836 : vector<16xi1>, vector<16xf32>
        %mul3A_904 = arith.constant 16 : i32
        %mul3A_905 = arith.muli %scan3A_104, %mul3A_904 : i32
        %add3A_906 = arith.constant 12 : i32
        %add3A_907 = arith.addi %mul3A_905, %add3A_906 : i32
        %broadcast_in_dim3A_908 = arith.constant 0.000000e+00 : f32
        %broadcast_in_dim3A_909 = vector.broadcast %broadcast_in_dim3A_908 : f32 to vector<16xf32>
        %get3A_910 = arith.index_cast %add3A_907 : i32 to index
        %get3A_911 = arith.constant 0 : index
        %get3A_912 = tpu.vector_load %arg8[%get3A_910, %get3A_911] {strides = array<i32>} : memref<80x64xi32, #tpu.memory_space<vmem>>, vector<16xi32>,
        %bitcast3A_913 = vector.bitcast %get3A_912 : vector<16xi32> to vector<32xbf16>
        %get3A_914 = arith.index_cast %add3A_907 : i32 to index
        %get3A_915 = arith.constant 0 : index
        %get3A_916 = tpu.vector_load %arg9[%get3A_914, %get3A_915] {strides = array<i32>} : memref<80x64xi32, #tpu.memory_space<vmem>>, vector<16xi32>,
        %bitcast3A_917 = vector.bitcast %get3A_916 : vector<16xi32> to vector<32xbf16>
        %mul3A_918 = arith.mulf %bitcast3A_913, %bitcast3A_917 : vector<32xbf16>
        %unpack3A_919 = tpu.unpack_subelements %mul3A_918, 0 {pack_format = #tpu.pack_format<interleaved>} : vector<32xbf16> -> vector<16xf32>
        %unpack3A_920 = tpu.unpack_subelements %mul3A_918, 1 {pack_format = #tpu.pack_format<interleaved>} : vector<32xbf16> -> vector<16xf32>
        %add3A_921 = arith.addf %broadcast_in_dim3A_909, %unpack3A_919 : vector<16xf32>
        %add3A_922 = arith.addf %add3A_921, %unpack3A_920 : vector<16xf32>
        %get3A_923 = arith.index_cast %add3A_907 : i32 to index
        %get3A_924 = arith.constant 16 : index
        %get3A_925 = tpu.vector_load %arg8[%get3A_923, %get3A_924] {strides = array<i32>} : memref<80x64xi32, #tpu.memory_space<vmem>>, vector<16xi32>,
        %bitcast3A_926 = vector.bitcast %get3A_925 : vector<16xi32> to vector<32xbf16>
        %get3A_927 = arith.index_cast %add3A_907 : i32 to index
        %get3A_928 = arith.constant 16 : index
        %get3A_929 = tpu.vector_load %arg9[%get3A_927, %get3A_928] {strides = array<i32>} : memref<80x64xi32, #tpu.memory_space<vmem>>, vector<16xi32>,
        %bitcast3A_930 = vector.bitcast %get3A_929 : vector<16xi32> to vector<32xbf16>
        %mul3A_931 = arith.mulf %bitcast3A_926, %bitcast3A_930 : vector<32xbf16>
        %unpack3A_932 = tpu.unpack_subelements %mul3A_931, 0 {pack_format = #tpu.pack_format<interleaved>} : vector<32xbf16> -> vector<16xf32>
        %unpack3A_933 = tpu.unpack_subelements %mul3A_931, 1 {pack_format = #tpu.pack_format<interleaved>} : vector<32xbf16> -> vector<16xf32>
        %add3A_934 = arith.addf %add3A_922, %unpack3A_932 : vector<16xf32>
        %add3A_935 = arith.addf %add3A_934, %unpack3A_933 : vector<16xf32>
        %get3A_936 = arith.index_cast %add3A_907 : i32 to index
        %get3A_937 = arith.constant 32 : index
        %get3A_938 = tpu.vector_load %arg8[%get3A_936, %get3A_937] {strides = array<i32>} : memref<80x64xi32, #tpu.memory_space<vmem>>, vector<16xi32>,
        %bitcast3A_939 = vector.bitcast %get3A_938 : vector<16xi32> to vector<32xbf16>
        %get3A_940 = arith.index_cast %add3A_907 : i32 to index
        %get3A_941 = arith.constant 32 : index
        %get3A_942 = tpu.vector_load %arg9[%get3A_940, %get3A_941] {strides = array<i32>} : memref<80x64xi32, #tpu.memory_space<vmem>>, vector<16xi32>,
        %bitcast3A_943 = vector.bitcast %get3A_942 : vector<16xi32> to vector<32xbf16>
        %mul3A_944 = arith.mulf %bitcast3A_939, %bitcast3A_943 : vector<32xbf16>
        %unpack3A_945 = tpu.unpack_subelements %mul3A_944, 0 {pack_format = #tpu.pack_format<interleaved>} : vector<32xbf16> -> vector<16xf32>
        %unpack3A_946 = tpu.unpack_subelements %mul3A_944, 1 {pack_format = #tpu.pack_format<interleaved>} : vector<32xbf16> -> vector<16xf32>
        %add3A_947 = arith.addf %add3A_935, %unpack3A_945 : vector<16xf32>
        %add3A_948 = arith.addf %add3A_947, %unpack3A_946 : vector<16xf32>
        %get3A_949 = arith.index_cast %add3A_907 : i32 to index
        %get3A_950 = arith.constant 48 : index
        %get3A_951 = tpu.vector_load %arg8[%get3A_949, %get3A_950] {strides = array<i32>} : memref<80x64xi32, #tpu.memory_space<vmem>>, vector<16xi32>,
        %bitcast3A_952 = vector.bitcast %get3A_951 : vector<16xi32> to vector<32xbf16>
        %get3A_953 = arith.index_cast %add3A_907 : i32 to index
        %get3A_954 = arith.constant 48 : index
        %get3A_955 = tpu.vector_load %arg9[%get3A_953, %get3A_954] {strides = array<i32>} : memref<80x64xi32, #tpu.memory_space<vmem>>, vector<16xi32>,
        %bitcast3A_956 = vector.bitcast %get3A_955 : vector<16xi32> to vector<32xbf16>
        %mul3A_957 = arith.mulf %bitcast3A_952, %bitcast3A_956 : vector<32xbf16>
        %unpack3A_958 = tpu.unpack_subelements %mul3A_957, 0 {pack_format = #tpu.pack_format<interleaved>} : vector<32xbf16> -> vector<16xf32>
        %unpack3A_959 = tpu.unpack_subelements %mul3A_957, 1 {pack_format = #tpu.pack_format<interleaved>} : vector<32xbf16> -> vector<16xf32>
        %add3A_960 = arith.addf %add3A_948, %unpack3A_958 : vector<16xf32>
        %add3A_961 = arith.addf %add3A_960, %unpack3A_959 : vector<16xf32>
        %eq3A_962 = arith.constant 12 : i32
        %eq3A_963 = vector.broadcast %eq3A_962 : i32 to vector<16xi32>
        %eq3A_964 = arith.cmpi eq, %iota3A, %eq3A_963 : vector<16xi32>
        %reduce_sum3A_965 = arith.constant true
        %reduce_sum3A_966 = vector.broadcast %reduce_sum3A_965 : i1 to vector<16xi1>
        %reduce_sum3A_967 = tpu.scan <sum>, %add3A_961 masked %reduce_sum3A_966 : vector<16xf32>, vector<16xi1> -> vector<16xf32>
        %reduce_sum3A_968 = vector.extract %reduce_sum3A_967[15] : f32 from vector<16xf32>
        %broadcast_in_dim3A_969 = vector.broadcast %reduce_sum3A_968 : f32 to vector<16xf32>
        %select_n3A_970 = arith.select %eq3A_964, %broadcast_in_dim3A_969, %select_n3A_903 : vector<16xi1>, vector<16xf32>
        %mul3A_971 = arith.constant 16 : i32
        %mul3A_972 = arith.muli %scan3A_104, %mul3A_971 : i32
        %add3A_973 = arith.constant 13 : i32
        %add3A_974 = arith.addi %mul3A_972, %add3A_973 : i32
        %broadcast_in_dim3A_975 = arith.constant 0.000000e+00 : f32
        %broadcast_in_dim3A_976 = vector.broadcast %broadcast_in_dim3A_975 : f32 to vector<16xf32>
        %get3A_977 = arith.index_cast %add3A_974 : i32 to index
        %get3A_978 = arith.constant 0 : index
        %get3A_979 = tpu.vector_load %arg8[%get3A_977, %get3A_978] {strides = array<i32>} : memref<80x64xi32, #tpu.memory_space<vmem>>, vector<16xi32>,
        %bitcast3A_980 = vector.bitcast %get3A_979 : vector<16xi32> to vector<32xbf16>
        %get3A_981 = arith.index_cast %add3A_974 : i32 to index
        %get3A_982 = arith.constant 0 : index
        %get3A_983 = tpu.vector_load %arg9[%get3A_981, %get3A_982] {strides = array<i32>} : memref<80x64xi32, #tpu.memory_space<vmem>>, vector<16xi32>,
        %bitcast3A_984 = vector.bitcast %get3A_983 : vector<16xi32> to vector<32xbf16>
        %mul3A_985 = arith.mulf %bitcast3A_980, %bitcast3A_984 : vector<32xbf16>
        %unpack3A_986 = tpu.unpack_subelements %mul3A_985, 0 {pack_format = #tpu.pack_format<interleaved>} : vector<32xbf16> -> vector<16xf32>
        %unpack3A_987 = tpu.unpack_subelements %mul3A_985, 1 {pack_format = #tpu.pack_format<interleaved>} : vector<32xbf16> -> vector<16xf32>
        %add3A_988 = arith.addf %broadcast_in_dim3A_976, %unpack3A_986 : vector<16xf32>
        %add3A_989 = arith.addf %add3A_988, %unpack3A_987 : vector<16xf32>
        %get3A_990 = arith.index_cast %add3A_974 : i32 to index
        %get3A_991 = arith.constant 16 : index
        %get3A_992 = tpu.vector_load %arg8[%get3A_990, %get3A_991] {strides = array<i32>} : memref<80x64xi32, #tpu.memory_space<vmem>>, vector<16xi32>,
        %bitcast3A_993 = vector.bitcast %get3A_992 : vector<16xi32> to vector<32xbf16>
        %get3A_994 = arith.index_cast %add3A_974 : i32 to index
        %get3A_995 = arith.constant 16 : index
        %get3A_996 = tpu.vector_load %arg9[%get3A_994, %get3A_995] {strides = array<i32>} : memref<80x64xi32, #tpu.memory_space<vmem>>, vector<16xi32>,
        %bitcast3A_997 = vector.bitcast %get3A_996 : vector<16xi32> to vector<32xbf16>
        %mul3A_998 = arith.mulf %bitcast3A_993, %bitcast3A_997 : vector<32xbf16>
        %unpack3A_999 = tpu.unpack_subelements %mul3A_998, 0 {pack_format = #tpu.pack_format<interleaved>} : vector<32xbf16> -> vector<16xf32>
        %unpack3A_1000 = tpu.unpack_subelements %mul3A_998, 1 {pack_format = #tpu.pack_format<interleaved>} : vector<32xbf16> -> vector<16xf32>
        %add3A_1001 = arith.addf %add3A_989, %unpack3A_999 : vector<16xf32>
        %add3A_1002 = arith.addf %add3A_1001, %unpack3A_1000 : vector<16xf32>
        %get3A_1003 = arith.index_cast %add3A_974 : i32 to index
        %get3A_1004 = arith.constant 32 : index
        %get3A_1005 = tpu.vector_load %arg8[%get3A_1003, %get3A_1004] {strides = array<i32>} : memref<80x64xi32, #tpu.memory_space<vmem>>, vector<16xi32>,
        %bitcast3A_1006 = vector.bitcast %get3A_1005 : vector<16xi32> to vector<32xbf16>
        %get3A_1007 = arith.index_cast %add3A_974 : i32 to index
        %get3A_1008 = arith.constant 32 : index
        %get3A_1009 = tpu.vector_load %arg9[%get3A_1007, %get3A_1008] {strides = array<i32>} : memref<80x64xi32, #tpu.memory_space<vmem>>, vector<16xi32>,
        %bitcast3A_1010 = vector.bitcast %get3A_1009 : vector<16xi32> to vector<32xbf16>
        %mul3A_1011 = arith.mulf %bitcast3A_1006, %bitcast3A_1010 : vector<32xbf16>
        %unpack3A_1012 = tpu.unpack_subelements %mul3A_1011, 0 {pack_format = #tpu.pack_format<interleaved>} : vector<32xbf16> -> vector<16xf32>
        %unpack3A_1013 = tpu.unpack_subelements %mul3A_1011, 1 {pack_format = #tpu.pack_format<interleaved>} : vector<32xbf16> -> vector<16xf32>
        %add3A_1014 = arith.addf %add3A_1002, %unpack3A_1012 : vector<16xf32>
        %add3A_1015 = arith.addf %add3A_1014, %unpack3A_1013 : vector<16xf32>
        %get3A_1016 = arith.index_cast %add3A_974 : i32 to index
        %get3A_1017 = arith.constant 48 : index
        %get3A_1018 = tpu.vector_load %arg8[%get3A_1016, %get3A_1017] {strides = array<i32>} : memref<80x64xi32, #tpu.memory_space<vmem>>, vector<16xi32>,
        %bitcast3A_1019 = vector.bitcast %get3A_1018 : vector<16xi32> to vector<32xbf16>
        %get3A_1020 = arith.index_cast %add3A_974 : i32 to index
        %get3A_1021 = arith.constant 48 : index
        %get3A_1022 = tpu.vector_load %arg9[%get3A_1020, %get3A_1021] {strides = array<i32>} : memref<80x64xi32, #tpu.memory_space<vmem>>, vector<16xi32>,
        %bitcast3A_1023 = vector.bitcast %get3A_1022 : vector<16xi32> to vector<32xbf16>
        %mul3A_1024 = arith.mulf %bitcast3A_1019, %bitcast3A_1023 : vector<32xbf16>
        %unpack3A_1025 = tpu.unpack_subelements %mul3A_1024, 0 {pack_format = #tpu.pack_format<interleaved>} : vector<32xbf16> -> vector<16xf32>
        %unpack3A_1026 = tpu.unpack_subelements %mul3A_1024, 1 {pack_format = #tpu.pack_format<interleaved>} : vector<32xbf16> -> vector<16xf32>
        %add3A_1027 = arith.addf %add3A_1015, %unpack3A_1025 : vector<16xf32>
        %add3A_1028 = arith.addf %add3A_1027, %unpack3A_1026 : vector<16xf32>
        %eq3A_1029 = arith.constant 13 : i32
        %eq3A_1030 = vector.broadcast %eq3A_1029 : i32 to vector<16xi32>
        %eq3A_1031 = arith.cmpi eq, %iota3A, %eq3A_1030 : vector<16xi32>
        %reduce_sum3A_1032 = arith.constant true
        %reduce_sum3A_1033 = vector.broadcast %reduce_sum3A_1032 : i1 to vector<16xi1>
        %reduce_sum3A_1034 = tpu.scan <sum>, %add3A_1028 masked %reduce_sum3A_1033 : vector<16xf32>, vector<16xi1> -> vector<16xf32>
        %reduce_sum3A_1035 = vector.extract %reduce_sum3A_1034[15] : f32 from vector<16xf32>
        %broadcast_in_dim3A_1036 = vector.broadcast %reduce_sum3A_1035 : f32 to vector<16xf32>
        %select_n3A_1037 = arith.select %eq3A_1031, %broadcast_in_dim3A_1036, %select_n3A_970 : vector<16xi1>, vector<16xf32>
        %mul3A_1038 = arith.constant 16 : i32
        %mul3A_1039 = arith.muli %scan3A_104, %mul3A_1038 : i32
        %add3A_1040 = arith.constant 14 : i32
        %add3A_1041 = arith.addi %mul3A_1039, %add3A_1040 : i32
        %broadcast_in_dim3A_1042 = arith.constant 0.000000e+00 : f32
        %broadcast_in_dim3A_1043 = vector.broadcast %broadcast_in_dim3A_1042 : f32 to vector<16xf32>
        %get3A_1044 = arith.index_cast %add3A_1041 : i32 to index
        %get3A_1045 = arith.constant 0 : index
        %get3A_1046 = tpu.vector_load %arg8[%get3A_1044, %get3A_1045] {strides = array<i32>} : memref<80x64xi32, #tpu.memory_space<vmem>>, vector<16xi32>,
        %bitcast3A_1047 = vector.bitcast %get3A_1046 : vector<16xi32> to vector<32xbf16>
        %get3A_1048 = arith.index_cast %add3A_1041 : i32 to index
        %get3A_1049 = arith.constant 0 : index
        %get3A_1050 = tpu.vector_load %arg9[%get3A_1048, %get3A_1049] {strides = array<i32>} : memref<80x64xi32, #tpu.memory_space<vmem>>, vector<16xi32>,
        %bitcast3A_1051 = vector.bitcast %get3A_1050 : vector<16xi32> to vector<32xbf16>
        %mul3A_1052 = arith.mulf %bitcast3A_1047, %bitcast3A_1051 : vector<32xbf16>
        %unpack3A_1053 = tpu.unpack_subelements %mul3A_1052, 0 {pack_format = #tpu.pack_format<interleaved>} : vector<32xbf16> -> vector<16xf32>
        %unpack3A_1054 = tpu.unpack_subelements %mul3A_1052, 1 {pack_format = #tpu.pack_format<interleaved>} : vector<32xbf16> -> vector<16xf32>
        %add3A_1055 = arith.addf %broadcast_in_dim3A_1043, %unpack3A_1053 : vector<16xf32>
        %add3A_1056 = arith.addf %add3A_1055, %unpack3A_1054 : vector<16xf32>
        %get3A_1057 = arith.index_cast %add3A_1041 : i32 to index
        %get3A_1058 = arith.constant 16 : index
        %get3A_1059 = tpu.vector_load %arg8[%get3A_1057, %get3A_1058] {strides = array<i32>} : memref<80x64xi32, #tpu.memory_space<vmem>>, vector<16xi32>,
        %bitcast3A_1060 = vector.bitcast %get3A_1059 : vector<16xi32> to vector<32xbf16>
        %get3A_1061 = arith.index_cast %add3A_1041 : i32 to index
        %get3A_1062 = arith.constant 16 : index
        %get3A_1063 = tpu.vector_load %arg9[%get3A_1061, %get3A_1062] {strides = array<i32>} : memref<80x64xi32, #tpu.memory_space<vmem>>, vector<16xi32>,
        %bitcast3A_1064 = vector.bitcast %get3A_1063 : vector<16xi32> to vector<32xbf16>
        %mul3A_1065 = arith.mulf %bitcast3A_1060, %bitcast3A_1064 : vector<32xbf16>
        %unpack3A_1066 = tpu.unpack_subelements %mul3A_1065, 0 {pack_format = #tpu.pack_format<interleaved>} : vector<32xbf16> -> vector<16xf32>
        %unpack3A_1067 = tpu.unpack_subelements %mul3A_1065, 1 {pack_format = #tpu.pack_format<interleaved>} : vector<32xbf16> -> vector<16xf32>
        %add3A_1068 = arith.addf %add3A_1056, %unpack3A_1066 : vector<16xf32>
        %add3A_1069 = arith.addf %add3A_1068, %unpack3A_1067 : vector<16xf32>
        %get3A_1070 = arith.index_cast %add3A_1041 : i32 to index
        %get3A_1071 = arith.constant 32 : index
        %get3A_1072 = tpu.vector_load %arg8[%get3A_1070, %get3A_1071] {strides = array<i32>} : memref<80x64xi32, #tpu.memory_space<vmem>>, vector<16xi32>,
        %bitcast3A_1073 = vector.bitcast %get3A_1072 : vector<16xi32> to vector<32xbf16>
        %get3A_1074 = arith.index_cast %add3A_1041 : i32 to index
        %get3A_1075 = arith.constant 32 : index
        %get3A_1076 = tpu.vector_load %arg9[%get3A_1074, %get3A_1075] {strides = array<i32>} : memref<80x64xi32, #tpu.memory_space<vmem>>, vector<16xi32>,
        %bitcast3A_1077 = vector.bitcast %get3A_1076 : vector<16xi32> to vector<32xbf16>
        %mul3A_1078 = arith.mulf %bitcast3A_1073, %bitcast3A_1077 : vector<32xbf16>
        %unpack3A_1079 = tpu.unpack_subelements %mul3A_1078, 0 {pack_format = #tpu.pack_format<interleaved>} : vector<32xbf16> -> vector<16xf32>
        %unpack3A_1080 = tpu.unpack_subelements %mul3A_1078, 1 {pack_format = #tpu.pack_format<interleaved>} : vector<32xbf16> -> vector<16xf32>
        %add3A_1081 = arith.addf %add3A_1069, %unpack3A_1079 : vector<16xf32>
        %add3A_1082 = arith.addf %add3A_1081, %unpack3A_1080 : vector<16xf32>
        %get3A_1083 = arith.index_cast %add3A_1041 : i32 to index
        %get3A_1084 = arith.constant 48 : index
        %get3A_1085 = tpu.vector_load %arg8[%get3A_1083, %get3A_1084] {strides = array<i32>} : memref<80x64xi32, #tpu.memory_space<vmem>>, vector<16xi32>,
        %bitcast3A_1086 = vector.bitcast %get3A_1085 : vector<16xi32> to vector<32xbf16>
        %get3A_1087 = arith.index_cast %add3A_1041 : i32 to index
        %get3A_1088 = arith.constant 48 : index
        %get3A_1089 = tpu.vector_load %arg9[%get3A_1087, %get3A_1088] {strides = array<i32>} : memref<80x64xi32, #tpu.memory_space<vmem>>, vector<16xi32>,
        %bitcast3A_1090 = vector.bitcast %get3A_1089 : vector<16xi32> to vector<32xbf16>
        %mul3A_1091 = arith.mulf %bitcast3A_1086, %bitcast3A_1090 : vector<32xbf16>
        %unpack3A_1092 = tpu.unpack_subelements %mul3A_1091, 0 {pack_format = #tpu.pack_format<interleaved>} : vector<32xbf16> -> vector<16xf32>
        %unpack3A_1093 = tpu.unpack_subelements %mul3A_1091, 1 {pack_format = #tpu.pack_format<interleaved>} : vector<32xbf16> -> vector<16xf32>
        %add3A_1094 = arith.addf %add3A_1082, %unpack3A_1092 : vector<16xf32>
        %add3A_1095 = arith.addf %add3A_1094, %unpack3A_1093 : vector<16xf32>
        %eq3A_1096 = arith.constant 14 : i32
        %eq3A_1097 = vector.broadcast %eq3A_1096 : i32 to vector<16xi32>
        %eq3A_1098 = arith.cmpi eq, %iota3A, %eq3A_1097 : vector<16xi32>
        %reduce_sum3A_1099 = arith.constant true
        %reduce_sum3A_1100 = vector.broadcast %reduce_sum3A_1099 : i1 to vector<16xi1>
        %reduce_sum3A_1101 = tpu.scan <sum>, %add3A_1095 masked %reduce_sum3A_1100 : vector<16xf32>, vector<16xi1> -> vector<16xf32>
        %reduce_sum3A_1102 = vector.extract %reduce_sum3A_1101[15] : f32 from vector<16xf32>
        %broadcast_in_dim3A_1103 = vector.broadcast %reduce_sum3A_1102 : f32 to vector<16xf32>
        %select_n3A_1104 = arith.select %eq3A_1098, %broadcast_in_dim3A_1103, %select_n3A_1037 : vector<16xi1>, vector<16xf32>
        %mul3A_1105 = arith.constant 16 : i32
        %mul3A_1106 = arith.muli %scan3A_104, %mul3A_1105 : i32
        %add3A_1107 = arith.constant 15 : i32
        %add3A_1108 = arith.addi %mul3A_1106, %add3A_1107 : i32
        %broadcast_in_dim3A_1109 = arith.constant 0.000000e+00 : f32
        %broadcast_in_dim3A_1110 = vector.broadcast %broadcast_in_dim3A_1109 : f32 to vector<16xf32>
        %get3A_1111 = arith.index_cast %add3A_1108 : i32 to index
        %get3A_1112 = arith.constant 0 : index
        %get3A_1113 = tpu.vector_load %arg8[%get3A_1111, %get3A_1112] {strides = array<i32>} : memref<80x64xi32, #tpu.memory_space<vmem>>, vector<16xi32>,
        %bitcast3A_1114 = vector.bitcast %get3A_1113 : vector<16xi32> to vector<32xbf16>
        %get3A_1115 = arith.index_cast %add3A_1108 : i32 to index
        %get3A_1116 = arith.constant 0 : index
        %get3A_1117 = tpu.vector_load %arg9[%get3A_1115, %get3A_1116] {strides = array<i32>} : memref<80x64xi32, #tpu.memory_space<vmem>>, vector<16xi32>,
        %bitcast3A_1118 = vector.bitcast %get3A_1117 : vector<16xi32> to vector<32xbf16>
        %mul3A_1119 = arith.mulf %bitcast3A_1114, %bitcast3A_1118 : vector<32xbf16>
        %unpack3A_1120 = tpu.unpack_subelements %mul3A_1119, 0 {pack_format = #tpu.pack_format<interleaved>} : vector<32xbf16> -> vector<16xf32>
        %unpack3A_1121 = tpu.unpack_subelements %mul3A_1119, 1 {pack_format = #tpu.pack_format<interleaved>} : vector<32xbf16> -> vector<16xf32>
        %add3A_1122 = arith.addf %broadcast_in_dim3A_1110, %unpack3A_1120 : vector<16xf32>
        %add3A_1123 = arith.addf %add3A_1122, %unpack3A_1121 : vector<16xf32>
        %get3A_1124 = arith.index_cast %add3A_1108 : i32 to index
        %get3A_1125 = arith.constant 16 : index
        %get3A_1126 = tpu.vector_load %arg8[%get3A_1124, %get3A_1125] {strides = array<i32>} : memref<80x64xi32, #tpu.memory_space<vmem>>, vector<16xi32>,
        %bitcast3A_1127 = vector.bitcast %get3A_1126 : vector<16xi32> to vector<32xbf16>
        %get3A_1128 = arith.index_cast %add3A_1108 : i32 to index
        %get3A_1129 = arith.constant 16 : index
        %get3A_1130 = tpu.vector_load %arg9[%get3A_1128, %get3A_1129] {strides = array<i32>} : memref<80x64xi32, #tpu.memory_space<vmem>>, vector<16xi32>,
        %bitcast3A_1131 = vector.bitcast %get3A_1130 : vector<16xi32> to vector<32xbf16>
        %mul3A_1132 = arith.mulf %bitcast3A_1127, %bitcast3A_1131 : vector<32xbf16>
        %unpack3A_1133 = tpu.unpack_subelements %mul3A_1132, 0 {pack_format = #tpu.pack_format<interleaved>} : vector<32xbf16> -> vector<16xf32>
        %unpack3A_1134 = tpu.unpack_subelements %mul3A_1132, 1 {pack_format = #tpu.pack_format<interleaved>} : vector<32xbf16> -> vector<16xf32>
        %add3A_1135 = arith.addf %add3A_1123, %unpack3A_1133 : vector<16xf32>
        %add3A_1136 = arith.addf %add3A_1135, %unpack3A_1134 : vector<16xf32>
        %get3A_1137 = arith.index_cast %add3A_1108 : i32 to index
        %get3A_1138 = arith.constant 32 : index
        %get3A_1139 = tpu.vector_load %arg8[%get3A_1137, %get3A_1138] {strides = array<i32>} : memref<80x64xi32, #tpu.memory_space<vmem>>, vector<16xi32>,
        %bitcast3A_1140 = vector.bitcast %get3A_1139 : vector<16xi32> to vector<32xbf16>
        %get3A_1141 = arith.index_cast %add3A_1108 : i32 to index
        %get3A_1142 = arith.constant 32 : index
        %get3A_1143 = tpu.vector_load %arg9[%get3A_1141, %get3A_1142] {strides = array<i32>} : memref<80x64xi32, #tpu.memory_space<vmem>>, vector<16xi32>,
        %bitcast3A_1144 = vector.bitcast %get3A_1143 : vector<16xi32> to vector<32xbf16>
        %mul3A_1145 = arith.mulf %bitcast3A_1140, %bitcast3A_1144 : vector<32xbf16>
        %unpack3A_1146 = tpu.unpack_subelements %mul3A_1145, 0 {pack_format = #tpu.pack_format<interleaved>} : vector<32xbf16> -> vector<16xf32>
        %unpack3A_1147 = tpu.unpack_subelements %mul3A_1145, 1 {pack_format = #tpu.pack_format<interleaved>} : vector<32xbf16> -> vector<16xf32>
        %add3A_1148 = arith.addf %add3A_1136, %unpack3A_1146 : vector<16xf32>
        %add3A_1149 = arith.addf %add3A_1148, %unpack3A_1147 : vector<16xf32>
        %get3A_1150 = arith.index_cast %add3A_1108 : i32 to index
        %get3A_1151 = arith.constant 48 : index
        %get3A_1152 = tpu.vector_load %arg8[%get3A_1150, %get3A_1151] {strides = array<i32>} : memref<80x64xi32, #tpu.memory_space<vmem>>, vector<16xi32>,
        %bitcast3A_1153 = vector.bitcast %get3A_1152 : vector<16xi32> to vector<32xbf16>
        %get3A_1154 = arith.index_cast %add3A_1108 : i32 to index
        %get3A_1155 = arith.constant 48 : index
        %get3A_1156 = tpu.vector_load %arg9[%get3A_1154, %get3A_1155] {strides = array<i32>} : memref<80x64xi32, #tpu.memory_space<vmem>>, vector<16xi32>,
        %bitcast3A_1157 = vector.bitcast %get3A_1156 : vector<16xi32> to vector<32xbf16>
        %mul3A_1158 = arith.mulf %bitcast3A_1153, %bitcast3A_1157 : vector<32xbf16>
        %unpack3A_1159 = tpu.unpack_subelements %mul3A_1158, 0 {pack_format = #tpu.pack_format<interleaved>} : vector<32xbf16> -> vector<16xf32>
        %unpack3A_1160 = tpu.unpack_subelements %mul3A_1158, 1 {pack_format = #tpu.pack_format<interleaved>} : vector<32xbf16> -> vector<16xf32>
        %add3A_1161 = arith.addf %add3A_1149, %unpack3A_1159 : vector<16xf32>
        %add3A_1162 = arith.addf %add3A_1161, %unpack3A_1160 : vector<16xf32>
        %eq3A_1163 = arith.constant 15 : i32
        %eq3A_1164 = vector.broadcast %eq3A_1163 : i32 to vector<16xi32>
        %eq3A_1165 = arith.cmpi eq, %iota3A, %eq3A_1164 : vector<16xi32>
        %reduce_sum3A_1166 = arith.constant true
        %reduce_sum3A_1167 = vector.broadcast %reduce_sum3A_1166 : i1 to vector<16xi1>
        %reduce_sum3A_1168 = tpu.scan <sum>, %add3A_1162 masked %reduce_sum3A_1167 : vector<16xf32>, vector<16xi1> -> vector<16xf32>
        %reduce_sum3A_1169 = vector.extract %reduce_sum3A_1168[15] : f32 from vector<16xf32>
        %broadcast_in_dim3A_1170 = vector.broadcast %reduce_sum3A_1169 : f32 to vector<16xf32>
        %select_n3A_1171 = arith.select %eq3A_1165, %broadcast_in_dim3A_1170, %select_n3A_1104 : vector<16xi1>, vector<16xf32>
        %mul3A_1172 = arith.constant 80 : i32
        %mul3A_1173 = arith.muli %mul3A_35, %mul3A_1172 : i32
        %mul3A_1174 = arith.constant 16 : i32
        %mul3A_1175 = arith.muli %scan3A_104, %mul3A_1174 : i32
        %add3A_1176 = arith.addi %mul3A_1173, %mul3A_1175 : i32
        %swap3A = arith.index_cast %add3A_1176 : i32 to index
        %swap3A_1177 = tpu.vector_load %arg12[%swap3A] {strides = array<i32>} : memref<10000xf32, #tpu.memory_space<vmem>>, vector<16xf32>,
        tpu.vector_store %arg12[%swap3A], %select_n3A_1171 {strides = array<i32>} : memref<10000xf32, #tpu.memory_space<vmem>>, vector<16xf32>,
      }
      %scan3A_67 = arith.constant 5 : i32
      %add3A_68 = arith.constant 2 : i32
      %add3A_69 = arith.addi %mul3A_35, %add3A_68 : i32
      %mul3A_70 = arith.constant 80 : i32
      %mul3A_71 = arith.muli %add3A_69, %mul3A_70 : i32
      %dma_start3A_72 = tpu.memref_slice %arg6[%mul3A_71] : memref<10000xi32, #tpu.memory_space<vmem>> -> memref<80xi32, #tpu.memory_space<vmem>>
      %dma_start3A_73 = arith.constant 0 : i32
      %dma_start3A_74 = arith.constant 0 : i32
      %dma_start3A_75 = tpu.memref_slice %arg2[%dma_start3A_73, %dma_start3A_74] : memref<10000x64xi32, #tpu.memory_space<hbm>> -> memref<10000x64xi32, #tpu.memory_space<hbm>>
      tpu.enqueue_indirect_dma source(%dma_start3A_75 : memref<10000x64xi32, #tpu.memory_space<hbm>>) target(%arg8 : memref<80x64xi32, #tpu.memory_space<vmem>>) offsets(%dma_start3A_72 : memref<80xi32, #tpu.memory_space<vmem>>) semaphore(%arg13 : memref<!tpu.dma_semaphore, #tpu.memory_space<semaphore_mem>>)
      %mul3A_76 = arith.constant 80 : i32
      %mul3A_77 = arith.muli %add3A_69, %mul3A_76 : i32
      %dma_start3A_78 = tpu.memref_slice %arg7[%mul3A_77] : memref<10000xi32, #tpu.memory_space<vmem>> -> memref<80xi32, #tpu.memory_space<vmem>>
      %dma_start3A_79 = arith.constant 0 : i32
      %dma_start3A_80 = arith.constant 0 : i32
      %dma_start3A_81 = tpu.memref_slice %arg3[%dma_start3A_79, %dma_start3A_80] : memref<10000x64xi32, #tpu.memory_space<hbm>> -> memref<10000x64xi32, #tpu.memory_space<hbm>>
      tpu.enqueue_indirect_dma source(%dma_start3A_81 : memref<10000x64xi32, #tpu.memory_space<hbm>>) target(%arg9 : memref<80x64xi32, #tpu.memory_space<vmem>>) offsets(%dma_start3A_78 : memref<80xi32, #tpu.memory_space<vmem>>) semaphore(%arg14 : memref<!tpu.dma_semaphore, #tpu.memory_space<semaphore_mem>>)
      %add3A_82 = arith.constant 1 : i32
      %add3A_83 = arith.addi %mul3A_35, %add3A_82 : i32
      %mul3A_84 = arith.constant 80 : i32
      %mul3A_85 = arith.muli %add3A_83, %mul3A_84 : i32
      %dma_wait3A_86 = tpu.memref_slice %arg6[%mul3A_85] : memref<10000xi32, #tpu.memory_space<vmem>> -> memref<80xi32, #tpu.memory_space<vmem>>
      %dma_wait3A_87 = arith.constant 0 : i32
      %dma_wait3A_88 = arith.constant 0 : i32
      %dma_wait3A_89 = tpu.memref_slice %arg2[%dma_wait3A_87, %dma_wait3A_88] : memref<10000x64xi32, #tpu.memory_space<hbm>> -> memref<10000x64xi32, #tpu.memory_space<hbm>>
      tpu.wait_indirect_dma semaphore(%arg15 : memref<!tpu.dma_semaphore, #tpu.memory_space<semaphore_mem>>) src(%dma_wait3A_89 : memref<10000x64xi32, #tpu.memory_space<hbm>>) dst(%arg10 : memref<80x64xi32, #tpu.memory_space<vmem>>)
      %mul3A_90 = arith.constant 80 : i32
      %mul3A_91 = arith.muli %add3A_83, %mul3A_90 : i32
      %dma_wait3A_92 = tpu.memref_slice %arg7[%mul3A_91] : memref<10000xi32, #tpu.memory_space<vmem>> -> memref<80xi32, #tpu.memory_space<vmem>>
      %dma_wait3A_93 = arith.constant 0 : i32
      %dma_wait3A_94 = arith.constant 0 : i32
      %dma_wait3A_95 = tpu.memref_slice %arg3[%dma_wait3A_93, %dma_wait3A_94] : memref<10000x64xi32, #tpu.memory_space<hbm>> -> memref<10000x64xi32, #tpu.memory_space<hbm>>
      tpu.wait_indirect_dma semaphore(%arg16 : memref<!tpu.dma_semaphore, #tpu.memory_space<semaphore_mem>>) src(%dma_wait3A_95 : memref<10000x64xi32, #tpu.memory_space<hbm>>) dst(%arg11 : memref<80x64xi32, #tpu.memory_space<vmem>>)
      %add3A_96 = arith.constant 1 : i32
      %add3A_97 = arith.addi %mul3A_35, %add3A_96 : i32
      %scan3A_98 = arith.constant 0 : i32
      %scan3A_99 = arith.constant 0 : i32
      %scan3A_100 = arith.constant 5 : i32
      %scan3A_101 = arith.addi %scan3A_99, %scan3A_100 : i32
      %scan3A_102 = arith.constant 1 : i32
      scf.for %scan3A_104 = %scan3A_99 to %scan3A_101 step %scan3A_102  : i32 {
        %broadcast_in_dim3A = arith.constant 0.000000e+00 : f32
        %broadcast_in_dim3A_105 = vector.broadcast %broadcast_in_dim3A : f32 to vector<16xf32>
        %mul3A_106 = arith.constant 16 : i32
        %mul3A_107 = arith.muli %scan3A_104, %mul3A_106 : i32
        %add3A_108 = arith.constant 0 : i32
        %add3A_109 = arith.addi %mul3A_107, %add3A_108 : i32
        %broadcast_in_dim3A_110 = arith.constant 0.000000e+00 : f32
        %broadcast_in_dim3A_111 = vector.broadcast %broadcast_in_dim3A_110 : f32 to vector<16xf32>
        %get3A = arith.index_cast %add3A_109 : i32 to index
        %get3A_112 = arith.constant 0 : index
        %get3A_113 = tpu.vector_load %arg10[%get3A, %get3A_112] {strides = array<i32>} : memref<80x64xi32, #tpu.memory_space<vmem>>, vector<16xi32>,
        %bitcast3A = vector.bitcast %get3A_113 : vector<16xi32> to vector<32xbf16>
        %get3A_114 = arith.index_cast %add3A_109 : i32 to index
        %get3A_115 = arith.constant 0 : index
        %get3A_116 = tpu.vector_load %arg11[%get3A_114, %get3A_115] {strides = array<i32>} : memref<80x64xi32, #tpu.memory_space<vmem>>, vector<16xi32>,
        %bitcast3A_117 = vector.bitcast %get3A_116 : vector<16xi32> to vector<32xbf16>
        %mul3A_118 = arith.mulf %bitcast3A, %bitcast3A_117 : vector<32xbf16>
        %unpack3A = tpu.unpack_subelements %mul3A_118, 0 {pack_format = #tpu.pack_format<interleaved>} : vector<32xbf16> -> vector<16xf32>
        %unpack3A_119 = tpu.unpack_subelements %mul3A_118, 1 {pack_format = #tpu.pack_format<interleaved>} : vector<32xbf16> -> vector<16xf32>
        %add3A_120 = arith.addf %broadcast_in_dim3A_111, %unpack3A : vector<16xf32>
        %add3A_121 = arith.addf %add3A_120, %unpack3A_119 : vector<16xf32>
        %get3A_122 = arith.index_cast %add3A_109 : i32 to index
        %get3A_123 = arith.constant 16 : index
        %get3A_124 = tpu.vector_load %arg10[%get3A_122, %get3A_123] {strides = array<i32>} : memref<80x64xi32, #tpu.memory_space<vmem>>, vector<16xi32>,
        %bitcast3A_125 = vector.bitcast %get3A_124 : vector<16xi32> to vector<32xbf16>
        %get3A_126 = arith.index_cast %add3A_109 : i32 to index
        %get3A_127 = arith.constant 16 : index
        %get3A_128 = tpu.vector_load %arg11[%get3A_126, %get3A_127] {strides = array<i32>} : memref<80x64xi32, #tpu.memory_space<vmem>>, vector<16xi32>,
        %bitcast3A_129 = vector.bitcast %get3A_128 : vector<16xi32> to vector<32xbf16>
        %mul3A_130 = arith.mulf %bitcast3A_125, %bitcast3A_129 : vector<32xbf16>
        %unpack3A_131 = tpu.unpack_subelements %mul3A_130, 0 {pack_format = #tpu.pack_format<interleaved>} : vector<32xbf16> -> vector<16xf32>
        %unpack3A_132 = tpu.unpack_subelements %mul3A_130, 1 {pack_format = #tpu.pack_format<interleaved>} : vector<32xbf16> -> vector<16xf32>
        %add3A_133 = arith.addf %add3A_121, %unpack3A_131 : vector<16xf32>
        %add3A_134 = arith.addf %add3A_133, %unpack3A_132 : vector<16xf32>
        %get3A_135 = arith.index_cast %add3A_109 : i32 to index
        %get3A_136 = arith.constant 32 : index
        %get3A_137 = tpu.vector_load %arg10[%get3A_135, %get3A_136] {strides = array<i32>} : memref<80x64xi32, #tpu.memory_space<vmem>>, vector<16xi32>,
        %bitcast3A_138 = vector.bitcast %get3A_137 : vector<16xi32> to vector<32xbf16>
        %get3A_139 = arith.index_cast %add3A_109 : i32 to index
        %get3A_140 = arith.constant 32 : index
        %get3A_141 = tpu.vector_load %arg11[%get3A_139, %get3A_140] {strides = array<i32>} : memref<80x64xi32, #tpu.memory_space<vmem>>, vector<16xi32>,
        %bitcast3A_142 = vector.bitcast %get3A_141 : vector<16xi32> to vector<32xbf16>
        %mul3A_143 = arith.mulf %bitcast3A_138, %bitcast3A_142 : vector<32xbf16>
        %unpack3A_144 = tpu.unpack_subelements %mul3A_143, 0 {pack_format = #tpu.pack_format<interleaved>} : vector<32xbf16> -> vector<16xf32>
        %unpack3A_145 = tpu.unpack_subelements %mul3A_143, 1 {pack_format = #tpu.pack_format<interleaved>} : vector<32xbf16> -> vector<16xf32>
        %add3A_146 = arith.addf %add3A_134, %unpack3A_144 : vector<16xf32>
        %add3A_147 = arith.addf %add3A_146, %unpack3A_145 : vector<16xf32>
        %get3A_148 = arith.index_cast %add3A_109 : i32 to index
        %get3A_149 = arith.constant 48 : index
        %get3A_150 = tpu.vector_load %arg10[%get3A_148, %get3A_149] {strides = array<i32>} : memref<80x64xi32, #tpu.memory_space<vmem>>, vector<16xi32>,
        %bitcast3A_151 = vector.bitcast %get3A_150 : vector<16xi32> to vector<32xbf16>
        %get3A_152 = arith.index_cast %add3A_109 : i32 to index
        %get3A_153 = arith.constant 48 : index
        %get3A_154 = tpu.vector_load %arg11[%get3A_152, %get3A_153] {strides = array<i32>} : memref<80x64xi32, #tpu.memory_space<vmem>>, vector<16xi32>,
        %bitcast3A_155 = vector.bitcast %get3A_154 : vector<16xi32> to vector<32xbf16>
        %mul3A_156 = arith.mulf %bitcast3A_151, %bitcast3A_155 : vector<32xbf16>
        %unpack3A_157 = tpu.unpack_subelements %mul3A_156, 0 {pack_format = #tpu.pack_format<interleaved>} : vector<32xbf16> -> vector<16xf32>
        %unpack3A_158 = tpu.unpack_subelements %mul3A_156, 1 {pack_format = #tpu.pack_format<interleaved>} : vector<32xbf16> -> vector<16xf32>
        %add3A_159 = arith.addf %add3A_147, %unpack3A_157 : vector<16xf32>
        %add3A_160 = arith.addf %add3A_159, %unpack3A_158 : vector<16xf32>
        %eq3A = arith.constant 0 : i32
        %eq3A_161 = vector.broadcast %eq3A : i32 to vector<16xi32>
        %eq3A_162 = arith.cmpi eq, %iota3A, %eq3A_161 : vector<16xi32>
        %reduce_sum3A = arith.constant true
        %reduce_sum3A_163 = vector.broadcast %reduce_sum3A : i1 to vector<16xi1>
        %reduce_sum3A_164 = tpu.scan <sum>, %add3A_160 masked %reduce_sum3A_163 : vector<16xf32>, vector<16xi1> -> vector<16xf32>
        %reduce_sum3A_165 = vector.extract %reduce_sum3A_164[15] : f32 from vector<16xf32>
        %broadcast_in_dim3A_166 = vector.broadcast %reduce_sum3A_165 : f32 to vector<16xf32>
        %select_n3A = arith.select %eq3A_162, %broadcast_in_dim3A_166, %broadcast_in_dim3A_105 : vector<16xi1>, vector<16xf32>
        %mul3A_167 = arith.constant 16 : i32
        %mul3A_168 = arith.muli %scan3A_104, %mul3A_167 : i32
        %add3A_169 = arith.constant 1 : i32
        %add3A_170 = arith.addi %mul3A_168, %add3A_169 : i32
        %broadcast_in_dim3A_171 = arith.constant 0.000000e+00 : f32
        %broadcast_in_dim3A_172 = vector.broadcast %broadcast_in_dim3A_171 : f32 to vector<16xf32>
        %get3A_173 = arith.index_cast %add3A_170 : i32 to index
        %get3A_174 = arith.constant 0 : index
        %get3A_175 = tpu.vector_load %arg10[%get3A_173, %get3A_174] {strides = array<i32>} : memref<80x64xi32, #tpu.memory_space<vmem>>, vector<16xi32>,
        %bitcast3A_176 = vector.bitcast %get3A_175 : vector<16xi32> to vector<32xbf16>
        %get3A_177 = arith.index_cast %add3A_170 : i32 to index
        %get3A_178 = arith.constant 0 : index
        %get3A_179 = tpu.vector_load %arg11[%get3A_177, %get3A_178] {strides = array<i32>} : memref<80x64xi32, #tpu.memory_space<vmem>>, vector<16xi32>,
        %bitcast3A_180 = vector.bitcast %get3A_179 : vector<16xi32> to vector<32xbf16>
        %mul3A_181 = arith.mulf %bitcast3A_176, %bitcast3A_180 : vector<32xbf16>
        %unpack3A_182 = tpu.unpack_subelements %mul3A_181, 0 {pack_format = #tpu.pack_format<interleaved>} : vector<32xbf16> -> vector<16xf32>
        %unpack3A_183 = tpu.unpack_subelements %mul3A_181, 1 {pack_format = #tpu.pack_format<interleaved>} : vector<32xbf16> -> vector<16xf32>
        %add3A_184 = arith.addf %broadcast_in_dim3A_172, %unpack3A_182 : vector<16xf32>
        %add3A_185 = arith.addf %add3A_184, %unpack3A_183 : vector<16xf32>
        %get3A_186 = arith.index_cast %add3A_170 : i32 to index
        %get3A_187 = arith.constant 16 : index
        %get3A_188 = tpu.vector_load %arg10[%get3A_186, %get3A_187] {strides = array<i32>} : memref<80x64xi32, #tpu.memory_space<vmem>>, vector<16xi32>,
        %bitcast3A_189 = vector.bitcast %get3A_188 : vector<16xi32> to vector<32xbf16>
        %get3A_190 = arith.index_cast %add3A_170 : i32 to index
        %get3A_191 = arith.constant 16 : index
        %get3A_192 = tpu.vector_load %arg11[%get3A_190, %get3A_191] {strides = array<i32>} : memref<80x64xi32, #tpu.memory_space<vmem>>, vector<16xi32>,
        %bitcast3A_193 = vector.bitcast %get3A_192 : vector<16xi32> to vector<32xbf16>
        %mul3A_194 = arith.mulf %bitcast3A_189, %bitcast3A_193 : vector<32xbf16>
        %unpack3A_195 = tpu.unpack_subelements %mul3A_194, 0 {pack_format = #tpu.pack_format<interleaved>} : vector<32xbf16> -> vector<16xf32>
        %unpack3A_196 = tpu.unpack_subelements %mul3A_194, 1 {pack_format = #tpu.pack_format<interleaved>} : vector<32xbf16> -> vector<16xf32>
        %add3A_197 = arith.addf %add3A_185, %unpack3A_195 : vector<16xf32>
        %add3A_198 = arith.addf %add3A_197, %unpack3A_196 : vector<16xf32>
        %get3A_199 = arith.index_cast %add3A_170 : i32 to index
        %get3A_200 = arith.constant 32 : index
        %get3A_201 = tpu.vector_load %arg10[%get3A_199, %get3A_200] {strides = array<i32>} : memref<80x64xi32, #tpu.memory_space<vmem>>, vector<16xi32>,
        %bitcast3A_202 = vector.bitcast %get3A_201 : vector<16xi32> to vector<32xbf16>
        %get3A_203 = arith.index_cast %add3A_170 : i32 to index
        %get3A_204 = arith.constant 32 : index
        %get3A_205 = tpu.vector_load %arg11[%get3A_203, %get3A_204] {strides = array<i32>} : memref<80x64xi32, #tpu.memory_space<vmem>>, vector<16xi32>,
        %bitcast3A_206 = vector.bitcast %get3A_205 : vector<16xi32> to vector<32xbf16>
        %mul3A_207 = arith.mulf %bitcast3A_202, %bitcast3A_206 : vector<32xbf16>
        %unpack3A_208 = tpu.unpack_subelements %mul3A_207, 0 {pack_format = #tpu.pack_format<interleaved>} : vector<32xbf16> -> vector<16xf32>
        %unpack3A_209 = tpu.unpack_subelements %mul3A_207, 1 {pack_format = #tpu.pack_format<interleaved>} : vector<32xbf16> -> vector<16xf32>
        %add3A_210 = arith.addf %add3A_198, %unpack3A_208 : vector<16xf32>
        %add3A_211 = arith.addf %add3A_210, %unpack3A_209 : vector<16xf32>
        %get3A_212 = arith.index_cast %add3A_170 : i32 to index
        %get3A_213 = arith.constant 48 : index
        %get3A_214 = tpu.vector_load %arg10[%get3A_212, %get3A_213] {strides = array<i32>} : memref<80x64xi32, #tpu.memory_space<vmem>>, vector<16xi32>,
        %bitcast3A_215 = vector.bitcast %get3A_214 : vector<16xi32> to vector<32xbf16>
        %get3A_216 = arith.index_cast %add3A_170 : i32 to index
        %get3A_217 = arith.constant 48 : index
        %get3A_218 = tpu.vector_load %arg11[%get3A_216, %get3A_217] {strides = array<i32>} : memref<80x64xi32, #tpu.memory_space<vmem>>, vector<16xi32>,
        %bitcast3A_219 = vector.bitcast %get3A_218 : vector<16xi32> to vector<32xbf16>
        %mul3A_220 = arith.mulf %bitcast3A_215, %bitcast3A_219 : vector<32xbf16>
        %unpack3A_221 = tpu.unpack_subelements %mul3A_220, 0 {pack_format = #tpu.pack_format<interleaved>} : vector<32xbf16> -> vector<16xf32>
        %unpack3A_222 = tpu.unpack_subelements %mul3A_220, 1 {pack_format = #tpu.pack_format<interleaved>} : vector<32xbf16> -> vector<16xf32>
        %add3A_223 = arith.addf %add3A_211, %unpack3A_221 : vector<16xf32>
        %add3A_224 = arith.addf %add3A_223, %unpack3A_222 : vector<16xf32>
        %eq3A_225 = arith.constant 1 : i32
        %eq3A_226 = vector.broadcast %eq3A_225 : i32 to vector<16xi32>
        %eq3A_227 = arith.cmpi eq, %iota3A, %eq3A_226 : vector<16xi32>
        %reduce_sum3A_228 = arith.constant true
        %reduce_sum3A_229 = vector.broadcast %reduce_sum3A_228 : i1 to vector<16xi1>
        %reduce_sum3A_230 = tpu.scan <sum>, %add3A_224 masked %reduce_sum3A_229 : vector<16xf32>, vector<16xi1> -> vector<16xf32>
        %reduce_sum3A_231 = vector.extract %reduce_sum3A_230[15] : f32 from vector<16xf32>
        %broadcast_in_dim3A_232 = vector.broadcast %reduce_sum3A_231 : f32 to vector<16xf32>
        %select_n3A_233 = arith.select %eq3A_227, %broadcast_in_dim3A_232, %select_n3A : vector<16xi1>, vector<16xf32>
        %mul3A_234 = arith.constant 16 : i32
        %mul3A_235 = arith.muli %scan3A_104, %mul3A_234 : i32
        %add3A_236 = arith.constant 2 : i32
        %add3A_237 = arith.addi %mul3A_235, %add3A_236 : i32
        %broadcast_in_dim3A_238 = arith.constant 0.000000e+00 : f32
        %broadcast_in_dim3A_239 = vector.broadcast %broadcast_in_dim3A_238 : f32 to vector<16xf32>
        %get3A_240 = arith.index_cast %add3A_237 : i32 to index
        %get3A_241 = arith.constant 0 : index
        %get3A_242 = tpu.vector_load %arg10[%get3A_240, %get3A_241] {strides = array<i32>} : memref<80x64xi32, #tpu.memory_space<vmem>>, vector<16xi32>,
        %bitcast3A_243 = vector.bitcast %get3A_242 : vector<16xi32> to vector<32xbf16>
        %get3A_244 = arith.index_cast %add3A_237 : i32 to index
        %get3A_245 = arith.constant 0 : index
        %get3A_246 = tpu.vector_load %arg11[%get3A_244, %get3A_245] {strides = array<i32>} : memref<80x64xi32, #tpu.memory_space<vmem>>, vector<16xi32>,
        %bitcast3A_247 = vector.bitcast %get3A_246 : vector<16xi32> to vector<32xbf16>
        %mul3A_248 = arith.mulf %bitcast3A_243, %bitcast3A_247 : vector<32xbf16>
        %unpack3A_249 = tpu.unpack_subelements %mul3A_248, 0 {pack_format = #tpu.pack_format<interleaved>} : vector<32xbf16> -> vector<16xf32>
        %unpack3A_250 = tpu.unpack_subelements %mul3A_248, 1 {pack_format = #tpu.pack_format<interleaved>} : vector<32xbf16> -> vector<16xf32>
        %add3A_251 = arith.addf %broadcast_in_dim3A_239, %unpack3A_249 : vector<16xf32>
        %add3A_252 = arith.addf %add3A_251, %unpack3A_250 : vector<16xf32>
        %get3A_253 = arith.index_cast %add3A_237 : i32 to index
        %get3A_254 = arith.constant 16 : index
        %get3A_255 = tpu.vector_load %arg10[%get3A_253, %get3A_254] {strides = array<i32>} : memref<80x64xi32, #tpu.memory_space<vmem>>, vector<16xi32>,
        %bitcast3A_256 = vector.bitcast %get3A_255 : vector<16xi32> to vector<32xbf16>
        %get3A_257 = arith.index_cast %add3A_237 : i32 to index
        %get3A_258 = arith.constant 16 : index
        %get3A_259 = tpu.vector_load %arg11[%get3A_257, %get3A_258] {strides = array<i32>} : memref<80x64xi32, #tpu.memory_space<vmem>>, vector<16xi32>,
        %bitcast3A_260 = vector.bitcast %get3A_259 : vector<16xi32> to vector<32xbf16>
        %mul3A_261 = arith.mulf %bitcast3A_256, %bitcast3A_260 : vector<32xbf16>
        %unpack3A_262 = tpu.unpack_subelements %mul3A_261, 0 {pack_format = #tpu.pack_format<interleaved>} : vector<32xbf16> -> vector<16xf32>
        %unpack3A_263 = tpu.unpack_subelements %mul3A_261, 1 {pack_format = #tpu.pack_format<interleaved>} : vector<32xbf16> -> vector<16xf32>
        %add3A_264 = arith.addf %add3A_252, %unpack3A_262 : vector<16xf32>
        %add3A_265 = arith.addf %add3A_264, %unpack3A_263 : vector<16xf32>
        %get3A_266 = arith.index_cast %add3A_237 : i32 to index
        %get3A_267 = arith.constant 32 : index
        %get3A_268 = tpu.vector_load %arg10[%get3A_266, %get3A_267] {strides = array<i32>} : memref<80x64xi32, #tpu.memory_space<vmem>>, vector<16xi32>,
        %bitcast3A_269 = vector.bitcast %get3A_268 : vector<16xi32> to vector<32xbf16>
        %get3A_270 = arith.index_cast %add3A_237 : i32 to index
        %get3A_271 = arith.constant 32 : index
        %get3A_272 = tpu.vector_load %arg11[%get3A_270, %get3A_271] {strides = array<i32>} : memref<80x64xi32, #tpu.memory_space<vmem>>, vector<16xi32>,
        %bitcast3A_273 = vector.bitcast %get3A_272 : vector<16xi32> to vector<32xbf16>
        %mul3A_274 = arith.mulf %bitcast3A_269, %bitcast3A_273 : vector<32xbf16>
        %unpack3A_275 = tpu.unpack_subelements %mul3A_274, 0 {pack_format = #tpu.pack_format<interleaved>} : vector<32xbf16> -> vector<16xf32>
        %unpack3A_276 = tpu.unpack_subelements %mul3A_274, 1 {pack_format = #tpu.pack_format<interleaved>} : vector<32xbf16> -> vector<16xf32>
        %add3A_277 = arith.addf %add3A_265, %unpack3A_275 : vector<16xf32>
        %add3A_278 = arith.addf %add3A_277, %unpack3A_276 : vector<16xf32>
        %get3A_279 = arith.index_cast %add3A_237 : i32 to index
        %get3A_280 = arith.constant 48 : index
        %get3A_281 = tpu.vector_load %arg10[%get3A_279, %get3A_280] {strides = array<i32>} : memref<80x64xi32, #tpu.memory_space<vmem>>, vector<16xi32>,
        %bitcast3A_282 = vector.bitcast %get3A_281 : vector<16xi32> to vector<32xbf16>
        %get3A_283 = arith.index_cast %add3A_237 : i32 to index
        %get3A_284 = arith.constant 48 : index
        %get3A_285 = tpu.vector_load %arg11[%get3A_283, %get3A_284] {strides = array<i32>} : memref<80x64xi32, #tpu.memory_space<vmem>>, vector<16xi32>,
        %bitcast3A_286 = vector.bitcast %get3A_285 : vector<16xi32> to vector<32xbf16>
        %mul3A_287 = arith.mulf %bitcast3A_282, %bitcast3A_286 : vector<32xbf16>
        %unpack3A_288 = tpu.unpack_subelements %mul3A_287, 0 {pack_format = #tpu.pack_format<interleaved>} : vector<32xbf16> -> vector<16xf32>
        %unpack3A_289 = tpu.unpack_subelements %mul3A_287, 1 {pack_format = #tpu.pack_format<interleaved>} : vector<32xbf16> -> vector<16xf32>
        %add3A_290 = arith.addf %add3A_278, %unpack3A_288 : vector<16xf32>
        %add3A_291 = arith.addf %add3A_290, %unpack3A_289 : vector<16xf32>
        %eq3A_292 = arith.constant 2 : i32
        %eq3A_293 = vector.broadcast %eq3A_292 : i32 to vector<16xi32>
        %eq3A_294 = arith.cmpi eq, %iota3A, %eq3A_293 : vector<16xi32>
        %reduce_sum3A_295 = arith.constant true
        %reduce_sum3A_296 = vector.broadcast %reduce_sum3A_295 : i1 to vector<16xi1>
        %reduce_sum3A_297 = tpu.scan <sum>, %add3A_291 masked %reduce_sum3A_296 : vector<16xf32>, vector<16xi1> -> vector<16xf32>
        %reduce_sum3A_298 = vector.extract %reduce_sum3A_297[15] : f32 from vector<16xf32>
        %broadcast_in_dim3A_299 = vector.broadcast %reduce_sum3A_298 : f32 to vector<16xf32>
        %select_n3A_300 = arith.select %eq3A_294, %broadcast_in_dim3A_299, %select_n3A_233 : vector<16xi1>, vector<16xf32>
        %mul3A_301 = arith.constant 16 : i32
        %mul3A_302 = arith.muli %scan3A_104, %mul3A_301 : i32
        %add3A_303 = arith.constant 3 : i32
        %add3A_304 = arith.addi %mul3A_302, %add3A_303 : i32
        %broadcast_in_dim3A_305 = arith.constant 0.000000e+00 : f32
        %broadcast_in_dim3A_306 = vector.broadcast %broadcast_in_dim3A_305 : f32 to vector<16xf32>
        %get3A_307 = arith.index_cast %add3A_304 : i32 to index
        %get3A_308 = arith.constant 0 : index
        %get3A_309 = tpu.vector_load %arg10[%get3A_307, %get3A_308] {strides = array<i32>} : memref<80x64xi32, #tpu.memory_space<vmem>>, vector<16xi32>,
        %bitcast3A_310 = vector.bitcast %get3A_309 : vector<16xi32> to vector<32xbf16>
        %get3A_311 = arith.index_cast %add3A_304 : i32 to index
        %get3A_312 = arith.constant 0 : index
        %get3A_313 = tpu.vector_load %arg11[%get3A_311, %get3A_312] {strides = array<i32>} : memref<80x64xi32, #tpu.memory_space<vmem>>, vector<16xi32>,
        %bitcast3A_314 = vector.bitcast %get3A_313 : vector<16xi32> to vector<32xbf16>
        %mul3A_315 = arith.mulf %bitcast3A_310, %bitcast3A_314 : vector<32xbf16>
        %unpack3A_316 = tpu.unpack_subelements %mul3A_315, 0 {pack_format = #tpu.pack_format<interleaved>} : vector<32xbf16> -> vector<16xf32>
        %unpack3A_317 = tpu.unpack_subelements %mul3A_315, 1 {pack_format = #tpu.pack_format<interleaved>} : vector<32xbf16> -> vector<16xf32>
        %add3A_318 = arith.addf %broadcast_in_dim3A_306, %unpack3A_316 : vector<16xf32>
        %add3A_319 = arith.addf %add3A_318, %unpack3A_317 : vector<16xf32>
        %get3A_320 = arith.index_cast %add3A_304 : i32 to index
        %get3A_321 = arith.constant 16 : index
        %get3A_322 = tpu.vector_load %arg10[%get3A_320, %get3A_321] {strides = array<i32>} : memref<80x64xi32, #tpu.memory_space<vmem>>, vector<16xi32>,
        %bitcast3A_323 = vector.bitcast %get3A_322 : vector<16xi32> to vector<32xbf16>
        %get3A_324 = arith.index_cast %add3A_304 : i32 to index
        %get3A_325 = arith.constant 16 : index
        %get3A_326 = tpu.vector_load %arg11[%get3A_324, %get3A_325] {strides = array<i32>} : memref<80x64xi32, #tpu.memory_space<vmem>>, vector<16xi32>,
        %bitcast3A_327 = vector.bitcast %get3A_326 : vector<16xi32> to vector<32xbf16>
        %mul3A_328 = arith.mulf %bitcast3A_323, %bitcast3A_327 : vector<32xbf16>
        %unpack3A_329 = tpu.unpack_subelements %mul3A_328, 0 {pack_format = #tpu.pack_format<interleaved>} : vector<32xbf16> -> vector<16xf32>
        %unpack3A_330 = tpu.unpack_subelements %mul3A_328, 1 {pack_format = #tpu.pack_format<interleaved>} : vector<32xbf16> -> vector<16xf32>
        %add3A_331 = arith.addf %add3A_319, %unpack3A_329 : vector<16xf32>
        %add3A_332 = arith.addf %add3A_331, %unpack3A_330 : vector<16xf32>
        %get3A_333 = arith.index_cast %add3A_304 : i32 to index
        %get3A_334 = arith.constant 32 : index
        %get3A_335 = tpu.vector_load %arg10[%get3A_333, %get3A_334] {strides = array<i32>} : memref<80x64xi32, #tpu.memory_space<vmem>>, vector<16xi32>,
        %bitcast3A_336 = vector.bitcast %get3A_335 : vector<16xi32> to vector<32xbf16>
        %get3A_337 = arith.index_cast %add3A_304 : i32 to index
        %get3A_338 = arith.constant 32 : index
        %get3A_339 = tpu.vector_load %arg11[%get3A_337, %get3A_338] {strides = array<i32>} : memref<80x64xi32, #tpu.memory_space<vmem>>, vector<16xi32>,
        %bitcast3A_340 = vector.bitcast %get3A_339 : vector<16xi32> to vector<32xbf16>
        %mul3A_341 = arith.mulf %bitcast3A_336, %bitcast3A_340 : vector<32xbf16>
        %unpack3A_342 = tpu.unpack_subelements %mul3A_341, 0 {pack_format = #tpu.pack_format<interleaved>} : vector<32xbf16> -> vector<16xf32>
        %unpack3A_343 = tpu.unpack_subelements %mul3A_341, 1 {pack_format = #tpu.pack_format<interleaved>} : vector<32xbf16> -> vector<16xf32>
        %add3A_344 = arith.addf %add3A_332, %unpack3A_342 : vector<16xf32>
        %add3A_345 = arith.addf %add3A_344, %unpack3A_343 : vector<16xf32>
        %get3A_346 = arith.index_cast %add3A_304 : i32 to index
        %get3A_347 = arith.constant 48 : index
        %get3A_348 = tpu.vector_load %arg10[%get3A_346, %get3A_347] {strides = array<i32>} : memref<80x64xi32, #tpu.memory_space<vmem>>, vector<16xi32>,
        %bitcast3A_349 = vector.bitcast %get3A_348 : vector<16xi32> to vector<32xbf16>
        %get3A_350 = arith.index_cast %add3A_304 : i32 to index
        %get3A_351 = arith.constant 48 : index
        %get3A_352 = tpu.vector_load %arg11[%get3A_350, %get3A_351] {strides = array<i32>} : memref<80x64xi32, #tpu.memory_space<vmem>>, vector<16xi32>,
        %bitcast3A_353 = vector.bitcast %get3A_352 : vector<16xi32> to vector<32xbf16>
        %mul3A_354 = arith.mulf %bitcast3A_349, %bitcast3A_353 : vector<32xbf16>
        %unpack3A_355 = tpu.unpack_subelements %mul3A_354, 0 {pack_format = #tpu.pack_format<interleaved>} : vector<32xbf16> -> vector<16xf32>
        %unpack3A_356 = tpu.unpack_subelements %mul3A_354, 1 {pack_format = #tpu.pack_format<interleaved>} : vector<32xbf16> -> vector<16xf32>
        %add3A_357 = arith.addf %add3A_345, %unpack3A_355 : vector<16xf32>
        %add3A_358 = arith.addf %add3A_357, %unpack3A_356 : vector<16xf32>
        %eq3A_359 = arith.constant 3 : i32
        %eq3A_360 = vector.broadcast %eq3A_359 : i32 to vector<16xi32>
        %eq3A_361 = arith.cmpi eq, %iota3A, %eq3A_360 : vector<16xi32>
        %reduce_sum3A_362 = arith.constant true
        %reduce_sum3A_363 = vector.broadcast %reduce_sum3A_362 : i1 to vector<16xi1>
        %reduce_sum3A_364 = tpu.scan <sum>, %add3A_358 masked %reduce_sum3A_363 : vector<16xf32>, vector<16xi1> -> vector<16xf32>
        %reduce_sum3A_365 = vector.extract %reduce_sum3A_364[15] : f32 from vector<16xf32>
        %broadcast_in_dim3A_366 = vector.broadcast %reduce_sum3A_365 : f32 to vector<16xf32>
        %select_n3A_367 = arith.select %eq3A_361, %broadcast_in_dim3A_366, %select_n3A_300 : vector<16xi1>, vector<16xf32>
        %mul3A_368 = arith.constant 16 : i32
        %mul3A_369 = arith.muli %scan3A_104, %mul3A_368 : i32
        %add3A_370 = arith.constant 4 : i32
        %add3A_371 = arith.addi %mul3A_369, %add3A_370 : i32
        %broadcast_in_dim3A_372 = arith.constant 0.000000e+00 : f32
        %broadcast_in_dim3A_373 = vector.broadcast %broadcast_in_dim3A_372 : f32 to vector<16xf32>
        %get3A_374 = arith.index_cast %add3A_371 : i32 to index
        %get3A_375 = arith.constant 0 : index
        %get3A_376 = tpu.vector_load %arg10[%get3A_374, %get3A_375] {strides = array<i32>} : memref<80x64xi32, #tpu.memory_space<vmem>>, vector<16xi32>,
        %bitcast3A_377 = vector.bitcast %get3A_376 : vector<16xi32> to vector<32xbf16>
        %get3A_378 = arith.index_cast %add3A_371 : i32 to index
        %get3A_379 = arith.constant 0 : index
        %get3A_380 = tpu.vector_load %arg11[%get3A_378, %get3A_379] {strides = array<i32>} : memref<80x64xi32, #tpu.memory_space<vmem>>, vector<16xi32>,
        %bitcast3A_381 = vector.bitcast %get3A_380 : vector<16xi32> to vector<32xbf16>
        %mul3A_382 = arith.mulf %bitcast3A_377, %bitcast3A_381 : vector<32xbf16>
        %unpack3A_383 = tpu.unpack_subelements %mul3A_382, 0 {pack_format = #tpu.pack_format<interleaved>} : vector<32xbf16> -> vector<16xf32>
        %unpack3A_384 = tpu.unpack_subelements %mul3A_382, 1 {pack_format = #tpu.pack_format<interleaved>} : vector<32xbf16> -> vector<16xf32>
        %add3A_385 = arith.addf %broadcast_in_dim3A_373, %unpack3A_383 : vector<16xf32>
        %add3A_386 = arith.addf %add3A_385, %unpack3A_384 : vector<16xf32>
        %get3A_387 = arith.index_cast %add3A_371 : i32 to index
        %get3A_388 = arith.constant 16 : index
        %get3A_389 = tpu.vector_load %arg10[%get3A_387, %get3A_388] {strides = array<i32>} : memref<80x64xi32, #tpu.memory_space<vmem>>, vector<16xi32>,
        %bitcast3A_390 = vector.bitcast %get3A_389 : vector<16xi32> to vector<32xbf16>
        %get3A_391 = arith.index_cast %add3A_371 : i32 to index
        %get3A_392 = arith.constant 16 : index
        %get3A_393 = tpu.vector_load %arg11[%get3A_391, %get3A_392] {strides = array<i32>} : memref<80x64xi32, #tpu.memory_space<vmem>>, vector<16xi32>,
        %bitcast3A_394 = vector.bitcast %get3A_393 : vector<16xi32> to vector<32xbf16>
        %mul3A_395 = arith.mulf %bitcast3A_390, %bitcast3A_394 : vector<32xbf16>
        %unpack3A_396 = tpu.unpack_subelements %mul3A_395, 0 {pack_format = #tpu.pack_format<interleaved>} : vector<32xbf16> -> vector<16xf32>
        %unpack3A_397 = tpu.unpack_subelements %mul3A_395, 1 {pack_format = #tpu.pack_format<interleaved>} : vector<32xbf16> -> vector<16xf32>
        %add3A_398 = arith.addf %add3A_386, %unpack3A_396 : vector<16xf32>
        %add3A_399 = arith.addf %add3A_398, %unpack3A_397 : vector<16xf32>
        %get3A_400 = arith.index_cast %add3A_371 : i32 to index
        %get3A_401 = arith.constant 32 : index
        %get3A_402 = tpu.vector_load %arg10[%get3A_400, %get3A_401] {strides = array<i32>} : memref<80x64xi32, #tpu.memory_space<vmem>>, vector<16xi32>,
        %bitcast3A_403 = vector.bitcast %get3A_402 : vector<16xi32> to vector<32xbf16>
        %get3A_404 = arith.index_cast %add3A_371 : i32 to index
        %get3A_405 = arith.constant 32 : index
        %get3A_406 = tpu.vector_load %arg11[%get3A_404, %get3A_405] {strides = array<i32>} : memref<80x64xi32, #tpu.memory_space<vmem>>, vector<16xi32>,
        %bitcast3A_407 = vector.bitcast %get3A_406 : vector<16xi32> to vector<32xbf16>
        %mul3A_408 = arith.mulf %bitcast3A_403, %bitcast3A_407 : vector<32xbf16>
        %unpack3A_409 = tpu.unpack_subelements %mul3A_408, 0 {pack_format = #tpu.pack_format<interleaved>} : vector<32xbf16> -> vector<16xf32>
        %unpack3A_410 = tpu.unpack_subelements %mul3A_408, 1 {pack_format = #tpu.pack_format<interleaved>} : vector<32xbf16> -> vector<16xf32>
        %add3A_411 = arith.addf %add3A_399, %unpack3A_409 : vector<16xf32>
        %add3A_412 = arith.addf %add3A_411, %unpack3A_410 : vector<16xf32>
        %get3A_413 = arith.index_cast %add3A_371 : i32 to index
        %get3A_414 = arith.constant 48 : index
        %get3A_415 = tpu.vector_load %arg10[%get3A_413, %get3A_414] {strides = array<i32>} : memref<80x64xi32, #tpu.memory_space<vmem>>, vector<16xi32>,
        %bitcast3A_416 = vector.bitcast %get3A_415 : vector<16xi32> to vector<32xbf16>
        %get3A_417 = arith.index_cast %add3A_371 : i32 to index
        %get3A_418 = arith.constant 48 : index
        %get3A_419 = tpu.vector_load %arg11[%get3A_417, %get3A_418] {strides = array<i32>} : memref<80x64xi32, #tpu.memory_space<vmem>>, vector<16xi32>,
        %bitcast3A_420 = vector.bitcast %get3A_419 : vector<16xi32> to vector<32xbf16>
        %mul3A_421 = arith.mulf %bitcast3A_416, %bitcast3A_420 : vector<32xbf16>
        %unpack3A_422 = tpu.unpack_subelements %mul3A_421, 0 {pack_format = #tpu.pack_format<interleaved>} : vector<32xbf16> -> vector<16xf32>
        %unpack3A_423 = tpu.unpack_subelements %mul3A_421, 1 {pack_format = #tpu.pack_format<interleaved>} : vector<32xbf16> -> vector<16xf32>
        %add3A_424 = arith.addf %add3A_412, %unpack3A_422 : vector<16xf32>
        %add3A_425 = arith.addf %add3A_424, %unpack3A_423 : vector<16xf32>
        %eq3A_426 = arith.constant 4 : i32
        %eq3A_427 = vector.broadcast %eq3A_426 : i32 to vector<16xi32>
        %eq3A_428 = arith.cmpi eq, %iota3A, %eq3A_427 : vector<16xi32>
        %reduce_sum3A_429 = arith.constant true
        %reduce_sum3A_430 = vector.broadcast %reduce_sum3A_429 : i1 to vector<16xi1>
        %reduce_sum3A_431 = tpu.scan <sum>, %add3A_425 masked %reduce_sum3A_430 : vector<16xf32>, vector<16xi1> -> vector<16xf32>
        %reduce_sum3A_432 = vector.extract %reduce_sum3A_431[15] : f32 from vector<16xf32>
        %broadcast_in_dim3A_433 = vector.broadcast %reduce_sum3A_432 : f32 to vector<16xf32>
        %select_n3A_434 = arith.select %eq3A_428, %broadcast_in_dim3A_433, %select_n3A_367 : vector<16xi1>, vector<16xf32>
        %mul3A_435 = arith.constant 16 : i32
        %mul3A_436 = arith.muli %scan3A_104, %mul3A_435 : i32
        %add3A_437 = arith.constant 5 : i32
        %add3A_438 = arith.addi %mul3A_436, %add3A_437 : i32
        %broadcast_in_dim3A_439 = arith.constant 0.000000e+00 : f32
        %broadcast_in_dim3A_440 = vector.broadcast %broadcast_in_dim3A_439 : f32 to vector<16xf32>
        %get3A_441 = arith.index_cast %add3A_438 : i32 to index
        %get3A_442 = arith.constant 0 : index
        %get3A_443 = tpu.vector_load %arg10[%get3A_441, %get3A_442] {strides = array<i32>} : memref<80x64xi32, #tpu.memory_space<vmem>>, vector<16xi32>,
        %bitcast3A_444 = vector.bitcast %get3A_443 : vector<16xi32> to vector<32xbf16>
        %get3A_445 = arith.index_cast %add3A_438 : i32 to index
        %get3A_446 = arith.constant 0 : index
        %get3A_447 = tpu.vector_load %arg11[%get3A_445, %get3A_446] {strides = array<i32>} : memref<80x64xi32, #tpu.memory_space<vmem>>, vector<16xi32>,
        %bitcast3A_448 = vector.bitcast %get3A_447 : vector<16xi32> to vector<32xbf16>
        %mul3A_449 = arith.mulf %bitcast3A_444, %bitcast3A_448 : vector<32xbf16>
        %unpack3A_450 = tpu.unpack_subelements %mul3A_449, 0 {pack_format = #tpu.pack_format<interleaved>} : vector<32xbf16> -> vector<16xf32>
        %unpack3A_451 = tpu.unpack_subelements %mul3A_449, 1 {pack_format = #tpu.pack_format<interleaved>} : vector<32xbf16> -> vector<16xf32>
        %add3A_452 = arith.addf %broadcast_in_dim3A_440, %unpack3A_450 : vector<16xf32>
        %add3A_453 = arith.addf %add3A_452, %unpack3A_451 : vector<16xf32>
        %get3A_454 = arith.index_cast %add3A_438 : i32 to index
        %get3A_455 = arith.constant 16 : index
        %get3A_456 = tpu.vector_load %arg10[%get3A_454, %get3A_455] {strides = array<i32>} : memref<80x64xi32, #tpu.memory_space<vmem>>, vector<16xi32>,
        %bitcast3A_457 = vector.bitcast %get3A_456 : vector<16xi32> to vector<32xbf16>
        %get3A_458 = arith.index_cast %add3A_438 : i32 to index
        %get3A_459 = arith.constant 16 : index
        %get3A_460 = tpu.vector_load %arg11[%get3A_458, %get3A_459] {strides = array<i32>} : memref<80x64xi32, #tpu.memory_space<vmem>>, vector<16xi32>,
        %bitcast3A_461 = vector.bitcast %get3A_460 : vector<16xi32> to vector<32xbf16>
        %mul3A_462 = arith.mulf %bitcast3A_457, %bitcast3A_461 : vector<32xbf16>
        %unpack3A_463 = tpu.unpack_subelements %mul3A_462, 0 {pack_format = #tpu.pack_format<interleaved>} : vector<32xbf16> -> vector<16xf32>
        %unpack3A_464 = tpu.unpack_subelements %mul3A_462, 1 {pack_format = #tpu.pack_format<interleaved>} : vector<32xbf16> -> vector<16xf32>
        %add3A_465 = arith.addf %add3A_453, %unpack3A_463 : vector<16xf32>
        %add3A_466 = arith.addf %add3A_465, %unpack3A_464 : vector<16xf32>
        %get3A_467 = arith.index_cast %add3A_438 : i32 to index
        %get3A_468 = arith.constant 32 : index
        %get3A_469 = tpu.vector_load %arg10[%get3A_467, %get3A_468] {strides = array<i32>} : memref<80x64xi32, #tpu.memory_space<vmem>>, vector<16xi32>,
        %bitcast3A_470 = vector.bitcast %get3A_469 : vector<16xi32> to vector<32xbf16>
        %get3A_471 = arith.index_cast %add3A_438 : i32 to index
        %get3A_472 = arith.constant 32 : index
        %get3A_473 = tpu.vector_load %arg11[%get3A_471, %get3A_472] {strides = array<i32>} : memref<80x64xi32, #tpu.memory_space<vmem>>, vector<16xi32>,
        %bitcast3A_474 = vector.bitcast %get3A_473 : vector<16xi32> to vector<32xbf16>
        %mul3A_475 = arith.mulf %bitcast3A_470, %bitcast3A_474 : vector<32xbf16>
        %unpack3A_476 = tpu.unpack_subelements %mul3A_475, 0 {pack_format = #tpu.pack_format<interleaved>} : vector<32xbf16> -> vector<16xf32>
        %unpack3A_477 = tpu.unpack_subelements %mul3A_475, 1 {pack_format = #tpu.pack_format<interleaved>} : vector<32xbf16> -> vector<16xf32>
        %add3A_478 = arith.addf %add3A_466, %unpack3A_476 : vector<16xf32>
        %add3A_479 = arith.addf %add3A_478, %unpack3A_477 : vector<16xf32>
        %get3A_480 = arith.index_cast %add3A_438 : i32 to index
        %get3A_481 = arith.constant 48 : index
        %get3A_482 = tpu.vector_load %arg10[%get3A_480, %get3A_481] {strides = array<i32>} : memref<80x64xi32, #tpu.memory_space<vmem>>, vector<16xi32>,
        %bitcast3A_483 = vector.bitcast %get3A_482 : vector<16xi32> to vector<32xbf16>
        %get3A_484 = arith.index_cast %add3A_438 : i32 to index
        %get3A_485 = arith.constant 48 : index
        %get3A_486 = tpu.vector_load %arg11[%get3A_484, %get3A_485] {strides = array<i32>} : memref<80x64xi32, #tpu.memory_space<vmem>>, vector<16xi32>,
        %bitcast3A_487 = vector.bitcast %get3A_486 : vector<16xi32> to vector<32xbf16>
        %mul3A_488 = arith.mulf %bitcast3A_483, %bitcast3A_487 : vector<32xbf16>
        %unpack3A_489 = tpu.unpack_subelements %mul3A_488, 0 {pack_format = #tpu.pack_format<interleaved>} : vector<32xbf16> -> vector<16xf32>
        %unpack3A_490 = tpu.unpack_subelements %mul3A_488, 1 {pack_format = #tpu.pack_format<interleaved>} : vector<32xbf16> -> vector<16xf32>
        %add3A_491 = arith.addf %add3A_479, %unpack3A_489 : vector<16xf32>
        %add3A_492 = arith.addf %add3A_491, %unpack3A_490 : vector<16xf32>
        %eq3A_493 = arith.constant 5 : i32
        %eq3A_494 = vector.broadcast %eq3A_493 : i32 to vector<16xi32>
        %eq3A_495 = arith.cmpi eq, %iota3A, %eq3A_494 : vector<16xi32>
        %reduce_sum3A_496 = arith.constant true
        %reduce_sum3A_497 = vector.broadcast %reduce_sum3A_496 : i1 to vector<16xi1>
        %reduce_sum3A_498 = tpu.scan <sum>, %add3A_492 masked %reduce_sum3A_497 : vector<16xf32>, vector<16xi1> -> vector<16xf32>
        %reduce_sum3A_499 = vector.extract %reduce_sum3A_498[15] : f32 from vector<16xf32>
        %broadcast_in_dim3A_500 = vector.broadcast %reduce_sum3A_499 : f32 to vector<16xf32>
        %select_n3A_501 = arith.select %eq3A_495, %broadcast_in_dim3A_500, %select_n3A_434 : vector<16xi1>, vector<16xf32>
        %mul3A_502 = arith.constant 16 : i32
        %mul3A_503 = arith.muli %scan3A_104, %mul3A_502 : i32
        %add3A_504 = arith.constant 6 : i32
        %add3A_505 = arith.addi %mul3A_503, %add3A_504 : i32
        %broadcast_in_dim3A_506 = arith.constant 0.000000e+00 : f32
        %broadcast_in_dim3A_507 = vector.broadcast %broadcast_in_dim3A_506 : f32 to vector<16xf32>
        %get3A_508 = arith.index_cast %add3A_505 : i32 to index
        %get3A_509 = arith.constant 0 : index
        %get3A_510 = tpu.vector_load %arg10[%get3A_508, %get3A_509] {strides = array<i32>} : memref<80x64xi32, #tpu.memory_space<vmem>>, vector<16xi32>,
        %bitcast3A_511 = vector.bitcast %get3A_510 : vector<16xi32> to vector<32xbf16>
        %get3A_512 = arith.index_cast %add3A_505 : i32 to index
        %get3A_513 = arith.constant 0 : index
        %get3A_514 = tpu.vector_load %arg11[%get3A_512, %get3A_513] {strides = array<i32>} : memref<80x64xi32, #tpu.memory_space<vmem>>, vector<16xi32>,
        %bitcast3A_515 = vector.bitcast %get3A_514 : vector<16xi32> to vector<32xbf16>
        %mul3A_516 = arith.mulf %bitcast3A_511, %bitcast3A_515 : vector<32xbf16>
        %unpack3A_517 = tpu.unpack_subelements %mul3A_516, 0 {pack_format = #tpu.pack_format<interleaved>} : vector<32xbf16> -> vector<16xf32>
        %unpack3A_518 = tpu.unpack_subelements %mul3A_516, 1 {pack_format = #tpu.pack_format<interleaved>} : vector<32xbf16> -> vector<16xf32>
        %add3A_519 = arith.addf %broadcast_in_dim3A_507, %unpack3A_517 : vector<16xf32>
        %add3A_520 = arith.addf %add3A_519, %unpack3A_518 : vector<16xf32>
        %get3A_521 = arith.index_cast %add3A_505 : i32 to index
        %get3A_522 = arith.constant 16 : index
        %get3A_523 = tpu.vector_load %arg10[%get3A_521, %get3A_522] {strides = array<i32>} : memref<80x64xi32, #tpu.memory_space<vmem>>, vector<16xi32>,
        %bitcast3A_524 = vector.bitcast %get3A_523 : vector<16xi32> to vector<32xbf16>
        %get3A_525 = arith.index_cast %add3A_505 : i32 to index
        %get3A_526 = arith.constant 16 : index
        %get3A_527 = tpu.vector_load %arg11[%get3A_525, %get3A_526] {strides = array<i32>} : memref<80x64xi32, #tpu.memory_space<vmem>>, vector<16xi32>,
        %bitcast3A_528 = vector.bitcast %get3A_527 : vector<16xi32> to vector<32xbf16>
        %mul3A_529 = arith.mulf %bitcast3A_524, %bitcast3A_528 : vector<32xbf16>
        %unpack3A_530 = tpu.unpack_subelements %mul3A_529, 0 {pack_format = #tpu.pack_format<interleaved>} : vector<32xbf16> -> vector<16xf32>
        %unpack3A_531 = tpu.unpack_subelements %mul3A_529, 1 {pack_format = #tpu.pack_format<interleaved>} : vector<32xbf16> -> vector<16xf32>
        %add3A_532 = arith.addf %add3A_520, %unpack3A_530 : vector<16xf32>
        %add3A_533 = arith.addf %add3A_532, %unpack3A_531 : vector<16xf32>
        %get3A_534 = arith.index_cast %add3A_505 : i32 to index
        %get3A_535 = arith.constant 32 : index
        %get3A_536 = tpu.vector_load %arg10[%get3A_534, %get3A_535] {strides = array<i32>} : memref<80x64xi32, #tpu.memory_space<vmem>>, vector<16xi32>,
        %bitcast3A_537 = vector.bitcast %get3A_536 : vector<16xi32> to vector<32xbf16>
        %get3A_538 = arith.index_cast %add3A_505 : i32 to index
        %get3A_539 = arith.constant 32 : index
        %get3A_540 = tpu.vector_load %arg11[%get3A_538, %get3A_539] {strides = array<i32>} : memref<80x64xi32, #tpu.memory_space<vmem>>, vector<16xi32>,
        %bitcast3A_541 = vector.bitcast %get3A_540 : vector<16xi32> to vector<32xbf16>
        %mul3A_542 = arith.mulf %bitcast3A_537, %bitcast3A_541 : vector<32xbf16>
        %unpack3A_543 = tpu.unpack_subelements %mul3A_542, 0 {pack_format = #tpu.pack_format<interleaved>} : vector<32xbf16> -> vector<16xf32>
        %unpack3A_544 = tpu.unpack_subelements %mul3A_542, 1 {pack_format = #tpu.pack_format<interleaved>} : vector<32xbf16> -> vector<16xf32>
        %add3A_545 = arith.addf %add3A_533, %unpack3A_543 : vector<16xf32>
        %add3A_546 = arith.addf %add3A_545, %unpack3A_544 : vector<16xf32>
        %get3A_547 = arith.index_cast %add3A_505 : i32 to index
        %get3A_548 = arith.constant 48 : index
        %get3A_549 = tpu.vector_load %arg10[%get3A_547, %get3A_548] {strides = array<i32>} : memref<80x64xi32, #tpu.memory_space<vmem>>, vector<16xi32>,
        %bitcast3A_550 = vector.bitcast %get3A_549 : vector<16xi32> to vector<32xbf16>
        %get3A_551 = arith.index_cast %add3A_505 : i32 to index
        %get3A_552 = arith.constant 48 : index
        %get3A_553 = tpu.vector_load %arg11[%get3A_551, %get3A_552] {strides = array<i32>} : memref<80x64xi32, #tpu.memory_space<vmem>>, vector<16xi32>,
        %bitcast3A_554 = vector.bitcast %get3A_553 : vector<16xi32> to vector<32xbf16>
        %mul3A_555 = arith.mulf %bitcast3A_550, %bitcast3A_554 : vector<32xbf16>
        %unpack3A_556 = tpu.unpack_subelements %mul3A_555, 0 {pack_format = #tpu.pack_format<interleaved>} : vector<32xbf16> -> vector<16xf32>
        %unpack3A_557 = tpu.unpack_subelements %mul3A_555, 1 {pack_format = #tpu.pack_format<interleaved>} : vector<32xbf16> -> vector<16xf32>
        %add3A_558 = arith.addf %add3A_546, %unpack3A_556 : vector<16xf32>
        %add3A_559 = arith.addf %add3A_558, %unpack3A_557 : vector<16xf32>
        %eq3A_560 = arith.constant 6 : i32
        %eq3A_561 = vector.broadcast %eq3A_560 : i32 to vector<16xi32>
        %eq3A_562 = arith.cmpi eq, %iota3A, %eq3A_561 : vector<16xi32>
        %reduce_sum3A_563 = arith.constant true
        %reduce_sum3A_564 = vector.broadcast %reduce_sum3A_563 : i1 to vector<16xi1>
        %reduce_sum3A_565 = tpu.scan <sum>, %add3A_559 masked %reduce_sum3A_564 : vector<16xf32>, vector<16xi1> -> vector<16xf32>
        %reduce_sum3A_566 = vector.extract %reduce_sum3A_565[15] : f32 from vector<16xf32>
        %broadcast_in_dim3A_567 = vector.broadcast %reduce_sum3A_566 : f32 to vector<16xf32>
        %select_n3A_568 = arith.select %eq3A_562, %broadcast_in_dim3A_567, %select_n3A_501 : vector<16xi1>, vector<16xf32>
        %mul3A_569 = arith.constant 16 : i32
        %mul3A_570 = arith.muli %scan3A_104, %mul3A_569 : i32
        %add3A_571 = arith.constant 7 : i32
        %add3A_572 = arith.addi %mul3A_570, %add3A_571 : i32
        %broadcast_in_dim3A_573 = arith.constant 0.000000e+00 : f32
        %broadcast_in_dim3A_574 = vector.broadcast %broadcast_in_dim3A_573 : f32 to vector<16xf32>
        %get3A_575 = arith.index_cast %add3A_572 : i32 to index
        %get3A_576 = arith.constant 0 : index
        %get3A_577 = tpu.vector_load %arg10[%get3A_575, %get3A_576] {strides = array<i32>} : memref<80x64xi32, #tpu.memory_space<vmem>>, vector<16xi32>,
        %bitcast3A_578 = vector.bitcast %get3A_577 : vector<16xi32> to vector<32xbf16>
        %get3A_579 = arith.index_cast %add3A_572 : i32 to index
        %get3A_580 = arith.constant 0 : index
        %get3A_581 = tpu.vector_load %arg11[%get3A_579, %get3A_580] {strides = array<i32>} : memref<80x64xi32, #tpu.memory_space<vmem>>, vector<16xi32>,
        %bitcast3A_582 = vector.bitcast %get3A_581 : vector<16xi32> to vector<32xbf16>
        %mul3A_583 = arith.mulf %bitcast3A_578, %bitcast3A_582 : vector<32xbf16>
        %unpack3A_584 = tpu.unpack_subelements %mul3A_583, 0 {pack_format = #tpu.pack_format<interleaved>} : vector<32xbf16> -> vector<16xf32>
        %unpack3A_585 = tpu.unpack_subelements %mul3A_583, 1 {pack_format = #tpu.pack_format<interleaved>} : vector<32xbf16> -> vector<16xf32>
        %add3A_586 = arith.addf %broadcast_in_dim3A_574, %unpack3A_584 : vector<16xf32>
        %add3A_587 = arith.addf %add3A_586, %unpack3A_585 : vector<16xf32>
        %get3A_588 = arith.index_cast %add3A_572 : i32 to index
        %get3A_589 = arith.constant 16 : index
        %get3A_590 = tpu.vector_load %arg10[%get3A_588, %get3A_589] {strides = array<i32>} : memref<80x64xi32, #tpu.memory_space<vmem>>, vector<16xi32>,
        %bitcast3A_591 = vector.bitcast %get3A_590 : vector<16xi32> to vector<32xbf16>
        %get3A_592 = arith.index_cast %add3A_572 : i32 to index
        %get3A_593 = arith.constant 16 : index
        %get3A_594 = tpu.vector_load %arg11[%get3A_592, %get3A_593] {strides = array<i32>} : memref<80x64xi32, #tpu.memory_space<vmem>>, vector<16xi32>,
        %bitcast3A_595 = vector.bitcast %get3A_594 : vector<16xi32> to vector<32xbf16>
        %mul3A_596 = arith.mulf %bitcast3A_591, %bitcast3A_595 : vector<32xbf16>
        %unpack3A_597 = tpu.unpack_subelements %mul3A_596, 0 {pack_format = #tpu.pack_format<interleaved>} : vector<32xbf16> -> vector<16xf32>
        %unpack3A_598 = tpu.unpack_subelements %mul3A_596, 1 {pack_format = #tpu.pack_format<interleaved>} : vector<32xbf16> -> vector<16xf32>
        %add3A_599 = arith.addf %add3A_587, %unpack3A_597 : vector<16xf32>
        %add3A_600 = arith.addf %add3A_599, %unpack3A_598 : vector<16xf32>
        %get3A_601 = arith.index_cast %add3A_572 : i32 to index
        %get3A_602 = arith.constant 32 : index
        %get3A_603 = tpu.vector_load %arg10[%get3A_601, %get3A_602] {strides = array<i32>} : memref<80x64xi32, #tpu.memory_space<vmem>>, vector<16xi32>,
        %bitcast3A_604 = vector.bitcast %get3A_603 : vector<16xi32> to vector<32xbf16>
        %get3A_605 = arith.index_cast %add3A_572 : i32 to index
        %get3A_606 = arith.constant 32 : index
        %get3A_607 = tpu.vector_load %arg11[%get3A_605, %get3A_606] {strides = array<i32>} : memref<80x64xi32, #tpu.memory_space<vmem>>, vector<16xi32>,
        %bitcast3A_608 = vector.bitcast %get3A_607 : vector<16xi32> to vector<32xbf16>
        %mul3A_609 = arith.mulf %bitcast3A_604, %bitcast3A_608 : vector<32xbf16>
        %unpack3A_610 = tpu.unpack_subelements %mul3A_609, 0 {pack_format = #tpu.pack_format<interleaved>} : vector<32xbf16> -> vector<16xf32>
        %unpack3A_611 = tpu.unpack_subelements %mul3A_609, 1 {pack_format = #tpu.pack_format<interleaved>} : vector<32xbf16> -> vector<16xf32>
        %add3A_612 = arith.addf %add3A_600, %unpack3A_610 : vector<16xf32>
        %add3A_613 = arith.addf %add3A_612, %unpack3A_611 : vector<16xf32>
        %get3A_614 = arith.index_cast %add3A_572 : i32 to index
        %get3A_615 = arith.constant 48 : index
        %get3A_616 = tpu.vector_load %arg10[%get3A_614, %get3A_615] {strides = array<i32>} : memref<80x64xi32, #tpu.memory_space<vmem>>, vector<16xi32>,
        %bitcast3A_617 = vector.bitcast %get3A_616 : vector<16xi32> to vector<32xbf16>
        %get3A_618 = arith.index_cast %add3A_572 : i32 to index
        %get3A_619 = arith.constant 48 : index
        %get3A_620 = tpu.vector_load %arg11[%get3A_618, %get3A_619] {strides = array<i32>} : memref<80x64xi32, #tpu.memory_space<vmem>>, vector<16xi32>,
        %bitcast3A_621 = vector.bitcast %get3A_620 : vector<16xi32> to vector<32xbf16>
        %mul3A_622 = arith.mulf %bitcast3A_617, %bitcast3A_621 : vector<32xbf16>
        %unpack3A_623 = tpu.unpack_subelements %mul3A_622, 0 {pack_format = #tpu.pack_format<interleaved>} : vector<32xbf16> -> vector<16xf32>
        %unpack3A_624 = tpu.unpack_subelements %mul3A_622, 1 {pack_format = #tpu.pack_format<interleaved>} : vector<32xbf16> -> vector<16xf32>
        %add3A_625 = arith.addf %add3A_613, %unpack3A_623 : vector<16xf32>
        %add3A_626 = arith.addf %add3A_625, %unpack3A_624 : vector<16xf32>
        %eq3A_627 = arith.constant 7 : i32
        %eq3A_628 = vector.broadcast %eq3A_627 : i32 to vector<16xi32>
        %eq3A_629 = arith.cmpi eq, %iota3A, %eq3A_628 : vector<16xi32>
        %reduce_sum3A_630 = arith.constant true
        %reduce_sum3A_631 = vector.broadcast %reduce_sum3A_630 : i1 to vector<16xi1>
        %reduce_sum3A_632 = tpu.scan <sum>, %add3A_626 masked %reduce_sum3A_631 : vector<16xf32>, vector<16xi1> -> vector<16xf32>
        %reduce_sum3A_633 = vector.extract %reduce_sum3A_632[15] : f32 from vector<16xf32>
        %broadcast_in_dim3A_634 = vector.broadcast %reduce_sum3A_633 : f32 to vector<16xf32>
        %select_n3A_635 = arith.select %eq3A_629, %broadcast_in_dim3A_634, %select_n3A_568 : vector<16xi1>, vector<16xf32>
        %mul3A_636 = arith.constant 16 : i32
        %mul3A_637 = arith.muli %scan3A_104, %mul3A_636 : i32
        %add3A_638 = arith.constant 8 : i32
        %add3A_639 = arith.addi %mul3A_637, %add3A_638 : i32
        %broadcast_in_dim3A_640 = arith.constant 0.000000e+00 : f32
        %broadcast_in_dim3A_641 = vector.broadcast %broadcast_in_dim3A_640 : f32 to vector<16xf32>
        %get3A_642 = arith.index_cast %add3A_639 : i32 to index
        %get3A_643 = arith.constant 0 : index
        %get3A_644 = tpu.vector_load %arg10[%get3A_642, %get3A_643] {strides = array<i32>} : memref<80x64xi32, #tpu.memory_space<vmem>>, vector<16xi32>,
        %bitcast3A_645 = vector.bitcast %get3A_644 : vector<16xi32> to vector<32xbf16>
        %get3A_646 = arith.index_cast %add3A_639 : i32 to index
        %get3A_647 = arith.constant 0 : index
        %get3A_648 = tpu.vector_load %arg11[%get3A_646, %get3A_647] {strides = array<i32>} : memref<80x64xi32, #tpu.memory_space<vmem>>, vector<16xi32>,
        %bitcast3A_649 = vector.bitcast %get3A_648 : vector<16xi32> to vector<32xbf16>
        %mul3A_650 = arith.mulf %bitcast3A_645, %bitcast3A_649 : vector<32xbf16>
        %unpack3A_651 = tpu.unpack_subelements %mul3A_650, 0 {pack_format = #tpu.pack_format<interleaved>} : vector<32xbf16> -> vector<16xf32>
        %unpack3A_652 = tpu.unpack_subelements %mul3A_650, 1 {pack_format = #tpu.pack_format<interleaved>} : vector<32xbf16> -> vector<16xf32>
        %add3A_653 = arith.addf %broadcast_in_dim3A_641, %unpack3A_651 : vector<16xf32>
        %add3A_654 = arith.addf %add3A_653, %unpack3A_652 : vector<16xf32>
        %get3A_655 = arith.index_cast %add3A_639 : i32 to index
        %get3A_656 = arith.constant 16 : index
        %get3A_657 = tpu.vector_load %arg10[%get3A_655, %get3A_656] {strides = array<i32>} : memref<80x64xi32, #tpu.memory_space<vmem>>, vector<16xi32>,
        %bitcast3A_658 = vector.bitcast %get3A_657 : vector<16xi32> to vector<32xbf16>
        %get3A_659 = arith.index_cast %add3A_639 : i32 to index
        %get3A_660 = arith.constant 16 : index
        %get3A_661 = tpu.vector_load %arg11[%get3A_659, %get3A_660] {strides = array<i32>} : memref<80x64xi32, #tpu.memory_space<vmem>>, vector<16xi32>,
        %bitcast3A_662 = vector.bitcast %get3A_661 : vector<16xi32> to vector<32xbf16>
        %mul3A_663 = arith.mulf %bitcast3A_658, %bitcast3A_662 : vector<32xbf16>
        %unpack3A_664 = tpu.unpack_subelements %mul3A_663, 0 {pack_format = #tpu.pack_format<interleaved>} : vector<32xbf16> -> vector<16xf32>
        %unpack3A_665 = tpu.unpack_subelements %mul3A_663, 1 {pack_format = #tpu.pack_format<interleaved>} : vector<32xbf16> -> vector<16xf32>
        %add3A_666 = arith.addf %add3A_654, %unpack3A_664 : vector<16xf32>
        %add3A_667 = arith.addf %add3A_666, %unpack3A_665 : vector<16xf32>
        %get3A_668 = arith.index_cast %add3A_639 : i32 to index
        %get3A_669 = arith.constant 32 : index
        %get3A_670 = tpu.vector_load %arg10[%get3A_668, %get3A_669] {strides = array<i32>} : memref<80x64xi32, #tpu.memory_space<vmem>>, vector<16xi32>,
        %bitcast3A_671 = vector.bitcast %get3A_670 : vector<16xi32> to vector<32xbf16>
        %get3A_672 = arith.index_cast %add3A_639 : i32 to index
        %get3A_673 = arith.constant 32 : index
        %get3A_674 = tpu.vector_load %arg11[%get3A_672, %get3A_673] {strides = array<i32>} : memref<80x64xi32, #tpu.memory_space<vmem>>, vector<16xi32>,
        %bitcast3A_675 = vector.bitcast %get3A_674 : vector<16xi32> to vector<32xbf16>
        %mul3A_676 = arith.mulf %bitcast3A_671, %bitcast3A_675 : vector<32xbf16>
        %unpack3A_677 = tpu.unpack_subelements %mul3A_676, 0 {pack_format = #tpu.pack_format<interleaved>} : vector<32xbf16> -> vector<16xf32>
        %unpack3A_678 = tpu.unpack_subelements %mul3A_676, 1 {pack_format = #tpu.pack_format<interleaved>} : vector<32xbf16> -> vector<16xf32>
        %add3A_679 = arith.addf %add3A_667, %unpack3A_677 : vector<16xf32>
        %add3A_680 = arith.addf %add3A_679, %unpack3A_678 : vector<16xf32>
        %get3A_681 = arith.index_cast %add3A_639 : i32 to index
        %get3A_682 = arith.constant 48 : index
        %get3A_683 = tpu.vector_load %arg10[%get3A_681, %get3A_682] {strides = array<i32>} : memref<80x64xi32, #tpu.memory_space<vmem>>, vector<16xi32>,
        %bitcast3A_684 = vector.bitcast %get3A_683 : vector<16xi32> to vector<32xbf16>
        %get3A_685 = arith.index_cast %add3A_639 : i32 to index
        %get3A_686 = arith.constant 48 : index
        %get3A_687 = tpu.vector_load %arg11[%get3A_685, %get3A_686] {strides = array<i32>} : memref<80x64xi32, #tpu.memory_space<vmem>>, vector<16xi32>,
        %bitcast3A_688 = vector.bitcast %get3A_687 : vector<16xi32> to vector<32xbf16>
        %mul3A_689 = arith.mulf %bitcast3A_684, %bitcast3A_688 : vector<32xbf16>
        %unpack3A_690 = tpu.unpack_subelements %mul3A_689, 0 {pack_format = #tpu.pack_format<interleaved>} : vector<32xbf16> -> vector<16xf32>
        %unpack3A_691 = tpu.unpack_subelements %mul3A_689, 1 {pack_format = #tpu.pack_format<interleaved>} : vector<32xbf16> -> vector<16xf32>
        %add3A_692 = arith.addf %add3A_680, %unpack3A_690 : vector<16xf32>
        %add3A_693 = arith.addf %add3A_692, %unpack3A_691 : vector<16xf32>
        %eq3A_694 = arith.constant 8 : i32
        %eq3A_695 = vector.broadcast %eq3A_694 : i32 to vector<16xi32>
        %eq3A_696 = arith.cmpi eq, %iota3A, %eq3A_695 : vector<16xi32>
        %reduce_sum3A_697 = arith.constant true
        %reduce_sum3A_698 = vector.broadcast %reduce_sum3A_697 : i1 to vector<16xi1>
        %reduce_sum3A_699 = tpu.scan <sum>, %add3A_693 masked %reduce_sum3A_698 : vector<16xf32>, vector<16xi1> -> vector<16xf32>
        %reduce_sum3A_700 = vector.extract %reduce_sum3A_699[15] : f32 from vector<16xf32>
        %broadcast_in_dim3A_701 = vector.broadcast %reduce_sum3A_700 : f32 to vector<16xf32>
        %select_n3A_702 = arith.select %eq3A_696, %broadcast_in_dim3A_701, %select_n3A_635 : vector<16xi1>, vector<16xf32>
        %mul3A_703 = arith.constant 16 : i32
        %mul3A_704 = arith.muli %scan3A_104, %mul3A_703 : i32
        %add3A_705 = arith.constant 9 : i32
        %add3A_706 = arith.addi %mul3A_704, %add3A_705 : i32
        %broadcast_in_dim3A_707 = arith.constant 0.000000e+00 : f32
        %broadcast_in_dim3A_708 = vector.broadcast %broadcast_in_dim3A_707 : f32 to vector<16xf32>
        %get3A_709 = arith.index_cast %add3A_706 : i32 to index
        %get3A_710 = arith.constant 0 : index
        %get3A_711 = tpu.vector_load %arg10[%get3A_709, %get3A_710] {strides = array<i32>} : memref<80x64xi32, #tpu.memory_space<vmem>>, vector<16xi32>,
        %bitcast3A_712 = vector.bitcast %get3A_711 : vector<16xi32> to vector<32xbf16>
        %get3A_713 = arith.index_cast %add3A_706 : i32 to index
        %get3A_714 = arith.constant 0 : index
        %get3A_715 = tpu.vector_load %arg11[%get3A_713, %get3A_714] {strides = array<i32>} : memref<80x64xi32, #tpu.memory_space<vmem>>, vector<16xi32>,
        %bitcast3A_716 = vector.bitcast %get3A_715 : vector<16xi32> to vector<32xbf16>
        %mul3A_717 = arith.mulf %bitcast3A_712, %bitcast3A_716 : vector<32xbf16>
        %unpack3A_718 = tpu.unpack_subelements %mul3A_717, 0 {pack_format = #tpu.pack_format<interleaved>} : vector<32xbf16> -> vector<16xf32>
        %unpack3A_719 = tpu.unpack_subelements %mul3A_717, 1 {pack_format = #tpu.pack_format<interleaved>} : vector<32xbf16> -> vector<16xf32>
        %add3A_720 = arith.addf %broadcast_in_dim3A_708, %unpack3A_718 : vector<16xf32>
        %add3A_721 = arith.addf %add3A_720, %unpack3A_719 : vector<16xf32>
        %get3A_722 = arith.index_cast %add3A_706 : i32 to index
        %get3A_723 = arith.constant 16 : index
        %get3A_724 = tpu.vector_load %arg10[%get3A_722, %get3A_723] {strides = array<i32>} : memref<80x64xi32, #tpu.memory_space<vmem>>, vector<16xi32>,
        %bitcast3A_725 = vector.bitcast %get3A_724 : vector<16xi32> to vector<32xbf16>
        %get3A_726 = arith.index_cast %add3A_706 : i32 to index
        %get3A_727 = arith.constant 16 : index
        %get3A_728 = tpu.vector_load %arg11[%get3A_726, %get3A_727] {strides = array<i32>} : memref<80x64xi32, #tpu.memory_space<vmem>>, vector<16xi32>,
        %bitcast3A_729 = vector.bitcast %get3A_728 : vector<16xi32> to vector<32xbf16>
        %mul3A_730 = arith.mulf %bitcast3A_725, %bitcast3A_729 : vector<32xbf16>
        %unpack3A_731 = tpu.unpack_subelements %mul3A_730, 0 {pack_format = #tpu.pack_format<interleaved>} : vector<32xbf16> -> vector<16xf32>
        %unpack3A_732 = tpu.unpack_subelements %mul3A_730, 1 {pack_format = #tpu.pack_format<interleaved>} : vector<32xbf16> -> vector<16xf32>
        %add3A_733 = arith.addf %add3A_721, %unpack3A_731 : vector<16xf32>
        %add3A_734 = arith.addf %add3A_733, %unpack3A_732 : vector<16xf32>
        %get3A_735 = arith.index_cast %add3A_706 : i32 to index
        %get3A_736 = arith.constant 32 : index
        %get3A_737 = tpu.vector_load %arg10[%get3A_735, %get3A_736] {strides = array<i32>} : memref<80x64xi32, #tpu.memory_space<vmem>>, vector<16xi32>,
        %bitcast3A_738 = vector.bitcast %get3A_737 : vector<16xi32> to vector<32xbf16>
        %get3A_739 = arith.index_cast %add3A_706 : i32 to index
        %get3A_740 = arith.constant 32 : index
        %get3A_741 = tpu.vector_load %arg11[%get3A_739, %get3A_740] {strides = array<i32>} : memref<80x64xi32, #tpu.memory_space<vmem>>, vector<16xi32>,
        %bitcast3A_742 = vector.bitcast %get3A_741 : vector<16xi32> to vector<32xbf16>
        %mul3A_743 = arith.mulf %bitcast3A_738, %bitcast3A_742 : vector<32xbf16>
        %unpack3A_744 = tpu.unpack_subelements %mul3A_743, 0 {pack_format = #tpu.pack_format<interleaved>} : vector<32xbf16> -> vector<16xf32>
        %unpack3A_745 = tpu.unpack_subelements %mul3A_743, 1 {pack_format = #tpu.pack_format<interleaved>} : vector<32xbf16> -> vector<16xf32>
        %add3A_746 = arith.addf %add3A_734, %unpack3A_744 : vector<16xf32>
        %add3A_747 = arith.addf %add3A_746, %unpack3A_745 : vector<16xf32>
        %get3A_748 = arith.index_cast %add3A_706 : i32 to index
        %get3A_749 = arith.constant 48 : index
        %get3A_750 = tpu.vector_load %arg10[%get3A_748, %get3A_749] {strides = array<i32>} : memref<80x64xi32, #tpu.memory_space<vmem>>, vector<16xi32>,
        %bitcast3A_751 = vector.bitcast %get3A_750 : vector<16xi32> to vector<32xbf16>
        %get3A_752 = arith.index_cast %add3A_706 : i32 to index
        %get3A_753 = arith.constant 48 : index
        %get3A_754 = tpu.vector_load %arg11[%get3A_752, %get3A_753] {strides = array<i32>} : memref<80x64xi32, #tpu.memory_space<vmem>>, vector<16xi32>,
        %bitcast3A_755 = vector.bitcast %get3A_754 : vector<16xi32> to vector<32xbf16>
        %mul3A_756 = arith.mulf %bitcast3A_751, %bitcast3A_755 : vector<32xbf16>
        %unpack3A_757 = tpu.unpack_subelements %mul3A_756, 0 {pack_format = #tpu.pack_format<interleaved>} : vector<32xbf16> -> vector<16xf32>
        %unpack3A_758 = tpu.unpack_subelements %mul3A_756, 1 {pack_format = #tpu.pack_format<interleaved>} : vector<32xbf16> -> vector<16xf32>
        %add3A_759 = arith.addf %add3A_747, %unpack3A_757 : vector<16xf32>
        %add3A_760 = arith.addf %add3A_759, %unpack3A_758 : vector<16xf32>
        %eq3A_761 = arith.constant 9 : i32
        %eq3A_762 = vector.broadcast %eq3A_761 : i32 to vector<16xi32>
        %eq3A_763 = arith.cmpi eq, %iota3A, %eq3A_762 : vector<16xi32>
        %reduce_sum3A_764 = arith.constant true
        %reduce_sum3A_765 = vector.broadcast %reduce_sum3A_764 : i1 to vector<16xi1>
        %reduce_sum3A_766 = tpu.scan <sum>, %add3A_760 masked %reduce_sum3A_765 : vector<16xf32>, vector<16xi1> -> vector<16xf32>
        %reduce_sum3A_767 = vector.extract %reduce_sum3A_766[15] : f32 from vector<16xf32>
        %broadcast_in_dim3A_768 = vector.broadcast %reduce_sum3A_767 : f32 to vector<16xf32>
        %select_n3A_769 = arith.select %eq3A_763, %broadcast_in_dim3A_768, %select_n3A_702 : vector<16xi1>, vector<16xf32>
        %mul3A_770 = arith.constant 16 : i32
        %mul3A_771 = arith.muli %scan3A_104, %mul3A_770 : i32
        %add3A_772 = arith.constant 10 : i32
        %add3A_773 = arith.addi %mul3A_771, %add3A_772 : i32
        %broadcast_in_dim3A_774 = arith.constant 0.000000e+00 : f32
        %broadcast_in_dim3A_775 = vector.broadcast %broadcast_in_dim3A_774 : f32 to vector<16xf32>
        %get3A_776 = arith.index_cast %add3A_773 : i32 to index
        %get3A_777 = arith.constant 0 : index
        %get3A_778 = tpu.vector_load %arg10[%get3A_776, %get3A_777] {strides = array<i32>} : memref<80x64xi32, #tpu.memory_space<vmem>>, vector<16xi32>,
        %bitcast3A_779 = vector.bitcast %get3A_778 : vector<16xi32> to vector<32xbf16>
        %get3A_780 = arith.index_cast %add3A_773 : i32 to index
        %get3A_781 = arith.constant 0 : index
        %get3A_782 = tpu.vector_load %arg11[%get3A_780, %get3A_781] {strides = array<i32>} : memref<80x64xi32, #tpu.memory_space<vmem>>, vector<16xi32>,
        %bitcast3A_783 = vector.bitcast %get3A_782 : vector<16xi32> to vector<32xbf16>
        %mul3A_784 = arith.mulf %bitcast3A_779, %bitcast3A_783 : vector<32xbf16>
        %unpack3A_785 = tpu.unpack_subelements %mul3A_784, 0 {pack_format = #tpu.pack_format<interleaved>} : vector<32xbf16> -> vector<16xf32>
        %unpack3A_786 = tpu.unpack_subelements %mul3A_784, 1 {pack_format = #tpu.pack_format<interleaved>} : vector<32xbf16> -> vector<16xf32>
        %add3A_787 = arith.addf %broadcast_in_dim3A_775, %unpack3A_785 : vector<16xf32>
        %add3A_788 = arith.addf %add3A_787, %unpack3A_786 : vector<16xf32>
        %get3A_789 = arith.index_cast %add3A_773 : i32 to index
        %get3A_790 = arith.constant 16 : index
        %get3A_791 = tpu.vector_load %arg10[%get3A_789, %get3A_790] {strides = array<i32>} : memref<80x64xi32, #tpu.memory_space<vmem>>, vector<16xi32>,
        %bitcast3A_792 = vector.bitcast %get3A_791 : vector<16xi32> to vector<32xbf16>
        %get3A_793 = arith.index_cast %add3A_773 : i32 to index
        %get3A_794 = arith.constant 16 : index
        %get3A_795 = tpu.vector_load %arg11[%get3A_793, %get3A_794] {strides = array<i32>} : memref<80x64xi32, #tpu.memory_space<vmem>>, vector<16xi32>,
        %bitcast3A_796 = vector.bitcast %get3A_795 : vector<16xi32> to vector<32xbf16>
        %mul3A_797 = arith.mulf %bitcast3A_792, %bitcast3A_796 : vector<32xbf16>
        %unpack3A_798 = tpu.unpack_subelements %mul3A_797, 0 {pack_format = #tpu.pack_format<interleaved>} : vector<32xbf16> -> vector<16xf32>
        %unpack3A_799 = tpu.unpack_subelements %mul3A_797, 1 {pack_format = #tpu.pack_format<interleaved>} : vector<32xbf16> -> vector<16xf32>
        %add3A_800 = arith.addf %add3A_788, %unpack3A_798 : vector<16xf32>
        %add3A_801 = arith.addf %add3A_800, %unpack3A_799 : vector<16xf32>
        %get3A_802 = arith.index_cast %add3A_773 : i32 to index
        %get3A_803 = arith.constant 32 : index
        %get3A_804 = tpu.vector_load %arg10[%get3A_802, %get3A_803] {strides = array<i32>} : memref<80x64xi32, #tpu.memory_space<vmem>>, vector<16xi32>,
        %bitcast3A_805 = vector.bitcast %get3A_804 : vector<16xi32> to vector<32xbf16>
        %get3A_806 = arith.index_cast %add3A_773 : i32 to index
        %get3A_807 = arith.constant 32 : index
        %get3A_808 = tpu.vector_load %arg11[%get3A_806, %get3A_807] {strides = array<i32>} : memref<80x64xi32, #tpu.memory_space<vmem>>, vector<16xi32>,
        %bitcast3A_809 = vector.bitcast %get3A_808 : vector<16xi32> to vector<32xbf16>
        %mul3A_810 = arith.mulf %bitcast3A_805, %bitcast3A_809 : vector<32xbf16>
        %unpack3A_811 = tpu.unpack_subelements %mul3A_810, 0 {pack_format = #tpu.pack_format<interleaved>} : vector<32xbf16> -> vector<16xf32>
        %unpack3A_812 = tpu.unpack_subelements %mul3A_810, 1 {pack_format = #tpu.pack_format<interleaved>} : vector<32xbf16> -> vector<16xf32>
        %add3A_813 = arith.addf %add3A_801, %unpack3A_811 : vector<16xf32>
        %add3A_814 = arith.addf %add3A_813, %unpack3A_812 : vector<16xf32>
        %get3A_815 = arith.index_cast %add3A_773 : i32 to index
        %get3A_816 = arith.constant 48 : index
        %get3A_817 = tpu.vector_load %arg10[%get3A_815, %get3A_816] {strides = array<i32>} : memref<80x64xi32, #tpu.memory_space<vmem>>, vector<16xi32>,
        %bitcast3A_818 = vector.bitcast %get3A_817 : vector<16xi32> to vector<32xbf16>
        %get3A_819 = arith.index_cast %add3A_773 : i32 to index
        %get3A_820 = arith.constant 48 : index
        %get3A_821 = tpu.vector_load %arg11[%get3A_819, %get3A_820] {strides = array<i32>} : memref<80x64xi32, #tpu.memory_space<vmem>>, vector<16xi32>,
        %bitcast3A_822 = vector.bitcast %get3A_821 : vector<16xi32> to vector<32xbf16>
        %mul3A_823 = arith.mulf %bitcast3A_818, %bitcast3A_822 : vector<32xbf16>
        %unpack3A_824 = tpu.unpack_subelements %mul3A_823, 0 {pack_format = #tpu.pack_format<interleaved>} : vector<32xbf16> -> vector<16xf32>
        %unpack3A_825 = tpu.unpack_subelements %mul3A_823, 1 {pack_format = #tpu.pack_format<interleaved>} : vector<32xbf16> -> vector<16xf32>
        %add3A_826 = arith.addf %add3A_814, %unpack3A_824 : vector<16xf32>
        %add3A_827 = arith.addf %add3A_826, %unpack3A_825 : vector<16xf32>
        %eq3A_828 = arith.constant 10 : i32
        %eq3A_829 = vector.broadcast %eq3A_828 : i32 to vector<16xi32>
        %eq3A_830 = arith.cmpi eq, %iota3A, %eq3A_829 : vector<16xi32>
        %reduce_sum3A_831 = arith.constant true
        %reduce_sum3A_832 = vector.broadcast %reduce_sum3A_831 : i1 to vector<16xi1>
        %reduce_sum3A_833 = tpu.scan <sum>, %add3A_827 masked %reduce_sum3A_832 : vector<16xf32>, vector<16xi1> -> vector<16xf32>
        %reduce_sum3A_834 = vector.extract %reduce_sum3A_833[15] : f32 from vector<16xf32>
        %broadcast_in_dim3A_835 = vector.broadcast %reduce_sum3A_834 : f32 to vector<16xf32>
        %select_n3A_836 = arith.select %eq3A_830, %broadcast_in_dim3A_835, %select_n3A_769 : vector<16xi1>, vector<16xf32>
        %mul3A_837 = arith.constant 16 : i32
        %mul3A_838 = arith.muli %scan3A_104, %mul3A_837 : i32
        %add3A_839 = arith.constant 11 : i32
        %add3A_840 = arith.addi %mul3A_838, %add3A_839 : i32
        %broadcast_in_dim3A_841 = arith.constant 0.000000e+00 : f32
        %broadcast_in_dim3A_842 = vector.broadcast %broadcast_in_dim3A_841 : f32 to vector<16xf32>
        %get3A_843 = arith.index_cast %add3A_840 : i32 to index
        %get3A_844 = arith.constant 0 : index
        %get3A_845 = tpu.vector_load %arg10[%get3A_843, %get3A_844] {strides = array<i32>} : memref<80x64xi32, #tpu.memory_space<vmem>>, vector<16xi32>,
        %bitcast3A_846 = vector.bitcast %get3A_845 : vector<16xi32> to vector<32xbf16>
        %get3A_847 = arith.index_cast %add3A_840 : i32 to index
        %get3A_848 = arith.constant 0 : index
        %get3A_849 = tpu.vector_load %arg11[%get3A_847, %get3A_848] {strides = array<i32>} : memref<80x64xi32, #tpu.memory_space<vmem>>, vector<16xi32>,
        %bitcast3A_850 = vector.bitcast %get3A_849 : vector<16xi32> to vector<32xbf16>
        %mul3A_851 = arith.mulf %bitcast3A_846, %bitcast3A_850 : vector<32xbf16>
        %unpack3A_852 = tpu.unpack_subelements %mul3A_851, 0 {pack_format = #tpu.pack_format<interleaved>} : vector<32xbf16> -> vector<16xf32>
        %unpack3A_853 = tpu.unpack_subelements %mul3A_851, 1 {pack_format = #tpu.pack_format<interleaved>} : vector<32xbf16> -> vector<16xf32>
        %add3A_854 = arith.addf %broadcast_in_dim3A_842, %unpack3A_852 : vector<16xf32>
        %add3A_855 = arith.addf %add3A_854, %unpack3A_853 : vector<16xf32>
        %get3A_856 = arith.index_cast %add3A_840 : i32 to index
        %get3A_857 = arith.constant 16 : index
        %get3A_858 = tpu.vector_load %arg10[%get3A_856, %get3A_857] {strides = array<i32>} : memref<80x64xi32, #tpu.memory_space<vmem>>, vector<16xi32>,
        %bitcast3A_859 = vector.bitcast %get3A_858 : vector<16xi32> to vector<32xbf16>
        %get3A_860 = arith.index_cast %add3A_840 : i32 to index
        %get3A_861 = arith.constant 16 : index
        %get3A_862 = tpu.vector_load %arg11[%get3A_860, %get3A_861] {strides = array<i32>} : memref<80x64xi32, #tpu.memory_space<vmem>>, vector<16xi32>,
        %bitcast3A_863 = vector.bitcast %get3A_862 : vector<16xi32> to vector<32xbf16>
        %mul3A_864 = arith.mulf %bitcast3A_859, %bitcast3A_863 : vector<32xbf16>
        %unpack3A_865 = tpu.unpack_subelements %mul3A_864, 0 {pack_format = #tpu.pack_format<interleaved>} : vector<32xbf16> -> vector<16xf32>
        %unpack3A_866 = tpu.unpack_subelements %mul3A_864, 1 {pack_format = #tpu.pack_format<interleaved>} : vector<32xbf16> -> vector<16xf32>
        %add3A_867 = arith.addf %add3A_855, %unpack3A_865 : vector<16xf32>
        %add3A_868 = arith.addf %add3A_867, %unpack3A_866 : vector<16xf32>
        %get3A_869 = arith.index_cast %add3A_840 : i32 to index
        %get3A_870 = arith.constant 32 : index
        %get3A_871 = tpu.vector_load %arg10[%get3A_869, %get3A_870] {strides = array<i32>} : memref<80x64xi32, #tpu.memory_space<vmem>>, vector<16xi32>,
        %bitcast3A_872 = vector.bitcast %get3A_871 : vector<16xi32> to vector<32xbf16>
        %get3A_873 = arith.index_cast %add3A_840 : i32 to index
        %get3A_874 = arith.constant 32 : index
        %get3A_875 = tpu.vector_load %arg11[%get3A_873, %get3A_874] {strides = array<i32>} : memref<80x64xi32, #tpu.memory_space<vmem>>, vector<16xi32>,
        %bitcast3A_876 = vector.bitcast %get3A_875 : vector<16xi32> to vector<32xbf16>
        %mul3A_877 = arith.mulf %bitcast3A_872, %bitcast3A_876 : vector<32xbf16>
        %unpack3A_878 = tpu.unpack_subelements %mul3A_877, 0 {pack_format = #tpu.pack_format<interleaved>} : vector<32xbf16> -> vector<16xf32>
        %unpack3A_879 = tpu.unpack_subelements %mul3A_877, 1 {pack_format = #tpu.pack_format<interleaved>} : vector<32xbf16> -> vector<16xf32>
        %add3A_880 = arith.addf %add3A_868, %unpack3A_878 : vector<16xf32>
        %add3A_881 = arith.addf %add3A_880, %unpack3A_879 : vector<16xf32>
        %get3A_882 = arith.index_cast %add3A_840 : i32 to index
        %get3A_883 = arith.constant 48 : index
        %get3A_884 = tpu.vector_load %arg10[%get3A_882, %get3A_883] {strides = array<i32>} : memref<80x64xi32, #tpu.memory_space<vmem>>, vector<16xi32>,
        %bitcast3A_885 = vector.bitcast %get3A_884 : vector<16xi32> to vector<32xbf16>
        %get3A_886 = arith.index_cast %add3A_840 : i32 to index
        %get3A_887 = arith.constant 48 : index
        %get3A_888 = tpu.vector_load %arg11[%get3A_886, %get3A_887] {strides = array<i32>} : memref<80x64xi32, #tpu.memory_space<vmem>>, vector<16xi32>,
        %bitcast3A_889 = vector.bitcast %get3A_888 : vector<16xi32> to vector<32xbf16>
        %mul3A_890 = arith.mulf %bitcast3A_885, %bitcast3A_889 : vector<32xbf16>
        %unpack3A_891 = tpu.unpack_subelements %mul3A_890, 0 {pack_format = #tpu.pack_format<interleaved>} : vector<32xbf16> -> vector<16xf32>
        %unpack3A_892 = tpu.unpack_subelements %mul3A_890, 1 {pack_format = #tpu.pack_format<interleaved>} : vector<32xbf16> -> vector<16xf32>
        %add3A_893 = arith.addf %add3A_881, %unpack3A_891 : vector<16xf32>
        %add3A_894 = arith.addf %add3A_893, %unpack3A_892 : vector<16xf32>
        %eq3A_895 = arith.constant 11 : i32
        %eq3A_896 = vector.broadcast %eq3A_895 : i32 to vector<16xi32>
        %eq3A_897 = arith.cmpi eq, %iota3A, %eq3A_896 : vector<16xi32>
        %reduce_sum3A_898 = arith.constant true
        %reduce_sum3A_899 = vector.broadcast %reduce_sum3A_898 : i1 to vector<16xi1>
        %reduce_sum3A_900 = tpu.scan <sum>, %add3A_894 masked %reduce_sum3A_899 : vector<16xf32>, vector<16xi1> -> vector<16xf32>
        %reduce_sum3A_901 = vector.extract %reduce_sum3A_900[15] : f32 from vector<16xf32>
        %broadcast_in_dim3A_902 = vector.broadcast %reduce_sum3A_901 : f32 to vector<16xf32>
        %select_n3A_903 = arith.select %eq3A_897, %broadcast_in_dim3A_902, %select_n3A_836 : vector<16xi1>, vector<16xf32>
        %mul3A_904 = arith.constant 16 : i32
        %mul3A_905 = arith.muli %scan3A_104, %mul3A_904 : i32
        %add3A_906 = arith.constant 12 : i32
        %add3A_907 = arith.addi %mul3A_905, %add3A_906 : i32
        %broadcast_in_dim3A_908 = arith.constant 0.000000e+00 : f32
        %broadcast_in_dim3A_909 = vector.broadcast %broadcast_in_dim3A_908 : f32 to vector<16xf32>
        %get3A_910 = arith.index_cast %add3A_907 : i32 to index
        %get3A_911 = arith.constant 0 : index
        %get3A_912 = tpu.vector_load %arg10[%get3A_910, %get3A_911] {strides = array<i32>} : memref<80x64xi32, #tpu.memory_space<vmem>>, vector<16xi32>,
        %bitcast3A_913 = vector.bitcast %get3A_912 : vector<16xi32> to vector<32xbf16>
        %get3A_914 = arith.index_cast %add3A_907 : i32 to index
        %get3A_915 = arith.constant 0 : index
        %get3A_916 = tpu.vector_load %arg11[%get3A_914, %get3A_915] {strides = array<i32>} : memref<80x64xi32, #tpu.memory_space<vmem>>, vector<16xi32>,
        %bitcast3A_917 = vector.bitcast %get3A_916 : vector<16xi32> to vector<32xbf16>
        %mul3A_918 = arith.mulf %bitcast3A_913, %bitcast3A_917 : vector<32xbf16>
        %unpack3A_919 = tpu.unpack_subelements %mul3A_918, 0 {pack_format = #tpu.pack_format<interleaved>} : vector<32xbf16> -> vector<16xf32>
        %unpack3A_920 = tpu.unpack_subelements %mul3A_918, 1 {pack_format = #tpu.pack_format<interleaved>} : vector<32xbf16> -> vector<16xf32>
        %add3A_921 = arith.addf %broadcast_in_dim3A_909, %unpack3A_919 : vector<16xf32>
        %add3A_922 = arith.addf %add3A_921, %unpack3A_920 : vector<16xf32>
        %get3A_923 = arith.index_cast %add3A_907 : i32 to index
        %get3A_924 = arith.constant 16 : index
        %get3A_925 = tpu.vector_load %arg10[%get3A_923, %get3A_924] {strides = array<i32>} : memref<80x64xi32, #tpu.memory_space<vmem>>, vector<16xi32>,
        %bitcast3A_926 = vector.bitcast %get3A_925 : vector<16xi32> to vector<32xbf16>
        %get3A_927 = arith.index_cast %add3A_907 : i32 to index
        %get3A_928 = arith.constant 16 : index
        %get3A_929 = tpu.vector_load %arg11[%get3A_927, %get3A_928] {strides = array<i32>} : memref<80x64xi32, #tpu.memory_space<vmem>>, vector<16xi32>,
        %bitcast3A_930 = vector.bitcast %get3A_929 : vector<16xi32> to vector<32xbf16>
        %mul3A_931 = arith.mulf %bitcast3A_926, %bitcast3A_930 : vector<32xbf16>
        %unpack3A_932 = tpu.unpack_subelements %mul3A_931, 0 {pack_format = #tpu.pack_format<interleaved>} : vector<32xbf16> -> vector<16xf32>
        %unpack3A_933 = tpu.unpack_subelements %mul3A_931, 1 {pack_format = #tpu.pack_format<interleaved>} : vector<32xbf16> -> vector<16xf32>
        %add3A_934 = arith.addf %add3A_922, %unpack3A_932 : vector<16xf32>
        %add3A_935 = arith.addf %add3A_934, %unpack3A_933 : vector<16xf32>
        %get3A_936 = arith.index_cast %add3A_907 : i32 to index
        %get3A_937 = arith.constant 32 : index
        %get3A_938 = tpu.vector_load %arg10[%get3A_936, %get3A_937] {strides = array<i32>} : memref<80x64xi32, #tpu.memory_space<vmem>>, vector<16xi32>,
        %bitcast3A_939 = vector.bitcast %get3A_938 : vector<16xi32> to vector<32xbf16>
        %get3A_940 = arith.index_cast %add3A_907 : i32 to index
        %get3A_941 = arith.constant 32 : index
        %get3A_942 = tpu.vector_load %arg11[%get3A_940, %get3A_941] {strides = array<i32>} : memref<80x64xi32, #tpu.memory_space<vmem>>, vector<16xi32>,
        %bitcast3A_943 = vector.bitcast %get3A_942 : vector<16xi32> to vector<32xbf16>
        %mul3A_944 = arith.mulf %bitcast3A_939, %bitcast3A_943 : vector<32xbf16>
        %unpack3A_945 = tpu.unpack_subelements %mul3A_944, 0 {pack_format = #tpu.pack_format<interleaved>} : vector<32xbf16> -> vector<16xf32>
        %unpack3A_946 = tpu.unpack_subelements %mul3A_944, 1 {pack_format = #tpu.pack_format<interleaved>} : vector<32xbf16> -> vector<16xf32>
        %add3A_947 = arith.addf %add3A_935, %unpack3A_945 : vector<16xf32>
        %add3A_948 = arith.addf %add3A_947, %unpack3A_946 : vector<16xf32>
        %get3A_949 = arith.index_cast %add3A_907 : i32 to index
        %get3A_950 = arith.constant 48 : index
        %get3A_951 = tpu.vector_load %arg10[%get3A_949, %get3A_950] {strides = array<i32>} : memref<80x64xi32, #tpu.memory_space<vmem>>, vector<16xi32>,
        %bitcast3A_952 = vector.bitcast %get3A_951 : vector<16xi32> to vector<32xbf16>
        %get3A_953 = arith.index_cast %add3A_907 : i32 to index
        %get3A_954 = arith.constant 48 : index
        %get3A_955 = tpu.vector_load %arg11[%get3A_953, %get3A_954] {strides = array<i32>} : memref<80x64xi32, #tpu.memory_space<vmem>>, vector<16xi32>,
        %bitcast3A_956 = vector.bitcast %get3A_955 : vector<16xi32> to vector<32xbf16>
        %mul3A_957 = arith.mulf %bitcast3A_952, %bitcast3A_956 : vector<32xbf16>
        %unpack3A_958 = tpu.unpack_subelements %mul3A_957, 0 {pack_format = #tpu.pack_format<interleaved>} : vector<32xbf16> -> vector<16xf32>
        %unpack3A_959 = tpu.unpack_subelements %mul3A_957, 1 {pack_format = #tpu.pack_format<interleaved>} : vector<32xbf16> -> vector<16xf32>
        %add3A_960 = arith.addf %add3A_948, %unpack3A_958 : vector<16xf32>
        %add3A_961 = arith.addf %add3A_960, %unpack3A_959 : vector<16xf32>
        %eq3A_962 = arith.constant 12 : i32
        %eq3A_963 = vector.broadcast %eq3A_962 : i32 to vector<16xi32>
        %eq3A_964 = arith.cmpi eq, %iota3A, %eq3A_963 : vector<16xi32>
        %reduce_sum3A_965 = arith.constant true
        %reduce_sum3A_966 = vector.broadcast %reduce_sum3A_965 : i1 to vector<16xi1>
        %reduce_sum3A_967 = tpu.scan <sum>, %add3A_961 masked %reduce_sum3A_966 : vector<16xf32>, vector<16xi1> -> vector<16xf32>
        %reduce_sum3A_968 = vector.extract %reduce_sum3A_967[15] : f32 from vector<16xf32>
        %broadcast_in_dim3A_969 = vector.broadcast %reduce_sum3A_968 : f32 to vector<16xf32>
        %select_n3A_970 = arith.select %eq3A_964, %broadcast_in_dim3A_969, %select_n3A_903 : vector<16xi1>, vector<16xf32>
        %mul3A_971 = arith.constant 16 : i32
        %mul3A_972 = arith.muli %scan3A_104, %mul3A_971 : i32
        %add3A_973 = arith.constant 13 : i32
        %add3A_974 = arith.addi %mul3A_972, %add3A_973 : i32
        %broadcast_in_dim3A_975 = arith.constant 0.000000e+00 : f32
        %broadcast_in_dim3A_976 = vector.broadcast %broadcast_in_dim3A_975 : f32 to vector<16xf32>
        %get3A_977 = arith.index_cast %add3A_974 : i32 to index
        %get3A_978 = arith.constant 0 : index
        %get3A_979 = tpu.vector_load %arg10[%get3A_977, %get3A_978] {strides = array<i32>} : memref<80x64xi32, #tpu.memory_space<vmem>>, vector<16xi32>,
        %bitcast3A_980 = vector.bitcast %get3A_979 : vector<16xi32> to vector<32xbf16>
        %get3A_981 = arith.index_cast %add3A_974 : i32 to index
        %get3A_982 = arith.constant 0 : index
        %get3A_983 = tpu.vector_load %arg11[%get3A_981, %get3A_982] {strides = array<i32>} : memref<80x64xi32, #tpu.memory_space<vmem>>, vector<16xi32>,
        %bitcast3A_984 = vector.bitcast %get3A_983 : vector<16xi32> to vector<32xbf16>
        %mul3A_985 = arith.mulf %bitcast3A_980, %bitcast3A_984 : vector<32xbf16>
        %unpack3A_986 = tpu.unpack_subelements %mul3A_985, 0 {pack_format = #tpu.pack_format<interleaved>} : vector<32xbf16> -> vector<16xf32>
        %unpack3A_987 = tpu.unpack_subelements %mul3A_985, 1 {pack_format = #tpu.pack_format<interleaved>} : vector<32xbf16> -> vector<16xf32>
        %add3A_988 = arith.addf %broadcast_in_dim3A_976, %unpack3A_986 : vector<16xf32>
        %add3A_989 = arith.addf %add3A_988, %unpack3A_987 : vector<16xf32>
        %get3A_990 = arith.index_cast %add3A_974 : i32 to index
        %get3A_991 = arith.constant 16 : index
        %get3A_992 = tpu.vector_load %arg10[%get3A_990, %get3A_991] {strides = array<i32>} : memref<80x64xi32, #tpu.memory_space<vmem>>, vector<16xi32>,
        %bitcast3A_993 = vector.bitcast %get3A_992 : vector<16xi32> to vector<32xbf16>
        %get3A_994 = arith.index_cast %add3A_974 : i32 to index
        %get3A_995 = arith.constant 16 : index
        %get3A_996 = tpu.vector_load %arg11[%get3A_994, %get3A_995] {strides = array<i32>} : memref<80x64xi32, #tpu.memory_space<vmem>>, vector<16xi32>,
        %bitcast3A_997 = vector.bitcast %get3A_996 : vector<16xi32> to vector<32xbf16>
        %mul3A_998 = arith.mulf %bitcast3A_993, %bitcast3A_997 : vector<32xbf16>
        %unpack3A_999 = tpu.unpack_subelements %mul3A_998, 0 {pack_format = #tpu.pack_format<interleaved>} : vector<32xbf16> -> vector<16xf32>
        %unpack3A_1000 = tpu.unpack_subelements %mul3A_998, 1 {pack_format = #tpu.pack_format<interleaved>} : vector<32xbf16> -> vector<16xf32>
        %add3A_1001 = arith.addf %add3A_989, %unpack3A_999 : vector<16xf32>
        %add3A_1002 = arith.addf %add3A_1001, %unpack3A_1000 : vector<16xf32>
        %get3A_1003 = arith.index_cast %add3A_974 : i32 to index
        %get3A_1004 = arith.constant 32 : index
        %get3A_1005 = tpu.vector_load %arg10[%get3A_1003, %get3A_1004] {strides = array<i32>} : memref<80x64xi32, #tpu.memory_space<vmem>>, vector<16xi32>,
        %bitcast3A_1006 = vector.bitcast %get3A_1005 : vector<16xi32> to vector<32xbf16>
        %get3A_1007 = arith.index_cast %add3A_974 : i32 to index
        %get3A_1008 = arith.constant 32 : index
        %get3A_1009 = tpu.vector_load %arg11[%get3A_1007, %get3A_1008] {strides = array<i32>} : memref<80x64xi32, #tpu.memory_space<vmem>>, vector<16xi32>,
        %bitcast3A_1010 = vector.bitcast %get3A_1009 : vector<16xi32> to vector<32xbf16>
        %mul3A_1011 = arith.mulf %bitcast3A_1006, %bitcast3A_1010 : vector<32xbf16>
        %unpack3A_1012 = tpu.unpack_subelements %mul3A_1011, 0 {pack_format = #tpu.pack_format<interleaved>} : vector<32xbf16> -> vector<16xf32>
        %unpack3A_1013 = tpu.unpack_subelements %mul3A_1011, 1 {pack_format = #tpu.pack_format<interleaved>} : vector<32xbf16> -> vector<16xf32>
        %add3A_1014 = arith.addf %add3A_1002, %unpack3A_1012 : vector<16xf32>
        %add3A_1015 = arith.addf %add3A_1014, %unpack3A_1013 : vector<16xf32>
        %get3A_1016 = arith.index_cast %add3A_974 : i32 to index
        %get3A_1017 = arith.constant 48 : index
        %get3A_1018 = tpu.vector_load %arg10[%get3A_1016, %get3A_1017] {strides = array<i32>} : memref<80x64xi32, #tpu.memory_space<vmem>>, vector<16xi32>,
        %bitcast3A_1019 = vector.bitcast %get3A_1018 : vector<16xi32> to vector<32xbf16>
        %get3A_1020 = arith.index_cast %add3A_974 : i32 to index
        %get3A_1021 = arith.constant 48 : index
        %get3A_1022 = tpu.vector_load %arg11[%get3A_1020, %get3A_1021] {strides = array<i32>} : memref<80x64xi32, #tpu.memory_space<vmem>>, vector<16xi32>,
        %bitcast3A_1023 = vector.bitcast %get3A_1022 : vector<16xi32> to vector<32xbf16>
        %mul3A_1024 = arith.mulf %bitcast3A_1019, %bitcast3A_1023 : vector<32xbf16>
        %unpack3A_1025 = tpu.unpack_subelements %mul3A_1024, 0 {pack_format = #tpu.pack_format<interleaved>} : vector<32xbf16> -> vector<16xf32>
        %unpack3A_1026 = tpu.unpack_subelements %mul3A_1024, 1 {pack_format = #tpu.pack_format<interleaved>} : vector<32xbf16> -> vector<16xf32>
        %add3A_1027 = arith.addf %add3A_1015, %unpack3A_1025 : vector<16xf32>
        %add3A_1028 = arith.addf %add3A_1027, %unpack3A_1026 : vector<16xf32>
        %eq3A_1029 = arith.constant 13 : i32
        %eq3A_1030 = vector.broadcast %eq3A_1029 : i32 to vector<16xi32>
        %eq3A_1031 = arith.cmpi eq, %iota3A, %eq3A_1030 : vector<16xi32>
        %reduce_sum3A_1032 = arith.constant true
        %reduce_sum3A_1033 = vector.broadcast %reduce_sum3A_1032 : i1 to vector<16xi1>
        %reduce_sum3A_1034 = tpu.scan <sum>, %add3A_1028 masked %reduce_sum3A_1033 : vector<16xf32>, vector<16xi1> -> vector<16xf32>
        %reduce_sum3A_1035 = vector.extract %reduce_sum3A_1034[15] : f32 from vector<16xf32>
        %broadcast_in_dim3A_1036 = vector.broadcast %reduce_sum3A_1035 : f32 to vector<16xf32>
        %select_n3A_1037 = arith.select %eq3A_1031, %broadcast_in_dim3A_1036, %select_n3A_970 : vector<16xi1>, vector<16xf32>
        %mul3A_1038 = arith.constant 16 : i32
        %mul3A_1039 = arith.muli %scan3A_104, %mul3A_1038 : i32
        %add3A_1040 = arith.constant 14 : i32
        %add3A_1041 = arith.addi %mul3A_1039, %add3A_1040 : i32
        %broadcast_in_dim3A_1042 = arith.constant 0.000000e+00 : f32
        %broadcast_in_dim3A_1043 = vector.broadcast %broadcast_in_dim3A_1042 : f32 to vector<16xf32>
        %get3A_1044 = arith.index_cast %add3A_1041 : i32 to index
        %get3A_1045 = arith.constant 0 : index
        %get3A_1046 = tpu.vector_load %arg10[%get3A_1044, %get3A_1045] {strides = array<i32>} : memref<80x64xi32, #tpu.memory_space<vmem>>, vector<16xi32>,
        %bitcast3A_1047 = vector.bitcast %get3A_1046 : vector<16xi32> to vector<32xbf16>
        %get3A_1048 = arith.index_cast %add3A_1041 : i32 to index
        %get3A_1049 = arith.constant 0 : index
        %get3A_1050 = tpu.vector_load %arg11[%get3A_1048, %get3A_1049] {strides = array<i32>} : memref<80x64xi32, #tpu.memory_space<vmem>>, vector<16xi32>,
        %bitcast3A_1051 = vector.bitcast %get3A_1050 : vector<16xi32> to vector<32xbf16>
        %mul3A_1052 = arith.mulf %bitcast3A_1047, %bitcast3A_1051 : vector<32xbf16>
        %unpack3A_1053 = tpu.unpack_subelements %mul3A_1052, 0 {pack_format = #tpu.pack_format<interleaved>} : vector<32xbf16> -> vector<16xf32>
        %unpack3A_1054 = tpu.unpack_subelements %mul3A_1052, 1 {pack_format = #tpu.pack_format<interleaved>} : vector<32xbf16> -> vector<16xf32>
        %add3A_1055 = arith.addf %broadcast_in_dim3A_1043, %unpack3A_1053 : vector<16xf32>
        %add3A_1056 = arith.addf %add3A_1055, %unpack3A_1054 : vector<16xf32>
        %get3A_1057 = arith.index_cast %add3A_1041 : i32 to index
        %get3A_1058 = arith.constant 16 : index
        %get3A_1059 = tpu.vector_load %arg10[%get3A_1057, %get3A_1058] {strides = array<i32>} : memref<80x64xi32, #tpu.memory_space<vmem>>, vector<16xi32>,
        %bitcast3A_1060 = vector.bitcast %get3A_1059 : vector<16xi32> to vector<32xbf16>
        %get3A_1061 = arith.index_cast %add3A_1041 : i32 to index
        %get3A_1062 = arith.constant 16 : index
        %get3A_1063 = tpu.vector_load %arg11[%get3A_1061, %get3A_1062] {strides = array<i32>} : memref<80x64xi32, #tpu.memory_space<vmem>>, vector<16xi32>,
        %bitcast3A_1064 = vector.bitcast %get3A_1063 : vector<16xi32> to vector<32xbf16>
        %mul3A_1065 = arith.mulf %bitcast3A_1060, %bitcast3A_1064 : vector<32xbf16>
        %unpack3A_1066 = tpu.unpack_subelements %mul3A_1065, 0 {pack_format = #tpu.pack_format<interleaved>} : vector<32xbf16> -> vector<16xf32>
        %unpack3A_1067 = tpu.unpack_subelements %mul3A_1065, 1 {pack_format = #tpu.pack_format<interleaved>} : vector<32xbf16> -> vector<16xf32>
        %add3A_1068 = arith.addf %add3A_1056, %unpack3A_1066 : vector<16xf32>
        %add3A_1069 = arith.addf %add3A_1068, %unpack3A_1067 : vector<16xf32>
        %get3A_1070 = arith.index_cast %add3A_1041 : i32 to index
        %get3A_1071 = arith.constant 32 : index
        %get3A_1072 = tpu.vector_load %arg10[%get3A_1070, %get3A_1071] {strides = array<i32>} : memref<80x64xi32, #tpu.memory_space<vmem>>, vector<16xi32>,
        %bitcast3A_1073 = vector.bitcast %get3A_1072 : vector<16xi32> to vector<32xbf16>
        %get3A_1074 = arith.index_cast %add3A_1041 : i32 to index
        %get3A_1075 = arith.constant 32 : index
        %get3A_1076 = tpu.vector_load %arg11[%get3A_1074, %get3A_1075] {strides = array<i32>} : memref<80x64xi32, #tpu.memory_space<vmem>>, vector<16xi32>,
        %bitcast3A_1077 = vector.bitcast %get3A_1076 : vector<16xi32> to vector<32xbf16>
        %mul3A_1078 = arith.mulf %bitcast3A_1073, %bitcast3A_1077 : vector<32xbf16>
        %unpack3A_1079 = tpu.unpack_subelements %mul3A_1078, 0 {pack_format = #tpu.pack_format<interleaved>} : vector<32xbf16> -> vector<16xf32>
        %unpack3A_1080 = tpu.unpack_subelements %mul3A_1078, 1 {pack_format = #tpu.pack_format<interleaved>} : vector<32xbf16> -> vector<16xf32>
        %add3A_1081 = arith.addf %add3A_1069, %unpack3A_1079 : vector<16xf32>
        %add3A_1082 = arith.addf %add3A_1081, %unpack3A_1080 : vector<16xf32>
        %get3A_1083 = arith.index_cast %add3A_1041 : i32 to index
        %get3A_1084 = arith.constant 48 : index
        %get3A_1085 = tpu.vector_load %arg10[%get3A_1083, %get3A_1084] {strides = array<i32>} : memref<80x64xi32, #tpu.memory_space<vmem>>, vector<16xi32>,
        %bitcast3A_1086 = vector.bitcast %get3A_1085 : vector<16xi32> to vector<32xbf16>
        %get3A_1087 = arith.index_cast %add3A_1041 : i32 to index
        %get3A_1088 = arith.constant 48 : index
        %get3A_1089 = tpu.vector_load %arg11[%get3A_1087, %get3A_1088] {strides = array<i32>} : memref<80x64xi32, #tpu.memory_space<vmem>>, vector<16xi32>,
        %bitcast3A_1090 = vector.bitcast %get3A_1089 : vector<16xi32> to vector<32xbf16>
        %mul3A_1091 = arith.mulf %bitcast3A_1086, %bitcast3A_1090 : vector<32xbf16>
        %unpack3A_1092 = tpu.unpack_subelements %mul3A_1091, 0 {pack_format = #tpu.pack_format<interleaved>} : vector<32xbf16> -> vector<16xf32>
        %unpack3A_1093 = tpu.unpack_subelements %mul3A_1091, 1 {pack_format = #tpu.pack_format<interleaved>} : vector<32xbf16> -> vector<16xf32>
        %add3A_1094 = arith.addf %add3A_1082, %unpack3A_1092 : vector<16xf32>
        %add3A_1095 = arith.addf %add3A_1094, %unpack3A_1093 : vector<16xf32>
        %eq3A_1096 = arith.constant 14 : i32
        %eq3A_1097 = vector.broadcast %eq3A_1096 : i32 to vector<16xi32>
        %eq3A_1098 = arith.cmpi eq, %iota3A, %eq3A_1097 : vector<16xi32>
        %reduce_sum3A_1099 = arith.constant true
        %reduce_sum3A_1100 = vector.broadcast %reduce_sum3A_1099 : i1 to vector<16xi1>
        %reduce_sum3A_1101 = tpu.scan <sum>, %add3A_1095 masked %reduce_sum3A_1100 : vector<16xf32>, vector<16xi1> -> vector<16xf32>
        %reduce_sum3A_1102 = vector.extract %reduce_sum3A_1101[15] : f32 from vector<16xf32>
        %broadcast_in_dim3A_1103 = vector.broadcast %reduce_sum3A_1102 : f32 to vector<16xf32>
        %select_n3A_1104 = arith.select %eq3A_1098, %broadcast_in_dim3A_1103, %select_n3A_1037 : vector<16xi1>, vector<16xf32>
        %mul3A_1105 = arith.constant 16 : i32
        %mul3A_1106 = arith.muli %scan3A_104, %mul3A_1105 : i32
        %add3A_1107 = arith.constant 15 : i32
        %add3A_1108 = arith.addi %mul3A_1106, %add3A_1107 : i32
        %broadcast_in_dim3A_1109 = arith.constant 0.000000e+00 : f32
        %broadcast_in_dim3A_1110 = vector.broadcast %broadcast_in_dim3A_1109 : f32 to vector<16xf32>
        %get3A_1111 = arith.index_cast %add3A_1108 : i32 to index
        %get3A_1112 = arith.constant 0 : index
        %get3A_1113 = tpu.vector_load %arg10[%get3A_1111, %get3A_1112] {strides = array<i32>} : memref<80x64xi32, #tpu.memory_space<vmem>>, vector<16xi32>,
        %bitcast3A_1114 = vector.bitcast %get3A_1113 : vector<16xi32> to vector<32xbf16>
        %get3A_1115 = arith.index_cast %add3A_1108 : i32 to index
        %get3A_1116 = arith.constant 0 : index
        %get3A_1117 = tpu.vector_load %arg11[%get3A_1115, %get3A_1116] {strides = array<i32>} : memref<80x64xi32, #tpu.memory_space<vmem>>, vector<16xi32>,
        %bitcast3A_1118 = vector.bitcast %get3A_1117 : vector<16xi32> to vector<32xbf16>
        %mul3A_1119 = arith.mulf %bitcast3A_1114, %bitcast3A_1118 : vector<32xbf16>
        %unpack3A_1120 = tpu.unpack_subelements %mul3A_1119, 0 {pack_format = #tpu.pack_format<interleaved>} : vector<32xbf16> -> vector<16xf32>
        %unpack3A_1121 = tpu.unpack_subelements %mul3A_1119, 1 {pack_format = #tpu.pack_format<interleaved>} : vector<32xbf16> -> vector<16xf32>
        %add3A_1122 = arith.addf %broadcast_in_dim3A_1110, %unpack3A_1120 : vector<16xf32>
        %add3A_1123 = arith.addf %add3A_1122, %unpack3A_1121 : vector<16xf32>
        %get3A_1124 = arith.index_cast %add3A_1108 : i32 to index
        %get3A_1125 = arith.constant 16 : index
        %get3A_1126 = tpu.vector_load %arg10[%get3A_1124, %get3A_1125] {strides = array<i32>} : memref<80x64xi32, #tpu.memory_space<vmem>>, vector<16xi32>,
        %bitcast3A_1127 = vector.bitcast %get3A_1126 : vector<16xi32> to vector<32xbf16>
        %get3A_1128 = arith.index_cast %add3A_1108 : i32 to index
        %get3A_1129 = arith.constant 16 : index
        %get3A_1130 = tpu.vector_load %arg11[%get3A_1128, %get3A_1129] {strides = array<i32>} : memref<80x64xi32, #tpu.memory_space<vmem>>, vector<16xi32>,
        %bitcast3A_1131 = vector.bitcast %get3A_1130 : vector<16xi32> to vector<32xbf16>
        %mul3A_1132 = arith.mulf %bitcast3A_1127, %bitcast3A_1131 : vector<32xbf16>
        %unpack3A_1133 = tpu.unpack_subelements %mul3A_1132, 0 {pack_format = #tpu.pack_format<interleaved>} : vector<32xbf16> -> vector<16xf32>
        %unpack3A_1134 = tpu.unpack_subelements %mul3A_1132, 1 {pack_format = #tpu.pack_format<interleaved>} : vector<32xbf16> -> vector<16xf32>
        %add3A_1135 = arith.addf %add3A_1123, %unpack3A_1133 : vector<16xf32>
        %add3A_1136 = arith.addf %add3A_1135, %unpack3A_1134 : vector<16xf32>
        %get3A_1137 = arith.index_cast %add3A_1108 : i32 to index
        %get3A_1138 = arith.constant 32 : index
        %get3A_1139 = tpu.vector_load %arg10[%get3A_1137, %get3A_1138] {strides = array<i32>} : memref<80x64xi32, #tpu.memory_space<vmem>>, vector<16xi32>,
        %bitcast3A_1140 = vector.bitcast %get3A_1139 : vector<16xi32> to vector<32xbf16>
        %get3A_1141 = arith.index_cast %add3A_1108 : i32 to index
        %get3A_1142 = arith.constant 32 : index
        %get3A_1143 = tpu.vector_load %arg11[%get3A_1141, %get3A_1142] {strides = array<i32>} : memref<80x64xi32, #tpu.memory_space<vmem>>, vector<16xi32>,
        %bitcast3A_1144 = vector.bitcast %get3A_1143 : vector<16xi32> to vector<32xbf16>
        %mul3A_1145 = arith.mulf %bitcast3A_1140, %bitcast3A_1144 : vector<32xbf16>
        %unpack3A_1146 = tpu.unpack_subelements %mul3A_1145, 0 {pack_format = #tpu.pack_format<interleaved>} : vector<32xbf16> -> vector<16xf32>
        %unpack3A_1147 = tpu.unpack_subelements %mul3A_1145, 1 {pack_format = #tpu.pack_format<interleaved>} : vector<32xbf16> -> vector<16xf32>
        %add3A_1148 = arith.addf %add3A_1136, %unpack3A_1146 : vector<16xf32>
        %add3A_1149 = arith.addf %add3A_1148, %unpack3A_1147 : vector<16xf32>
        %get3A_1150 = arith.index_cast %add3A_1108 : i32 to index
        %get3A_1151 = arith.constant 48 : index
        %get3A_1152 = tpu.vector_load %arg10[%get3A_1150, %get3A_1151] {strides = array<i32>} : memref<80x64xi32, #tpu.memory_space<vmem>>, vector<16xi32>,
        %bitcast3A_1153 = vector.bitcast %get3A_1152 : vector<16xi32> to vector<32xbf16>
        %get3A_1154 = arith.index_cast %add3A_1108 : i32 to index
        %get3A_1155 = arith.constant 48 : index
        %get3A_1156 = tpu.vector_load %arg11[%get3A_1154, %get3A_1155] {strides = array<i32>} : memref<80x64xi32, #tpu.memory_space<vmem>>, vector<16xi32>,
        %bitcast3A_1157 = vector.bitcast %get3A_1156 : vector<16xi32> to vector<32xbf16>
        %mul3A_1158 = arith.mulf %bitcast3A_1153, %bitcast3A_1157 : vector<32xbf16>
        %unpack3A_1159 = tpu.unpack_subelements %mul3A_1158, 0 {pack_format = #tpu.pack_format<interleaved>} : vector<32xbf16> -> vector<16xf32>
        %unpack3A_1160 = tpu.unpack_subelements %mul3A_1158, 1 {pack_format = #tpu.pack_format<interleaved>} : vector<32xbf16> -> vector<16xf32>
        %add3A_1161 = arith.addf %add3A_1149, %unpack3A_1159 : vector<16xf32>
        %add3A_1162 = arith.addf %add3A_1161, %unpack3A_1160 : vector<16xf32>
        %eq3A_1163 = arith.constant 15 : i32
        %eq3A_1164 = vector.broadcast %eq3A_1163 : i32 to vector<16xi32>
        %eq3A_1165 = arith.cmpi eq, %iota3A, %eq3A_1164 : vector<16xi32>
        %reduce_sum3A_1166 = arith.constant true
        %reduce_sum3A_1167 = vector.broadcast %reduce_sum3A_1166 : i1 to vector<16xi1>
        %reduce_sum3A_1168 = tpu.scan <sum>, %add3A_1162 masked %reduce_sum3A_1167 : vector<16xf32>, vector<16xi1> -> vector<16xf32>
        %reduce_sum3A_1169 = vector.extract %reduce_sum3A_1168[15] : f32 from vector<16xf32>
        %broadcast_in_dim3A_1170 = vector.broadcast %reduce_sum3A_1169 : f32 to vector<16xf32>
        %select_n3A_1171 = arith.select %eq3A_1165, %broadcast_in_dim3A_1170, %select_n3A_1104 : vector<16xi1>, vector<16xf32>
        %mul3A_1172 = arith.constant 80 : i32
        %mul3A_1173 = arith.muli %add3A_97, %mul3A_1172 : i32
        %mul3A_1174 = arith.constant 16 : i32
        %mul3A_1175 = arith.muli %scan3A_104, %mul3A_1174 : i32
        %add3A_1176 = arith.addi %mul3A_1173, %mul3A_1175 : i32
        %swap3A = arith.index_cast %add3A_1176 : i32 to index
        %swap3A_1177 = tpu.vector_load %arg12[%swap3A] {strides = array<i32>} : memref<10000xf32, #tpu.memory_space<vmem>>, vector<16xf32>,
        tpu.vector_store %arg12[%swap3A], %select_n3A_1171 {strides = array<i32>} : memref<10000xf32, #tpu.memory_space<vmem>>, vector<16xf32>,
      }
      %scan3A_103 = arith.constant 5 : i32
    }
    %scan3A_17 = arith.constant 62 : i32
    %dma_wait3A = arith.constant 9920 : i32
    %dma_wait3A_18 = tpu.memref_slice %arg6[%dma_wait3A] : memref<10000xi32, #tpu.memory_space<vmem>> -> memref<80xi32, #tpu.memory_space<vmem>>
    %dma_wait3A_19 = arith.constant 0 : i32
    %dma_wait3A_20 = arith.constant 0 : i32
    %dma_wait3A_21 = tpu.memref_slice %arg2[%dma_wait3A_19, %dma_wait3A_20] : memref<10000x64xi32, #tpu.memory_space<hbm>> -> memref<10000x64xi32, #tpu.memory_space<hbm>>
    tpu.wait_indirect_dma semaphore(%arg13 : memref<!tpu.dma_semaphore, #tpu.memory_space<semaphore_mem>>) src(%dma_wait3A_21 : memref<10000x64xi32, #tpu.memory_space<hbm>>) dst(%arg8 : memref<80x64xi32, #tpu.memory_space<vmem>>)
    %dma_wait3A_22 = arith.constant 9920 : i32
    %dma_wait3A_23 = tpu.memref_slice %arg7[%dma_wait3A_22] : memref<10000xi32, #tpu.memory_space<vmem>> -> memref<80xi32, #tpu.memory_space<vmem>>
    %dma_wait3A_24 = arith.constant 0 : i32
    %dma_wait3A_25 = arith.constant 0 : i32
    %dma_wait3A_26 = tpu.memref_slice %arg3[%dma_wait3A_24, %dma_wait3A_25] : memref<10000x64xi32, #tpu.memory_space<hbm>> -> memref<10000x64xi32, #tpu.memory_space<hbm>>
    tpu.wait_indirect_dma semaphore(%arg14 : memref<!tpu.dma_semaphore, #tpu.memory_space<semaphore_mem>>) src(%dma_wait3A_26 : memref<10000x64xi32, #tpu.memory_space<hbm>>) dst(%arg9 : memref<80x64xi32, #tpu.memory_space<vmem>>)
    %scan3A_27 = arith.constant 0 : i32
    %scan3A_28 = arith.constant 0 : i32
    %scan3A_29 = arith.constant 5 : i32
    %scan3A_30 = arith.addi %scan3A_28, %scan3A_29 : i32
    %scan3A_31 = arith.constant 1 : i32
    scf.for %scan3A_33 = %scan3A_28 to %scan3A_30 step %scan3A_31  : i32 {
      %broadcast_in_dim3A = arith.constant 0.000000e+00 : f32
      %broadcast_in_dim3A_34 = vector.broadcast %broadcast_in_dim3A : f32 to vector<16xf32>
      %mul3A_35 = arith.constant 16 : i32
      %mul3A_36 = arith.muli %scan3A_33, %mul3A_35 : i32
      %add3A_37 = arith.constant 0 : i32
      %add3A_38 = arith.addi %mul3A_36, %add3A_37 : i32
      %broadcast_in_dim3A_39 = arith.constant 0.000000e+00 : f32
      %broadcast_in_dim3A_40 = vector.broadcast %broadcast_in_dim3A_39 : f32 to vector<16xf32>
      %get3A = arith.index_cast %add3A_38 : i32 to index
      %get3A_41 = arith.constant 0 : index
      %get3A_42 = tpu.vector_load %arg8[%get3A, %get3A_41] {strides = array<i32>} : memref<80x64xi32, #tpu.memory_space<vmem>>, vector<16xi32>,
      %bitcast3A = vector.bitcast %get3A_42 : vector<16xi32> to vector<32xbf16>
      %get3A_43 = arith.index_cast %add3A_38 : i32 to index
      %get3A_44 = arith.constant 0 : index
      %get3A_45 = tpu.vector_load %arg9[%get3A_43, %get3A_44] {strides = array<i32>} : memref<80x64xi32, #tpu.memory_space<vmem>>, vector<16xi32>,
      %bitcast3A_46 = vector.bitcast %get3A_45 : vector<16xi32> to vector<32xbf16>
      %mul3A_47 = arith.mulf %bitcast3A, %bitcast3A_46 : vector<32xbf16>
      %unpack3A = tpu.unpack_subelements %mul3A_47, 0 {pack_format = #tpu.pack_format<interleaved>} : vector<32xbf16> -> vector<16xf32>
      %unpack3A_48 = tpu.unpack_subelements %mul3A_47, 1 {pack_format = #tpu.pack_format<interleaved>} : vector<32xbf16> -> vector<16xf32>
      %add3A_49 = arith.addf %broadcast_in_dim3A_40, %unpack3A : vector<16xf32>
      %add3A_50 = arith.addf %add3A_49, %unpack3A_48 : vector<16xf32>
      %get3A_51 = arith.index_cast %add3A_38 : i32 to index
      %get3A_52 = arith.constant 16 : index
      %get3A_53 = tpu.vector_load %arg8[%get3A_51, %get3A_52] {strides = array<i32>} : memref<80x64xi32, #tpu.memory_space<vmem>>, vector<16xi32>,
      %bitcast3A_54 = vector.bitcast %get3A_53 : vector<16xi32> to vector<32xbf16>
      %get3A_55 = arith.index_cast %add3A_38 : i32 to index
      %get3A_56 = arith.constant 16 : index
      %get3A_57 = tpu.vector_load %arg9[%get3A_55, %get3A_56] {strides = array<i32>} : memref<80x64xi32, #tpu.memory_space<vmem>>, vector<16xi32>,
      %bitcast3A_58 = vector.bitcast %get3A_57 : vector<16xi32> to vector<32xbf16>
      %mul3A_59 = arith.mulf %bitcast3A_54, %bitcast3A_58 : vector<32xbf16>
      %unpack3A_60 = tpu.unpack_subelements %mul3A_59, 0 {pack_format = #tpu.pack_format<interleaved>} : vector<32xbf16> -> vector<16xf32>
      %unpack3A_61 = tpu.unpack_subelements %mul3A_59, 1 {pack_format = #tpu.pack_format<interleaved>} : vector<32xbf16> -> vector<16xf32>
      %add3A_62 = arith.addf %add3A_50, %unpack3A_60 : vector<16xf32>
      %add3A_63 = arith.addf %add3A_62, %unpack3A_61 : vector<16xf32>
      %get3A_64 = arith.index_cast %add3A_38 : i32 to index
      %get3A_65 = arith.constant 32 : index
      %get3A_66 = tpu.vector_load %arg8[%get3A_64, %get3A_65] {strides = array<i32>} : memref<80x64xi32, #tpu.memory_space<vmem>>, vector<16xi32>,
      %bitcast3A_67 = vector.bitcast %get3A_66 : vector<16xi32> to vector<32xbf16>
      %get3A_68 = arith.index_cast %add3A_38 : i32 to index
      %get3A_69 = arith.constant 32 : index
      %get3A_70 = tpu.vector_load %arg9[%get3A_68, %get3A_69] {strides = array<i32>} : memref<80x64xi32, #tpu.memory_space<vmem>>, vector<16xi32>,
      %bitcast3A_71 = vector.bitcast %get3A_70 : vector<16xi32> to vector<32xbf16>
      %mul3A_72 = arith.mulf %bitcast3A_67, %bitcast3A_71 : vector<32xbf16>
      %unpack3A_73 = tpu.unpack_subelements %mul3A_72, 0 {pack_format = #tpu.pack_format<interleaved>} : vector<32xbf16> -> vector<16xf32>
      %unpack3A_74 = tpu.unpack_subelements %mul3A_72, 1 {pack_format = #tpu.pack_format<interleaved>} : vector<32xbf16> -> vector<16xf32>
      %add3A_75 = arith.addf %add3A_63, %unpack3A_73 : vector<16xf32>
      %add3A_76 = arith.addf %add3A_75, %unpack3A_74 : vector<16xf32>
      %get3A_77 = arith.index_cast %add3A_38 : i32 to index
      %get3A_78 = arith.constant 48 : index
      %get3A_79 = tpu.vector_load %arg8[%get3A_77, %get3A_78] {strides = array<i32>} : memref<80x64xi32, #tpu.memory_space<vmem>>, vector<16xi32>,
      %bitcast3A_80 = vector.bitcast %get3A_79 : vector<16xi32> to vector<32xbf16>
      %get3A_81 = arith.index_cast %add3A_38 : i32 to index
      %get3A_82 = arith.constant 48 : index
      %get3A_83 = tpu.vector_load %arg9[%get3A_81, %get3A_82] {strides = array<i32>} : memref<80x64xi32, #tpu.memory_space<vmem>>, vector<16xi32>,
      %bitcast3A_84 = vector.bitcast %get3A_83 : vector<16xi32> to vector<32xbf16>
      %mul3A_85 = arith.mulf %bitcast3A_80, %bitcast3A_84 : vector<32xbf16>
      %unpack3A_86 = tpu.unpack_subelements %mul3A_85, 0 {pack_format = #tpu.pack_format<interleaved>} : vector<32xbf16> -> vector<16xf32>
      %unpack3A_87 = tpu.unpack_subelements %mul3A_85, 1 {pack_format = #tpu.pack_format<interleaved>} : vector<32xbf16> -> vector<16xf32>
      %add3A_88 = arith.addf %add3A_76, %unpack3A_86 : vector<16xf32>
      %add3A_89 = arith.addf %add3A_88, %unpack3A_87 : vector<16xf32>
      %eq3A = arith.constant 0 : i32
      %eq3A_90 = vector.broadcast %eq3A : i32 to vector<16xi32>
      %eq3A_91 = arith.cmpi eq, %iota3A, %eq3A_90 : vector<16xi32>
      %reduce_sum3A = arith.constant true
      %reduce_sum3A_92 = vector.broadcast %reduce_sum3A : i1 to vector<16xi1>
      %reduce_sum3A_93 = tpu.scan <sum>, %add3A_89 masked %reduce_sum3A_92 : vector<16xf32>, vector<16xi1> -> vector<16xf32>
      %reduce_sum3A_94 = vector.extract %reduce_sum3A_93[15] : f32 from vector<16xf32>
      %broadcast_in_dim3A_95 = vector.broadcast %reduce_sum3A_94 : f32 to vector<16xf32>
      %select_n3A = arith.select %eq3A_91, %broadcast_in_dim3A_95, %broadcast_in_dim3A_34 : vector<16xi1>, vector<16xf32>
      %mul3A_96 = arith.constant 16 : i32
      %mul3A_97 = arith.muli %scan3A_33, %mul3A_96 : i32
      %add3A_98 = arith.constant 1 : i32
      %add3A_99 = arith.addi %mul3A_97, %add3A_98 : i32
      %broadcast_in_dim3A_100 = arith.constant 0.000000e+00 : f32
      %broadcast_in_dim3A_101 = vector.broadcast %broadcast_in_dim3A_100 : f32 to vector<16xf32>
      %get3A_102 = arith.index_cast %add3A_99 : i32 to index
      %get3A_103 = arith.constant 0 : index
      %get3A_104 = tpu.vector_load %arg8[%get3A_102, %get3A_103] {strides = array<i32>} : memref<80x64xi32, #tpu.memory_space<vmem>>, vector<16xi32>,
      %bitcast3A_105 = vector.bitcast %get3A_104 : vector<16xi32> to vector<32xbf16>
      %get3A_106 = arith.index_cast %add3A_99 : i32 to index
      %get3A_107 = arith.constant 0 : index
      %get3A_108 = tpu.vector_load %arg9[%get3A_106, %get3A_107] {strides = array<i32>} : memref<80x64xi32, #tpu.memory_space<vmem>>, vector<16xi32>,
      %bitcast3A_109 = vector.bitcast %get3A_108 : vector<16xi32> to vector<32xbf16>
      %mul3A_110 = arith.mulf %bitcast3A_105, %bitcast3A_109 : vector<32xbf16>
      %unpack3A_111 = tpu.unpack_subelements %mul3A_110, 0 {pack_format = #tpu.pack_format<interleaved>} : vector<32xbf16> -> vector<16xf32>
      %unpack3A_112 = tpu.unpack_subelements %mul3A_110, 1 {pack_format = #tpu.pack_format<interleaved>} : vector<32xbf16> -> vector<16xf32>
      %add3A_113 = arith.addf %broadcast_in_dim3A_101, %unpack3A_111 : vector<16xf32>
      %add3A_114 = arith.addf %add3A_113, %unpack3A_112 : vector<16xf32>
      %get3A_115 = arith.index_cast %add3A_99 : i32 to index
      %get3A_116 = arith.constant 16 : index
      %get3A_117 = tpu.vector_load %arg8[%get3A_115, %get3A_116] {strides = array<i32>} : memref<80x64xi32, #tpu.memory_space<vmem>>, vector<16xi32>,
      %bitcast3A_118 = vector.bitcast %get3A_117 : vector<16xi32> to vector<32xbf16>
      %get3A_119 = arith.index_cast %add3A_99 : i32 to index
      %get3A_120 = arith.constant 16 : index
      %get3A_121 = tpu.vector_load %arg9[%get3A_119, %get3A_120] {strides = array<i32>} : memref<80x64xi32, #tpu.memory_space<vmem>>, vector<16xi32>,
      %bitcast3A_122 = vector.bitcast %get3A_121 : vector<16xi32> to vector<32xbf16>
      %mul3A_123 = arith.mulf %bitcast3A_118, %bitcast3A_122 : vector<32xbf16>
      %unpack3A_124 = tpu.unpack_subelements %mul3A_123, 0 {pack_format = #tpu.pack_format<interleaved>} : vector<32xbf16> -> vector<16xf32>
      %unpack3A_125 = tpu.unpack_subelements %mul3A_123, 1 {pack_format = #tpu.pack_format<interleaved>} : vector<32xbf16> -> vector<16xf32>
      %add3A_126 = arith.addf %add3A_114, %unpack3A_124 : vector<16xf32>
      %add3A_127 = arith.addf %add3A_126, %unpack3A_125 : vector<16xf32>
      %get3A_128 = arith.index_cast %add3A_99 : i32 to index
      %get3A_129 = arith.constant 32 : index
      %get3A_130 = tpu.vector_load %arg8[%get3A_128, %get3A_129] {strides = array<i32>} : memref<80x64xi32, #tpu.memory_space<vmem>>, vector<16xi32>,
      %bitcast3A_131 = vector.bitcast %get3A_130 : vector<16xi32> to vector<32xbf16>
      %get3A_132 = arith.index_cast %add3A_99 : i32 to index
      %get3A_133 = arith.constant 32 : index
      %get3A_134 = tpu.vector_load %arg9[%get3A_132, %get3A_133] {strides = array<i32>} : memref<80x64xi32, #tpu.memory_space<vmem>>, vector<16xi32>,
      %bitcast3A_135 = vector.bitcast %get3A_134 : vector<16xi32> to vector<32xbf16>
      %mul3A_136 = arith.mulf %bitcast3A_131, %bitcast3A_135 : vector<32xbf16>
      %unpack3A_137 = tpu.unpack_subelements %mul3A_136, 0 {pack_format = #tpu.pack_format<interleaved>} : vector<32xbf16> -> vector<16xf32>
      %unpack3A_138 = tpu.unpack_subelements %mul3A_136, 1 {pack_format = #tpu.pack_format<interleaved>} : vector<32xbf16> -> vector<16xf32>
      %add3A_139 = arith.addf %add3A_127, %unpack3A_137 : vector<16xf32>
      %add3A_140 = arith.addf %add3A_139, %unpack3A_138 : vector<16xf32>
      %get3A_141 = arith.index_cast %add3A_99 : i32 to index
      %get3A_142 = arith.constant 48 : index
      %get3A_143 = tpu.vector_load %arg8[%get3A_141, %get3A_142] {strides = array<i32>} : memref<80x64xi32, #tpu.memory_space<vmem>>, vector<16xi32>,
      %bitcast3A_144 = vector.bitcast %get3A_143 : vector<16xi32> to vector<32xbf16>
      %get3A_145 = arith.index_cast %add3A_99 : i32 to index
      %get3A_146 = arith.constant 48 : index
      %get3A_147 = tpu.vector_load %arg9[%get3A_145, %get3A_146] {strides = array<i32>} : memref<80x64xi32, #tpu.memory_space<vmem>>, vector<16xi32>,
      %bitcast3A_148 = vector.bitcast %get3A_147 : vector<16xi32> to vector<32xbf16>
      %mul3A_149 = arith.mulf %bitcast3A_144, %bitcast3A_148 : vector<32xbf16>
      %unpack3A_150 = tpu.unpack_subelements %mul3A_149, 0 {pack_format = #tpu.pack_format<interleaved>} : vector<32xbf16> -> vector<16xf32>
      %unpack3A_151 = tpu.unpack_subelements %mul3A_149, 1 {pack_format = #tpu.pack_format<interleaved>} : vector<32xbf16> -> vector<16xf32>
      %add3A_152 = arith.addf %add3A_140, %unpack3A_150 : vector<16xf32>
      %add3A_153 = arith.addf %add3A_152, %unpack3A_151 : vector<16xf32>
      %eq3A_154 = arith.constant 1 : i32
      %eq3A_155 = vector.broadcast %eq3A_154 : i32 to vector<16xi32>
      %eq3A_156 = arith.cmpi eq, %iota3A, %eq3A_155 : vector<16xi32>
      %reduce_sum3A_157 = arith.constant true
      %reduce_sum3A_158 = vector.broadcast %reduce_sum3A_157 : i1 to vector<16xi1>
      %reduce_sum3A_159 = tpu.scan <sum>, %add3A_153 masked %reduce_sum3A_158 : vector<16xf32>, vector<16xi1> -> vector<16xf32>
      %reduce_sum3A_160 = vector.extract %reduce_sum3A_159[15] : f32 from vector<16xf32>
      %broadcast_in_dim3A_161 = vector.broadcast %reduce_sum3A_160 : f32 to vector<16xf32>
      %select_n3A_162 = arith.select %eq3A_156, %broadcast_in_dim3A_161, %select_n3A : vector<16xi1>, vector<16xf32>
      %mul3A_163 = arith.constant 16 : i32
      %mul3A_164 = arith.muli %scan3A_33, %mul3A_163 : i32
      %add3A_165 = arith.constant 2 : i32
      %add3A_166 = arith.addi %mul3A_164, %add3A_165 : i32
      %broadcast_in_dim3A_167 = arith.constant 0.000000e+00 : f32
      %broadcast_in_dim3A_168 = vector.broadcast %broadcast_in_dim3A_167 : f32 to vector<16xf32>
      %get3A_169 = arith.index_cast %add3A_166 : i32 to index
      %get3A_170 = arith.constant 0 : index
      %get3A_171 = tpu.vector_load %arg8[%get3A_169, %get3A_170] {strides = array<i32>} : memref<80x64xi32, #tpu.memory_space<vmem>>, vector<16xi32>,
      %bitcast3A_172 = vector.bitcast %get3A_171 : vector<16xi32> to vector<32xbf16>
      %get3A_173 = arith.index_cast %add3A_166 : i32 to index
      %get3A_174 = arith.constant 0 : index
      %get3A_175 = tpu.vector_load %arg9[%get3A_173, %get3A_174] {strides = array<i32>} : memref<80x64xi32, #tpu.memory_space<vmem>>, vector<16xi32>,
      %bitcast3A_176 = vector.bitcast %get3A_175 : vector<16xi32> to vector<32xbf16>
      %mul3A_177 = arith.mulf %bitcast3A_172, %bitcast3A_176 : vector<32xbf16>
      %unpack3A_178 = tpu.unpack_subelements %mul3A_177, 0 {pack_format = #tpu.pack_format<interleaved>} : vector<32xbf16> -> vector<16xf32>
      %unpack3A_179 = tpu.unpack_subelements %mul3A_177, 1 {pack_format = #tpu.pack_format<interleaved>} : vector<32xbf16> -> vector<16xf32>
      %add3A_180 = arith.addf %broadcast_in_dim3A_168, %unpack3A_178 : vector<16xf32>
      %add3A_181 = arith.addf %add3A_180, %unpack3A_179 : vector<16xf32>
      %get3A_182 = arith.index_cast %add3A_166 : i32 to index
      %get3A_183 = arith.constant 16 : index
      %get3A_184 = tpu.vector_load %arg8[%get3A_182, %get3A_183] {strides = array<i32>} : memref<80x64xi32, #tpu.memory_space<vmem>>, vector<16xi32>,
      %bitcast3A_185 = vector.bitcast %get3A_184 : vector<16xi32> to vector<32xbf16>
      %get3A_186 = arith.index_cast %add3A_166 : i32 to index
      %get3A_187 = arith.constant 16 : index
      %get3A_188 = tpu.vector_load %arg9[%get3A_186, %get3A_187] {strides = array<i32>} : memref<80x64xi32, #tpu.memory_space<vmem>>, vector<16xi32>,
      %bitcast3A_189 = vector.bitcast %get3A_188 : vector<16xi32> to vector<32xbf16>
      %mul3A_190 = arith.mulf %bitcast3A_185, %bitcast3A_189 : vector<32xbf16>
      %unpack3A_191 = tpu.unpack_subelements %mul3A_190, 0 {pack_format = #tpu.pack_format<interleaved>} : vector<32xbf16> -> vector<16xf32>
      %unpack3A_192 = tpu.unpack_subelements %mul3A_190, 1 {pack_format = #tpu.pack_format<interleaved>} : vector<32xbf16> -> vector<16xf32>
      %add3A_193 = arith.addf %add3A_181, %unpack3A_191 : vector<16xf32>
      %add3A_194 = arith.addf %add3A_193, %unpack3A_192 : vector<16xf32>
      %get3A_195 = arith.index_cast %add3A_166 : i32 to index
      %get3A_196 = arith.constant 32 : index
      %get3A_197 = tpu.vector_load %arg8[%get3A_195, %get3A_196] {strides = array<i32>} : memref<80x64xi32, #tpu.memory_space<vmem>>, vector<16xi32>,
      %bitcast3A_198 = vector.bitcast %get3A_197 : vector<16xi32> to vector<32xbf16>
      %get3A_199 = arith.index_cast %add3A_166 : i32 to index
      %get3A_200 = arith.constant 32 : index
      %get3A_201 = tpu.vector_load %arg9[%get3A_199, %get3A_200] {strides = array<i32>} : memref<80x64xi32, #tpu.memory_space<vmem>>, vector<16xi32>,
      %bitcast3A_202 = vector.bitcast %get3A_201 : vector<16xi32> to vector<32xbf16>
      %mul3A_203 = arith.mulf %bitcast3A_198, %bitcast3A_202 : vector<32xbf16>
      %unpack3A_204 = tpu.unpack_subelements %mul3A_203, 0 {pack_format = #tpu.pack_format<interleaved>} : vector<32xbf16> -> vector<16xf32>
      %unpack3A_205 = tpu.unpack_subelements %mul3A_203, 1 {pack_format = #tpu.pack_format<interleaved>} : vector<32xbf16> -> vector<16xf32>
      %add3A_206 = arith.addf %add3A_194, %unpack3A_204 : vector<16xf32>
      %add3A_207 = arith.addf %add3A_206, %unpack3A_205 : vector<16xf32>
      %get3A_208 = arith.index_cast %add3A_166 : i32 to index
      %get3A_209 = arith.constant 48 : index
      %get3A_210 = tpu.vector_load %arg8[%get3A_208, %get3A_209] {strides = array<i32>} : memref<80x64xi32, #tpu.memory_space<vmem>>, vector<16xi32>,
      %bitcast3A_211 = vector.bitcast %get3A_210 : vector<16xi32> to vector<32xbf16>
      %get3A_212 = arith.index_cast %add3A_166 : i32 to index
      %get3A_213 = arith.constant 48 : index
      %get3A_214 = tpu.vector_load %arg9[%get3A_212, %get3A_213] {strides = array<i32>} : memref<80x64xi32, #tpu.memory_space<vmem>>, vector<16xi32>,
      %bitcast3A_215 = vector.bitcast %get3A_214 : vector<16xi32> to vector<32xbf16>
      %mul3A_216 = arith.mulf %bitcast3A_211, %bitcast3A_215 : vector<32xbf16>
      %unpack3A_217 = tpu.unpack_subelements %mul3A_216, 0 {pack_format = #tpu.pack_format<interleaved>} : vector<32xbf16> -> vector<16xf32>
      %unpack3A_218 = tpu.unpack_subelements %mul3A_216, 1 {pack_format = #tpu.pack_format<interleaved>} : vector<32xbf16> -> vector<16xf32>
      %add3A_219 = arith.addf %add3A_207, %unpack3A_217 : vector<16xf32>
      %add3A_220 = arith.addf %add3A_219, %unpack3A_218 : vector<16xf32>
      %eq3A_221 = arith.constant 2 : i32
      %eq3A_222 = vector.broadcast %eq3A_221 : i32 to vector<16xi32>
      %eq3A_223 = arith.cmpi eq, %iota3A, %eq3A_222 : vector<16xi32>
      %reduce_sum3A_224 = arith.constant true
      %reduce_sum3A_225 = vector.broadcast %reduce_sum3A_224 : i1 to vector<16xi1>
      %reduce_sum3A_226 = tpu.scan <sum>, %add3A_220 masked %reduce_sum3A_225 : vector<16xf32>, vector<16xi1> -> vector<16xf32>
      %reduce_sum3A_227 = vector.extract %reduce_sum3A_226[15] : f32 from vector<16xf32>
      %broadcast_in_dim3A_228 = vector.broadcast %reduce_sum3A_227 : f32 to vector<16xf32>
      %select_n3A_229 = arith.select %eq3A_223, %broadcast_in_dim3A_228, %select_n3A_162 : vector<16xi1>, vector<16xf32>
      %mul3A_230 = arith.constant 16 : i32
      %mul3A_231 = arith.muli %scan3A_33, %mul3A_230 : i32
      %add3A_232 = arith.constant 3 : i32
      %add3A_233 = arith.addi %mul3A_231, %add3A_232 : i32
      %broadcast_in_dim3A_234 = arith.constant 0.000000e+00 : f32
      %broadcast_in_dim3A_235 = vector.broadcast %broadcast_in_dim3A_234 : f32 to vector<16xf32>
      %get3A_236 = arith.index_cast %add3A_233 : i32 to index
      %get3A_237 = arith.constant 0 : index
      %get3A_238 = tpu.vector_load %arg8[%get3A_236, %get3A_237] {strides = array<i32>} : memref<80x64xi32, #tpu.memory_space<vmem>>, vector<16xi32>,
      %bitcast3A_239 = vector.bitcast %get3A_238 : vector<16xi32> to vector<32xbf16>
      %get3A_240 = arith.index_cast %add3A_233 : i32 to index
      %get3A_241 = arith.constant 0 : index
      %get3A_242 = tpu.vector_load %arg9[%get3A_240, %get3A_241] {strides = array<i32>} : memref<80x64xi32, #tpu.memory_space<vmem>>, vector<16xi32>,
      %bitcast3A_243 = vector.bitcast %get3A_242 : vector<16xi32> to vector<32xbf16>
      %mul3A_244 = arith.mulf %bitcast3A_239, %bitcast3A_243 : vector<32xbf16>
      %unpack3A_245 = tpu.unpack_subelements %mul3A_244, 0 {pack_format = #tpu.pack_format<interleaved>} : vector<32xbf16> -> vector<16xf32>
      %unpack3A_246 = tpu.unpack_subelements %mul3A_244, 1 {pack_format = #tpu.pack_format<interleaved>} : vector<32xbf16> -> vector<16xf32>
      %add3A_247 = arith.addf %broadcast_in_dim3A_235, %unpack3A_245 : vector<16xf32>
      %add3A_248 = arith.addf %add3A_247, %unpack3A_246 : vector<16xf32>
      %get3A_249 = arith.index_cast %add3A_233 : i32 to index
      %get3A_250 = arith.constant 16 : index
      %get3A_251 = tpu.vector_load %arg8[%get3A_249, %get3A_250] {strides = array<i32>} : memref<80x64xi32, #tpu.memory_space<vmem>>, vector<16xi32>,
      %bitcast3A_252 = vector.bitcast %get3A_251 : vector<16xi32> to vector<32xbf16>
      %get3A_253 = arith.index_cast %add3A_233 : i32 to index
      %get3A_254 = arith.constant 16 : index
      %get3A_255 = tpu.vector_load %arg9[%get3A_253, %get3A_254] {strides = array<i32>} : memref<80x64xi32, #tpu.memory_space<vmem>>, vector<16xi32>,
      %bitcast3A_256 = vector.bitcast %get3A_255 : vector<16xi32> to vector<32xbf16>
      %mul3A_257 = arith.mulf %bitcast3A_252, %bitcast3A_256 : vector<32xbf16>
      %unpack3A_258 = tpu.unpack_subelements %mul3A_257, 0 {pack_format = #tpu.pack_format<interleaved>} : vector<32xbf16> -> vector<16xf32>
      %unpack3A_259 = tpu.unpack_subelements %mul3A_257, 1 {pack_format = #tpu.pack_format<interleaved>} : vector<32xbf16> -> vector<16xf32>
      %add3A_260 = arith.addf %add3A_248, %unpack3A_258 : vector<16xf32>
      %add3A_261 = arith.addf %add3A_260, %unpack3A_259 : vector<16xf32>
      %get3A_262 = arith.index_cast %add3A_233 : i32 to index
      %get3A_263 = arith.constant 32 : index
      %get3A_264 = tpu.vector_load %arg8[%get3A_262, %get3A_263] {strides = array<i32>} : memref<80x64xi32, #tpu.memory_space<vmem>>, vector<16xi32>,
      %bitcast3A_265 = vector.bitcast %get3A_264 : vector<16xi32> to vector<32xbf16>
      %get3A_266 = arith.index_cast %add3A_233 : i32 to index
      %get3A_267 = arith.constant 32 : index
      %get3A_268 = tpu.vector_load %arg9[%get3A_266, %get3A_267] {strides = array<i32>} : memref<80x64xi32, #tpu.memory_space<vmem>>, vector<16xi32>,
      %bitcast3A_269 = vector.bitcast %get3A_268 : vector<16xi32> to vector<32xbf16>
      %mul3A_270 = arith.mulf %bitcast3A_265, %bitcast3A_269 : vector<32xbf16>
      %unpack3A_271 = tpu.unpack_subelements %mul3A_270, 0 {pack_format = #tpu.pack_format<interleaved>} : vector<32xbf16> -> vector<16xf32>
      %unpack3A_272 = tpu.unpack_subelements %mul3A_270, 1 {pack_format = #tpu.pack_format<interleaved>} : vector<32xbf16> -> vector<16xf32>
      %add3A_273 = arith.addf %add3A_261, %unpack3A_271 : vector<16xf32>
      %add3A_274 = arith.addf %add3A_273, %unpack3A_272 : vector<16xf32>
      %get3A_275 = arith.index_cast %add3A_233 : i32 to index
      %get3A_276 = arith.constant 48 : index
      %get3A_277 = tpu.vector_load %arg8[%get3A_275, %get3A_276] {strides = array<i32>} : memref<80x64xi32, #tpu.memory_space<vmem>>, vector<16xi32>,
      %bitcast3A_278 = vector.bitcast %get3A_277 : vector<16xi32> to vector<32xbf16>
      %get3A_279 = arith.index_cast %add3A_233 : i32 to index
      %get3A_280 = arith.constant 48 : index
      %get3A_281 = tpu.vector_load %arg9[%get3A_279, %get3A_280] {strides = array<i32>} : memref<80x64xi32, #tpu.memory_space<vmem>>, vector<16xi32>,
      %bitcast3A_282 = vector.bitcast %get3A_281 : vector<16xi32> to vector<32xbf16>
      %mul3A_283 = arith.mulf %bitcast3A_278, %bitcast3A_282 : vector<32xbf16>
      %unpack3A_284 = tpu.unpack_subelements %mul3A_283, 0 {pack_format = #tpu.pack_format<interleaved>} : vector<32xbf16> -> vector<16xf32>
      %unpack3A_285 = tpu.unpack_subelements %mul3A_283, 1 {pack_format = #tpu.pack_format<interleaved>} : vector<32xbf16> -> vector<16xf32>
      %add3A_286 = arith.addf %add3A_274, %unpack3A_284 : vector<16xf32>
      %add3A_287 = arith.addf %add3A_286, %unpack3A_285 : vector<16xf32>
      %eq3A_288 = arith.constant 3 : i32
      %eq3A_289 = vector.broadcast %eq3A_288 : i32 to vector<16xi32>
      %eq3A_290 = arith.cmpi eq, %iota3A, %eq3A_289 : vector<16xi32>
      %reduce_sum3A_291 = arith.constant true
      %reduce_sum3A_292 = vector.broadcast %reduce_sum3A_291 : i1 to vector<16xi1>
      %reduce_sum3A_293 = tpu.scan <sum>, %add3A_287 masked %reduce_sum3A_292 : vector<16xf32>, vector<16xi1> -> vector<16xf32>
      %reduce_sum3A_294 = vector.extract %reduce_sum3A_293[15] : f32 from vector<16xf32>
      %broadcast_in_dim3A_295 = vector.broadcast %reduce_sum3A_294 : f32 to vector<16xf32>
      %select_n3A_296 = arith.select %eq3A_290, %broadcast_in_dim3A_295, %select_n3A_229 : vector<16xi1>, vector<16xf32>
      %mul3A_297 = arith.constant 16 : i32
      %mul3A_298 = arith.muli %scan3A_33, %mul3A_297 : i32
      %add3A_299 = arith.constant 4 : i32
      %add3A_300 = arith.addi %mul3A_298, %add3A_299 : i32
      %broadcast_in_dim3A_301 = arith.constant 0.000000e+00 : f32
      %broadcast_in_dim3A_302 = vector.broadcast %broadcast_in_dim3A_301 : f32 to vector<16xf32>
      %get3A_303 = arith.index_cast %add3A_300 : i32 to index
      %get3A_304 = arith.constant 0 : index
      %get3A_305 = tpu.vector_load %arg8[%get3A_303, %get3A_304] {strides = array<i32>} : memref<80x64xi32, #tpu.memory_space<vmem>>, vector<16xi32>,
      %bitcast3A_306 = vector.bitcast %get3A_305 : vector<16xi32> to vector<32xbf16>
      %get3A_307 = arith.index_cast %add3A_300 : i32 to index
      %get3A_308 = arith.constant 0 : index
      %get3A_309 = tpu.vector_load %arg9[%get3A_307, %get3A_308] {strides = array<i32>} : memref<80x64xi32, #tpu.memory_space<vmem>>, vector<16xi32>,
      %bitcast3A_310 = vector.bitcast %get3A_309 : vector<16xi32> to vector<32xbf16>
      %mul3A_311 = arith.mulf %bitcast3A_306, %bitcast3A_310 : vector<32xbf16>
      %unpack3A_312 = tpu.unpack_subelements %mul3A_311, 0 {pack_format = #tpu.pack_format<interleaved>} : vector<32xbf16> -> vector<16xf32>
      %unpack3A_313 = tpu.unpack_subelements %mul3A_311, 1 {pack_format = #tpu.pack_format<interleaved>} : vector<32xbf16> -> vector<16xf32>
      %add3A_314 = arith.addf %broadcast_in_dim3A_302, %unpack3A_312 : vector<16xf32>
      %add3A_315 = arith.addf %add3A_314, %unpack3A_313 : vector<16xf32>
      %get3A_316 = arith.index_cast %add3A_300 : i32 to index
      %get3A_317 = arith.constant 16 : index
      %get3A_318 = tpu.vector_load %arg8[%get3A_316, %get3A_317] {strides = array<i32>} : memref<80x64xi32, #tpu.memory_space<vmem>>, vector<16xi32>,
      %bitcast3A_319 = vector.bitcast %get3A_318 : vector<16xi32> to vector<32xbf16>
      %get3A_320 = arith.index_cast %add3A_300 : i32 to index
      %get3A_321 = arith.constant 16 : index
      %get3A_322 = tpu.vector_load %arg9[%get3A_320, %get3A_321] {strides = array<i32>} : memref<80x64xi32, #tpu.memory_space<vmem>>, vector<16xi32>,
      %bitcast3A_323 = vector.bitcast %get3A_322 : vector<16xi32> to vector<32xbf16>
      %mul3A_324 = arith.mulf %bitcast3A_319, %bitcast3A_323 : vector<32xbf16>
      %unpack3A_325 = tpu.unpack_subelements %mul3A_324, 0 {pack_format = #tpu.pack_format<interleaved>} : vector<32xbf16> -> vector<16xf32>
      %unpack3A_326 = tpu.unpack_subelements %mul3A_324, 1 {pack_format = #tpu.pack_format<interleaved>} : vector<32xbf16> -> vector<16xf32>
      %add3A_327 = arith.addf %add3A_315, %unpack3A_325 : vector<16xf32>
      %add3A_328 = arith.addf %add3A_327, %unpack3A_326 : vector<16xf32>
      %get3A_329 = arith.index_cast %add3A_300 : i32 to index
      %get3A_330 = arith.constant 32 : index
      %get3A_331 = tpu.vector_load %arg8[%get3A_329, %get3A_330] {strides = array<i32>} : memref<80x64xi32, #tpu.memory_space<vmem>>, vector<16xi32>,
      %bitcast3A_332 = vector.bitcast %get3A_331 : vector<16xi32> to vector<32xbf16>
      %get3A_333 = arith.index_cast %add3A_300 : i32 to index
      %get3A_334 = arith.constant 32 : index
      %get3A_335 = tpu.vector_load %arg9[%get3A_333, %get3A_334] {strides = array<i32>} : memref<80x64xi32, #tpu.memory_space<vmem>>, vector<16xi32>,
      %bitcast3A_336 = vector.bitcast %get3A_335 : vector<16xi32> to vector<32xbf16>
      %mul3A_337 = arith.mulf %bitcast3A_332, %bitcast3A_336 : vector<32xbf16>
      %unpack3A_338 = tpu.unpack_subelements %mul3A_337, 0 {pack_format = #tpu.pack_format<interleaved>} : vector<32xbf16> -> vector<16xf32>
      %unpack3A_339 = tpu.unpack_subelements %mul3A_337, 1 {pack_format = #tpu.pack_format<interleaved>} : vector<32xbf16> -> vector<16xf32>
      %add3A_340 = arith.addf %add3A_328, %unpack3A_338 : vector<16xf32>
      %add3A_341 = arith.addf %add3A_340, %unpack3A_339 : vector<16xf32>
      %get3A_342 = arith.index_cast %add3A_300 : i32 to index
      %get3A_343 = arith.constant 48 : index
      %get3A_344 = tpu.vector_load %arg8[%get3A_342, %get3A_343] {strides = array<i32>} : memref<80x64xi32, #tpu.memory_space<vmem>>, vector<16xi32>,
      %bitcast3A_345 = vector.bitcast %get3A_344 : vector<16xi32> to vector<32xbf16>
      %get3A_346 = arith.index_cast %add3A_300 : i32 to index
      %get3A_347 = arith.constant 48 : index
      %get3A_348 = tpu.vector_load %arg9[%get3A_346, %get3A_347] {strides = array<i32>} : memref<80x64xi32, #tpu.memory_space<vmem>>, vector<16xi32>,
      %bitcast3A_349 = vector.bitcast %get3A_348 : vector<16xi32> to vector<32xbf16>
      %mul3A_350 = arith.mulf %bitcast3A_345, %bitcast3A_349 : vector<32xbf16>
      %unpack3A_351 = tpu.unpack_subelements %mul3A_350, 0 {pack_format = #tpu.pack_format<interleaved>} : vector<32xbf16> -> vector<16xf32>
      %unpack3A_352 = tpu.unpack_subelements %mul3A_350, 1 {pack_format = #tpu.pack_format<interleaved>} : vector<32xbf16> -> vector<16xf32>
      %add3A_353 = arith.addf %add3A_341, %unpack3A_351 : vector<16xf32>
      %add3A_354 = arith.addf %add3A_353, %unpack3A_352 : vector<16xf32>
      %eq3A_355 = arith.constant 4 : i32
      %eq3A_356 = vector.broadcast %eq3A_355 : i32 to vector<16xi32>
      %eq3A_357 = arith.cmpi eq, %iota3A, %eq3A_356 : vector<16xi32>
      %reduce_sum3A_358 = arith.constant true
      %reduce_sum3A_359 = vector.broadcast %reduce_sum3A_358 : i1 to vector<16xi1>
      %reduce_sum3A_360 = tpu.scan <sum>, %add3A_354 masked %reduce_sum3A_359 : vector<16xf32>, vector<16xi1> -> vector<16xf32>
      %reduce_sum3A_361 = vector.extract %reduce_sum3A_360[15] : f32 from vector<16xf32>
      %broadcast_in_dim3A_362 = vector.broadcast %reduce_sum3A_361 : f32 to vector<16xf32>
      %select_n3A_363 = arith.select %eq3A_357, %broadcast_in_dim3A_362, %select_n3A_296 : vector<16xi1>, vector<16xf32>
      %mul3A_364 = arith.constant 16 : i32
      %mul3A_365 = arith.muli %scan3A_33, %mul3A_364 : i32
      %add3A_366 = arith.constant 5 : i32
      %add3A_367 = arith.addi %mul3A_365, %add3A_366 : i32
      %broadcast_in_dim3A_368 = arith.constant 0.000000e+00 : f32
      %broadcast_in_dim3A_369 = vector.broadcast %broadcast_in_dim3A_368 : f32 to vector<16xf32>
      %get3A_370 = arith.index_cast %add3A_367 : i32 to index
      %get3A_371 = arith.constant 0 : index
      %get3A_372 = tpu.vector_load %arg8[%get3A_370, %get3A_371] {strides = array<i32>} : memref<80x64xi32, #tpu.memory_space<vmem>>, vector<16xi32>,
      %bitcast3A_373 = vector.bitcast %get3A_372 : vector<16xi32> to vector<32xbf16>
      %get3A_374 = arith.index_cast %add3A_367 : i32 to index
      %get3A_375 = arith.constant 0 : index
      %get3A_376 = tpu.vector_load %arg9[%get3A_374, %get3A_375] {strides = array<i32>} : memref<80x64xi32, #tpu.memory_space<vmem>>, vector<16xi32>,
      %bitcast3A_377 = vector.bitcast %get3A_376 : vector<16xi32> to vector<32xbf16>
      %mul3A_378 = arith.mulf %bitcast3A_373, %bitcast3A_377 : vector<32xbf16>
      %unpack3A_379 = tpu.unpack_subelements %mul3A_378, 0 {pack_format = #tpu.pack_format<interleaved>} : vector<32xbf16> -> vector<16xf32>
      %unpack3A_380 = tpu.unpack_subelements %mul3A_378, 1 {pack_format = #tpu.pack_format<interleaved>} : vector<32xbf16> -> vector<16xf32>
      %add3A_381 = arith.addf %broadcast_in_dim3A_369, %unpack3A_379 : vector<16xf32>
      %add3A_382 = arith.addf %add3A_381, %unpack3A_380 : vector<16xf32>
      %get3A_383 = arith.index_cast %add3A_367 : i32 to index
      %get3A_384 = arith.constant 16 : index
      %get3A_385 = tpu.vector_load %arg8[%get3A_383, %get3A_384] {strides = array<i32>} : memref<80x64xi32, #tpu.memory_space<vmem>>, vector<16xi32>,
      %bitcast3A_386 = vector.bitcast %get3A_385 : vector<16xi32> to vector<32xbf16>
      %get3A_387 = arith.index_cast %add3A_367 : i32 to index
      %get3A_388 = arith.constant 16 : index
      %get3A_389 = tpu.vector_load %arg9[%get3A_387, %get3A_388] {strides = array<i32>} : memref<80x64xi32, #tpu.memory_space<vmem>>, vector<16xi32>,
      %bitcast3A_390 = vector.bitcast %get3A_389 : vector<16xi32> to vector<32xbf16>
      %mul3A_391 = arith.mulf %bitcast3A_386, %bitcast3A_390 : vector<32xbf16>
      %unpack3A_392 = tpu.unpack_subelements %mul3A_391, 0 {pack_format = #tpu.pack_format<interleaved>} : vector<32xbf16> -> vector<16xf32>
      %unpack3A_393 = tpu.unpack_subelements %mul3A_391, 1 {pack_format = #tpu.pack_format<interleaved>} : vector<32xbf16> -> vector<16xf32>
      %add3A_394 = arith.addf %add3A_382, %unpack3A_392 : vector<16xf32>
      %add3A_395 = arith.addf %add3A_394, %unpack3A_393 : vector<16xf32>
      %get3A_396 = arith.index_cast %add3A_367 : i32 to index
      %get3A_397 = arith.constant 32 : index
      %get3A_398 = tpu.vector_load %arg8[%get3A_396, %get3A_397] {strides = array<i32>} : memref<80x64xi32, #tpu.memory_space<vmem>>, vector<16xi32>,
      %bitcast3A_399 = vector.bitcast %get3A_398 : vector<16xi32> to vector<32xbf16>
      %get3A_400 = arith.index_cast %add3A_367 : i32 to index
      %get3A_401 = arith.constant 32 : index
      %get3A_402 = tpu.vector_load %arg9[%get3A_400, %get3A_401] {strides = array<i32>} : memref<80x64xi32, #tpu.memory_space<vmem>>, vector<16xi32>,
      %bitcast3A_403 = vector.bitcast %get3A_402 : vector<16xi32> to vector<32xbf16>
      %mul3A_404 = arith.mulf %bitcast3A_399, %bitcast3A_403 : vector<32xbf16>
      %unpack3A_405 = tpu.unpack_subelements %mul3A_404, 0 {pack_format = #tpu.pack_format<interleaved>} : vector<32xbf16> -> vector<16xf32>
      %unpack3A_406 = tpu.unpack_subelements %mul3A_404, 1 {pack_format = #tpu.pack_format<interleaved>} : vector<32xbf16> -> vector<16xf32>
      %add3A_407 = arith.addf %add3A_395, %unpack3A_405 : vector<16xf32>
      %add3A_408 = arith.addf %add3A_407, %unpack3A_406 : vector<16xf32>
      %get3A_409 = arith.index_cast %add3A_367 : i32 to index
      %get3A_410 = arith.constant 48 : index
      %get3A_411 = tpu.vector_load %arg8[%get3A_409, %get3A_410] {strides = array<i32>} : memref<80x64xi32, #tpu.memory_space<vmem>>, vector<16xi32>,
      %bitcast3A_412 = vector.bitcast %get3A_411 : vector<16xi32> to vector<32xbf16>
      %get3A_413 = arith.index_cast %add3A_367 : i32 to index
      %get3A_414 = arith.constant 48 : index
      %get3A_415 = tpu.vector_load %arg9[%get3A_413, %get3A_414] {strides = array<i32>} : memref<80x64xi32, #tpu.memory_space<vmem>>, vector<16xi32>,
      %bitcast3A_416 = vector.bitcast %get3A_415 : vector<16xi32> to vector<32xbf16>
      %mul3A_417 = arith.mulf %bitcast3A_412, %bitcast3A_416 : vector<32xbf16>
      %unpack3A_418 = tpu.unpack_subelements %mul3A_417, 0 {pack_format = #tpu.pack_format<interleaved>} : vector<32xbf16> -> vector<16xf32>
      %unpack3A_419 = tpu.unpack_subelements %mul3A_417, 1 {pack_format = #tpu.pack_format<interleaved>} : vector<32xbf16> -> vector<16xf32>
      %add3A_420 = arith.addf %add3A_408, %unpack3A_418 : vector<16xf32>
      %add3A_421 = arith.addf %add3A_420, %unpack3A_419 : vector<16xf32>
      %eq3A_422 = arith.constant 5 : i32
      %eq3A_423 = vector.broadcast %eq3A_422 : i32 to vector<16xi32>
      %eq3A_424 = arith.cmpi eq, %iota3A, %eq3A_423 : vector<16xi32>
      %reduce_sum3A_425 = arith.constant true
      %reduce_sum3A_426 = vector.broadcast %reduce_sum3A_425 : i1 to vector<16xi1>
      %reduce_sum3A_427 = tpu.scan <sum>, %add3A_421 masked %reduce_sum3A_426 : vector<16xf32>, vector<16xi1> -> vector<16xf32>
      %reduce_sum3A_428 = vector.extract %reduce_sum3A_427[15] : f32 from vector<16xf32>
      %broadcast_in_dim3A_429 = vector.broadcast %reduce_sum3A_428 : f32 to vector<16xf32>
      %select_n3A_430 = arith.select %eq3A_424, %broadcast_in_dim3A_429, %select_n3A_363 : vector<16xi1>, vector<16xf32>
      %mul3A_431 = arith.constant 16 : i32
      %mul3A_432 = arith.muli %scan3A_33, %mul3A_431 : i32
      %add3A_433 = arith.constant 6 : i32
      %add3A_434 = arith.addi %mul3A_432, %add3A_433 : i32
      %broadcast_in_dim3A_435 = arith.constant 0.000000e+00 : f32
      %broadcast_in_dim3A_436 = vector.broadcast %broadcast_in_dim3A_435 : f32 to vector<16xf32>
      %get3A_437 = arith.index_cast %add3A_434 : i32 to index
      %get3A_438 = arith.constant 0 : index
      %get3A_439 = tpu.vector_load %arg8[%get3A_437, %get3A_438] {strides = array<i32>} : memref<80x64xi32, #tpu.memory_space<vmem>>, vector<16xi32>,
      %bitcast3A_440 = vector.bitcast %get3A_439 : vector<16xi32> to vector<32xbf16>
      %get3A_441 = arith.index_cast %add3A_434 : i32 to index
      %get3A_442 = arith.constant 0 : index
      %get3A_443 = tpu.vector_load %arg9[%get3A_441, %get3A_442] {strides = array<i32>} : memref<80x64xi32, #tpu.memory_space<vmem>>, vector<16xi32>,
      %bitcast3A_444 = vector.bitcast %get3A_443 : vector<16xi32> to vector<32xbf16>
      %mul3A_445 = arith.mulf %bitcast3A_440, %bitcast3A_444 : vector<32xbf16>
      %unpack3A_446 = tpu.unpack_subelements %mul3A_445, 0 {pack_format = #tpu.pack_format<interleaved>} : vector<32xbf16> -> vector<16xf32>
      %unpack3A_447 = tpu.unpack_subelements %mul3A_445, 1 {pack_format = #tpu.pack_format<interleaved>} : vector<32xbf16> -> vector<16xf32>
      %add3A_448 = arith.addf %broadcast_in_dim3A_436, %unpack3A_446 : vector<16xf32>
      %add3A_449 = arith.addf %add3A_448, %unpack3A_447 : vector<16xf32>
      %get3A_450 = arith.index_cast %add3A_434 : i32 to index
      %get3A_451 = arith.constant 16 : index
      %get3A_452 = tpu.vector_load %arg8[%get3A_450, %get3A_451] {strides = array<i32>} : memref<80x64xi32, #tpu.memory_space<vmem>>, vector<16xi32>,
      %bitcast3A_453 = vector.bitcast %get3A_452 : vector<16xi32> to vector<32xbf16>
      %get3A_454 = arith.index_cast %add3A_434 : i32 to index
      %get3A_455 = arith.constant 16 : index
      %get3A_456 = tpu.vector_load %arg9[%get3A_454, %get3A_455] {strides = array<i32>} : memref<80x64xi32, #tpu.memory_space<vmem>>, vector<16xi32>,
      %bitcast3A_457 = vector.bitcast %get3A_456 : vector<16xi32> to vector<32xbf16>
      %mul3A_458 = arith.mulf %bitcast3A_453, %bitcast3A_457 : vector<32xbf16>
      %unpack3A_459 = tpu.unpack_subelements %mul3A_458, 0 {pack_format = #tpu.pack_format<interleaved>} : vector<32xbf16> -> vector<16xf32>
      %unpack3A_460 = tpu.unpack_subelements %mul3A_458, 1 {pack_format = #tpu.pack_format<interleaved>} : vector<32xbf16> -> vector<16xf32>
      %add3A_461 = arith.addf %add3A_449, %unpack3A_459 : vector<16xf32>
      %add3A_462 = arith.addf %add3A_461, %unpack3A_460 : vector<16xf32>
      %get3A_463 = arith.index_cast %add3A_434 : i32 to index
      %get3A_464 = arith.constant 32 : index
      %get3A_465 = tpu.vector_load %arg8[%get3A_463, %get3A_464] {strides = array<i32>} : memref<80x64xi32, #tpu.memory_space<vmem>>, vector<16xi32>,
      %bitcast3A_466 = vector.bitcast %get3A_465 : vector<16xi32> to vector<32xbf16>
      %get3A_467 = arith.index_cast %add3A_434 : i32 to index
      %get3A_468 = arith.constant 32 : index
      %get3A_469 = tpu.vector_load %arg9[%get3A_467, %get3A_468] {strides = array<i32>} : memref<80x64xi32, #tpu.memory_space<vmem>>, vector<16xi32>,
      %bitcast3A_470 = vector.bitcast %get3A_469 : vector<16xi32> to vector<32xbf16>
      %mul3A_471 = arith.mulf %bitcast3A_466, %bitcast3A_470 : vector<32xbf16>
      %unpack3A_472 = tpu.unpack_subelements %mul3A_471, 0 {pack_format = #tpu.pack_format<interleaved>} : vector<32xbf16> -> vector<16xf32>
      %unpack3A_473 = tpu.unpack_subelements %mul3A_471, 1 {pack_format = #tpu.pack_format<interleaved>} : vector<32xbf16> -> vector<16xf32>
      %add3A_474 = arith.addf %add3A_462, %unpack3A_472 : vector<16xf32>
      %add3A_475 = arith.addf %add3A_474, %unpack3A_473 : vector<16xf32>
      %get3A_476 = arith.index_cast %add3A_434 : i32 to index
      %get3A_477 = arith.constant 48 : index
      %get3A_478 = tpu.vector_load %arg8[%get3A_476, %get3A_477] {strides = array<i32>} : memref<80x64xi32, #tpu.memory_space<vmem>>, vector<16xi32>,
      %bitcast3A_479 = vector.bitcast %get3A_478 : vector<16xi32> to vector<32xbf16>
      %get3A_480 = arith.index_cast %add3A_434 : i32 to index
      %get3A_481 = arith.constant 48 : index
      %get3A_482 = tpu.vector_load %arg9[%get3A_480, %get3A_481] {strides = array<i32>} : memref<80x64xi32, #tpu.memory_space<vmem>>, vector<16xi32>,
      %bitcast3A_483 = vector.bitcast %get3A_482 : vector<16xi32> to vector<32xbf16>
      %mul3A_484 = arith.mulf %bitcast3A_479, %bitcast3A_483 : vector<32xbf16>
      %unpack3A_485 = tpu.unpack_subelements %mul3A_484, 0 {pack_format = #tpu.pack_format<interleaved>} : vector<32xbf16> -> vector<16xf32>
      %unpack3A_486 = tpu.unpack_subelements %mul3A_484, 1 {pack_format = #tpu.pack_format<interleaved>} : vector<32xbf16> -> vector<16xf32>
      %add3A_487 = arith.addf %add3A_475, %unpack3A_485 : vector<16xf32>
      %add3A_488 = arith.addf %add3A_487, %unpack3A_486 : vector<16xf32>
      %eq3A_489 = arith.constant 6 : i32
      %eq3A_490 = vector.broadcast %eq3A_489 : i32 to vector<16xi32>
      %eq3A_491 = arith.cmpi eq, %iota3A, %eq3A_490 : vector<16xi32>
      %reduce_sum3A_492 = arith.constant true
      %reduce_sum3A_493 = vector.broadcast %reduce_sum3A_492 : i1 to vector<16xi1>
      %reduce_sum3A_494 = tpu.scan <sum>, %add3A_488 masked %reduce_sum3A_493 : vector<16xf32>, vector<16xi1> -> vector<16xf32>
      %reduce_sum3A_495 = vector.extract %reduce_sum3A_494[15] : f32 from vector<16xf32>
      %broadcast_in_dim3A_496 = vector.broadcast %reduce_sum3A_495 : f32 to vector<16xf32>
      %select_n3A_497 = arith.select %eq3A_491, %broadcast_in_dim3A_496, %select_n3A_430 : vector<16xi1>, vector<16xf32>
      %mul3A_498 = arith.constant 16 : i32
      %mul3A_499 = arith.muli %scan3A_33, %mul3A_498 : i32
      %add3A_500 = arith.constant 7 : i32
      %add3A_501 = arith.addi %mul3A_499, %add3A_500 : i32
      %broadcast_in_dim3A_502 = arith.constant 0.000000e+00 : f32
      %broadcast_in_dim3A_503 = vector.broadcast %broadcast_in_dim3A_502 : f32 to vector<16xf32>
      %get3A_504 = arith.index_cast %add3A_501 : i32 to index
      %get3A_505 = arith.constant 0 : index
      %get3A_506 = tpu.vector_load %arg8[%get3A_504, %get3A_505] {strides = array<i32>} : memref<80x64xi32, #tpu.memory_space<vmem>>, vector<16xi32>,
      %bitcast3A_507 = vector.bitcast %get3A_506 : vector<16xi32> to vector<32xbf16>
      %get3A_508 = arith.index_cast %add3A_501 : i32 to index
      %get3A_509 = arith.constant 0 : index
      %get3A_510 = tpu.vector_load %arg9[%get3A_508, %get3A_509] {strides = array<i32>} : memref<80x64xi32, #tpu.memory_space<vmem>>, vector<16xi32>,
      %bitcast3A_511 = vector.bitcast %get3A_510 : vector<16xi32> to vector<32xbf16>
      %mul3A_512 = arith.mulf %bitcast3A_507, %bitcast3A_511 : vector<32xbf16>
      %unpack3A_513 = tpu.unpack_subelements %mul3A_512, 0 {pack_format = #tpu.pack_format<interleaved>} : vector<32xbf16> -> vector<16xf32>
      %unpack3A_514 = tpu.unpack_subelements %mul3A_512, 1 {pack_format = #tpu.pack_format<interleaved>} : vector<32xbf16> -> vector<16xf32>
      %add3A_515 = arith.addf %broadcast_in_dim3A_503, %unpack3A_513 : vector<16xf32>
      %add3A_516 = arith.addf %add3A_515, %unpack3A_514 : vector<16xf32>
      %get3A_517 = arith.index_cast %add3A_501 : i32 to index
      %get3A_518 = arith.constant 16 : index
      %get3A_519 = tpu.vector_load %arg8[%get3A_517, %get3A_518] {strides = array<i32>} : memref<80x64xi32, #tpu.memory_space<vmem>>, vector<16xi32>,
      %bitcast3A_520 = vector.bitcast %get3A_519 : vector<16xi32> to vector<32xbf16>
      %get3A_521 = arith.index_cast %add3A_501 : i32 to index
      %get3A_522 = arith.constant 16 : index
      %get3A_523 = tpu.vector_load %arg9[%get3A_521, %get3A_522] {strides = array<i32>} : memref<80x64xi32, #tpu.memory_space<vmem>>, vector<16xi32>,
      %bitcast3A_524 = vector.bitcast %get3A_523 : vector<16xi32> to vector<32xbf16>
      %mul3A_525 = arith.mulf %bitcast3A_520, %bitcast3A_524 : vector<32xbf16>
      %unpack3A_526 = tpu.unpack_subelements %mul3A_525, 0 {pack_format = #tpu.pack_format<interleaved>} : vector<32xbf16> -> vector<16xf32>
      %unpack3A_527 = tpu.unpack_subelements %mul3A_525, 1 {pack_format = #tpu.pack_format<interleaved>} : vector<32xbf16> -> vector<16xf32>
      %add3A_528 = arith.addf %add3A_516, %unpack3A_526 : vector<16xf32>
      %add3A_529 = arith.addf %add3A_528, %unpack3A_527 : vector<16xf32>
      %get3A_530 = arith.index_cast %add3A_501 : i32 to index
      %get3A_531 = arith.constant 32 : index
      %get3A_532 = tpu.vector_load %arg8[%get3A_530, %get3A_531] {strides = array<i32>} : memref<80x64xi32, #tpu.memory_space<vmem>>, vector<16xi32>,
      %bitcast3A_533 = vector.bitcast %get3A_532 : vector<16xi32> to vector<32xbf16>
      %get3A_534 = arith.index_cast %add3A_501 : i32 to index
      %get3A_535 = arith.constant 32 : index
      %get3A_536 = tpu.vector_load %arg9[%get3A_534, %get3A_535] {strides = array<i32>} : memref<80x64xi32, #tpu.memory_space<vmem>>, vector<16xi32>,
      %bitcast3A_537 = vector.bitcast %get3A_536 : vector<16xi32> to vector<32xbf16>
      %mul3A_538 = arith.mulf %bitcast3A_533, %bitcast3A_537 : vector<32xbf16>
      %unpack3A_539 = tpu.unpack_subelements %mul3A_538, 0 {pack_format = #tpu.pack_format<interleaved>} : vector<32xbf16> -> vector<16xf32>
      %unpack3A_540 = tpu.unpack_subelements %mul3A_538, 1 {pack_format = #tpu.pack_format<interleaved>} : vector<32xbf16> -> vector<16xf32>
      %add3A_541 = arith.addf %add3A_529, %unpack3A_539 : vector<16xf32>
      %add3A_542 = arith.addf %add3A_541, %unpack3A_540 : vector<16xf32>
      %get3A_543 = arith.index_cast %add3A_501 : i32 to index
      %get3A_544 = arith.constant 48 : index
      %get3A_545 = tpu.vector_load %arg8[%get3A_543, %get3A_544] {strides = array<i32>} : memref<80x64xi32, #tpu.memory_space<vmem>>, vector<16xi32>,
      %bitcast3A_546 = vector.bitcast %get3A_545 : vector<16xi32> to vector<32xbf16>
      %get3A_547 = arith.index_cast %add3A_501 : i32 to index
      %get3A_548 = arith.constant 48 : index
      %get3A_549 = tpu.vector_load %arg9[%get3A_547, %get3A_548] {strides = array<i32>} : memref<80x64xi32, #tpu.memory_space<vmem>>, vector<16xi32>,
      %bitcast3A_550 = vector.bitcast %get3A_549 : vector<16xi32> to vector<32xbf16>
      %mul3A_551 = arith.mulf %bitcast3A_546, %bitcast3A_550 : vector<32xbf16>
      %unpack3A_552 = tpu.unpack_subelements %mul3A_551, 0 {pack_format = #tpu.pack_format<interleaved>} : vector<32xbf16> -> vector<16xf32>
      %unpack3A_553 = tpu.unpack_subelements %mul3A_551, 1 {pack_format = #tpu.pack_format<interleaved>} : vector<32xbf16> -> vector<16xf32>
      %add3A_554 = arith.addf %add3A_542, %unpack3A_552 : vector<16xf32>
      %add3A_555 = arith.addf %add3A_554, %unpack3A_553 : vector<16xf32>
      %eq3A_556 = arith.constant 7 : i32
      %eq3A_557 = vector.broadcast %eq3A_556 : i32 to vector<16xi32>
      %eq3A_558 = arith.cmpi eq, %iota3A, %eq3A_557 : vector<16xi32>
      %reduce_sum3A_559 = arith.constant true
      %reduce_sum3A_560 = vector.broadcast %reduce_sum3A_559 : i1 to vector<16xi1>
      %reduce_sum3A_561 = tpu.scan <sum>, %add3A_555 masked %reduce_sum3A_560 : vector<16xf32>, vector<16xi1> -> vector<16xf32>
      %reduce_sum3A_562 = vector.extract %reduce_sum3A_561[15] : f32 from vector<16xf32>
      %broadcast_in_dim3A_563 = vector.broadcast %reduce_sum3A_562 : f32 to vector<16xf32>
      %select_n3A_564 = arith.select %eq3A_558, %broadcast_in_dim3A_563, %select_n3A_497 : vector<16xi1>, vector<16xf32>
      %mul3A_565 = arith.constant 16 : i32
      %mul3A_566 = arith.muli %scan3A_33, %mul3A_565 : i32
      %add3A_567 = arith.constant 8 : i32
      %add3A_568 = arith.addi %mul3A_566, %add3A_567 : i32
      %broadcast_in_dim3A_569 = arith.constant 0.000000e+00 : f32
      %broadcast_in_dim3A_570 = vector.broadcast %broadcast_in_dim3A_569 : f32 to vector<16xf32>
      %get3A_571 = arith.index_cast %add3A_568 : i32 to index
      %get3A_572 = arith.constant 0 : index
      %get3A_573 = tpu.vector_load %arg8[%get3A_571, %get3A_572] {strides = array<i32>} : memref<80x64xi32, #tpu.memory_space<vmem>>, vector<16xi32>,
      %bitcast3A_574 = vector.bitcast %get3A_573 : vector<16xi32> to vector<32xbf16>
      %get3A_575 = arith.index_cast %add3A_568 : i32 to index
      %get3A_576 = arith.constant 0 : index
      %get3A_577 = tpu.vector_load %arg9[%get3A_575, %get3A_576] {strides = array<i32>} : memref<80x64xi32, #tpu.memory_space<vmem>>, vector<16xi32>,
      %bitcast3A_578 = vector.bitcast %get3A_577 : vector<16xi32> to vector<32xbf16>
      %mul3A_579 = arith.mulf %bitcast3A_574, %bitcast3A_578 : vector<32xbf16>
      %unpack3A_580 = tpu.unpack_subelements %mul3A_579, 0 {pack_format = #tpu.pack_format<interleaved>} : vector<32xbf16> -> vector<16xf32>
      %unpack3A_581 = tpu.unpack_subelements %mul3A_579, 1 {pack_format = #tpu.pack_format<interleaved>} : vector<32xbf16> -> vector<16xf32>
      %add3A_582 = arith.addf %broadcast_in_dim3A_570, %unpack3A_580 : vector<16xf32>
      %add3A_583 = arith.addf %add3A_582, %unpack3A_581 : vector<16xf32>
      %get3A_584 = arith.index_cast %add3A_568 : i32 to index
      %get3A_585 = arith.constant 16 : index
      %get3A_586 = tpu.vector_load %arg8[%get3A_584, %get3A_585] {strides = array<i32>} : memref<80x64xi32, #tpu.memory_space<vmem>>, vector<16xi32>,
      %bitcast3A_587 = vector.bitcast %get3A_586 : vector<16xi32> to vector<32xbf16>
      %get3A_588 = arith.index_cast %add3A_568 : i32 to index
      %get3A_589 = arith.constant 16 : index
      %get3A_590 = tpu.vector_load %arg9[%get3A_588, %get3A_589] {strides = array<i32>} : memref<80x64xi32, #tpu.memory_space<vmem>>, vector<16xi32>,
      %bitcast3A_591 = vector.bitcast %get3A_590 : vector<16xi32> to vector<32xbf16>
      %mul3A_592 = arith.mulf %bitcast3A_587, %bitcast3A_591 : vector<32xbf16>
      %unpack3A_593 = tpu.unpack_subelements %mul3A_592, 0 {pack_format = #tpu.pack_format<interleaved>} : vector<32xbf16> -> vector<16xf32>
      %unpack3A_594 = tpu.unpack_subelements %mul3A_592, 1 {pack_format = #tpu.pack_format<interleaved>} : vector<32xbf16> -> vector<16xf32>
      %add3A_595 = arith.addf %add3A_583, %unpack3A_593 : vector<16xf32>
      %add3A_596 = arith.addf %add3A_595, %unpack3A_594 : vector<16xf32>
      %get3A_597 = arith.index_cast %add3A_568 : i32 to index
      %get3A_598 = arith.constant 32 : index
      %get3A_599 = tpu.vector_load %arg8[%get3A_597, %get3A_598] {strides = array<i32>} : memref<80x64xi32, #tpu.memory_space<vmem>>, vector<16xi32>,
      %bitcast3A_600 = vector.bitcast %get3A_599 : vector<16xi32> to vector<32xbf16>
      %get3A_601 = arith.index_cast %add3A_568 : i32 to index
      %get3A_602 = arith.constant 32 : index
      %get3A_603 = tpu.vector_load %arg9[%get3A_601, %get3A_602] {strides = array<i32>} : memref<80x64xi32, #tpu.memory_space<vmem>>, vector<16xi32>,
      %bitcast3A_604 = vector.bitcast %get3A_603 : vector<16xi32> to vector<32xbf16>
      %mul3A_605 = arith.mulf %bitcast3A_600, %bitcast3A_604 : vector<32xbf16>
      %unpack3A_606 = tpu.unpack_subelements %mul3A_605, 0 {pack_format = #tpu.pack_format<interleaved>} : vector<32xbf16> -> vector<16xf32>
      %unpack3A_607 = tpu.unpack_subelements %mul3A_605, 1 {pack_format = #tpu.pack_format<interleaved>} : vector<32xbf16> -> vector<16xf32>
      %add3A_608 = arith.addf %add3A_596, %unpack3A_606 : vector<16xf32>
      %add3A_609 = arith.addf %add3A_608, %unpack3A_607 : vector<16xf32>
      %get3A_610 = arith.index_cast %add3A_568 : i32 to index
      %get3A_611 = arith.constant 48 : index
      %get3A_612 = tpu.vector_load %arg8[%get3A_610, %get3A_611] {strides = array<i32>} : memref<80x64xi32, #tpu.memory_space<vmem>>, vector<16xi32>,
      %bitcast3A_613 = vector.bitcast %get3A_612 : vector<16xi32> to vector<32xbf16>
      %get3A_614 = arith.index_cast %add3A_568 : i32 to index
      %get3A_615 = arith.constant 48 : index
      %get3A_616 = tpu.vector_load %arg9[%get3A_614, %get3A_615] {strides = array<i32>} : memref<80x64xi32, #tpu.memory_space<vmem>>, vector<16xi32>,
      %bitcast3A_617 = vector.bitcast %get3A_616 : vector<16xi32> to vector<32xbf16>
      %mul3A_618 = arith.mulf %bitcast3A_613, %bitcast3A_617 : vector<32xbf16>
      %unpack3A_619 = tpu.unpack_subelements %mul3A_618, 0 {pack_format = #tpu.pack_format<interleaved>} : vector<32xbf16> -> vector<16xf32>
      %unpack3A_620 = tpu.unpack_subelements %mul3A_618, 1 {pack_format = #tpu.pack_format<interleaved>} : vector<32xbf16> -> vector<16xf32>
      %add3A_621 = arith.addf %add3A_609, %unpack3A_619 : vector<16xf32>
      %add3A_622 = arith.addf %add3A_621, %unpack3A_620 : vector<16xf32>
      %eq3A_623 = arith.constant 8 : i32
      %eq3A_624 = vector.broadcast %eq3A_623 : i32 to vector<16xi32>
      %eq3A_625 = arith.cmpi eq, %iota3A, %eq3A_624 : vector<16xi32>
      %reduce_sum3A_626 = arith.constant true
      %reduce_sum3A_627 = vector.broadcast %reduce_sum3A_626 : i1 to vector<16xi1>
      %reduce_sum3A_628 = tpu.scan <sum>, %add3A_622 masked %reduce_sum3A_627 : vector<16xf32>, vector<16xi1> -> vector<16xf32>
      %reduce_sum3A_629 = vector.extract %reduce_sum3A_628[15] : f32 from vector<16xf32>
      %broadcast_in_dim3A_630 = vector.broadcast %reduce_sum3A_629 : f32 to vector<16xf32>
      %select_n3A_631 = arith.select %eq3A_625, %broadcast_in_dim3A_630, %select_n3A_564 : vector<16xi1>, vector<16xf32>
      %mul3A_632 = arith.constant 16 : i32
      %mul3A_633 = arith.muli %scan3A_33, %mul3A_632 : i32
      %add3A_634 = arith.constant 9 : i32
      %add3A_635 = arith.addi %mul3A_633, %add3A_634 : i32
      %broadcast_in_dim3A_636 = arith.constant 0.000000e+00 : f32
      %broadcast_in_dim3A_637 = vector.broadcast %broadcast_in_dim3A_636 : f32 to vector<16xf32>
      %get3A_638 = arith.index_cast %add3A_635 : i32 to index
      %get3A_639 = arith.constant 0 : index
      %get3A_640 = tpu.vector_load %arg8[%get3A_638, %get3A_639] {strides = array<i32>} : memref<80x64xi32, #tpu.memory_space<vmem>>, vector<16xi32>,
      %bitcast3A_641 = vector.bitcast %get3A_640 : vector<16xi32> to vector<32xbf16>
      %get3A_642 = arith.index_cast %add3A_635 : i32 to index
      %get3A_643 = arith.constant 0 : index
      %get3A_644 = tpu.vector_load %arg9[%get3A_642, %get3A_643] {strides = array<i32>} : memref<80x64xi32, #tpu.memory_space<vmem>>, vector<16xi32>,
      %bitcast3A_645 = vector.bitcast %get3A_644 : vector<16xi32> to vector<32xbf16>
      %mul3A_646 = arith.mulf %bitcast3A_641, %bitcast3A_645 : vector<32xbf16>
      %unpack3A_647 = tpu.unpack_subelements %mul3A_646, 0 {pack_format = #tpu.pack_format<interleaved>} : vector<32xbf16> -> vector<16xf32>
      %unpack3A_648 = tpu.unpack_subelements %mul3A_646, 1 {pack_format = #tpu.pack_format<interleaved>} : vector<32xbf16> -> vector<16xf32>
      %add3A_649 = arith.addf %broadcast_in_dim3A_637, %unpack3A_647 : vector<16xf32>
      %add3A_650 = arith.addf %add3A_649, %unpack3A_648 : vector<16xf32>
      %get3A_651 = arith.index_cast %add3A_635 : i32 to index
      %get3A_652 = arith.constant 16 : index
      %get3A_653 = tpu.vector_load %arg8[%get3A_651, %get3A_652] {strides = array<i32>} : memref<80x64xi32, #tpu.memory_space<vmem>>, vector<16xi32>,
      %bitcast3A_654 = vector.bitcast %get3A_653 : vector<16xi32> to vector<32xbf16>
      %get3A_655 = arith.index_cast %add3A_635 : i32 to index
      %get3A_656 = arith.constant 16 : index
      %get3A_657 = tpu.vector_load %arg9[%get3A_655, %get3A_656] {strides = array<i32>} : memref<80x64xi32, #tpu.memory_space<vmem>>, vector<16xi32>,
      %bitcast3A_658 = vector.bitcast %get3A_657 : vector<16xi32> to vector<32xbf16>
      %mul3A_659 = arith.mulf %bitcast3A_654, %bitcast3A_658 : vector<32xbf16>
      %unpack3A_660 = tpu.unpack_subelements %mul3A_659, 0 {pack_format = #tpu.pack_format<interleaved>} : vector<32xbf16> -> vector<16xf32>
      %unpack3A_661 = tpu.unpack_subelements %mul3A_659, 1 {pack_format = #tpu.pack_format<interleaved>} : vector<32xbf16> -> vector<16xf32>
      %add3A_662 = arith.addf %add3A_650, %unpack3A_660 : vector<16xf32>
      %add3A_663 = arith.addf %add3A_662, %unpack3A_661 : vector<16xf32>
      %get3A_664 = arith.index_cast %add3A_635 : i32 to index
      %get3A_665 = arith.constant 32 : index
      %get3A_666 = tpu.vector_load %arg8[%get3A_664, %get3A_665] {strides = array<i32>} : memref<80x64xi32, #tpu.memory_space<vmem>>, vector<16xi32>,
      %bitcast3A_667 = vector.bitcast %get3A_666 : vector<16xi32> to vector<32xbf16>
      %get3A_668 = arith.index_cast %add3A_635 : i32 to index
      %get3A_669 = arith.constant 32 : index
      %get3A_670 = tpu.vector_load %arg9[%get3A_668, %get3A_669] {strides = array<i32>} : memref<80x64xi32, #tpu.memory_space<vmem>>, vector<16xi32>,
      %bitcast3A_671 = vector.bitcast %get3A_670 : vector<16xi32> to vector<32xbf16>
      %mul3A_672 = arith.mulf %bitcast3A_667, %bitcast3A_671 : vector<32xbf16>
      %unpack3A_673 = tpu.unpack_subelements %mul3A_672, 0 {pack_format = #tpu.pack_format<interleaved>} : vector<32xbf16> -> vector<16xf32>
      %unpack3A_674 = tpu.unpack_subelements %mul3A_672, 1 {pack_format = #tpu.pack_format<interleaved>} : vector<32xbf16> -> vector<16xf32>
      %add3A_675 = arith.addf %add3A_663, %unpack3A_673 : vector<16xf32>
      %add3A_676 = arith.addf %add3A_675, %unpack3A_674 : vector<16xf32>
      %get3A_677 = arith.index_cast %add3A_635 : i32 to index
      %get3A_678 = arith.constant 48 : index
      %get3A_679 = tpu.vector_load %arg8[%get3A_677, %get3A_678] {strides = array<i32>} : memref<80x64xi32, #tpu.memory_space<vmem>>, vector<16xi32>,
      %bitcast3A_680 = vector.bitcast %get3A_679 : vector<16xi32> to vector<32xbf16>
      %get3A_681 = arith.index_cast %add3A_635 : i32 to index
      %get3A_682 = arith.constant 48 : index
      %get3A_683 = tpu.vector_load %arg9[%get3A_681, %get3A_682] {strides = array<i32>} : memref<80x64xi32, #tpu.memory_space<vmem>>, vector<16xi32>,
      %bitcast3A_684 = vector.bitcast %get3A_683 : vector<16xi32> to vector<32xbf16>
      %mul3A_685 = arith.mulf %bitcast3A_680, %bitcast3A_684 : vector<32xbf16>
      %unpack3A_686 = tpu.unpack_subelements %mul3A_685, 0 {pack_format = #tpu.pack_format<interleaved>} : vector<32xbf16> -> vector<16xf32>
      %unpack3A_687 = tpu.unpack_subelements %mul3A_685, 1 {pack_format = #tpu.pack_format<interleaved>} : vector<32xbf16> -> vector<16xf32>
      %add3A_688 = arith.addf %add3A_676, %unpack3A_686 : vector<16xf32>
      %add3A_689 = arith.addf %add3A_688, %unpack3A_687 : vector<16xf32>
      %eq3A_690 = arith.constant 9 : i32
      %eq3A_691 = vector.broadcast %eq3A_690 : i32 to vector<16xi32>
      %eq3A_692 = arith.cmpi eq, %iota3A, %eq3A_691 : vector<16xi32>
      %reduce_sum3A_693 = arith.constant true
      %reduce_sum3A_694 = vector.broadcast %reduce_sum3A_693 : i1 to vector<16xi1>
      %reduce_sum3A_695 = tpu.scan <sum>, %add3A_689 masked %reduce_sum3A_694 : vector<16xf32>, vector<16xi1> -> vector<16xf32>
      %reduce_sum3A_696 = vector.extract %reduce_sum3A_695[15] : f32 from vector<16xf32>
      %broadcast_in_dim3A_697 = vector.broadcast %reduce_sum3A_696 : f32 to vector<16xf32>
      %select_n3A_698 = arith.select %eq3A_692, %broadcast_in_dim3A_697, %select_n3A_631 : vector<16xi1>, vector<16xf32>
      %mul3A_699 = arith.constant 16 : i32
      %mul3A_700 = arith.muli %scan3A_33, %mul3A_699 : i32
      %add3A_701 = arith.constant 10 : i32
      %add3A_702 = arith.addi %mul3A_700, %add3A_701 : i32
      %broadcast_in_dim3A_703 = arith.constant 0.000000e+00 : f32
      %broadcast_in_dim3A_704 = vector.broadcast %broadcast_in_dim3A_703 : f32 to vector<16xf32>
      %get3A_705 = arith.index_cast %add3A_702 : i32 to index
      %get3A_706 = arith.constant 0 : index
      %get3A_707 = tpu.vector_load %arg8[%get3A_705, %get3A_706] {strides = array<i32>} : memref<80x64xi32, #tpu.memory_space<vmem>>, vector<16xi32>,
      %bitcast3A_708 = vector.bitcast %get3A_707 : vector<16xi32> to vector<32xbf16>
      %get3A_709 = arith.index_cast %add3A_702 : i32 to index
      %get3A_710 = arith.constant 0 : index
      %get3A_711 = tpu.vector_load %arg9[%get3A_709, %get3A_710] {strides = array<i32>} : memref<80x64xi32, #tpu.memory_space<vmem>>, vector<16xi32>,
      %bitcast3A_712 = vector.bitcast %get3A_711 : vector<16xi32> to vector<32xbf16>
      %mul3A_713 = arith.mulf %bitcast3A_708, %bitcast3A_712 : vector<32xbf16>
      %unpack3A_714 = tpu.unpack_subelements %mul3A_713, 0 {pack_format = #tpu.pack_format<interleaved>} : vector<32xbf16> -> vector<16xf32>
      %unpack3A_715 = tpu.unpack_subelements %mul3A_713, 1 {pack_format = #tpu.pack_format<interleaved>} : vector<32xbf16> -> vector<16xf32>
      %add3A_716 = arith.addf %broadcast_in_dim3A_704, %unpack3A_714 : vector<16xf32>
      %add3A_717 = arith.addf %add3A_716, %unpack3A_715 : vector<16xf32>
      %get3A_718 = arith.index_cast %add3A_702 : i32 to index
      %get3A_719 = arith.constant 16 : index
      %get3A_720 = tpu.vector_load %arg8[%get3A_718, %get3A_719] {strides = array<i32>} : memref<80x64xi32, #tpu.memory_space<vmem>>, vector<16xi32>,
      %bitcast3A_721 = vector.bitcast %get3A_720 : vector<16xi32> to vector<32xbf16>
      %get3A_722 = arith.index_cast %add3A_702 : i32 to index
      %get3A_723 = arith.constant 16 : index
      %get3A_724 = tpu.vector_load %arg9[%get3A_722, %get3A_723] {strides = array<i32>} : memref<80x64xi32, #tpu.memory_space<vmem>>, vector<16xi32>,
      %bitcast3A_725 = vector.bitcast %get3A_724 : vector<16xi32> to vector<32xbf16>
      %mul3A_726 = arith.mulf %bitcast3A_721, %bitcast3A_725 : vector<32xbf16>
      %unpack3A_727 = tpu.unpack_subelements %mul3A_726, 0 {pack_format = #tpu.pack_format<interleaved>} : vector<32xbf16> -> vector<16xf32>
      %unpack3A_728 = tpu.unpack_subelements %mul3A_726, 1 {pack_format = #tpu.pack_format<interleaved>} : vector<32xbf16> -> vector<16xf32>
      %add3A_729 = arith.addf %add3A_717, %unpack3A_727 : vector<16xf32>
      %add3A_730 = arith.addf %add3A_729, %unpack3A_728 : vector<16xf32>
      %get3A_731 = arith.index_cast %add3A_702 : i32 to index
      %get3A_732 = arith.constant 32 : index
      %get3A_733 = tpu.vector_load %arg8[%get3A_731, %get3A_732] {strides = array<i32>} : memref<80x64xi32, #tpu.memory_space<vmem>>, vector<16xi32>,
      %bitcast3A_734 = vector.bitcast %get3A_733 : vector<16xi32> to vector<32xbf16>
      %get3A_735 = arith.index_cast %add3A_702 : i32 to index
      %get3A_736 = arith.constant 32 : index
      %get3A_737 = tpu.vector_load %arg9[%get3A_735, %get3A_736] {strides = array<i32>} : memref<80x64xi32, #tpu.memory_space<vmem>>, vector<16xi32>,
      %bitcast3A_738 = vector.bitcast %get3A_737 : vector<16xi32> to vector<32xbf16>
      %mul3A_739 = arith.mulf %bitcast3A_734, %bitcast3A_738 : vector<32xbf16>
      %unpack3A_740 = tpu.unpack_subelements %mul3A_739, 0 {pack_format = #tpu.pack_format<interleaved>} : vector<32xbf16> -> vector<16xf32>
      %unpack3A_741 = tpu.unpack_subelements %mul3A_739, 1 {pack_format = #tpu.pack_format<interleaved>} : vector<32xbf16> -> vector<16xf32>
      %add3A_742 = arith.addf %add3A_730, %unpack3A_740 : vector<16xf32>
      %add3A_743 = arith.addf %add3A_742, %unpack3A_741 : vector<16xf32>
      %get3A_744 = arith.index_cast %add3A_702 : i32 to index
      %get3A_745 = arith.constant 48 : index
      %get3A_746 = tpu.vector_load %arg8[%get3A_744, %get3A_745] {strides = array<i32>} : memref<80x64xi32, #tpu.memory_space<vmem>>, vector<16xi32>,
      %bitcast3A_747 = vector.bitcast %get3A_746 : vector<16xi32> to vector<32xbf16>
      %get3A_748 = arith.index_cast %add3A_702 : i32 to index
      %get3A_749 = arith.constant 48 : index
      %get3A_750 = tpu.vector_load %arg9[%get3A_748, %get3A_749] {strides = array<i32>} : memref<80x64xi32, #tpu.memory_space<vmem>>, vector<16xi32>,
      %bitcast3A_751 = vector.bitcast %get3A_750 : vector<16xi32> to vector<32xbf16>
      %mul3A_752 = arith.mulf %bitcast3A_747, %bitcast3A_751 : vector<32xbf16>
      %unpack3A_753 = tpu.unpack_subelements %mul3A_752, 0 {pack_format = #tpu.pack_format<interleaved>} : vector<32xbf16> -> vector<16xf32>
      %unpack3A_754 = tpu.unpack_subelements %mul3A_752, 1 {pack_format = #tpu.pack_format<interleaved>} : vector<32xbf16> -> vector<16xf32>
      %add3A_755 = arith.addf %add3A_743, %unpack3A_753 : vector<16xf32>
      %add3A_756 = arith.addf %add3A_755, %unpack3A_754 : vector<16xf32>
      %eq3A_757 = arith.constant 10 : i32
      %eq3A_758 = vector.broadcast %eq3A_757 : i32 to vector<16xi32>
      %eq3A_759 = arith.cmpi eq, %iota3A, %eq3A_758 : vector<16xi32>
      %reduce_sum3A_760 = arith.constant true
      %reduce_sum3A_761 = vector.broadcast %reduce_sum3A_760 : i1 to vector<16xi1>
      %reduce_sum3A_762 = tpu.scan <sum>, %add3A_756 masked %reduce_sum3A_761 : vector<16xf32>, vector<16xi1> -> vector<16xf32>
      %reduce_sum3A_763 = vector.extract %reduce_sum3A_762[15] : f32 from vector<16xf32>
      %broadcast_in_dim3A_764 = vector.broadcast %reduce_sum3A_763 : f32 to vector<16xf32>
      %select_n3A_765 = arith.select %eq3A_759, %broadcast_in_dim3A_764, %select_n3A_698 : vector<16xi1>, vector<16xf32>
      %mul3A_766 = arith.constant 16 : i32
      %mul3A_767 = arith.muli %scan3A_33, %mul3A_766 : i32
      %add3A_768 = arith.constant 11 : i32
      %add3A_769 = arith.addi %mul3A_767, %add3A_768 : i32
      %broadcast_in_dim3A_770 = arith.constant 0.000000e+00 : f32
      %broadcast_in_dim3A_771 = vector.broadcast %broadcast_in_dim3A_770 : f32 to vector<16xf32>
      %get3A_772 = arith.index_cast %add3A_769 : i32 to index
      %get3A_773 = arith.constant 0 : index
      %get3A_774 = tpu.vector_load %arg8[%get3A_772, %get3A_773] {strides = array<i32>} : memref<80x64xi32, #tpu.memory_space<vmem>>, vector<16xi32>,
      %bitcast3A_775 = vector.bitcast %get3A_774 : vector<16xi32> to vector<32xbf16>
      %get3A_776 = arith.index_cast %add3A_769 : i32 to index
      %get3A_777 = arith.constant 0 : index
      %get3A_778 = tpu.vector_load %arg9[%get3A_776, %get3A_777] {strides = array<i32>} : memref<80x64xi32, #tpu.memory_space<vmem>>, vector<16xi32>,
      %bitcast3A_779 = vector.bitcast %get3A_778 : vector<16xi32> to vector<32xbf16>
      %mul3A_780 = arith.mulf %bitcast3A_775, %bitcast3A_779 : vector<32xbf16>
      %unpack3A_781 = tpu.unpack_subelements %mul3A_780, 0 {pack_format = #tpu.pack_format<interleaved>} : vector<32xbf16> -> vector<16xf32>
      %unpack3A_782 = tpu.unpack_subelements %mul3A_780, 1 {pack_format = #tpu.pack_format<interleaved>} : vector<32xbf16> -> vector<16xf32>
      %add3A_783 = arith.addf %broadcast_in_dim3A_771, %unpack3A_781 : vector<16xf32>
      %add3A_784 = arith.addf %add3A_783, %unpack3A_782 : vector<16xf32>
      %get3A_785 = arith.index_cast %add3A_769 : i32 to index
      %get3A_786 = arith.constant 16 : index
      %get3A_787 = tpu.vector_load %arg8[%get3A_785, %get3A_786] {strides = array<i32>} : memref<80x64xi32, #tpu.memory_space<vmem>>, vector<16xi32>,
      %bitcast3A_788 = vector.bitcast %get3A_787 : vector<16xi32> to vector<32xbf16>
      %get3A_789 = arith.index_cast %add3A_769 : i32 to index
      %get3A_790 = arith.constant 16 : index
      %get3A_791 = tpu.vector_load %arg9[%get3A_789, %get3A_790] {strides = array<i32>} : memref<80x64xi32, #tpu.memory_space<vmem>>, vector<16xi32>,
      %bitcast3A_792 = vector.bitcast %get3A_791 : vector<16xi32> to vector<32xbf16>
      %mul3A_793 = arith.mulf %bitcast3A_788, %bitcast3A_792 : vector<32xbf16>
      %unpack3A_794 = tpu.unpack_subelements %mul3A_793, 0 {pack_format = #tpu.pack_format<interleaved>} : vector<32xbf16> -> vector<16xf32>
      %unpack3A_795 = tpu.unpack_subelements %mul3A_793, 1 {pack_format = #tpu.pack_format<interleaved>} : vector<32xbf16> -> vector<16xf32>
      %add3A_796 = arith.addf %add3A_784, %unpack3A_794 : vector<16xf32>
      %add3A_797 = arith.addf %add3A_796, %unpack3A_795 : vector<16xf32>
      %get3A_798 = arith.index_cast %add3A_769 : i32 to index
      %get3A_799 = arith.constant 32 : index
      %get3A_800 = tpu.vector_load %arg8[%get3A_798, %get3A_799] {strides = array<i32>} : memref<80x64xi32, #tpu.memory_space<vmem>>, vector<16xi32>,
      %bitcast3A_801 = vector.bitcast %get3A_800 : vector<16xi32> to vector<32xbf16>
      %get3A_802 = arith.index_cast %add3A_769 : i32 to index
      %get3A_803 = arith.constant 32 : index
      %get3A_804 = tpu.vector_load %arg9[%get3A_802, %get3A_803] {strides = array<i32>} : memref<80x64xi32, #tpu.memory_space<vmem>>, vector<16xi32>,
      %bitcast3A_805 = vector.bitcast %get3A_804 : vector<16xi32> to vector<32xbf16>
      %mul3A_806 = arith.mulf %bitcast3A_801, %bitcast3A_805 : vector<32xbf16>
      %unpack3A_807 = tpu.unpack_subelements %mul3A_806, 0 {pack_format = #tpu.pack_format<interleaved>} : vector<32xbf16> -> vector<16xf32>
      %unpack3A_808 = tpu.unpack_subelements %mul3A_806, 1 {pack_format = #tpu.pack_format<interleaved>} : vector<32xbf16> -> vector<16xf32>
      %add3A_809 = arith.addf %add3A_797, %unpack3A_807 : vector<16xf32>
      %add3A_810 = arith.addf %add3A_809, %unpack3A_808 : vector<16xf32>
      %get3A_811 = arith.index_cast %add3A_769 : i32 to index
      %get3A_812 = arith.constant 48 : index
      %get3A_813 = tpu.vector_load %arg8[%get3A_811, %get3A_812] {strides = array<i32>} : memref<80x64xi32, #tpu.memory_space<vmem>>, vector<16xi32>,
      %bitcast3A_814 = vector.bitcast %get3A_813 : vector<16xi32> to vector<32xbf16>
      %get3A_815 = arith.index_cast %add3A_769 : i32 to index
      %get3A_816 = arith.constant 48 : index
      %get3A_817 = tpu.vector_load %arg9[%get3A_815, %get3A_816] {strides = array<i32>} : memref<80x64xi32, #tpu.memory_space<vmem>>, vector<16xi32>,
      %bitcast3A_818 = vector.bitcast %get3A_817 : vector<16xi32> to vector<32xbf16>
      %mul3A_819 = arith.mulf %bitcast3A_814, %bitcast3A_818 : vector<32xbf16>
      %unpack3A_820 = tpu.unpack_subelements %mul3A_819, 0 {pack_format = #tpu.pack_format<interleaved>} : vector<32xbf16> -> vector<16xf32>
      %unpack3A_821 = tpu.unpack_subelements %mul3A_819, 1 {pack_format = #tpu.pack_format<interleaved>} : vector<32xbf16> -> vector<16xf32>
      %add3A_822 = arith.addf %add3A_810, %unpack3A_820 : vector<16xf32>
      %add3A_823 = arith.addf %add3A_822, %unpack3A_821 : vector<16xf32>
      %eq3A_824 = arith.constant 11 : i32
      %eq3A_825 = vector.broadcast %eq3A_824 : i32 to vector<16xi32>
      %eq3A_826 = arith.cmpi eq, %iota3A, %eq3A_825 : vector<16xi32>
      %reduce_sum3A_827 = arith.constant true
      %reduce_sum3A_828 = vector.broadcast %reduce_sum3A_827 : i1 to vector<16xi1>
      %reduce_sum3A_829 = tpu.scan <sum>, %add3A_823 masked %reduce_sum3A_828 : vector<16xf32>, vector<16xi1> -> vector<16xf32>
      %reduce_sum3A_830 = vector.extract %reduce_sum3A_829[15] : f32 from vector<16xf32>
      %broadcast_in_dim3A_831 = vector.broadcast %reduce_sum3A_830 : f32 to vector<16xf32>
      %select_n3A_832 = arith.select %eq3A_826, %broadcast_in_dim3A_831, %select_n3A_765 : vector<16xi1>, vector<16xf32>
      %mul3A_833 = arith.constant 16 : i32
      %mul3A_834 = arith.muli %scan3A_33, %mul3A_833 : i32
      %add3A_835 = arith.constant 12 : i32
      %add3A_836 = arith.addi %mul3A_834, %add3A_835 : i32
      %broadcast_in_dim3A_837 = arith.constant 0.000000e+00 : f32
      %broadcast_in_dim3A_838 = vector.broadcast %broadcast_in_dim3A_837 : f32 to vector<16xf32>
      %get3A_839 = arith.index_cast %add3A_836 : i32 to index
      %get3A_840 = arith.constant 0 : index
      %get3A_841 = tpu.vector_load %arg8[%get3A_839, %get3A_840] {strides = array<i32>} : memref<80x64xi32, #tpu.memory_space<vmem>>, vector<16xi32>,
      %bitcast3A_842 = vector.bitcast %get3A_841 : vector<16xi32> to vector<32xbf16>
      %get3A_843 = arith.index_cast %add3A_836 : i32 to index
      %get3A_844 = arith.constant 0 : index
      %get3A_845 = tpu.vector_load %arg9[%get3A_843, %get3A_844] {strides = array<i32>} : memref<80x64xi32, #tpu.memory_space<vmem>>, vector<16xi32>,
      %bitcast3A_846 = vector.bitcast %get3A_845 : vector<16xi32> to vector<32xbf16>
      %mul3A_847 = arith.mulf %bitcast3A_842, %bitcast3A_846 : vector<32xbf16>
      %unpack3A_848 = tpu.unpack_subelements %mul3A_847, 0 {pack_format = #tpu.pack_format<interleaved>} : vector<32xbf16> -> vector<16xf32>
      %unpack3A_849 = tpu.unpack_subelements %mul3A_847, 1 {pack_format = #tpu.pack_format<interleaved>} : vector<32xbf16> -> vector<16xf32>
      %add3A_850 = arith.addf %broadcast_in_dim3A_838, %unpack3A_848 : vector<16xf32>
      %add3A_851 = arith.addf %add3A_850, %unpack3A_849 : vector<16xf32>
      %get3A_852 = arith.index_cast %add3A_836 : i32 to index
      %get3A_853 = arith.constant 16 : index
      %get3A_854 = tpu.vector_load %arg8[%get3A_852, %get3A_853] {strides = array<i32>} : memref<80x64xi32, #tpu.memory_space<vmem>>, vector<16xi32>,
      %bitcast3A_855 = vector.bitcast %get3A_854 : vector<16xi32> to vector<32xbf16>
      %get3A_856 = arith.index_cast %add3A_836 : i32 to index
      %get3A_857 = arith.constant 16 : index
      %get3A_858 = tpu.vector_load %arg9[%get3A_856, %get3A_857] {strides = array<i32>} : memref<80x64xi32, #tpu.memory_space<vmem>>, vector<16xi32>,
      %bitcast3A_859 = vector.bitcast %get3A_858 : vector<16xi32> to vector<32xbf16>
      %mul3A_860 = arith.mulf %bitcast3A_855, %bitcast3A_859 : vector<32xbf16>
      %unpack3A_861 = tpu.unpack_subelements %mul3A_860, 0 {pack_format = #tpu.pack_format<interleaved>} : vector<32xbf16> -> vector<16xf32>
      %unpack3A_862 = tpu.unpack_subelements %mul3A_860, 1 {pack_format = #tpu.pack_format<interleaved>} : vector<32xbf16> -> vector<16xf32>
      %add3A_863 = arith.addf %add3A_851, %unpack3A_861 : vector<16xf32>
      %add3A_864 = arith.addf %add3A_863, %unpack3A_862 : vector<16xf32>
      %get3A_865 = arith.index_cast %add3A_836 : i32 to index
      %get3A_866 = arith.constant 32 : index
      %get3A_867 = tpu.vector_load %arg8[%get3A_865, %get3A_866] {strides = array<i32>} : memref<80x64xi32, #tpu.memory_space<vmem>>, vector<16xi32>,
      %bitcast3A_868 = vector.bitcast %get3A_867 : vector<16xi32> to vector<32xbf16>
      %get3A_869 = arith.index_cast %add3A_836 : i32 to index
      %get3A_870 = arith.constant 32 : index
      %get3A_871 = tpu.vector_load %arg9[%get3A_869, %get3A_870] {strides = array<i32>} : memref<80x64xi32, #tpu.memory_space<vmem>>, vector<16xi32>,
      %bitcast3A_872 = vector.bitcast %get3A_871 : vector<16xi32> to vector<32xbf16>
      %mul3A_873 = arith.mulf %bitcast3A_868, %bitcast3A_872 : vector<32xbf16>
      %unpack3A_874 = tpu.unpack_subelements %mul3A_873, 0 {pack_format = #tpu.pack_format<interleaved>} : vector<32xbf16> -> vector<16xf32>
      %unpack3A_875 = tpu.unpack_subelements %mul3A_873, 1 {pack_format = #tpu.pack_format<interleaved>} : vector<32xbf16> -> vector<16xf32>
      %add3A_876 = arith.addf %add3A_864, %unpack3A_874 : vector<16xf32>
      %add3A_877 = arith.addf %add3A_876, %unpack3A_875 : vector<16xf32>
      %get3A_878 = arith.index_cast %add3A_836 : i32 to index
      %get3A_879 = arith.constant 48 : index
      %get3A_880 = tpu.vector_load %arg8[%get3A_878, %get3A_879] {strides = array<i32>} : memref<80x64xi32, #tpu.memory_space<vmem>>, vector<16xi32>,
      %bitcast3A_881 = vector.bitcast %get3A_880 : vector<16xi32> to vector<32xbf16>
      %get3A_882 = arith.index_cast %add3A_836 : i32 to index
      %get3A_883 = arith.constant 48 : index
      %get3A_884 = tpu.vector_load %arg9[%get3A_882, %get3A_883] {strides = array<i32>} : memref<80x64xi32, #tpu.memory_space<vmem>>, vector<16xi32>,
      %bitcast3A_885 = vector.bitcast %get3A_884 : vector<16xi32> to vector<32xbf16>
      %mul3A_886 = arith.mulf %bitcast3A_881, %bitcast3A_885 : vector<32xbf16>
      %unpack3A_887 = tpu.unpack_subelements %mul3A_886, 0 {pack_format = #tpu.pack_format<interleaved>} : vector<32xbf16> -> vector<16xf32>
      %unpack3A_888 = tpu.unpack_subelements %mul3A_886, 1 {pack_format = #tpu.pack_format<interleaved>} : vector<32xbf16> -> vector<16xf32>
      %add3A_889 = arith.addf %add3A_877, %unpack3A_887 : vector<16xf32>
      %add3A_890 = arith.addf %add3A_889, %unpack3A_888 : vector<16xf32>
      %eq3A_891 = arith.constant 12 : i32
      %eq3A_892 = vector.broadcast %eq3A_891 : i32 to vector<16xi32>
      %eq3A_893 = arith.cmpi eq, %iota3A, %eq3A_892 : vector<16xi32>
      %reduce_sum3A_894 = arith.constant true
      %reduce_sum3A_895 = vector.broadcast %reduce_sum3A_894 : i1 to vector<16xi1>
      %reduce_sum3A_896 = tpu.scan <sum>, %add3A_890 masked %reduce_sum3A_895 : vector<16xf32>, vector<16xi1> -> vector<16xf32>
      %reduce_sum3A_897 = vector.extract %reduce_sum3A_896[15] : f32 from vector<16xf32>
      %broadcast_in_dim3A_898 = vector.broadcast %reduce_sum3A_897 : f32 to vector<16xf32>
      %select_n3A_899 = arith.select %eq3A_893, %broadcast_in_dim3A_898, %select_n3A_832 : vector<16xi1>, vector<16xf32>
      %mul3A_900 = arith.constant 16 : i32
      %mul3A_901 = arith.muli %scan3A_33, %mul3A_900 : i32
      %add3A_902 = arith.constant 13 : i32
      %add3A_903 = arith.addi %mul3A_901, %add3A_902 : i32
      %broadcast_in_dim3A_904 = arith.constant 0.000000e+00 : f32
      %broadcast_in_dim3A_905 = vector.broadcast %broadcast_in_dim3A_904 : f32 to vector<16xf32>
      %get3A_906 = arith.index_cast %add3A_903 : i32 to index
      %get3A_907 = arith.constant 0 : index
      %get3A_908 = tpu.vector_load %arg8[%get3A_906, %get3A_907] {strides = array<i32>} : memref<80x64xi32, #tpu.memory_space<vmem>>, vector<16xi32>,
      %bitcast3A_909 = vector.bitcast %get3A_908 : vector<16xi32> to vector<32xbf16>
      %get3A_910 = arith.index_cast %add3A_903 : i32 to index
      %get3A_911 = arith.constant 0 : index
      %get3A_912 = tpu.vector_load %arg9[%get3A_910, %get3A_911] {strides = array<i32>} : memref<80x64xi32, #tpu.memory_space<vmem>>, vector<16xi32>,
      %bitcast3A_913 = vector.bitcast %get3A_912 : vector<16xi32> to vector<32xbf16>
      %mul3A_914 = arith.mulf %bitcast3A_909, %bitcast3A_913 : vector<32xbf16>
      %unpack3A_915 = tpu.unpack_subelements %mul3A_914, 0 {pack_format = #tpu.pack_format<interleaved>} : vector<32xbf16> -> vector<16xf32>
      %unpack3A_916 = tpu.unpack_subelements %mul3A_914, 1 {pack_format = #tpu.pack_format<interleaved>} : vector<32xbf16> -> vector<16xf32>
      %add3A_917 = arith.addf %broadcast_in_dim3A_905, %unpack3A_915 : vector<16xf32>
      %add3A_918 = arith.addf %add3A_917, %unpack3A_916 : vector<16xf32>
      %get3A_919 = arith.index_cast %add3A_903 : i32 to index
      %get3A_920 = arith.constant 16 : index
      %get3A_921 = tpu.vector_load %arg8[%get3A_919, %get3A_920] {strides = array<i32>} : memref<80x64xi32, #tpu.memory_space<vmem>>, vector<16xi32>,
      %bitcast3A_922 = vector.bitcast %get3A_921 : vector<16xi32> to vector<32xbf16>
      %get3A_923 = arith.index_cast %add3A_903 : i32 to index
      %get3A_924 = arith.constant 16 : index
      %get3A_925 = tpu.vector_load %arg9[%get3A_923, %get3A_924] {strides = array<i32>} : memref<80x64xi32, #tpu.memory_space<vmem>>, vector<16xi32>,
      %bitcast3A_926 = vector.bitcast %get3A_925 : vector<16xi32> to vector<32xbf16>
      %mul3A_927 = arith.mulf %bitcast3A_922, %bitcast3A_926 : vector<32xbf16>
      %unpack3A_928 = tpu.unpack_subelements %mul3A_927, 0 {pack_format = #tpu.pack_format<interleaved>} : vector<32xbf16> -> vector<16xf32>
      %unpack3A_929 = tpu.unpack_subelements %mul3A_927, 1 {pack_format = #tpu.pack_format<interleaved>} : vector<32xbf16> -> vector<16xf32>
      %add3A_930 = arith.addf %add3A_918, %unpack3A_928 : vector<16xf32>
      %add3A_931 = arith.addf %add3A_930, %unpack3A_929 : vector<16xf32>
      %get3A_932 = arith.index_cast %add3A_903 : i32 to index
      %get3A_933 = arith.constant 32 : index
      %get3A_934 = tpu.vector_load %arg8[%get3A_932, %get3A_933] {strides = array<i32>} : memref<80x64xi32, #tpu.memory_space<vmem>>, vector<16xi32>,
      %bitcast3A_935 = vector.bitcast %get3A_934 : vector<16xi32> to vector<32xbf16>
      %get3A_936 = arith.index_cast %add3A_903 : i32 to index
      %get3A_937 = arith.constant 32 : index
      %get3A_938 = tpu.vector_load %arg9[%get3A_936, %get3A_937] {strides = array<i32>} : memref<80x64xi32, #tpu.memory_space<vmem>>, vector<16xi32>,
      %bitcast3A_939 = vector.bitcast %get3A_938 : vector<16xi32> to vector<32xbf16>
      %mul3A_940 = arith.mulf %bitcast3A_935, %bitcast3A_939 : vector<32xbf16>
      %unpack3A_941 = tpu.unpack_subelements %mul3A_940, 0 {pack_format = #tpu.pack_format<interleaved>} : vector<32xbf16> -> vector<16xf32>
      %unpack3A_942 = tpu.unpack_subelements %mul3A_940, 1 {pack_format = #tpu.pack_format<interleaved>} : vector<32xbf16> -> vector<16xf32>
      %add3A_943 = arith.addf %add3A_931, %unpack3A_941 : vector<16xf32>
      %add3A_944 = arith.addf %add3A_943, %unpack3A_942 : vector<16xf32>
      %get3A_945 = arith.index_cast %add3A_903 : i32 to index
      %get3A_946 = arith.constant 48 : index
      %get3A_947 = tpu.vector_load %arg8[%get3A_945, %get3A_946] {strides = array<i32>} : memref<80x64xi32, #tpu.memory_space<vmem>>, vector<16xi32>,
      %bitcast3A_948 = vector.bitcast %get3A_947 : vector<16xi32> to vector<32xbf16>
      %get3A_949 = arith.index_cast %add3A_903 : i32 to index
      %get3A_950 = arith.constant 48 : index
      %get3A_951 = tpu.vector_load %arg9[%get3A_949, %get3A_950] {strides = array<i32>} : memref<80x64xi32, #tpu.memory_space<vmem>>, vector<16xi32>,
      %bitcast3A_952 = vector.bitcast %get3A_951 : vector<16xi32> to vector<32xbf16>
      %mul3A_953 = arith.mulf %bitcast3A_948, %bitcast3A_952 : vector<32xbf16>
      %unpack3A_954 = tpu.unpack_subelements %mul3A_953, 0 {pack_format = #tpu.pack_format<interleaved>} : vector<32xbf16> -> vector<16xf32>
      %unpack3A_955 = tpu.unpack_subelements %mul3A_953, 1 {pack_format = #tpu.pack_format<interleaved>} : vector<32xbf16> -> vector<16xf32>
      %add3A_956 = arith.addf %add3A_944, %unpack3A_954 : vector<16xf32>
      %add3A_957 = arith.addf %add3A_956, %unpack3A_955 : vector<16xf32>
      %eq3A_958 = arith.constant 13 : i32
      %eq3A_959 = vector.broadcast %eq3A_958 : i32 to vector<16xi32>
      %eq3A_960 = arith.cmpi eq, %iota3A, %eq3A_959 : vector<16xi32>
      %reduce_sum3A_961 = arith.constant true
      %reduce_sum3A_962 = vector.broadcast %reduce_sum3A_961 : i1 to vector<16xi1>
      %reduce_sum3A_963 = tpu.scan <sum>, %add3A_957 masked %reduce_sum3A_962 : vector<16xf32>, vector<16xi1> -> vector<16xf32>
      %reduce_sum3A_964 = vector.extract %reduce_sum3A_963[15] : f32 from vector<16xf32>
      %broadcast_in_dim3A_965 = vector.broadcast %reduce_sum3A_964 : f32 to vector<16xf32>
      %select_n3A_966 = arith.select %eq3A_960, %broadcast_in_dim3A_965, %select_n3A_899 : vector<16xi1>, vector<16xf32>
      %mul3A_967 = arith.constant 16 : i32
      %mul3A_968 = arith.muli %scan3A_33, %mul3A_967 : i32
      %add3A_969 = arith.constant 14 : i32
      %add3A_970 = arith.addi %mul3A_968, %add3A_969 : i32
      %broadcast_in_dim3A_971 = arith.constant 0.000000e+00 : f32
      %broadcast_in_dim3A_972 = vector.broadcast %broadcast_in_dim3A_971 : f32 to vector<16xf32>
      %get3A_973 = arith.index_cast %add3A_970 : i32 to index
      %get3A_974 = arith.constant 0 : index
      %get3A_975 = tpu.vector_load %arg8[%get3A_973, %get3A_974] {strides = array<i32>} : memref<80x64xi32, #tpu.memory_space<vmem>>, vector<16xi32>,
      %bitcast3A_976 = vector.bitcast %get3A_975 : vector<16xi32> to vector<32xbf16>
      %get3A_977 = arith.index_cast %add3A_970 : i32 to index
      %get3A_978 = arith.constant 0 : index
      %get3A_979 = tpu.vector_load %arg9[%get3A_977, %get3A_978] {strides = array<i32>} : memref<80x64xi32, #tpu.memory_space<vmem>>, vector<16xi32>,
      %bitcast3A_980 = vector.bitcast %get3A_979 : vector<16xi32> to vector<32xbf16>
      %mul3A_981 = arith.mulf %bitcast3A_976, %bitcast3A_980 : vector<32xbf16>
      %unpack3A_982 = tpu.unpack_subelements %mul3A_981, 0 {pack_format = #tpu.pack_format<interleaved>} : vector<32xbf16> -> vector<16xf32>
      %unpack3A_983 = tpu.unpack_subelements %mul3A_981, 1 {pack_format = #tpu.pack_format<interleaved>} : vector<32xbf16> -> vector<16xf32>
      %add3A_984 = arith.addf %broadcast_in_dim3A_972, %unpack3A_982 : vector<16xf32>
      %add3A_985 = arith.addf %add3A_984, %unpack3A_983 : vector<16xf32>
      %get3A_986 = arith.index_cast %add3A_970 : i32 to index
      %get3A_987 = arith.constant 16 : index
      %get3A_988 = tpu.vector_load %arg8[%get3A_986, %get3A_987] {strides = array<i32>} : memref<80x64xi32, #tpu.memory_space<vmem>>, vector<16xi32>,
      %bitcast3A_989 = vector.bitcast %get3A_988 : vector<16xi32> to vector<32xbf16>
      %get3A_990 = arith.index_cast %add3A_970 : i32 to index
      %get3A_991 = arith.constant 16 : index
      %get3A_992 = tpu.vector_load %arg9[%get3A_990, %get3A_991] {strides = array<i32>} : memref<80x64xi32, #tpu.memory_space<vmem>>, vector<16xi32>,
      %bitcast3A_993 = vector.bitcast %get3A_992 : vector<16xi32> to vector<32xbf16>
      %mul3A_994 = arith.mulf %bitcast3A_989, %bitcast3A_993 : vector<32xbf16>
      %unpack3A_995 = tpu.unpack_subelements %mul3A_994, 0 {pack_format = #tpu.pack_format<interleaved>} : vector<32xbf16> -> vector<16xf32>
      %unpack3A_996 = tpu.unpack_subelements %mul3A_994, 1 {pack_format = #tpu.pack_format<interleaved>} : vector<32xbf16> -> vector<16xf32>
      %add3A_997 = arith.addf %add3A_985, %unpack3A_995 : vector<16xf32>
      %add3A_998 = arith.addf %add3A_997, %unpack3A_996 : vector<16xf32>
      %get3A_999 = arith.index_cast %add3A_970 : i32 to index
      %get3A_1000 = arith.constant 32 : index
      %get3A_1001 = tpu.vector_load %arg8[%get3A_999, %get3A_1000] {strides = array<i32>} : memref<80x64xi32, #tpu.memory_space<vmem>>, vector<16xi32>,
      %bitcast3A_1002 = vector.bitcast %get3A_1001 : vector<16xi32> to vector<32xbf16>
      %get3A_1003 = arith.index_cast %add3A_970 : i32 to index
      %get3A_1004 = arith.constant 32 : index
      %get3A_1005 = tpu.vector_load %arg9[%get3A_1003, %get3A_1004] {strides = array<i32>} : memref<80x64xi32, #tpu.memory_space<vmem>>, vector<16xi32>,
      %bitcast3A_1006 = vector.bitcast %get3A_1005 : vector<16xi32> to vector<32xbf16>
      %mul3A_1007 = arith.mulf %bitcast3A_1002, %bitcast3A_1006 : vector<32xbf16>
      %unpack3A_1008 = tpu.unpack_subelements %mul3A_1007, 0 {pack_format = #tpu.pack_format<interleaved>} : vector<32xbf16> -> vector<16xf32>
      %unpack3A_1009 = tpu.unpack_subelements %mul3A_1007, 1 {pack_format = #tpu.pack_format<interleaved>} : vector<32xbf16> -> vector<16xf32>
      %add3A_1010 = arith.addf %add3A_998, %unpack3A_1008 : vector<16xf32>
      %add3A_1011 = arith.addf %add3A_1010, %unpack3A_1009 : vector<16xf32>
      %get3A_1012 = arith.index_cast %add3A_970 : i32 to index
      %get3A_1013 = arith.constant 48 : index
      %get3A_1014 = tpu.vector_load %arg8[%get3A_1012, %get3A_1013] {strides = array<i32>} : memref<80x64xi32, #tpu.memory_space<vmem>>, vector<16xi32>,
      %bitcast3A_1015 = vector.bitcast %get3A_1014 : vector<16xi32> to vector<32xbf16>
      %get3A_1016 = arith.index_cast %add3A_970 : i32 to index
      %get3A_1017 = arith.constant 48 : index
      %get3A_1018 = tpu.vector_load %arg9[%get3A_1016, %get3A_1017] {strides = array<i32>} : memref<80x64xi32, #tpu.memory_space<vmem>>, vector<16xi32>,
      %bitcast3A_1019 = vector.bitcast %get3A_1018 : vector<16xi32> to vector<32xbf16>
      %mul3A_1020 = arith.mulf %bitcast3A_1015, %bitcast3A_1019 : vector<32xbf16>
      %unpack3A_1021 = tpu.unpack_subelements %mul3A_1020, 0 {pack_format = #tpu.pack_format<interleaved>} : vector<32xbf16> -> vector<16xf32>
      %unpack3A_1022 = tpu.unpack_subelements %mul3A_1020, 1 {pack_format = #tpu.pack_format<interleaved>} : vector<32xbf16> -> vector<16xf32>
      %add3A_1023 = arith.addf %add3A_1011, %unpack3A_1021 : vector<16xf32>
      %add3A_1024 = arith.addf %add3A_1023, %unpack3A_1022 : vector<16xf32>
      %eq3A_1025 = arith.constant 14 : i32
      %eq3A_1026 = vector.broadcast %eq3A_1025 : i32 to vector<16xi32>
      %eq3A_1027 = arith.cmpi eq, %iota3A, %eq3A_1026 : vector<16xi32>
      %reduce_sum3A_1028 = arith.constant true
      %reduce_sum3A_1029 = vector.broadcast %reduce_sum3A_1028 : i1 to vector<16xi1>
      %reduce_sum3A_1030 = tpu.scan <sum>, %add3A_1024 masked %reduce_sum3A_1029 : vector<16xf32>, vector<16xi1> -> vector<16xf32>
      %reduce_sum3A_1031 = vector.extract %reduce_sum3A_1030[15] : f32 from vector<16xf32>
      %broadcast_in_dim3A_1032 = vector.broadcast %reduce_sum3A_1031 : f32 to vector<16xf32>
      %select_n3A_1033 = arith.select %eq3A_1027, %broadcast_in_dim3A_1032, %select_n3A_966 : vector<16xi1>, vector<16xf32>
      %mul3A_1034 = arith.constant 16 : i32
      %mul3A_1035 = arith.muli %scan3A_33, %mul3A_1034 : i32
      %add3A_1036 = arith.constant 15 : i32
      %add3A_1037 = arith.addi %mul3A_1035, %add3A_1036 : i32
      %broadcast_in_dim3A_1038 = arith.constant 0.000000e+00 : f32
      %broadcast_in_dim3A_1039 = vector.broadcast %broadcast_in_dim3A_1038 : f32 to vector<16xf32>
      %get3A_1040 = arith.index_cast %add3A_1037 : i32 to index
      %get3A_1041 = arith.constant 0 : index
      %get3A_1042 = tpu.vector_load %arg8[%get3A_1040, %get3A_1041] {strides = array<i32>} : memref<80x64xi32, #tpu.memory_space<vmem>>, vector<16xi32>,
      %bitcast3A_1043 = vector.bitcast %get3A_1042 : vector<16xi32> to vector<32xbf16>
      %get3A_1044 = arith.index_cast %add3A_1037 : i32 to index
      %get3A_1045 = arith.constant 0 : index
      %get3A_1046 = tpu.vector_load %arg9[%get3A_1044, %get3A_1045] {strides = array<i32>} : memref<80x64xi32, #tpu.memory_space<vmem>>, vector<16xi32>,
      %bitcast3A_1047 = vector.bitcast %get3A_1046 : vector<16xi32> to vector<32xbf16>
      %mul3A_1048 = arith.mulf %bitcast3A_1043, %bitcast3A_1047 : vector<32xbf16>
      %unpack3A_1049 = tpu.unpack_subelements %mul3A_1048, 0 {pack_format = #tpu.pack_format<interleaved>} : vector<32xbf16> -> vector<16xf32>
      %unpack3A_1050 = tpu.unpack_subelements %mul3A_1048, 1 {pack_format = #tpu.pack_format<interleaved>} : vector<32xbf16> -> vector<16xf32>
      %add3A_1051 = arith.addf %broadcast_in_dim3A_1039, %unpack3A_1049 : vector<16xf32>
      %add3A_1052 = arith.addf %add3A_1051, %unpack3A_1050 : vector<16xf32>
      %get3A_1053 = arith.index_cast %add3A_1037 : i32 to index
      %get3A_1054 = arith.constant 16 : index
      %get3A_1055 = tpu.vector_load %arg8[%get3A_1053, %get3A_1054] {strides = array<i32>} : memref<80x64xi32, #tpu.memory_space<vmem>>, vector<16xi32>,
      %bitcast3A_1056 = vector.bitcast %get3A_1055 : vector<16xi32> to vector<32xbf16>
      %get3A_1057 = arith.index_cast %add3A_1037 : i32 to index
      %get3A_1058 = arith.constant 16 : index
      %get3A_1059 = tpu.vector_load %arg9[%get3A_1057, %get3A_1058] {strides = array<i32>} : memref<80x64xi32, #tpu.memory_space<vmem>>, vector<16xi32>,
      %bitcast3A_1060 = vector.bitcast %get3A_1059 : vector<16xi32> to vector<32xbf16>
      %mul3A_1061 = arith.mulf %bitcast3A_1056, %bitcast3A_1060 : vector<32xbf16>
      %unpack3A_1062 = tpu.unpack_subelements %mul3A_1061, 0 {pack_format = #tpu.pack_format<interleaved>} : vector<32xbf16> -> vector<16xf32>
      %unpack3A_1063 = tpu.unpack_subelements %mul3A_1061, 1 {pack_format = #tpu.pack_format<interleaved>} : vector<32xbf16> -> vector<16xf32>
      %add3A_1064 = arith.addf %add3A_1052, %unpack3A_1062 : vector<16xf32>
      %add3A_1065 = arith.addf %add3A_1064, %unpack3A_1063 : vector<16xf32>
      %get3A_1066 = arith.index_cast %add3A_1037 : i32 to index
      %get3A_1067 = arith.constant 32 : index
      %get3A_1068 = tpu.vector_load %arg8[%get3A_1066, %get3A_1067] {strides = array<i32>} : memref<80x64xi32, #tpu.memory_space<vmem>>, vector<16xi32>,
      %bitcast3A_1069 = vector.bitcast %get3A_1068 : vector<16xi32> to vector<32xbf16>
      %get3A_1070 = arith.index_cast %add3A_1037 : i32 to index
      %get3A_1071 = arith.constant 32 : index
      %get3A_1072 = tpu.vector_load %arg9[%get3A_1070, %get3A_1071] {strides = array<i32>} : memref<80x64xi32, #tpu.memory_space<vmem>>, vector<16xi32>,
      %bitcast3A_1073 = vector.bitcast %get3A_1072 : vector<16xi32> to vector<32xbf16>
      %mul3A_1074 = arith.mulf %bitcast3A_1069, %bitcast3A_1073 : vector<32xbf16>
      %unpack3A_1075 = tpu.unpack_subelements %mul3A_1074, 0 {pack_format = #tpu.pack_format<interleaved>} : vector<32xbf16> -> vector<16xf32>
      %unpack3A_1076 = tpu.unpack_subelements %mul3A_1074, 1 {pack_format = #tpu.pack_format<interleaved>} : vector<32xbf16> -> vector<16xf32>
      %add3A_1077 = arith.addf %add3A_1065, %unpack3A_1075 : vector<16xf32>
      %add3A_1078 = arith.addf %add3A_1077, %unpack3A_1076 : vector<16xf32>
      %get3A_1079 = arith.index_cast %add3A_1037 : i32 to index
      %get3A_1080 = arith.constant 48 : index
      %get3A_1081 = tpu.vector_load %arg8[%get3A_1079, %get3A_1080] {strides = array<i32>} : memref<80x64xi32, #tpu.memory_space<vmem>>, vector<16xi32>,
      %bitcast3A_1082 = vector.bitcast %get3A_1081 : vector<16xi32> to vector<32xbf16>
      %get3A_1083 = arith.index_cast %add3A_1037 : i32 to index
      %get3A_1084 = arith.constant 48 : index
      %get3A_1085 = tpu.vector_load %arg9[%get3A_1083, %get3A_1084] {strides = array<i32>} : memref<80x64xi32, #tpu.memory_space<vmem>>, vector<16xi32>,
      %bitcast3A_1086 = vector.bitcast %get3A_1085 : vector<16xi32> to vector<32xbf16>
      %mul3A_1087 = arith.mulf %bitcast3A_1082, %bitcast3A_1086 : vector<32xbf16>
      %unpack3A_1088 = tpu.unpack_subelements %mul3A_1087, 0 {pack_format = #tpu.pack_format<interleaved>} : vector<32xbf16> -> vector<16xf32>
      %unpack3A_1089 = tpu.unpack_subelements %mul3A_1087, 1 {pack_format = #tpu.pack_format<interleaved>} : vector<32xbf16> -> vector<16xf32>
      %add3A_1090 = arith.addf %add3A_1078, %unpack3A_1088 : vector<16xf32>
      %add3A_1091 = arith.addf %add3A_1090, %unpack3A_1089 : vector<16xf32>
      %eq3A_1092 = arith.constant 15 : i32
      %eq3A_1093 = vector.broadcast %eq3A_1092 : i32 to vector<16xi32>
      %eq3A_1094 = arith.cmpi eq, %iota3A, %eq3A_1093 : vector<16xi32>
      %reduce_sum3A_1095 = arith.constant true
      %reduce_sum3A_1096 = vector.broadcast %reduce_sum3A_1095 : i1 to vector<16xi1>
      %reduce_sum3A_1097 = tpu.scan <sum>, %add3A_1091 masked %reduce_sum3A_1096 : vector<16xf32>, vector<16xi1> -> vector<16xf32>
      %reduce_sum3A_1098 = vector.extract %reduce_sum3A_1097[15] : f32 from vector<16xf32>
      %broadcast_in_dim3A_1099 = vector.broadcast %reduce_sum3A_1098 : f32 to vector<16xf32>
      %select_n3A_1100 = arith.select %eq3A_1094, %broadcast_in_dim3A_1099, %select_n3A_1033 : vector<16xi1>, vector<16xf32>
      %mul3A_1101 = arith.constant 16 : i32
      %mul3A_1102 = arith.muli %scan3A_33, %mul3A_1101 : i32
      %add3A_1103 = arith.constant 9920 : i32
      %add3A_1104 = arith.addi %add3A_1103, %mul3A_1102 : i32
      %swap3A = arith.index_cast %add3A_1104 : i32 to index
      %swap3A_1105 = tpu.vector_load %arg12[%swap3A] {strides = array<i32>} : memref<10000xf32, #tpu.memory_space<vmem>>, vector<16xf32>,
      tpu.vector_store %arg12[%swap3A], %select_n3A_1100 {strides = array<i32>} : memref<10000xf32, #tpu.memory_space<vmem>>, vector<16xf32>,
    }
    %scan3A_32 = arith.constant 5 : i32
    "tpu.region"() ({
      %run_scoped3A_33 = tpu.sem_alloc : memref<!tpu.dma_semaphore, #tpu.memory_space<semaphore_mem>>
      %dma_start3A_34 = tpu.memref_slice %arg5[%mul3A_2] : memref<320000xf32, #tpu.memory_space<hbm>> -> memref<10000xf32, #tpu.memory_space<hbm>>
      %dma_start3A_35 = tpu.memref_slice %arg5[%mul3A_2] : memref<320000xf32, #tpu.memory_space<hbm>> -> memref<10000xf32, #tpu.memory_space<hbm>>
      tpu.enqueue_dma source(%arg12 : memref<10000xf32, #tpu.memory_space<vmem>>) target(%dma_start3A_35 : memref<10000xf32, #tpu.memory_space<hbm>>) target_semaphore(%run_scoped3A_33 : memref<!tpu.dma_semaphore, #tpu.memory_space<semaphore_mem>>)
      %dma_wait3A_36 = tpu.memref_slice %arg5[%mul3A_2] : memref<320000xf32, #tpu.memory_space<hbm>> -> memref<10000xf32, #tpu.memory_space<hbm>>
      %dma_wait3A_37 = tpu.memref_slice %arg5[%mul3A_2] : memref<320000xf32, #tpu.memory_space<hbm>> -> memref<10000xf32, #tpu.memory_space<hbm>>
      tpu.wait_dma2 semaphore(%run_scoped3A_33 : memref<!tpu.dma_semaphore, #tpu.memory_space<semaphore_mem>>) src(%arg12 : memref<10000xf32, #tpu.memory_space<vmem>>) dst(%dma_wait3A_37 : memref<10000xf32, #tpu.memory_space<hbm>>)
      tpu.yield
    }) : () -> ()
    return
  }
}

</mosaic_0001>

<sc_bundles>
// kernel: _edge_scores.3.cloned.1.call-start
scs
__scs_entry_jumppad:
0x0: {  	(pc) =	sbr.rel $0x88, $3  }
0x1: {  	(tag) =	ssettag $0x0;
	lr =	simm.s32 $0x1  }
0x2: {  	[smem:$0x3F9E] =	sst lr;
	_ =	strace $0xD0000000  }
0x3: {  	_ = 	snop  }
0x4: {  	_ = 	snop  }
0x5: {  	_ = 	snop  }
0x6: {  	_ = 	snop  }
0x7: {  	_ = 	snop  }
__scs_overlays_trampoline_lowered:
0x8: {  	[smem:$0x3FAD] =	sst s0  }
0x9: {  	[smem:$0x3FAE] =	sst s1  }
0xa: {  	[smem:$0x3FAF] =	sst s2  }
0xb: {  	[smem:$0x3FB0] =	sst s3  }
0xc: {  	[smem:$0x3FB1] =	sst s4  }
0xd: {  	[smem:$0x3FB2] =	sst s5  }
0xe: {  	[smem:$0x3FB3] =	sst s6  }
0xf: {  	[smem:$0x3FB4] =	sst s7  }
0x10: {  	[smem:$0x3FB5] =	sst s8  }
0x11: {  	[smem:$0x3FB6] =	sst s9;
	s0 =	simm.s32 @!p0 $0x0  }
0x12: {  	s1 =	sld [smem:$0x3F9C];
	s0 =	simm.s32 @p0 $0x1  }
0x13: {  	[smem:$0x3FB7] =	sst s0;
	s0 =	simm.s32 @!p1 $0x0  }
0x14: {  	s2 =	sld [smem:$0x3F9B];
	s0 =	simm.s32 @p1 $0x1  }
0x15: {  	[smem:$0x3FB8] =	sst s0;
	s0 =	simm.s32 @!p2 $0x0  }
0x16: {  	s3 =	sld [smem:$0x3FDB];
	s0 =	simm.s32 @p2 $0x1  }
0x17: {  	s4 =	simm.s32 $0x1BF5;
	[smem:$0x3FBA] =	sst s0  }
0x18: {  	s0 =	sld [smem:$0x3F9D];
	_ =	swait.ge [sflag:s4], $0x0  }
0x19: {  	s7 =	sld [smem:$0x3F9E]  }
0x1a: {  	s8 =	sadd.s32 $0xFFFFE003, lr  }
0x1b: {  	s9 =	sadd.s32 $0xFFFFFEF7, lr;
	s5 =	simm.s32 $0xFFFFFFFF;
	p2 =	slt.u32 s8, $0xFFFFF086  }
0x1c: {  	p1 =	slt.u32 s9, $0xF7A;
	s5 =	simm.s32 @!p2 $0x0  }
0x1d: {  	s5 =	simm.s32 @p1 $0x1;
	p0 =	seq.s32 s7, s2  }
0x1e: {  	s7 =	smul.u32 @!p0 $0xF7A, s2;
	p2 =	seq.s32 @!p0 s5, $0x0  }
0x1f: {  	s9 =	smul.u32 $0xF7A, s1;
	s8 =	simm.s32 @!p0 $0x1BF5;
	p2 =	por !p2, p0  }
0x20: {  	[sflag:s8] =	ssyncset.s32 @!p0 $0xFFFFF086;
	s6 =	sadd.s32 @!p0 s3, s7;
	s7 =	simm.s32 @!p0 $0x108  }
0x21: {  	s3 =	sadd.s32 s3, s9;
	s6 =	sadd.s32 @!p0 $0x88, s6;
	s7 =	simm.s32 @p2 $0x1082  }
0x22: {  	[simem:s7], [sflag:s8] =	dma.local @!p0 [hbm:s6], $0xF7A  }
0x23: {  	s9 =	sor.u32 $0xD0000000, s2;
	s6 =	simm.s32 $0x108;
	_ =	swait.ge @!p0 [sflag:s8], $0x0  }
0x24: {  	s3 =	sadd.s32 $0x88, s3;
	s6 =	simm.s32 @!p1 $0x1082;
	[sflag:s4] =	ssyncset.s32 $0xFFFFF086  }
0x25: {  	[simem:s6], [sflag:s4] =	dma.local [hbm:s3], $0xF7A  }
0x26: {  	[smem:$0x3F9E] =	sst s1;
	(tag) =	ssettag s2;
	_ =	strace s9  }
0x27: {  	s1 =	sld [smem:$0x3FAE]  }
0x28: {  	s2 =	sld [smem:$0x3FAF]  }
0x29: {  	s4 =	sld [smem:$0x3FB1]  }
0x2a: {  	p0 =	seq.s32 s5, $0x0;
	s5 =	sld [smem:$0x3FB2]  }
0x2b: {  	s6 =	sld [smem:$0x3FB3]  }
0x2c: {  	s7 =	sld [smem:$0x3FB4]  }
0x2d: {  	s3 =	simm.s32 $0x108;
	s8 =	sld [smem:$0x3FB5]  }
0x2e: {  	s3 =	simm.s32 @!p0 $0x1082;
	s9 =	sld [smem:$0x3FB6]  }
0x2f: {  	lr =	sadd.s32 s0, s3;
	s0 =	sld [smem:$0x3FAD]  }
0x30: {  	s3 =	sld [smem:$0x3FB0]  }
0x31: {  	[smem:$0x3FB9] =	sst s10  }
0x32: {  	s10 =	sld [smem:$0x3FB7];
	_ =	sdelay $0x3  }
0x33: {  	p0 =	seq.s32 s10, $0x1;
	s10 =	sld [smem:$0x3FB9];
	_ =	sdelay $0x3  }
0x34: {  	[smem:$0x3FB9] =	sst s10  }
0x35: {  	s10 =	sld [smem:$0x3FB8];
	_ =	sdelay $0x3  }
0x36: {  	p1 =	seq.s32 s10, $0x1;
	s10 =	sld [smem:$0x3FB9];
	_ =	sdelay $0x3  }
0x37: {  	[smem:$0x3FB9] =	sst s10  }
0x38: {  	s10 =	sld [smem:$0x3FBA]  }
0x39: {  	_ = 	snop;
	(pc) =	sbr.ind lr, $3  }
0x3a: {  	_ = 	snop  }
0x3b: {  	_ = 	snop  }
0x3c: {  	p2 =	seq.s32 s10, $0x1;
	s10 =	sld [smem:$0x3FB9]  }
0x3d: {  	_ =	shalt  }
0x3e: {  	_ =	shalt  }
0x3f: {  	_ =	shalt  }
0x40: {  	_ =	shalt  }
0x41: {  	_ =	shalt  }
0x42: {  	_ =	shalt  }
0x43: {  	_ =	shalt  }
0x44: {  	_ =	shalt  }
0x45: {  	_ =	shalt  }
0x46: {  	_ =	shalt  }
0x47: {  	_ =	shalt  }
0x48: {  	_ =	shalt  }
0x49: {  	_ =	shalt  }
0x4a: {  	_ =	shalt  }
0x4b: {  	_ =	shalt  }
0x4c: {  	_ =	shalt  }
0x4d: {  	_ =	shalt  }
0x4e: {  	_ =	shalt  }
0x4f: {  	_ =	shalt  }
0x50: {  	_ =	shalt  }
0x51: {  	_ =	shalt  }
0x52: {  	_ =	shalt  }
0x53: {  	_ =	shalt  }
0x54: {  	_ =	shalt  }
0x55: {  	_ =	shalt  }
0x56: {  	_ =	shalt  }
0x57: {  	_ =	shalt  }
0x58: {  	_ =	shalt  }
0x59: {  	_ =	shalt  }
0x5a: {  	_ =	shalt  }
0x5b: {  	_ =	shalt  }
0x5c: {  	_ =	shalt  }
0x5d: {  	_ =	shalt  }
0x5e: {  	_ =	shalt  }
0x5f: {  	_ =	shalt  }
0x60: {  	_ =	shalt  }
0x61: {  	_ =	shalt  }
0x62: {  	_ =	shalt  }
0x63: {  	_ =	shalt  }
0x64: {  	_ =	shalt  }
0x65: {  	_ =	shalt  }
0x66: {  	_ =	shalt  }
0x67: {  	_ =	shalt  }
0x68: {  	_ =	shalt  }
0x69: {  	_ =	shalt  }
0x6a: {  	_ =	shalt  }
0x6b: {  	_ =	shalt  }
0x6c: {  	_ =	shalt  }
0x6d: {  	_ =	shalt  }
0x6e: {  	_ =	shalt  }
0x6f: {  	_ =	shalt  }
0x70: {  	_ =	shalt  }
0x71: {  	_ =	shalt  }
0x72: {  	_ =	shalt  }
0x73: {  	_ =	shalt  }
0x74: {  	_ =	shalt  }
0x75: {  	_ =	shalt  }
0x76: {  	_ =	shalt  }
0x77: {  	_ =	shalt  }
0x78: {  	_ =	shalt  }
0x79: {  	_ =	shalt  }
0x7a: {  	_ =	shalt  }
0x7b: {  	_ =	shalt  }
0x7c: {  	_ =	shalt  }
0x7d: {  	_ =	shalt  }
0x7e: {  	_ =	shalt  }
0x7f: {  	_ =	shalt  }
0x80: {  	_ =	shalt  }
0x81: {  	_ =	shalt  }
0x82: {  	_ =	shalt  }
0x83: {  	_ =	shalt  }
0x84: {  	_ =	shalt  }
0x85: {  	_ =	shalt  }
0x86: {  	_ =	shalt  }
0x87: {  	_ =	shalt  }
.Lfunc_end0:
.L_simem_size_0:
called_computation_lowered:
.L_overlay_start_0:
0x88: {  	s2 =	sld [smem:$0x3FD9]  }
0x89: {  	s3 =	sld [smem:$0x3FFE];
	_ =	sdelay $0x1  }
0x8a: {  	s1 =	srdreg.scid  }
0x8b: {  	s0 =	sand.u32 $0x1, s1  }
0x8c: {  	s17 =	sshll.u32 s0, $0xA;
	s2 =	sadd.s32 s3, s2  }
0x8d: {  	s2 =	sadd.s32 s2, s17  }
0x8e: {  	[smem:$0x3FC5] =	sst s2  }
0x8f: {  	_ = 	snop  }
0x90: {  	s2 =	sld [smem:$0x3FD0];
	(tm) =	ssettm $0x1  }
0x91: {  	s18 =	sld [smem:$0x3FFB];
	_ =	sdelay $0x3  }
0x92: {  	_ =	strace s18  }
0x93: {  	s3 =	sld [smem:$0x3FFC];
	_ =	sdelay $0x3  }
0x94: {  	_ =	strace s3  }
0x95: {  	s3 =	sld [smem:$0x3FFD];
	_ =	sdelay $0x3  }
0x96: {  	_ =	strace s3  }
0x97: {  	_ =	strace $0x8FFFFFFF  }
0x98: {  	s19 =	sld [smem:$0x3FDB];
	_ =	sdelay $0x1  }
0x99: {  	s4 =	simm.s32 $_scs_section_size  }
0x9a: {  	s5 =	simm.s32 $_size__tile_overlayer_lowered;
	s6 =	simm.s32 $_tile_overlayer_lowered  }
0x9b: {  	s22 =	simm.s32 $0x1BFF;
	s21 =	sshll.u32 s6, $0x1;
	s3 =	sadd.s32 s4, s19  }
0x9c: {  	s7 =	simm.s32 $0x0;
	s20 =	sshll.u32 s5, $0x1;
	s5 =	sadd.s32 s21, s3  }
0x9d: {  	[timem:s7], [sflag:s22] =	dma.local [hbm:s5], s20  }
0x9e: {  	_ =	swait.ge [sflag:s22], s20  }
0x9f: {  	s4 =	ssub.s32 $0x0, s20;
	[sflag:s22] =	ssyncset.done $0x0  }
0xa0: {  	[sflag:s22] =	ssyncadd.s32 s4;
	_ =	sdelay $0x1  }
0xa1: {  	s23 =	simm.s32 $0x1B8B  }
0xa2: {  	_ =	swait.ge [sflag:s23], $0x1  }
0xa3: {  	[sflag:s23] =	ssyncset.done $0x0  }
0xa4: {  	s25 =	simm.s32 $0x1B8E;
	s24 =	sld [smem:$0x3FFE];
	[sflag:s23] =	ssyncadd.s32 $0xFFFFFFFF  }
0xa5: {  	s26 =	simm.s32 $execute0_lowered;
	[smem:$0x3FD2] =	sst s25  }
0xa6: {  	s5 =	sshll.u32 s26, $0x1;
	_ =	strace $0x80000046;
	[dreg:$0x1] =	wrdreg $0xFFFFFFFF  }
0xa7: {  	s28 =	simm.s32 $_size_execute0_lowered;
	s3 =	sadd.s32 s3, s5;
	[dreg:$0x0] =	wrdreg $0x0  }
0xa8: {  	s5 =	sshll.u32 s28, $0x1;
	[dreg:$0x2] =	wrdreg s3  }
0xa9: {  	[dreg:$0x3] =	wrdreg s5  }
0xaa: {  	[dreg:$0x4] =	wrdreg $0xC0  }
0xab: {  	_ =	task [dreg:s7], $0x5FFFF  }
0xac: {  	[dreg:$0x1] =	wrdreg $0xFFFFFFFF  }
0xad: {  	[dreg:$0x0] =	wrdreg $0x60  }
0xae: {  	[dreg:$0x2] =	wrdreg s24  }
0xaf: {  	[dreg:$0x3] =	wrdreg s2  }
0xb0: {  	[dreg:$0x4] =	wrdreg $0x9  }
0xb1: {  	_ =	task.clear_ibuf [dreg:s7], $0x5FFFF;
	_ =	strace $0x90000046  }
0xb2: {  	s29 =	simm.s32 $0x9;
	_ =	strace $0x80000048  }
0xb3: {  	_ =	swait.ge [sflag:s29], $0x1  }
0xb4: {  	[sflag:s29] =	ssyncadd.s32 $0xFFFFFFFF  }
0xb5: {  	_ =	strace $0x90000048  }
0xb6: {  	_ =	sfence  }
0xb7: {  	s30 =	sld [smem:$0x0];
	_ =	sdelay $0x2  }
0xb8: {  	s31 =	sshll.u32 s1, $0xD;
	s1 =	sshrl.u32 s1, $0x2  }
0xb9: {  	s3 =	sand.u32 $0x4000, s31;
	s1 =	sadd.s32 s1, s30  }
0xba: {  	s0 =	sor.u32 s3, s0;
	s1 =	sshll.u32 s1, $0x11  }
0xbb: {  	s0 =	sor.u32 s1, s0  }
0xbc: {  	s0 =	sadd.s32 $0x8F2B, s0  }
0xbd: {  	[sflag:s0] =	ssyncadd.remote.s32 $0x1  }
0xbe: {  	_ =	sfence.sel $0xFFFF  }
0xbf: {  	[dreg:$0x0] =	wrdreg $0xFFFFFFFF;
	(pc) =	sbr.abs _section_cstart, $3  }
0xc0: {  	[dreg:$0x1] =	wrdreg $0xFFFFFFFF  }
0xc1: {  	_ =	task.clear_ibuf [dreg:s7], $0x2FFFF;
	_ =	strace $0x9FFFFFFF  }
0xc2: {  	(tm) =	ssettm $0x7FFFFFFF  }
0xc3: {  	_ =	shalt  }
tec
execute0_lowered:
.L_overlay_start_1:
0x0: {  	(tag) =	ssettag $0x1  }
0x1: {  	s5 =	rddreg [dreg:$0x0]  }
0x2: {  	s1 =	srdreg.scid;
	s0 =	stileid.u32  }
0x3: {  	s7 =	rddreg [dreg:$0x1];
	s2 =	simm.s32 $0x0;
	s11 =	simm.s32 $0x50  }
0x4: {  	s12 =	simm.s32 $0x4E20;
	s13 =	simm.s32 $0x6220;
	s14 =	simm.s32 $0x7620  }
0x5: {  	s15 =	simm.s32 $0x8A20;
	s16 =	simm.s32 $0x1;
	s17 =	simm.s32 $0x2  }
0x6: {  	s18 =	simm.s32 $0x3;
	s4 =	sand.u32 $0x1, s1;
	s3 =	sshll.u32 s0, $0x1  }
0x7: {  	s19 =	simm.s32 $0x4;
	s20 =	simm.s32 $0x9E20;
	s3 =	sor.u32 s4, s3  }
0x8: {  	s21 =	simm.s32 $0x0;
	[smem:$0x7FF] =	sst s2;
	s6 =	smul.u32 $0x2710, s3  }
0x9: {  	vm0 =	vmmov $0x1;
	vm1 =	vmmov $0x3;
	vm2 =	vmmov $0x7;
	s1 =	rddreg [dreg:$0x2];
	_ =	strace $0x80000047;
	s30 =	ssub.s32 $0x2, s4  }
0xa: {  	vm3 =	vmmov $0xf;
	vm4 =	vmmov $0x1f;
	vm5 =	vmmov $0x3f;
	s4 =	sadd.s32 $0x800, s5;
	s31 =	sshrl.u32 s30, $0x1;
	s8 =	sshrl.u32 s6, $0x3  }
0xb: {  	vm6 =	vmmov $0x7f;
	vm7 =	vmmov $0xff;
	vm8 =	vmmov $0x1ff;
	s3 =	sadd.s32 $0x14200, s5;
	s10 =	ssub.s32 s30, s31;
	s9 =	sadd.s32 s8, s5  }
0xc: {  	vm9 =	vmmov $0x3ff;
	vm10 =	vmmov $0x7ff;
	vm11 =	vmmov $0xfff;
	s7 =	sadd.s32 s7, s8;
	s8 =	smax.u32 s10, $0x1;
	s10 =	simm.s32 $0x2710  }
0xd: {  	vm12 =	vmmov $0x1fff;
	vm13 =	vmmov $0x3fff;
	vm14 =	vmmov $0x7fff;
	s5 =	sadd.s32 $0x27C00, s9;
	s6 =	sadd.s32 $0x31840, s9;
	s9 =	simm.s32 $0x5  }
.LBB2_1:
0xe: {  	[tilespmem:s2], [sflag:$0x5] =	stream.linear.gather [hbm4b:s5+s2], $0x2710, $0x38;
	[tilespmem:$0xC530] =	vst v63  }
0xf: {  	_ =	swait.ge [sflag:s9], $0x2710  }
0x10: {  	[sflag:s9] =	ssyncset.done $0x0  }
0x11: {  	[sflag:s9] =	ssyncadd.s32 $0xFFFFD8F0  }
0x12: {  	[tilespmem:s10], [sflag:$0x5] =	stream.linear.gather [hbm4b:s6+s2], $0x2710, $0x38;
	[tilespmem:$0xC530] =	vst v63  }
0x13: {  	_ =	swait.ge [sflag:s9], $0x2710  }
0x14: {  	[sflag:s9] =	ssyncset.done $0x0  }
0x15: {  	[sflag:s9] =	ssyncadd.s32 $0xFFFFD8F0  }
0x16: {  	[tilespmem:s12], [sflag:$0x1] =	stream.indirect.gather [hbm4b:s3+s11], $0x40, s2, s11, $0xb8;
	[tilespmem:$0xC530] =	vst v63  }
0x17: {  	s22 =	simm.s32 $0x9E70;
	s23 =	simm.s32 $0x9E20;
	s24 =	simm.s32 $0x0  }
0x18: {  	[tilespmem:s13], [sflag:$0x2] =	stream.indirect.gather [hbm4b:s4+s11], $0x40, s10, s11, $0xb8;
	[tilespmem:$0xC530] =	vst v63  }
.LBB2_2:
0x19: {  	s25 =	smul.u32 $0xA0, s24;
	_ =	sdelay $0x1  }
0x1a: {  	s26 =	sadd.s32 $0x50, s25  }
0x1b: {  	[tilespmem:s14], [sflag:$0x3] =	stream.indirect.gather [hbm4b:s3+s11], $0x40, s26, s11, $0xb8;
	[tilespmem:$0xC530] =	vst v63  }
0x1c: {  	s30 =	sadd.s32 $0x2760, s25  }
0x1d: {  	[tilespmem:s15], [sflag:$0x4] =	stream.indirect.gather [hbm4b:s4+s11], $0x40, s30, s11, $0xb8;
	[tilespmem:$0xC530] =	vst v63  }
0x1e: {  	_ =	swait.ge [sflag:s16], $0x1400  }
0x1f: {  	[sflag:s16] =	ssyncset.done $0x0  }
0x20: {  	[sflag:s16] =	ssyncadd.s32 $0xFFFFEC00  }
0x21: {  	_ =	swait.ge [sflag:s17], $0x1400  }
0x22: {  	[sflag:s17] =	ssyncset.done $0x0  }
0x23: {  	s31 =	simm.s32 $0x3F0;
	[sflag:s17] =	ssyncadd.s32 $0xFFFFEC00  }
0x24: {  	v0 =	vld [tilespmem:s31+$0x61E0]  }
0x25: {  	v1 =	vld [tilespmem:s31+$0x4DE0]  }
0x26: {  	v2 =	vld [tilespmem:s31+$0x6210]  }
0x27: {  	v3 =	vld [tilespmem:s31+$0x4E10]  }
0x28: {  	v4 =	vld [tilespmem:s31+$0x61A0]  }
0x29: {  	v5 =	vld [tilespmem:s31+$0x4DA0]  }
0x2a: {  	v6 =	vld [tilespmem:s31+$0x6160]  }
0x2b: {  	v7 =	vld [tilespmem:s31+$0x4D60]  }
0x2c: {  	v8 =	vld [tilespmem:s31+$0x61D0]  }
0x2d: {  	v9 =	vld [tilespmem:s31+$0x4DD0]  }
0x2e: {  	v10 =	vld [tilespmem:s31+$0x6200]  }
0x2f: {  	v11 =	vld [tilespmem:s31+$0x4E00]  }
0x30: {  	v12 =	vld [tilespmem:s31+$0x6120]  }
0x31: {  	v13 =	vld [tilespmem:s31+$0x4D20]  }
0x32: {  	v14 =	vld [tilespmem:s31+$0x6190]  }
0x33: {  	v15 =	vld [tilespmem:s31+$0x4D90]  }
0x34: {  	v16 =	vld [tilespmem:s31+$0x60E0]  }
0x35: {  	v17 =	vld [tilespmem:s31+$0x4CE0]  }
0x36: {  	v18 =	vld [tilespmem:s31+$0x6150]  }
0x37: {  	v19 =	vld [tilespmem:s31+$0x4D50]  }
0x38: {  	v20 =	vld [tilespmem:s31+$0x61C0]  }
0x39: {  	v22 =	vld [tilespmem:s31+$0x4DC0]  }
0x3a: {  	v23 =	vld [tilespmem:s31+$0x61F0]  }
0x3b: {  	v24 =	vld [tilespmem:s31+$0x4DF0]  }
0x3c: {  	v25 =	vld [tilespmem:s31+$0x60A0]  }
0x3d: {  	v26 =	vld [tilespmem:s31+$0x4CA0]  }
0x3e: {  	v27 =	vld [tilespmem:s31+$0x6110]  }
0x3f: {  	v28 =	vld [tilespmem:s31+$0x4D10]  }
0x40: {  	v29 =	vld [tilespmem:s31+$0x6180]  }
0x41: {  	v30 =	vld [tilespmem:s31+$0x4D80]  }
0x42: {  	v31 =	vld [tilespmem:s31+$0x6060]  }
0x43: {  	v32 =	vld [tilespmem:s31+$0x4C60]  }
0x44: {  	v33 =	vld [tilespmem:s31+$0x60D0]  }
0x45: {  	v34 =	vld [tilespmem:s31+$0x4CD0]  }
0x46: {  	v35 =	vld [tilespmem:s31+$0x6140]  }
0x47: {  	v36 =	vld [tilespmem:s31+$0x4D40]  }
0x48: {  	v21 =	vld [tilespmem:s31+$0x61B0]  }
0x49: {  	v37 =	vld [tilespmem:s31+$0x4DB0]  }
0x4a: {  	v38 =	vld [tilespmem:s31+$0x6020]  }
0x4b: {  	v39 =	vld [tilespmem:s31+$0x4C20]  }
0x4c: {  	v40 =	vld [tilespmem:s31+$0x6090]  }
0x4d: {  	v41 =	vld [tilespmem:s31+$0x4C90]  }
0x4e: {  	v42 =	vld [tilespmem:s31+$0x6100]  }
0x4f: {  	v43 =	vld [tilespmem:s31+$0x4D00]  }
0x50: {  	v44 =	vld [tilespmem:s31+$0x6170]  }
0x51: {  	v45 =	vld [tilespmem:s31+$0x4D70]  }
0x52: {  	v46 =	vld [tilespmem:s31+$0x5FE0]  }
0x53: {  	v47 =	vld [tilespmem:s31+$0x4BE0]  }
0x54: {  	v48 =	vld [tilespmem:s31+$0x6050]  }
0x55: {  	v49 =	vld [tilespmem:s31+$0x4C50];
	v1 =	vmul.bf16 v0, v1  }
0x56: {  	v50 =	vld [tilespmem:s31+$0x60C0];
	v6 =	vmul.bf16 v6, v7;
	v0 =	vmul.bf16 v4, v5  }
0x57: {  	v52 =	vld [tilespmem:s31+$0x4CC0];
	v5 =	vmul.bf16 v12, v13;
	v7 =	vmul.bf16 v18, v19  }
0x58: {  	v54 =	vld [tilespmem:s31+$0x6130];
	v13 =	vmul.bf16 v20, v22;
	v40 =	vmul.bf16 v40, v41  }
0x59: {  	v57 =	vld [tilespmem:s31+$0x4BA0];
	v51 =	vunpack.i.u.bf16.f32 v1;
	v53 =	vunpack.i.l.bf16.f32 v1;
	v1 =	vmul.bf16 v2, v3  }
0x5a: {  	v19 =	vld [tilespmem:s31+$0x6080];
	v55 =	vunpack.i.u.bf16.f32 v6;
	v3 =	vmul.bf16 v8, v9;
	v2 =	vmul.bf16 v10, v11  }
0x5b: {  	v22 =	vld [tilespmem:s31+$0x4C80];
	v56 =	vunpack.i.l.bf16.f32 v6;
	v6 =	vmul.bf16 v21, v37;
	v21 =	vunpack.i.u.bf16.f32 v5  }
0x5c: {  	v59 =	vld [tilespmem:s31+$0x6010];
	v58 =	vunpack.i.l.bf16.f32 v5;
	v20 =	vunpack.i.l.bf16.f32 v7;
	v12 =	vunpack.i.u.bf16.f32 v3  }
0x5d: {  	v60 =	vld [tilespmem:s31+$0x4B60];
	v8 =	vunpack.i.l.bf16.f32 v3;
	v4 =	vunpack.i.l.bf16.f32 v2;
	v5 =	vunpack.i.l.bf16.f32 v6  }
0x5e: {  	v37 =	vld [tilespmem:s31+$0x5FA0];
	v3 =	vmul.bf16 v14, v15;
	v10 =	vunpack.i.u.bf16.f32 v6;
	v9 =	vadd.f32 $0.0e+00, v5  }
0x5f: {  	v11 =	vld [tilespmem:s31+$0x4D30];
	v14 =	vmul.bf16 v23, v24;
	v15 =	vunpack.i.u.bf16.f32 v7;
	v24 =	vmul.bf16 v27, v28  }
0x60: {  	v62 =	vld [tilespmem:s31+$0x4BD0];
	v5 =	vmul.bf16 v16, v17;
	v19 =	vmul.bf16 v19, v22;
	v9 =	vadd.f32 v9, v10  }
0x61: {  	v18 =	vld [tilespmem:s31+$0x4C10];
	v16 =	vunpack.i.l.bf16.f32 v14;
	v14 =	vunpack.i.u.bf16.f32 v14;
	v10 =	vunpack.i.l.bf16.f32 v13  }
0x62: {  	v41 =	vld [tilespmem:s31+$0x4B20];
	v61 =	vunpack.i.u.bf16.f32 v24;
	v7 =	vadd.f32 v10, v9;
	v9 =	vadd.f32 $0.0e+00, v16  }
0x63: {  	v17 =	vld [tilespmem:s31+$0x60F0];
	v13 =	vunpack.i.u.bf16.f32 v13;
	v37 =	vmul.bf16 v37, v57;
	v10 =	vmul.bf16 v25, v26  }
0x64: {  	v57 =	vld [tilespmem:s31+$0x5E60];
	v26 =	vmul.bf16 v54, v11;
	v13 =	vadd.f32 v7, v13;
	v7 =	vadd.f32 v9, v14  }
0x65: {  	v16 =	vld [tilespmem:s31+$0x4CF0];
	v27 =	vunpack.i.u.bf16.f32 v10;
	v23 =	vunpack.i.l.bf16.f32 v10;
	v9 =	vmul.bf16 v29, v30  }
0x66: {  	v25 =	vld [tilespmem:s31+$0x5F60];
	v30 =	vunpack.i.l.bf16.f32 v24;
	v14 =	vmul.bf16 v31, v32;
	v13 =	vadd.f32 v8, v13  }
0x67: {  	v29 =	vld [tilespmem:s31+$0x5FD0];
	v8 =	vunpack.i.u.bf16.f32 v9;
	v10 =	vunpack.i.l.bf16.f32 v9;
	v9 =	vmul.bf16 v33, v34  }
0x68: {  	v31 =	vld [tilespmem:s31+$0x6040];
	v24 =	vunpack.i.u.bf16.f32 v14;
	v28 =	vunpack.i.l.bf16.f32 v14;
	v14 =	vunpack.i.l.bf16.f32 v26  }
0x69: {  	v32 =	vld [tilespmem:s31+$0x4C40];
	v26 =	vunpack.i.u.bf16.f32 v26;
	v33 =	vmul.bf16 v44, v45;
	v4 =	vadd.f32 v4, v7  }
0x6a: {  	v34 =	vld [tilespmem:s31+$0x60B0];
	v63 =	vadd.f32 $0.0e+00, v14;
	v16 =	vmul.bf16 v17, v16;
	v12 =	vadd.f32 v13, v12  }
0x6b: {  	v44 =	vld [tilespmem:s31+$0x6000];
	v13 =	vmul.bf16 v35, v36;
	v11 =	vunpack.i.l.bf16.f32 v9;
	v45 =	vunpack.i.l.bf16.f32 v33  }
0x6c: {  	v35 =	vld [tilespmem:s31+$0x4CB0];
	v17 =	vadd.f32 v63, v26;
	v26 =	vmul.bf16 v42, v43;
	v54 =	vunpack.i.l.bf16.f32 v16  }
0x6d: {  	v16 =	vunpack.i.u.bf16.f32 v16;
	v63 =	vmul.bf16 v46, v47;
	v46 =	vld [tilespmem:s31+$0x6070];
	v29 =	vmul.bf16 v29, v62  }
0x6e: {  	v47 =	vld [tilespmem:s31+$0x4C70];
	v12 =	vadd.f32 v53, v12;
	v36 =	vunpack.i.u.bf16.f32 v13;
	v13 =	vunpack.i.l.bf16.f32 v13  }
0x6f: {  	v42 =	vld [tilespmem:s31+$0x4B90];
	v13 =	vadd.f32 v13, v17;
	v17 =	vadd.f32 $0.0e+00, v54;
	v43 =	vunpack.i.u.bf16.f32 v26  }
0x70: {  	v53 =	vld [tilespmem:s31+$0x5F20];
	v54 =	vunpack.i.l.bf16.f32 v26;
	v26 =	vunpack.i.u.bf16.f32 v63;
	v62 =	vunpack.i.u.bf16.f32 v29  }
0x71: {  	v14 =	vadd.f32 v12, v51;
	v12 =	vmul.bf16 v38, v39;
	v38 =	vld [tilespmem:s31+$0x5F90];
	v39 =	vunpack.i.u.bf16.f32 v40  }
0x72: {  	v40 =	vunpack.i.l.bf16.f32 v40;
	v51 =	vld [tilespmem:s31+$0x4C00];
	v13 =	vadd.f32 v13, v36;
	v36 =	vadd.f32 $0.0e+00, v45  }
0x73: {  	v16 =	vadd.f32 v17, v16;
	v17 =	vunpack.i.u.bf16.f32 v33;
	v46 =	vmul.bf16 v46, v47;
	v47 =	vld [tilespmem:s31+$0x4BC0]  }
0x74: {  	v20 =	vadd.f32 v20, v13;
	v13 =	vadd.f32 v36, v17;
	v36 =	vld [tilespmem:s31+$0x5EE0];
	v17 =	vmul.bf16 v48, v49  }
0x75: {  	v33 =	vunpack.i.l.bf16.f32 v63;
	v63 =	vmul.bf16 v50, v52;
	v16 =	vadd.f32 v54, v16;
	v48 =	vld [tilespmem:s31+$0x4AE0]  }
0x76: {  	v49 =	vld [tilespmem:s31+$0x5F50];
	v41 =	vmul.bf16 v53, v41;
	v20 =	vadd.f32 v20, v15;
	v50 =	vunpack.i.u.bf16.f32 v17  }
0x77: {  	v54 =	vld [tilespmem:s31+$0x5FC0];
	v52 =	vunpack.i.l.bf16.f32 v17;
	v16 =	vadd.f32 v16, v43;
	v15 =	vunpack.i.u.bf16.f32 v63  }
0x78: {  	v53 =	vld [tilespmem:s31+$0x5FB0];
	v17 =	vunpack.i.l.bf16.f32 v63;
	v63 =	vunpack.i.l.bf16.f32 v46;
	v46 =	vunpack.i.u.bf16.f32 v46  }
0x79: {  	v43 =	vld [tilespmem:s31+$0x4B50];
	v38 =	vmul.bf16 v38, v42;
	v10 =	vadd.f32 v10, v13;
	v20 =	vadd.f32 v56, v20  }
0x7a: {  	v42 =	vld [tilespmem:s31+$0x4BB0];
	v45 =	vadd.f32 v30, v16;
	v16 =	vmul.bf16 v59, v18;
	v56 =	vadd.f32 $0.0e+00, v63  }
0x7b: {  	v59 =	vunpack.i.u.bf16.f32 v19;
	v36 =	vmul.bf16 v36, v48;
	v20 =	vadd.f32 v20, v55;
	v55 =	vld [tilespmem:s31+$0x6030]  }
0x7c: {  	v47 =	vmul.bf16 v54, v47;
	v22 =	vadd.f32 v45, v61;
	v45 =	vld [tilespmem:s31+$0x4C30];
	v46 =	vadd.f32 v56, v46  }
0x7d: {  	v48 =	vld [tilespmem:s31+$0x5FF0];
	v56 =	vunpack.i.l.bf16.f32 v19;
	v19 =	vmul.bf16 v25, v60;
	v25 =	vmul.bf16 v31, v32  }
0x7e: {  	v30 =	vunpack.i.u.bf16.f32 v37;
	v37 =	vunpack.i.l.bf16.f32 v37;
	v61 =	vld [tilespmem:s31+$0x5EA0];
	v22 =	vadd.f32 v58, v22  }
0x7f: {  	v31 =	vmul.bf16 v34, v35;
	v54 =	vunpack.i.u.bf16.f32 v47;
	v58 =	vld [tilespmem:s31+$0x4A60];
	v32 =	vunpack.i.u.bf16.f32 v25  }
0x80: {  	v60 =	vld [tilespmem:s31+$0x4AA0];
	v25 =	vunpack.i.l.bf16.f32 v25;
	v21 =	vadd.f32 v22, v21;
	v22 =	vadd.f32 v56, v46  }
0x81: {  	v34 =	vunpack.i.l.bf16.f32 v31;
	v46 =	vld [tilespmem:s31+$0x5F10];
	v56 =	vunpack.i.l.bf16.f32 v29;
	v29 =	vmul.bf16 v55, v45  }
0x82: {  	v31 =	vunpack.i.u.bf16.f32 v31;
	v34 =	vadd.f32 $0.0e+00, v34;
	v45 =	vld [tilespmem:s31+$0x4B10];
	v22 =	vadd.f32 v22, v59  }
0x83: {  	v55 =	vld [tilespmem:s31+$0x5F80];
	v63 =	vunpack.i.l.bf16.f32 v29;
	v59 =	vunpack.i.u.bf16.f32 v29;
	v29 =	vunpack.i.u.bf16.f32 v41  }
0x84: {  	v57 =	vmul.bf16 v57, v58;
	v35 =	vadd.f32 $0.0e+00, v63;
	v40 =	vadd.f32 v40, v22;
	v63 =	vld [tilespmem:s31+$0x4B80]  }
0x85: {  	v22 =	vadd.f32 v34, v31;
	v34 =	vunpack.i.l.bf16.f32 v41;
	v41 =	vmul.bf16 v53, v42;
	v42 =	vld [tilespmem:s31+$0x4BF0]  }
0x86: {  	v31 =	vadd.f32 v35, v59;
	v35 =	vadd.f32 v40, v39;
	v39 =	vld [tilespmem:s31+$0x5F70];
	v40 =	vunpack.i.u.bf16.f32 v38  }
0x87: {  	v59 =	vmul.bf16 v44, v51;
	v44 =	vld [tilespmem:s31+$0x4B70];
	v38 =	vunpack.i.l.bf16.f32 v38;
	v17 =	vadd.f32 v17, v22  }
0x88: {  	v45 =	vmul.bf16 v46, v45;
	v31 =	vadd.f32 v25, v31;
	v35 =	vadd.f32 v23, v35  }
0x89: {  	v53 =	vld [tilespmem:s31+$0x5F40];
	v23 =	vunpack.i.u.bf16.f32 v59;
	v25 =	vunpack.i.l.bf16.f32 v59;
	v59 =	vunpack.i.l.bf16.f32 v41  }
0x8a: {  	v51 =	vld [tilespmem:s31+$0x5ED0];
	v41 =	vunpack.i.u.bf16.f32 v41;
	v55 =	vmul.bf16 v55, v63;
	v42 =	vmul.bf16 v48, v42  }
0x8b: {  	v46 =	vld [tilespmem:s31+$0x5F30];
	v48 =	vmul.bf16 v61, v60;
	v31 =	vadd.f32 v31, v32;
	v32 =	vadd.f32 v35, v27  }
0x8c: {  	v27 =	vmul.bf16 v49, v43;
	v43 =	vld [tilespmem:s31+$0x4AD0];
	v39 =	vmul.bf16 v39, v44;
	v44 =	vadd.f32 $0.0e+00, v59  }
0x8d: {  	v60 =	vunpack.i.u.bf16.f32 v45;
	v45 =	vunpack.i.l.bf16.f32 v45;
	v49 =	vld [tilespmem:s31+$0x4B40];
	v52 =	vadd.f32 v52, v31  }
0x8e: {  	v59 =	vunpack.i.l.bf16.f32 v39;
	v41 =	vadd.f32 v44, v41;
	v44 =	vunpack.i.l.bf16.f32 v47;
	v47 =	vld [tilespmem:s31+$0x4A50]  }
0x8f: {  	v35 =	vunpack.i.u.bf16.f32 v36;
	v50 =	vadd.f32 v52, v50;
	v52 =	vld [tilespmem:s31+$0x5E50];
	v58 =	vadd.f32 $0.0e+00, v59  }
0x90: {  	v36 =	vunpack.i.l.bf16.f32 v36;
	v39 =	vunpack.i.u.bf16.f32 v39;
	v59 =	vld [tilespmem:s31+$0x4B00];
	v41 =	vadd.f32 v44, v41  }
0x91: {  	v63 =	vunpack.i.l.bf16.f32 v55;
	v28 =	vadd.f32 v28, v50;
	v50 =	vld [tilespmem:s31+$0x5F00];
	v39 =	vadd.f32 v58, v39  }
0x92: {  	v55 =	vunpack.i.u.bf16.f32 v55;
	v31 =	vunpack.i.l.bf16.f32 v27;
	v58 =	vld [tilespmem:s31+$0x5EF0];
	v41 =	vadd.f32 v41, v54  }
0x93: {  	v44 =	vunpack.i.l.bf16.f32 v57;
	v43 =	vmul.bf16 v51, v43;
	v54 =	vld [tilespmem:s31+$0x4AC0];
	v39 =	vadd.f32 v63, v39  }
0x94: {  	v49 =	vmul.bf16 v53, v49;
	v24 =	vadd.f32 v28, v24;
	v63 =	vld [tilespmem:s31+$0x4AF0];
	v41 =	vadd.f32 v56, v41  }
0x95: {  	v28 =	vld [tilespmem:s31+$0x5EC0];
	v56 =	vunpack.i.l.bf16.f32 v42;
	v42 =	vunpack.i.u.bf16.f32 v42;
	v39 =	vadd.f32 v39, v55  }
0x96: {  	v61 =	vadd.f32 $0.0e+00, v56;
	v56 =	vld [tilespmem:s31+$0x4B30];
	v55 =	vunpack.i.u.bf16.f32 v43;
	v41 =	vadd.f32 v41, v62  }
0x97: {  	v43 =	vunpack.i.l.bf16.f32 v43;
	v62 =	vld [tilespmem:s31+$0x4AB0];
	v50 =	vmul.bf16 v50, v59;
	v38 =	vadd.f32 v38, v39  }
0x98: {  	v39 =	vadd.f32 v61, v42;
	v61 =	vld [tilespmem:s31+$0x5EB0];
	v33 =	vadd.f32 v33, v41;
	v41 =	vmul.bf16 v52, v47  }
0x99: {  	v52 =	vunpack.i.l.bf16.f32 v49;
	v51 =	vmul.bf16 v58, v63;
	v58 =	vld [tilespmem:s31+$0x4A40];
	v38 =	vadd.f32 v38, v40  }
0x9a: {  	v28 =	vmul.bf16 v28, v54;
	v54 =	vunpack.i.u.bf16.f32 v50;
	v26 =	vadd.f32 v33, v26;
	v33 =	vld [tilespmem:s31+$0x5E30]  }
0x9b: {  	v50 =	vunpack.i.l.bf16.f32 v50;
	v25 =	vadd.f32 v25, v39;
	v37 =	vadd.f32 v37, v38;
	v38 =	vld [tilespmem:s31+$0x4A30]  }
0x9c: {  	v40 =	vld [tilespmem:s31+$0x5E40];
	v63 =	vunpack.i.l.bf16.f32 v51;
	v46 =	vmul.bf16 v46, v56;
	v47 =	vunpack.i.u.bf16.f32 v28  }
0x9d: {  	v59 =	vld [tilespmem:s31+$0x4A70];
	v28 =	vunpack.i.l.bf16.f32 v28;
	v56 =	vadd.f32 $0.0e+00, v63;
	v42 =	vmul.bf16 v61, v62  }
0x9e: {  	v51 =	vunpack.i.u.bf16.f32 v51;
	v61 =	vunpack.i.l.bf16.f32 v46;
	v30 =	vadd.f32 v37, v30;
	v37 =	vld [tilespmem:s31+$0x5E70]  }
0x9f: {  	v46 =	vunpack.i.u.bf16.f32 v46;
	v51 =	vadd.f32 v56, v51;
	v62 =	vunpack.i.l.bf16.f32 v42  }
0xa0: {  	v56 =	vadd.f32 $0.0e+00, v61;
	v61 =	vadd.f32 $0.0e+00, v62;
	v33 =	vmul.bf16 v33, v38  }
0xa1: {  	v42 =	vunpack.i.u.bf16.f32 v42;
	v40 =	vmul.bf16 v40, v58;
	v62 =	vld [tilespmem:s31+$0x4A80];
	v50 =	vadd.f32 v50, v51  }
0xa2: {  	v46 =	vadd.f32 v56, v46;
	v38 =	vld [tilespmem:s31+$0x5E80];
	v42 =	vadd.f32 v61, v42;
	v56 =	vunpack.i.l.bf16.f32 v33  }
0xa3: {  	v50 =	vadd.f32 v50, v54;
	v37 =	vmul.bf16 v37, v59;
	v51 =	vadd.f32 $0.0e+00, v56  }
0xa4: {  	v54 =	vunpack.i.l.bf16.f32 v40;
	v33 =	vunpack.i.u.bf16.f32 v33;
	v28 =	vadd.f32 v28, v42  }
0xa5: {  	v63 =	vld [tilespmem:s31+$0x4A90];
	v45 =	vadd.f32 v45, v50;
	v61 =	vunpack.i.l.bf16.f32 v37;
	v33 =	vadd.f32 v51, v33  }
0xa6: {  	v56 =	vld [tilespmem:s31+$0x5E90];
	v37 =	vunpack.i.u.bf16.f32 v37;
	v42 =	vadd.f32 $0.0e+00, v61;
	v28 =	vadd.f32 v28, v47  }
0xa7: {  	v38 =	vmul.bf16 v38, v62;
	v45 =	vadd.f32 v45, v60;
	v33 =	vadd.f32 v54, v33  }
0xa8: {  	v40 =	vunpack.i.u.bf16.f32 v40;
	v37 =	vadd.f32 v42, v37;
	v28 =	vadd.f32 v43, v28  }
0xa9: {  	v60 =	vadd.f32 v52, v46;
	v54 =	vunpack.i.l.bf16.f32 v38;
	v33 =	vadd.f32 v33, v40  }
0xaa: {  	v53 =	vunpack.i.l.bf16.f32 v41;
	v37 =	vadd.f32 v54, v37;
	v28 =	vadd.f32 v28, v55  }
0xab: {  	v38 =	vunpack.i.u.bf16.f32 v38;
	v58 =	vmul.bf16 v56, v63;
	v33 =	vadd.f32 v53, v33  }
0xac: {  	(xrf2) =	vadd.scan.msk.f32 $0xffff, v14;
	v14 =	vunpack.i.u.bf16.f32 v41;
	v59 =	vadd.f32 v37, v38;
	v28 =	vadd.f32 v36, v28  }
0xad: {  	(xrf2) =	vadd.scan.msk.f32 $0xffff, v20;
	v34 =	vadd.f32 v34, v45;
	v20 =	vunpack.i.l.bf16.f32 v58;
	v14 =	vadd.f32 v33, v14  }
0xae: {  	(xrf2) =	vadd.scan.msk.f32 $0xffff, v21;
	v20 =	vadd.f32 v20, v59;
	v21 =	vadd.f32 v28, v35;
	v28 =	vunpack.i.u.bf16.f32 v49  }
0xaf: {  	(xrf2) =	vadd.scan.msk.f32 $0xffff, v32;
	v61 =	vunpack.i.u.bf16.f32 v58;
	v28 =	vadd.f32 v60, v28;
	v14 =	vadd.f32 v44, v14  }
0xb0: {  	(xrf2) =	vadd.scan.msk.f32 $0xffff, v24;
	v24 =	vunpack.i.u.bf16.f32 v57;
	v29 =	vadd.f32 v34, v29;
	v20 =	vadd.f32 v20, v61  }
0xb1: {  	(xrf2) =	vadd.scan.msk.f32 $0xffff, v26;
	v26 =	vadd.f32 v31, v28;
	v14 =	vadd.f32 v14, v24;
	v24 =	vunpack.i.l.bf16.f32 v48  }
0xb2: {  	v23 =	vadd.f32 v25, v23;
	(xrf2) =	vadd.scan.msk.f32 $0xffff, v30;
	v20 =	vadd.f32 v24, v20;
	v24 =	vunpack.i.u.bf16.f32 v27  }
0xb3: {  	v18 =	vunpack.i.l.bf16.f32 v16;
	v15 =	vadd.f32 v17, v15;
	(xrf2) =	vadd.scan.msk.f32 $0xffff, v29;
	v24 =	vadd.f32 v26, v24  }
0xb4: {  	v25 =	vunpack.i.u.bf16.f32 v48;
	v18 =	vadd.f32 v18, v23;
	(xrf2) =	vadd.scan.msk.f32 $0xffff, v21;
	v21 =	vunpack.i.l.bf16.f32 v19  }
0xb5: {  	v16 =	vunpack.i.u.bf16.f32 v16;
	(xrf2) =	vadd.scan.msk.f32 $0xffff, v14;
	v20 =	vadd.f32 v20, v25;
	v14 =	vadd.f32 v21, v24  }
0xb6: {  	v11 =	vadd.f32 v11, v15;
	v16 =	vadd.f32 v18, v16;
	v19 =	vunpack.i.u.bf16.f32 v19  }
0xb7: {  	v9 =	vunpack.i.u.bf16.f32 v9;
	v17, _, _ =	vpop (xrf2);
	v18 =	vunpack.i.l.bf16.f32 v12;
	(xrf2) =	vadd.scan.msk.f32 $0xffff, v20;
	v14 =	vadd.f32 v14, v19  }
0xb8: {  	v2 =	vunpack.i.u.bf16.f32 v2;
	v13, _, _ =	vpop (xrf2);
	v9 =	vadd.f32 v11, v9;
	v16 =	vadd.f32 v18, v16  }
0xb9: {  	v6 =	vunpack.i.l.bf16.f32 v3;
	v8 =	vadd.f32 v10, v8;
	v15, _, _ =	vpop (xrf2);
	(xrf2) =	vadd.scan.msk.f32 $0xffff, v14;
	v14 =	vunpack.i.l.bf16.f32 v5  }
0xba: {  	v2 =	vadd.f32 v4, v2;
	v10, _, _ =	vpop (xrf2);
	v12 =	vunpack.i.u.bf16.f32 v12;
	v9 =	vadd.f32 v14, v9  }
0xbb: {  	v7 =	vld [tilespmem:s31+$0x6220];
	v6 =	vadd.f32 v6, v8;
	v11, _, _ =	vpop (xrf2);
	v12 =	vadd.f32 v16, v12;
	v5 =	vunpack.i.u.bf16.f32 v5  }
0xbc: {  	v3 =	vunpack.i.u.bf16.f32 v3;
	v8 =	vld [tilespmem:s31+$0x4E20];
	v16, _, _ =	vpop (xrf2);
	v5 =	vadd.f32 v9, v5;
	v9 =	vunpack.i.l.bf16.f32 v1  }
0xbd: {  	v3 =	vadd.f32 v6, v3;
	v6 =	vunpack.i.l.bf16.f32 v0;
	v14, _, _ =	vpop (xrf2);
	v2 =	vadd.f32 v9, v2  }
0xbe: {  	v4, _, _ =	vpop (xrf2)  }
0xbf: {  	(xrf2) =	vadd.scan.msk.f32 $0xffff, v12;
	v12, _, _ =	vpop (xrf2)  }
0xc0: {  	v3 =	vadd.f32 v6, v3;
	v1 =	vunpack.i.u.bf16.f32 v1;
	v6, _, _ =	vpop (xrf2)  }
0xc1: {  	v0 =	vunpack.i.u.bf16.f32 v0;
	v7 =	vmul.bf16 v7, v8;
	v1 =	vadd.f32 v2, v1;
	v2, _, _ =	vpop (xrf2)  }
0xc2: {  	v0 =	vadd.f32 v3, v0;
	(xrf2) =	vadd.scan.msk.f32 $0xffff, v5;
	v3 =	vbroadcast v6, $0xF;
	v2 =	vbroadcast v2, $0xF;
	_ =	sdelay $0x1  }
0xc3: {  	v5 =	vunpack.i.l.bf16.f32 v7;
	(xrf2) =	vadd.scan.msk.f32 $0xffff, v0;
	v0 =	vsel vm0, v3, v2;
	v2 =	vbroadcast v4, $0xF;
	v4, _, _ =	vpop (xrf2)  }
0xc4: {  	v6 =	vbroadcast v12, $0xF;
	v1 =	vadd.f32 v5, v1;
	v4 =	vbroadcast v4, $0xF  }
0xc5: {  	v3 =	vunpack.i.u.bf16.f32 v7  }
0xc6: {  	v0 =	vsel vm1, v0, v6;
	v1 =	vadd.f32 v1, v3  }
0xc7: {  	v3 =	vbroadcast v16, $0xF;
	v0 =	vsel vm2, v0, v2;
	v2 =	vbroadcast v14, $0xF  }
0xc8: {  	v0 =	vsel vm3, v0, v4;
	v4, _, _ =	vpop (xrf2)  }
0xc9: {  	(xrf2) =	vadd.scan.msk.f32 $0xffff, v1;
	v0 =	vsel vm4, v0, v2;
	v1 =	vbroadcast v4, $0xF  }
0xca: {  	v2 =	vbroadcast v11, $0xF;
	v0 =	vsel vm5, v0, v3  }
0xcb: {  	v3, _, _ =	vpop (xrf2);
	v0 =	vsel vm6, v0, v1;
	v1 =	vbroadcast v10, $0xF  }
0xcc: {  	v0 =	vsel vm7, v0, v2;
	v2 =	vbroadcast v3, $0xF  }
0xcd: {  	v0 =	vsel vm8, v0, v1;
	v1 =	vbroadcast v15, $0xF  }
0xce: {  	v3, _, _ =	vpop (xrf2);
	v0 =	vsel vm9, v0, v2  }
0xcf: {  	v2 =	vbroadcast v13, $0xF;
	v0 =	vsel vm10, v0, v1;
	v1 =	vbroadcast v3, $0xF;
	_ =	sdelay $0x1  }
0xd0: {  	v0 =	vsel vm11, v0, v2;
	v2 =	vbroadcast v17, $0xF  }
0xd1: {  	v0 =	vsel vm12, v0, v1  }
0xd2: {  	v0 =	vsel vm13, v0, v2;
	v1, _, _ =	vpop (xrf2)  }
0xd3: {  	v0 =	vsel vm14, v0, v1  }
0xd4: {  	s26 =	simm.s32 $0x7F0;
	[tilespmem:s23+$0x0] =	vst v0  }
0xd5: {  	v0 =	vld [tilespmem:s26+$0x61E0]  }
0xd6: {  	v1 =	vld [tilespmem:s26+$0x4DE0]  }
0xd7: {  	v2 =	vld [tilespmem:s26+$0x6210]  }
0xd8: {  	v3 =	vld [tilespmem:s26+$0x4E10]  }
0xd9: {  	v4 =	vld [tilespmem:s26+$0x61A0]  }
0xda: {  	v5 =	vld [tilespmem:s26+$0x4DA0]  }
0xdb: {  	v6 =	vld [tilespmem:s26+$0x6160]  }
0xdc: {  	v7 =	vld [tilespmem:s26+$0x4D60]  }
0xdd: {  	v8 =	vld [tilespmem:s26+$0x61D0]  }
0xde: {  	v9 =	vld [tilespmem:s26+$0x4DD0]  }
0xdf: {  	v10 =	vld [tilespmem:s26+$0x6200]  }
0xe0: {  	v11 =	vld [tilespmem:s26+$0x4E00]  }
0xe1: {  	v12 =	vld [tilespmem:s26+$0x6120]  }
0xe2: {  	v13 =	vld [tilespmem:s26+$0x4D20]  }
0xe3: {  	v14 =	vld [tilespmem:s26+$0x6190]  }
0xe4: {  	v15 =	vld [tilespmem:s26+$0x4D90]  }
0xe5: {  	v16 =	vld [tilespmem:s26+$0x60E0]  }
0xe6: {  	v17 =	vld [tilespmem:s26+$0x4CE0]  }
0xe7: {  	v18 =	vld [tilespmem:s26+$0x6150]  }
0xe8: {  	v20 =	vld [tilespmem:s26+$0x4D50]  }
0xe9: {  	v21 =	vld [tilespmem:s26+$0x61C0]  }
0xea: {  	v22 =	vld [tilespmem:s26+$0x4DC0]  }
0xeb: {  	v23 =	vld [tilespmem:s26+$0x61F0]  }
0xec: {  	v24 =	vld [tilespmem:s26+$0x4DF0]  }
0xed: {  	v25 =	vld [tilespmem:s26+$0x60A0]  }
0xee: {  	v26 =	vld [tilespmem:s26+$0x4CA0]  }
0xef: {  	v27 =	vld [tilespmem:s26+$0x6110]  }
0xf0: {  	v28 =	vld [tilespmem:s26+$0x4D10]  }
0xf1: {  	v29 =	vld [tilespmem:s26+$0x6180]  }
0xf2: {  	v30 =	vld [tilespmem:s26+$0x4D80]  }
0xf3: {  	v31 =	vld [tilespmem:s26+$0x6060]  }
0xf4: {  	v32 =	vld [tilespmem:s26+$0x4C60]  }
0xf5: {  	v33 =	vld [tilespmem:s26+$0x60D0]  }
0xf6: {  	v34 =	vld [tilespmem:s26+$0x4CD0]  }
0xf7: {  	v35 =	vld [tilespmem:s26+$0x6140]  }
0xf8: {  	v36 =	vld [tilespmem:s26+$0x4D40]  }
0xf9: {  	v19 =	vld [tilespmem:s26+$0x61B0]  }
0xfa: {  	v62 =	vld [tilespmem:s26+$0x4DB0]  }
0xfb: {  	v38 =	vld [tilespmem:s26+$0x6020]  }
0xfc: {  	v39 =	vld [tilespmem:s26+$0x4C20]  }
0xfd: {  	v40 =	vld [tilespmem:s26+$0x6090]  }
0xfe: {  	v41 =	vld [tilespmem:s26+$0x4C90]  }
0xff: {  	v42 =	vld [tilespmem:s26+$0x6100]  }
0x100: {  	v43 =	vld [tilespmem:s26+$0x4D00]  }
0x101: {  	v44 =	vld [tilespmem:s26+$0x6170]  }
0x102: {  	v45 =	vld [tilespmem:s26+$0x4D70]  }
0x103: {  	v46 =	vld [tilespmem:s26+$0x5FE0]  }
0x104: {  	v47 =	vld [tilespmem:s26+$0x4BE0]  }
0x105: {  	v48 =	vld [tilespmem:s26+$0x6050]  }
0x106: {  	v49 =	vld [tilespmem:s26+$0x4C50]  }
0x107: {  	v50 =	vld [tilespmem:s26+$0x60C0]  }
0x108: {  	v52 =	vld [tilespmem:s26+$0x4CC0];
	v1 =	vmul.bf16 v0, v1;
	v6 =	vmul.bf16 v6, v7  }
0x109: {  	v54 =	vld [tilespmem:s26+$0x6130];
	v0 =	vmul.bf16 v4, v5;
	v5 =	vmul.bf16 v12, v13  }
0x10a: {  	v57 =	vld [tilespmem:s26+$0x5FA0];
	v7 =	vmul.bf16 v18, v20;
	v13 =	vmul.bf16 v21, v22  }
0x10b: {  	v58 =	vld [tilespmem:s26+$0x4BA0];
	v40 =	vmul.bf16 v40, v41;
	v51 =	vunpack.i.u.bf16.f32 v1;
	v53 =	vunpack.i.l.bf16.f32 v1  }
0x10c: {  	v60 =	vld [tilespmem:s26+$0x6010];
	v1 =	vmul.bf16 v2, v3;
	v55 =	vunpack.i.u.bf16.f32 v6;
	v3 =	vmul.bf16 v8, v9  }
0x10d: {  	v18 =	vld [tilespmem:s26+$0x6080];
	v2 =	vmul.bf16 v10, v11;
	v56 =	vunpack.i.l.bf16.f32 v6;
	v6 =	vmul.bf16 v19, v62  }
0x10e: {  	v21 =	vld [tilespmem:s26+$0x60F0];
	v19 =	vunpack.i.u.bf16.f32 v5;
	v59 =	vunpack.i.l.bf16.f32 v5;
	v12 =	vunpack.i.u.bf16.f32 v3  }
0x10f: {  	v11 =	vld [tilespmem:s26+$0x4D30];
	v8 =	vunpack.i.l.bf16.f32 v3;
	v3 =	vunpack.i.l.bf16.f32 v2;
	v5 =	vunpack.i.l.bf16.f32 v6  }
0x110: {  	v48 =	vmul.bf16 v48, v49;
	[tilespmem:$0x1FFF0] =	vst v3;
	v3 =	vmul.bf16 v14, v15;
	v9 =	vadd.f32 $0.0e+00, v5;
	v15 =	vld [tilespmem:s26+$0x4C10]  }
0x111: {  	v10 =	vunpack.i.u.bf16.f32 v6;
	v14 =	vmul.bf16 v23, v24;
	v5 =	vmul.bf16 v16, v17;
	v24 =	vld [tilespmem:s26+$0x4CF0]  }
0x112: {  	v17 =	vld [tilespmem:s26+$0x4C80];
	v16 =	vunpack.i.u.bf16.f32 v7;
	v23 =	vunpack.i.l.bf16.f32 v7;
	v9 =	vadd.f32 v9, v10  }
0x113: {  	v61 =	vld [tilespmem:s26+$0x4BD0];
	v6 =	vunpack.i.l.bf16.f32 v3;
	v10 =	vunpack.i.l.bf16.f32 v13;
	v20 =	vunpack.i.l.bf16.f32 v14  }
0x114: {  	v41 =	vld [tilespmem:s26+$0x4B20];
	v13 =	vunpack.i.u.bf16.f32 v13;
	v63 =	vmul.bf16 v54, v11;
	v7 =	vadd.f32 v10, v9  }
0x115: {  	v54 =	vld [tilespmem:s26+$0x5F20];
	v9 =	vadd.f32 $0.0e+00, v20;
	v10 =	vmul.bf16 v25, v26;
	v26 =	vmul.bf16 v27, v28  }
0x116: {  	v49 =	vld [tilespmem:s26+$0x4AE0];
	v14 =	vunpack.i.u.bf16.f32 v14;
	v21 =	vmul.bf16 v21, v24;
	v15 =	vmul.bf16 v60, v15  }
0x117: {  	v25 =	vld [tilespmem:s26+$0x5F60];
	v18 =	vmul.bf16 v18, v17;
	v13 =	vadd.f32 v7, v13;
	v7 =	vadd.f32 v9, v14  }
0x118: {  	v27 =	vld [tilespmem:s26+$0x4B60];
	v22 =	vunpack.i.u.bf16.f32 v10;
	v20 =	vunpack.i.l.bf16.f32 v10;
	v9 =	vmul.bf16 v29, v30  }
0x119: {  	v28 =	vld [tilespmem:s26+$0x5FD0];
	v29 =	vunpack.i.u.bf16.f32 v26;
	v26 =	vunpack.i.l.bf16.f32 v26;
	v14 =	vmul.bf16 v31, v32  }
0x11a: {  	v24 =	vld [tilespmem:s26+$0x5F90];
	v17 =	vunpack.i.l.bf16.f32 v15;
	v41 =	vmul.bf16 v54, v41;
	v13 =	vadd.f32 v8, v13  }
0x11b: {  	v60 =	vld [tilespmem:s26+$0x5EA0];
	v8 =	vunpack.i.u.bf16.f32 v9;
	v10 =	vunpack.i.l.bf16.f32 v9;
	v9 =	vmul.bf16 v33, v34  }
0x11c: {  	v31 =	vld [tilespmem:s26+$0x6040];
	v30 =	vunpack.i.u.bf16.f32 v14;
	v32 =	vunpack.i.l.bf16.f32 v14;
	v14 =	vunpack.i.l.bf16.f32 v63  }
0x11d: {  	v54 =	vld [tilespmem:s26+$0x5FB0];
	v33 =	vunpack.i.u.bf16.f32 v63;
	v63 =	vunpack.i.l.bf16.f32 v21;
	v14 =	vadd.f32 $0.0e+00, v14  }
0x11e: {  	v34 =	vld [tilespmem:s26+$0x4C40];
	v21 =	vunpack.i.u.bf16.f32 v21;
	v12 =	vadd.f32 v13, v12;
	v13 =	vmul.bf16 v35, v36  }
0x11f: {  	v28 =	vmul.bf16 v28, v61;
	v61 =	vld [tilespmem:s26+$0x4AA0];
	v11 =	vunpack.i.l.bf16.f32 v9;
	v14 =	vadd.f32 v14, v33  }
0x120: {  	v36 =	vld [tilespmem:s26+$0x60B0];
	v12 =	vadd.f32 v53, v12;
	v62 =	vunpack.i.u.bf16.f32 v13;
	v13 =	vunpack.i.l.bf16.f32 v13  }
0x121: {  	v33 =	vunpack.i.u.bf16.f32 v40;
	v53 =	vld [tilespmem:s26+$0x4CB0];
	v13 =	vadd.f32 v13, v14;
	v14 =	vadd.f32 $0.0e+00, v63  }
0x122: {  	v63 =	vmul.bf16 v46, v47;
	v46 =	vld [tilespmem:s26+$0x6070];
	v4 =	vadd.f32 v12, v51;
	v12 =	vmul.bf16 v38, v39  }
0x123: {  	v40 =	vunpack.i.l.bf16.f32 v40;
	v47 =	vld [tilespmem:s26+$0x4C70];
	v38 =	vmul.bf16 v42, v43;
	v39 =	vmul.bf16 v44, v45  }
0x124: {  	v42 =	vld [tilespmem:s26+$0x4B90];
	v13 =	vadd.f32 v13, v62;
	v14 =	vadd.f32 v14, v21;
	v37 =	vunpack.i.u.bf16.f32 v63  }
0x125: {  	v45 =	vld [tilespmem:s26+$0x6000];
	v35 =	vunpack.i.u.bf16.f32 v38;
	v44 =	vunpack.i.l.bf16.f32 v39;
	v21 =	vunpack.i.u.bf16.f32 v39  }
0x126: {  	v51 =	vld [tilespmem:s26+$0x4C00];
	v38 =	vunpack.i.l.bf16.f32 v38;
	v39 =	vunpack.i.l.bf16.f32 v63;
	v23 =	vadd.f32 v23, v13  }
0x127: {  	v62 =	vadd.f32 $0.0e+00, v44;
	v14 =	vadd.f32 v38, v14;
	v38 =	vmul.bf16 v50, v52;
	v50 =	vld [tilespmem:s26+$0x5F50]  }
0x128: {  	v52 =	vunpack.i.u.bf16.f32 v48;
	v44 =	vmul.bf16 v57, v58;
	v57 =	vld [tilespmem:s26+$0x5E60];
	v16 =	vadd.f32 v23, v16  }
0x129: {  	v48 =	vunpack.i.l.bf16.f32 v48;
	v46 =	vmul.bf16 v46, v47;
	v47 =	vld [tilespmem:s26+$0x4BC0];
	v23 =	vadd.f32 v14, v35  }
0x12a: {  	v58 =	vunpack.i.u.bf16.f32 v18;
	v13 =	vadd.f32 v62, v21;
	v21 =	vld [tilespmem:s26+$0x5EE0];
	v35 =	vadd.f32 v56, v16  }
0x12b: {  	v14 =	vunpack.i.u.bf16.f32 v38;
	v42 =	vmul.bf16 v24, v42;
	v56 =	vld [tilespmem:s26+$0x5FC0];
	v23 =	vadd.f32 v26, v23  }
0x12c: {  	v24 =	vunpack.i.u.bf16.f32 v41;
	v63 =	vunpack.i.l.bf16.f32 v46;
	v26 =	vld [tilespmem:s26+$0x6030];
	v43 =	vadd.f32 v35, v55  }
0x12d: {  	v46 =	vunpack.i.u.bf16.f32 v46;
	v23 =	vadd.f32 v23, v29;
	v29 =	vld [tilespmem:s26+$0x4C30];
	v55 =	vadd.f32 $0.0e+00, v63  }
0x12e: {  	v62 =	vld [tilespmem:s26+$0x4B50];
	v16 =	vunpack.i.l.bf16.f32 v38;
	v35 =	vunpack.i.l.bf16.f32 v18;
	v18 =	vmul.bf16 v25, v27  }
0x12f: {  	v27 =	vmul.bf16 v36, v53;
	v36 =	vld [tilespmem:s26+$0x5F10];
	v23 =	vadd.f32 v59, v23;
	v46 =	vadd.f32 v55, v46  }
0x130: {  	v38 =	vunpack.i.u.bf16.f32 v44;
	v44 =	vunpack.i.l.bf16.f32 v44;
	v25 =	vmul.bf16 v31, v34;
	v53 =	vld [tilespmem:s26+$0x4B10]  }
0x131: {  	v63 =	vunpack.i.u.bf16.f32 v28;
	v34 =	vld [tilespmem:s26+$0x5F80];
	v23 =	vadd.f32 v23, v19;
	v19 =	vadd.f32 v35, v46  }
0x132: {  	v59 =	vld [tilespmem:s26+$0x4A60];
	v47 =	vmul.bf16 v56, v47;
	v46 =	vunpack.i.l.bf16.f32 v28;
	v26 =	vmul.bf16 v26, v29  }
0x133: {  	v55 =	vld [tilespmem:s26+$0x4BB0];
	v28 =	vunpack.i.u.bf16.f32 v25;
	v29 =	vunpack.i.l.bf16.f32 v27;
	v19 =	vadd.f32 v19, v58  }
0x134: {  	v25 =	vunpack.i.l.bf16.f32 v25;
	v29 =	vadd.f32 $0.0e+00, v29;
	v58 =	vld [tilespmem:s26+$0x4B80];
	v31 =	vunpack.i.l.bf16.f32 v26  }
0x135: {  	v56 =	vld [tilespmem:s26+$0x4B40];
	v27 =	vunpack.i.u.bf16.f32 v27;
	v31 =	vadd.f32 $0.0e+00, v31;
	v40 =	vadd.f32 v40, v19  }
0x136: {  	v35 =	vld [tilespmem:s26+$0x4B70];
	v36 =	vmul.bf16 v36, v53;
	v26 =	vunpack.i.u.bf16.f32 v26;
	v19 =	vadd.f32 v29, v27  }
0x137: {  	v27 =	vadd.f32 v31, v26;
	v29 =	vadd.f32 v40, v33;
	v26 =	vunpack.i.l.bf16.f32 v41;
	v33 =	vld [tilespmem:s26+$0x5F70]  }
0x138: {  	v41 =	vunpack.i.u.bf16.f32 v42;
	v31 =	vmul.bf16 v45, v51;
	v42 =	vunpack.i.l.bf16.f32 v42;
	v45 =	vld [tilespmem:s26+$0x5FF0]  }
0x139: {  	v51 =	vld [tilespmem:s26+$0x4BF0];
	v58 =	vmul.bf16 v34, v58;
	v25 =	vadd.f32 v25, v27;
	v27 =	vadd.f32 v20, v29  }
0x13a: {  	v53 =	vld [tilespmem:s26+$0x4AF0];
	v29 =	vmul.bf16 v21, v49;
	v20 =	vunpack.i.u.bf16.f32 v31;
	v49 =	vmul.bf16 v54, v55  }
0x13b: {  	v21 =	vunpack.i.l.bf16.f32 v31;
	v54 =	vld [tilespmem:s26+$0x5ED0];
	v25 =	vadd.f32 v25, v28;
	v31 =	vadd.f32 v27, v22  }
0x13c: {  	v55 =	vld [tilespmem:s26+$0x5F40];
	v27 =	vunpack.i.u.bf16.f32 v29;
	v28 =	vunpack.i.l.bf16.f32 v29;
	v29 =	vunpack.i.l.bf16.f32 v49  }
0x13d: {  	v22 =	vmul.bf16 v50, v62;
	v50 =	vld [tilespmem:s26+$0x4AD0];
	v33 =	vmul.bf16 v33, v35;
	v29 =	vadd.f32 $0.0e+00, v29  }
0x13e: {  	v35 =	vunpack.i.u.bf16.f32 v49;
	v49 =	vunpack.i.u.bf16.f32 v47;
	v45 =	vmul.bf16 v45, v51;
	v51 =	vld [tilespmem:s26+$0x5EF0]  }
0x13f: {  	v47 =	vunpack.i.l.bf16.f32 v47;
	v48 =	vadd.f32 v48, v25;
	v40 =	vadd.f32 v29, v35;
	v35 =	vld [tilespmem:s26+$0x4A50]  }
0x140: {  	v25 =	vunpack.i.l.bf16.f32 v22;
	v62 =	vunpack.i.l.bf16.f32 v33;
	v29 =	vmul.bf16 v57, v59;
	v59 =	vld [tilespmem:s26+$0x5F00]  }
0x141: {  	v33 =	vunpack.i.u.bf16.f32 v33;
	v48 =	vadd.f32 v48, v52;
	v52 =	vld [tilespmem:s26+$0x5E50];
	v57 =	vadd.f32 $0.0e+00, v62  }
0x142: {  	v62 =	vld [tilespmem:s26+$0x4B00];
	v40 =	vadd.f32 v47, v40;
	v47 =	vunpack.i.l.bf16.f32 v58;
	v58 =	vunpack.i.u.bf16.f32 v58  }
0x143: {  	v50 =	vmul.bf16 v54, v50;
	v54 =	vld [tilespmem:s26+$0x4B30];
	v48 =	vadd.f32 v32, v48;
	v33 =	vadd.f32 v57, v33  }
0x144: {  	v32 =	vunpack.i.l.bf16.f32 v29;
	v57 =	vld [tilespmem:s26+$0x5EC0];
	v53 =	vmul.bf16 v51, v53;
	v40 =	vadd.f32 v40, v49  }
0x145: {  	v49 =	vld [tilespmem:s26+$0x4AC0];
	v34 =	vadd.f32 v48, v30;
	v30 =	vmul.bf16 v60, v61;
	v33 =	vadd.f32 v47, v33  }
0x146: {  	v60 =	vld [tilespmem:s26+$0x5F30];
	v61 =	vunpack.i.l.bf16.f32 v45;
	v45 =	vunpack.i.u.bf16.f32 v45;
	v46 =	vadd.f32 v46, v40  }
0x147: {  	v48 =	vadd.f32 $0.0e+00, v61;
	v61 =	vld [tilespmem:s26+$0x5EB0];
	v62 =	vmul.bf16 v59, v62;
	v33 =	vadd.f32 v33, v58  }
0x148: {  	v47 =	vunpack.i.l.bf16.f32 v36;
	v40 =	vunpack.i.u.bf16.f32 v36;
	v36 =	vmul.bf16 v55, v56;
	v55 =	vld [tilespmem:s26+$0x4AB0]  }
0x149: {  	v46 =	vadd.f32 v46, v63;
	v51 =	vunpack.i.l.bf16.f32 v62;
	v58 =	vadd.f32 v42, v33  }
0x14a: {  	(xrf2) =	vadd.scan.msk.f32 $0xffff, v4;
	v33 =	vadd.f32 v48, v45;
	v42 =	vunpack.i.u.bf16.f32 v50;
	v56 =	vmul.bf16 v57, v49  }
0x14b: {  	(xrf2) =	vadd.scan.msk.f32 $0xffff, v43;
	v43 =	vld [tilespmem:s26+$0x5E70];
	v45 =	vadd.f32 v39, v46;
	v39 =	vmul.bf16 v52, v35;
	v63 =	vadd.f32 v58, v41  }
0x14c: {  	v48 =	vld [tilespmem:s26+$0x5E40];
	v46 =	vunpack.i.l.bf16.f32 v50;
	v54 =	vmul.bf16 v60, v54;
	v41 =	vunpack.i.l.bf16.f32 v36  }
0x14d: {  	v50 =	vld [tilespmem:s26+$0x5E30];
	v55 =	vmul.bf16 v61, v55;
	v37 =	vadd.f32 v45, v37;
	v35 =	vadd.f32 v44, v63  }
0x14e: {  	v52 =	vld [tilespmem:s26+$0x4A30];
	v45 =	vunpack.i.l.bf16.f32 v39;
	v44 =	vunpack.i.u.bf16.f32 v62;
	v63 =	vunpack.i.l.bf16.f32 v53  }
0x14f: {  	s29 =	simm.s32 $0x2FC0;
	s28 =	smov.u32 s23;
	v49 =	vld [tilespmem:s26+$0x4A40];
	v57 =	vadd.f32 $0.0e+00, v63;
	v35 =	vadd.f32 v35, v38;
	v38 =	vunpack.i.u.bf16.f32 v56  }
.LBB2_3:
0x150: {  	v56 =	vunpack.i.l.bf16.f32 v56;
	v53 =	vunpack.i.u.bf16.f32 v53;
	v21 =	vadd.f32 v21, v33  }
0x151: {  	v58 =	vld [tilespmem:s26+$0x4A70];
	(xrf2) =	vadd.scan.msk.f32 $0xffff, v23;
	v59 =	vunpack.i.l.bf16.f32 v54;
	v23 =	vunpack.i.l.bf16.f32 v55;
	v53 =	vadd.f32 v57, v53  }
0x152: {  	v60 =	vunpack.i.u.bf16.f32 v54;
	v63 =	vadd.f32 $0.0e+00, v59;
	v4 =	vadd.f32 $0.0e+00, v23  }
0x153: {  	v61 =	vunpack.i.u.bf16.f32 v55;
	v59 =	vld [tilespmem:s26+$0x4A80];
	v51 =	vadd.f32 v51, v53;
	v50 =	vmul.bf16 v50, v52  }
0x154: {  	v39 =	vunpack.i.u.bf16.f32 v39;
	v52 =	vld [tilespmem:s26+$0x5E80];
	v53 =	vadd.f32 v63, v60;
	v62 =	vadd.f32 v4, v61  }
0x155: {  	(xrf2) =	vadd.scan.msk.f32 $0xffff, v31;
	v48 =	vmul.bf16 v48, v49;
	v44 =	vadd.f32 v51, v44;
	v31 =	vunpack.i.l.bf16.f32 v50  }
0x156: {  	v43 =	vmul.bf16 v43, v58;
	v49 =	vadd.f32 v56, v62;
	v4 =	vadd.f32 $0.0e+00, v31  }
0x157: {  	v54 =	vld [tilespmem:s26+$0x5E90];
	v50 =	vunpack.i.u.bf16.f32 v50;
	v63 =	vunpack.i.l.bf16.f32 v48;
	v44 =	vadd.f32 v47, v44  }
0x158: {  	v58 =	vld [tilespmem:s26+$0x4A90];
	v57 =	vunpack.i.l.bf16.f32 v43;
	v23, _, _ =	vpop (xrf2);
	(xrf2) =	vadd.scan.msk.f32 $0xffff, v34;
	v38 =	vadd.f32 v49, v38;
	v34 =	vadd.f32 v4, v50  }
0x159: {  	v60 =	vadd.f32 $0.0e+00, v57;
	v61 =	vmul.bf16 v52, v59;
	v40 =	vadd.f32 v44, v40  }
0x15a: {  	v4 =	vunpack.i.u.bf16.f32 v43;
	v38 =	vadd.f32 v46, v38;
	v62 =	vadd.f32 v63, v34  }
0x15b: {  	v43 =	vadd.f32 v60, v4;
	v60 =	vadd.f32 v41, v53;
	v63 =	vunpack.i.u.bf16.f32 v48  }
0x15c: {  	v31, _, _ =	vpop (xrf2);
	(xrf2) =	vadd.scan.msk.f32 $0xffff, v37;
	v51 =	vunpack.i.l.bf16.f32 v61;
	v38 =	vadd.f32 v38, v42;
	v37 =	vadd.f32 v62, v63  }
0x15d: {  	v56 =	vmul.bf16 v54, v58;
	v26 =	vadd.f32 v26, v40;
	v52 =	vadd.f32 v51, v43  }
0x15e: {  	v58 =	vunpack.i.u.bf16.f32 v61;
	v28 =	vadd.f32 v28, v38;
	v57 =	vadd.f32 v45, v37  }
0x15f: {  	v48, _, _ =	vpop (xrf2);
	(xrf2) =	vadd.scan.msk.f32 $0xffff, v35;
	v59 =	vunpack.i.l.bf16.f32 v56;
	v26 =	vadd.f32 v26, v24;
	v37 =	vadd.f32 v52, v58  }
0x160: {  	v27 =	vadd.f32 v28, v27;
	v28 =	vunpack.i.u.bf16.f32 v36;
	v35 =	vadd.f32 v57, v39  }
0x161: {  	v29 =	vunpack.i.u.bf16.f32 v29;
	v24, _, _ =	vpop (xrf2);
	(xrf2) =	vadd.scan.msk.f32 $0xffff, v26;
	v26 =	vadd.f32 v59, v37;
	v4 =	vadd.f32 v60, v28  }
0x162: {  	v16 =	vadd.f32 v16, v19;
	v62 =	vunpack.i.u.bf16.f32 v56;
	v32 =	vadd.f32 v32, v35  }
0x163: {  	v22 =	vunpack.i.u.bf16.f32 v22;
	v26 =	vadd.f32 v26, v62;
	v25 =	vadd.f32 v25, v4  }
0x164: {  	v61, _, _ =	vpop (xrf2);
	(xrf2) =	vadd.scan.msk.f32 $0xffff, v27;
	v4 =	vadd.f32 v21, v20;
	v27 =	vadd.f32 v32, v29;
	v29 =	vunpack.i.l.bf16.f32 v30  }
0x165: {  	v22 =	vadd.f32 v25, v22;
	v26 =	vadd.f32 v29, v26  }
0x166: {  	v21 =	vunpack.i.u.bf16.f32 v30;
	v17 =	vadd.f32 v17, v4;
	v4 =	vadd.f32 v16, v14  }
0x167: {  	v10 =	vadd.f32 v10, v13;
	v19 =	vadd.f32 v26, v21;
	v21 =	vunpack.i.l.bf16.f32 v18  }
0x168: {  	v15 =	vunpack.i.u.bf16.f32 v15;
	v28, _, _ =	vpop (xrf2);
	(xrf2) =	vadd.scan.msk.f32 $0xffff, v27;
	v11 =	vadd.f32 v11, v4;
	v4 =	vld [tilespmem:$0x1FFF0];
	v21 =	vadd.f32 v21, v22  }
0x169: {  	v20, _, _ =	vpop (xrf2);
	v16 =	vunpack.i.u.bf16.f32 v18;
	v15 =	vadd.f32 v17, v15;
	(xrf2) =	vadd.scan.msk.f32 $0xffff, v19  }
0x16a: {  	v8 =	vadd.f32 v10, v8;
	v13 =	vadd.f32 v21, v16;
	v16 =	vunpack.i.l.bf16.f32 v12  }
0x16b: {  	v9 =	vunpack.i.u.bf16.f32 v9;
	v15 =	vadd.f32 v16, v15  }
0x16c: {  	v10 =	vunpack.i.u.bf16.f32 v12;
	v6 =	vadd.f32 v6, v8;
	v8 =	vld [tilespmem:s26+$0x4E20];
	v14, _, _ =	vpop (xrf2);
	v9 =	vadd.f32 v11, v9;
	(xrf2) =	vadd.scan.msk.f32 $0xffff, v13  }
0x16d: {  	v11 =	vunpack.i.l.bf16.f32 v5;
	v4 =	vadd.f32 v4, v7;
	v7 =	vld [tilespmem:s26+$0x6220];
	v10 =	vadd.f32 v15, v10  }
0x16e: {  	v3 =	vunpack.i.u.bf16.f32 v3;
	v2 =	vunpack.i.u.bf16.f32 v2;
	v11 =	vadd.f32 v11, v9  }
0x16f: {  	v3 =	vadd.f32 v6, v3;
	v5 =	vunpack.i.u.bf16.f32 v5;
	v12, _, _ =	vpop (xrf2);
	v2 =	vadd.f32 v4, v2;
	(xrf2) =	vadd.scan.msk.f32 $0xffff, v10  }
0x170: {  	v6 =	vunpack.i.l.bf16.f32 v1;
	v4 =	vadd.f32 v11, v5;
	v5 =	vunpack.i.l.bf16.f32 v0  }
0x171: {  	v3 =	vadd.f32 v5, v3;
	v6 =	vadd.f32 v6, v2  }
0x172: {  	v1 =	vunpack.i.u.bf16.f32 v1;
	v0 =	vunpack.i.u.bf16.f32 v0;
	v9, _, _ =	vpop (xrf2);
	v5 =	vmul.bf16 v7, v8;
	(xrf2) =	vadd.scan.msk.f32 $0xffff, v4  }
0x173: {  	v0 =	vadd.f32 v3, v0;
	v1 =	vadd.f32 v6, v1;
	v2, _, _ =	vpop (xrf2)  }
0x174: {  	v3 =	vbroadcast v9, $0xF;
	v7 =	vunpack.i.l.bf16.f32 v5;
	v2 =	vbroadcast v2, $0xF  }
0x175: {  	v6 =	vbroadcast v12, $0xF;
	v1 =	vadd.f32 v7, v1;
	(xrf2) =	vadd.scan.msk.f32 $0xffff, v0  }
0x176: {  	v0 =	vsel vm0, v3, v2;
	v2 =	vbroadcast v14, $0xF;
	v3 =	vunpack.i.u.bf16.f32 v5;
	v4, _, _ =	vpop (xrf2)  }
0x177: {  	v0 =	vsel vm1, v0, v6;
	v5 =	vbroadcast v4, $0xF;
	v1 =	vadd.f32 v1, v3  }
0x178: {  	v0 =	vsel vm2, v0, v2;
	v2 =	vbroadcast v20, $0xF  }
0x179: {  	v0 =	vsel vm3, v0, v5;
	v5 =	vbroadcast v28, $0xF;
	v4, _, _ =	vpop (xrf2);
	(xrf2) =	vadd.scan.msk.f32 $0xffff, v1  }
0x17a: {  	v0 =	vsel vm4, v0, v2;
	v1 =	vbroadcast v4, $0xF  }
0x17b: {  	v2 =	vbroadcast v61, $0xF;
	v0 =	vsel vm5, v0, v5  }
0x17c: {  	v3, _, _ =	vpop (xrf2);
	v0 =	vsel vm6, v0, v1;
	v1 =	vbroadcast v24, $0xF  }
0x17d: {  	v0 =	vsel vm7, v0, v2;
	v2 =	vbroadcast v3, $0xF  }
0x17e: {  	v0 =	vsel vm8, v0, v1;
	v1 =	vbroadcast v48, $0xF  }
0x17f: {  	v3, _, _ =	vpop (xrf2);
	v0 =	vsel vm9, v0, v2;
	v2 =	vbroadcast v31, $0xF  }
0x180: {  	v3 =	vbroadcast v3, $0xF;
	v0 =	vsel vm10, v0, v1  }
0x181: {  	v0 =	vsel vm11, v0, v2;
	v2 =	vbroadcast v23, $0xF  }
0x182: {  	v0 =	vsel vm12, v0, v3  }
0x183: {  	v0 =	vsel vm13, v0, v2;
	v1, _, _ =	vpop (xrf2)  }
0x184: {  	s28 =	sadd.s32 $0x10, s28;
	v0 =	vsel vm14, v0, v1  }
0x185: {  	s26 =	sshra.s32 s29, $0x2;
	[tilespmem:s28+$0x0] =	vst v0  }
0x186: {  	v0 =	vld [tilespmem:s26+$0x61E0]  }
0x187: {  	v1 =	vld [tilespmem:s26+$0x4DE0]  }
0x188: {  	v2 =	vld [tilespmem:s26+$0x6210]  }
0x189: {  	v3 =	vld [tilespmem:s26+$0x4E10]  }
0x18a: {  	v4 =	vld [tilespmem:s26+$0x61A0]  }
0x18b: {  	v5 =	vld [tilespmem:s26+$0x4DA0]  }
0x18c: {  	v6 =	vld [tilespmem:s26+$0x6160]  }
0x18d: {  	v7 =	vld [tilespmem:s26+$0x4D60]  }
0x18e: {  	v8 =	vld [tilespmem:s26+$0x61D0]  }
0x18f: {  	v9 =	vld [tilespmem:s26+$0x4DD0]  }
0x190: {  	v10 =	vld [tilespmem:s26+$0x6200]  }
0x191: {  	v11 =	vld [tilespmem:s26+$0x4E00]  }
0x192: {  	v18 =	vld [tilespmem:s26+$0x6120]  }
0x193: {  	v19 =	vld [tilespmem:s26+$0x4D20]  }
0x194: {  	v20 =	vld [tilespmem:s26+$0x6190]  }
0x195: {  	v22 =	vld [tilespmem:s26+$0x4D90]  }
0x196: {  	v29 =	vld [tilespmem:s26+$0x60E0]  }
0x197: {  	v30 =	vld [tilespmem:s26+$0x4CE0]  }
0x198: {  	v27 =	vld [tilespmem:s26+$0x6150]  }
0x199: {  	v28 =	vld [tilespmem:s26+$0x4D50]  }
0x19a: {  	v63 =	vld [tilespmem:s26+$0x61C0]  }
0x19b: {  	v60 =	vld [tilespmem:s26+$0x4DC0]  }
0x19c: {  	v61 =	vld [tilespmem:s26+$0x61F0]  }
0x19d: {  	v62 =	vld [tilespmem:s26+$0x4DF0]  }
0x19e: {  	v36 =	vld [tilespmem:s26+$0x60A0]  }
0x19f: {  	v37 =	vld [tilespmem:s26+$0x4CA0]  }
0x1a0: {  	v38 =	vld [tilespmem:s26+$0x6110]  }
0x1a1: {  	v39 =	vld [tilespmem:s26+$0x4D10]  }
0x1a2: {  	v40 =	vld [tilespmem:s26+$0x6180]  }
0x1a3: {  	v41 =	vld [tilespmem:s26+$0x4D80]  }
0x1a4: {  	v42 =	vld [tilespmem:s26+$0x6060]  }
0x1a5: {  	v43 =	vld [tilespmem:s26+$0x4C60]  }
0x1a6: {  	v44 =	vld [tilespmem:s26+$0x60D0]  }
0x1a7: {  	v45 =	vld [tilespmem:s26+$0x4CD0]  }
0x1a8: {  	v46 =	vld [tilespmem:s26+$0x6140]  }
0x1a9: {  	v47 =	vld [tilespmem:s26+$0x4D40]  }
0x1aa: {  	v24 =	vld [tilespmem:s26+$0x61B0]  }
0x1ab: {  	v25 =	vld [tilespmem:s26+$0x4DB0]  }
0x1ac: {  	v12 =	vld [tilespmem:s26+$0x6020]  }
0x1ad: {  	v48 =	vld [tilespmem:s26+$0x4C20]  }
0x1ae: {  	v49 =	vld [tilespmem:s26+$0x6090]  }
0x1af: {  	v50 =	vld [tilespmem:s26+$0x4C90]  }
0x1b0: {  	v51 =	vld [tilespmem:s26+$0x6100]  }
0x1b1: {  	v52 =	vld [tilespmem:s26+$0x4D00]  }
0x1b2: {  	v13 =	vld [tilespmem:s26+$0x5FE0]  }
0x1b3: {  	v26 =	vld [tilespmem:s26+$0x4BE0]  }
0x1b4: {  	v14 =	vld [tilespmem:s26+$0x6050]  }
0x1b5: {  	v16 =	vld [tilespmem:s26+$0x4C50]  }
0x1b6: {  	v15 =	vld [tilespmem:s26+$0x60C0]  }
0x1b7: {  	v21 =	vld [tilespmem:s26+$0x4CC0];
	v1 =	vmul.bf16 v0, v1  }
0x1b8: {  	v53 =	vld [tilespmem:s26+$0x6170];
	v6 =	vmul.bf16 v6, v7;
	v0 =	vmul.bf16 v4, v5  }
0x1b9: {  	v54 =	vld [tilespmem:s26+$0x4D70];
	v5 =	vmul.bf16 v18, v19;
	v7 =	vmul.bf16 v27, v28  }
0x1ba: {  	v57 =	vld [tilespmem:s26+$0x6130];
	v49 =	vmul.bf16 v49, v50;
	v12 =	vmul.bf16 v12, v48  }
0x1bb: {  	v31 =	vld [tilespmem:s26+$0x4BA0];
	v26 =	vmul.bf16 v13, v26;
	v14 =	vmul.bf16 v14, v16  }
0x1bc: {  	v33 =	vld [tilespmem:s26+$0x4C80];
	v15 =	vmul.bf16 v15, v21;
	v55 =	vunpack.i.u.bf16.f32 v1;
	v56 =	vunpack.i.l.bf16.f32 v1  }
0x1bd: {  	v59 =	vld [tilespmem:s26+$0x60F0];
	v1 =	vmul.bf16 v2, v3;
	v17 =	vunpack.i.u.bf16.f32 v6;
	v3 =	vmul.bf16 v8, v9  }
0x1be: {  	v27 =	vld [tilespmem:s26+$0x4C10];
	v2 =	vmul.bf16 v10, v11;
	v23 =	vunpack.i.l.bf16.f32 v6;
	v6 =	vmul.bf16 v24, v25  }
0x1bf: {  	v28 =	vld [tilespmem:s26+$0x6080];
	v19 =	vunpack.i.u.bf16.f32 v5;
	v18 =	vunpack.i.l.bf16.f32 v5;
	v34 =	vunpack.i.u.bf16.f32 v7  }
0x1c0: {  	v48 =	vld [tilespmem:s26+$0x5F90];
	v50 =	vunpack.i.u.bf16.f32 v49;
	v49 =	vunpack.i.l.bf16.f32 v49;
	v58 =	vunpack.i.u.bf16.f32 v3  }
0x1c1: {  	v4 =	vld [tilespmem:s26+$0x5FC0];
	v8 =	vunpack.i.l.bf16.f32 v3;
	v3 =	vunpack.i.l.bf16.f32 v2;
	v5 =	vunpack.i.l.bf16.f32 v6  }
0x1c2: {  	v11 =	vld [tilespmem:s26+$0x4D30];
	[tilespmem:$0x1FFF0] =	vst v3;
	v3 =	vmul.bf16 v20, v22;
	v9 =	vadd.f32 $0.0e+00, v5;
	v20 =	vmul.bf16 v63, v60  }
0x1c3: {  	v25 =	vld [tilespmem:s26+$0x5FA0];
	v10 =	vunpack.i.u.bf16.f32 v6;
	v22 =	vmul.bf16 v61, v62;
	v5 =	vmul.bf16 v29, v30  }
0x1c4: {  	v24 =	vld [tilespmem:s26+$0x6010];
	v60 =	vunpack.i.l.bf16.f32 v7;
	v30 =	vmul.bf16 v38, v39;
	v9 =	vadd.f32 v9, v10  }
0x1c5: {  	v61 =	vld [tilespmem:s26+$0x4B60];
	v63 =	vmul.bf16 v42, v43;
	v6 =	vunpack.i.l.bf16.f32 v3;
	v10 =	vunpack.i.l.bf16.f32 v20  }
0x1c6: {  	v62 =	vld [tilespmem:s26+$0x4BD0];
	v29 =	vunpack.i.l.bf16.f32 v22;
	v20 =	vunpack.i.u.bf16.f32 v20;
	v7 =	vadd.f32 v10, v9  }
0x1c7: {  	v42 =	vld [tilespmem:s26+$0x6040];
	v22 =	vunpack.i.u.bf16.f32 v22;
	v9 =	vadd.f32 $0.0e+00, v29;
	v10 =	vmul.bf16 v36, v37  }
0x1c8: {  	v38 =	vunpack.i.l.bf16.f32 v30;
	v35 =	vmul.bf16 v57, v11;
	v36 =	vld [tilespmem:s26+$0x4CF0];
	v32 =	vadd.f32 v7, v20  }
0x1c9: {  	v7 =	vadd.f32 v9, v22;
	v22 =	vunpack.i.u.bf16.f32 v10;
	v9 =	vmul.bf16 v40, v41;
	v40 =	vld [tilespmem:s26+$0x5FD0]  }
0x1ca: {  	v29 =	vld [tilespmem:s26+$0x5F60];
	v20 =	vunpack.i.l.bf16.f32 v10;
	v41 =	vunpack.i.u.bf16.f32 v30;
	v30 =	vadd.f32 v8, v32  }
0x1cb: {  	v8 =	vunpack.i.u.bf16.f32 v9;
	v10 =	vunpack.i.l.bf16.f32 v9;
	v9 =	vmul.bf16 v44, v45;
	v45 =	vld [tilespmem:s26+$0x4C40]  }
0x1cc: {  	v25 =	vmul.bf16 v25, v31;
	v57 =	vadd.f32 v30, v58;
	v58 =	vmul.bf16 v46, v47;
	v46 =	vld [tilespmem:s26+$0x60B0]  }
0x1cd: {  	v32 =	vunpack.i.l.bf16.f32 v63;
	v30 =	vunpack.i.u.bf16.f32 v63;
	v63 =	vunpack.i.l.bf16.f32 v35;
	v47 =	vld [tilespmem:s26+$0x4CB0]  }
0x1ce: {  	v36 =	vmul.bf16 v59, v36;
	v43 =	vadd.f32 $0.0e+00, v63;
	v31 =	vmul.bf16 v40, v62;
	v40 =	vld [tilespmem:s26+$0x5EA0]  }
0x1cf: {  	v37 =	vadd.f32 v56, v57;
	v44 =	vunpack.i.u.bf16.f32 v58;
	v56 =	vld [tilespmem:s26+$0x5F20];
	v57 =	vunpack.i.u.bf16.f32 v35  }
0x1d0: {  	v39 =	vunpack.i.l.bf16.f32 v58;
	v58 =	vadd.f32 v43, v57;
	v43 =	vmul.bf16 v51, v52;
	v52 =	vld [tilespmem:s26+$0x4B90]  }
0x1d1: {  	v11 =	vunpack.i.l.bf16.f32 v9;
	v59 =	vunpack.i.l.bf16.f32 v36;
	v51 =	vmul.bf16 v53, v54;
	v54 =	vld [tilespmem:s26+$0x6000]  }
0x1d2: {  	v36 =	vunpack.i.u.bf16.f32 v36;
	v57 =	vld [tilespmem:s26+$0x6070];
	v35 =	vadd.f32 v37, v55;
	v37 =	vadd.f32 v39, v58  }
0x1d3: {  	v39 =	vadd.f32 $0.0e+00, v59;
	v53 =	vunpack.i.u.bf16.f32 v43;
	v63 =	vunpack.i.l.bf16.f32 v51;
	v58 =	vld [tilespmem:s26+$0x4C00]  }
0x1d4: {  	v55 =	vld [tilespmem:s26+$0x4B20];
	v13 =	vunpack.i.u.bf16.f32 v51;
	v37 =	vadd.f32 v37, v44;
	v44 =	vadd.f32 $0.0e+00, v63  }
0x1d5: {  	v51 =	vld [tilespmem:s26+$0x4C70];
	v36 =	vadd.f32 v39, v36;
	v63 =	vunpack.i.l.bf16.f32 v43;
	v39 =	vunpack.i.l.bf16.f32 v26  }
0x1d6: {  	v59 =	vld [tilespmem:s26+$0x5EE0];
	v48 =	vmul.bf16 v48, v52;
	v60 =	vadd.f32 v60, v37;
	v13 =	vadd.f32 v44, v13  }
0x1d7: {  	v52 =	vld [tilespmem:s26+$0x4BB0];
	v37 =	vunpack.i.u.bf16.f32 v26;
	v16 =	vadd.f32 v63, v36;
	v63 =	vunpack.i.l.bf16.f32 v14  }
0x1d8: {  	v36 =	vld [tilespmem:s26+$0x4AE0];
	v44 =	vunpack.i.l.bf16.f32 v25;
	v62 =	vmul.bf16 v54, v58;
	v21 =	vadd.f32 v60, v34  }
0x1d9: {  	v54 =	vld [tilespmem:s26+$0x4B70];
	v60 =	vunpack.i.u.bf16.f32 v14;
	v26 =	vadd.f32 v16, v53;
	v14 =	vunpack.i.u.bf16.f32 v15  }
0x1da: {  	v58 =	vld [tilespmem:s26+$0x5ED0];
	v16 =	vunpack.i.l.bf16.f32 v15;
	v21 =	vadd.f32 v23, v21;
	v23 =	vmul.bf16 v57, v51  }
0x1db: {  	v34 =	vld [tilespmem:s26+$0x5F50];
	v15 =	vmul.bf16 v24, v27;
	v27 =	vmul.bf16 v28, v33;
	v26 =	vadd.f32 v38, v26  }
0x1dc: {  	v38 =	vunpack.i.u.bf16.f32 v25;
	v25 =	vld [tilespmem:s26+$0x4C30];
	v43 =	vadd.f32 v21, v17;
	v24 =	vunpack.i.l.bf16.f32 v23  }
0x1dd: {  	v28 =	vunpack.i.u.bf16.f32 v27;
	v21 =	vld [tilespmem:s26+$0x6030];
	v26 =	vadd.f32 v26, v41;
	v24 =	vadd.f32 $0.0e+00, v24  }
0x1de: {  	v53 =	vld [tilespmem:s26+$0x4B50];
	v27 =	vunpack.i.l.bf16.f32 v27;
	v36 =	vmul.bf16 v59, v36;
	v23 =	vunpack.i.u.bf16.f32 v23  }
0x1df: {  	v33 =	vld [tilespmem:s26+$0x5E60];
	v17 =	vunpack.i.l.bf16.f32 v15;
	v26 =	vadd.f32 v18, v26;
	v24 =	vadd.f32 v24, v23  }
0x1e0: {  	v51 =	vld [tilespmem:s26+$0x4BC0];
	v18 =	vmul.bf16 v29, v61;
	v29 =	vmul.bf16 v42, v45;
	v45 =	vunpack.i.u.bf16.f32 v31  }
0x1e1: {  	v57 =	vld [tilespmem:s26+$0x4B10];
	v23 =	vadd.f32 v26, v19;
	v19 =	vadd.f32 v27, v24;
	v24 =	vmul.bf16 v46, v47  }
0x1e2: {  	v61 =	vld [tilespmem:s26+$0x5F80];
	v47 =	vunpack.i.l.bf16.f32 v31;
	v21 =	vmul.bf16 v21, v25;
	v25 =	vunpack.i.u.bf16.f32 v29  }
0x1e3: {  	v27 =	vunpack.i.l.bf16.f32 v29;
	v29 =	vmul.bf16 v56, v55;
	v55 =	vld [tilespmem:s26+$0x4B80];
	v26 =	vunpack.i.l.bf16.f32 v24  }
0x1e4: {  	v31 =	vld [tilespmem:s26+$0x5FB0];
	v19 =	vadd.f32 v19, v28;
	v28 =	vunpack.i.l.bf16.f32 v21;
	v26 =	vadd.f32 $0.0e+00, v26  }
0x1e5: {  	v59 =	vld [tilespmem:s26+$0x4B40];
	v4 =	vmul.bf16 v4, v51;
	v24 =	vunpack.i.u.bf16.f32 v24;
	v28 =	vadd.f32 $0.0e+00, v28  }
0x1e6: {  	v41 =	vld [tilespmem:s26+$0x4A60];
	v21 =	vunpack.i.u.bf16.f32 v21;
	v49 =	vadd.f32 v49, v19;
	v19 =	vadd.f32 v26, v24  }
0x1e7: {  	v42 =	vld [tilespmem:s26+$0x4AA0];
	v24 =	vunpack.i.u.bf16.f32 v29;
	v21 =	vadd.f32 v28, v21;
	v26 =	vunpack.i.l.bf16.f32 v29  }
0x1e8: {  	v29 =	vld [tilespmem:s26+$0x5F70];
	v55 =	vmul.bf16 v61, v55;
	v28 =	vadd.f32 v49, v50;
	v49 =	vunpack.i.u.bf16.f32 v48  }
0x1e9: {  	v46 =	vld [tilespmem:s26+$0x5F10];
	v48 =	vunpack.i.l.bf16.f32 v48;
	v50 =	vmul.bf16 v31, v52;
	v27 =	vadd.f32 v27, v21  }
0x1ea: {  	v56 =	vld [tilespmem:s26+$0x5FF0];
	v21 =	vunpack.i.l.bf16.f32 v62;
	v28 =	vadd.f32 v20, v28;
	v20 =	vunpack.i.u.bf16.f32 v62  }
0x1eb: {  	v61 =	vld [tilespmem:s26+$0x4B00];
	v62 =	vunpack.i.l.bf16.f32 v50;
	v25 =	vadd.f32 v27, v25;
	v27 =	vunpack.i.u.bf16.f32 v36  }
0x1ec: {  	v52 =	vld [tilespmem:s26+$0x4BF0];
	v31 =	vadd.f32 v28, v22;
	v28 =	vunpack.i.l.bf16.f32 v36;
	v22 =	vmul.bf16 v34, v53  }
0x1ed: {  	v36 =	vld [tilespmem:s26+$0x4AD0];
	v54 =	vmul.bf16 v29, v54;
	v29 =	vadd.f32 $0.0e+00, v62;
	v63 =	vadd.f32 v63, v25  }
0x1ee: {  	v53 =	vld [tilespmem:s26+$0x5F40];
	v34 =	vunpack.i.u.bf16.f32 v50;
	v50 =	vunpack.i.u.bf16.f32 v4;
	v4 =	vunpack.i.l.bf16.f32 v4  }
0x1ef: {  	v62 =	vunpack.i.l.bf16.f32 v54;
	v34 =	vadd.f32 v29, v34;
	v51 =	vadd.f32 v63, v60;
	v60 =	vld [tilespmem:s26+$0x5E50]  }
0x1f0: {  	v25 =	vunpack.i.l.bf16.f32 v22;
	v29 =	vmul.bf16 v33, v41;
	v63 =	vld [tilespmem:s26+$0x4A50];
	v33 =	vadd.f32 $0.0e+00, v62  }
0x1f1: {  	v54 =	vunpack.i.u.bf16.f32 v54;
	v4 =	vadd.f32 v4, v34;
	v41 =	vadd.f32 v32, v51;
	v51 =	vld [tilespmem:s26+$0x5F00]  }
0x1f2: {  	v62 =	vunpack.i.l.bf16.f32 v55;
	v32 =	vunpack.i.l.bf16.f32 v29;
	v33 =	vadd.f32 v33, v54;
	v54 =	vld [tilespmem:s26+$0x5EC0]  }
0x1f3: {  	v4 =	vadd.f32 v4, v50;
	v50 =	vmul.bf16 v56, v52;
	v56 =	vld [tilespmem:s26+$0x4AC0];
	v34 =	vadd.f32 v41, v30  }
0x1f4: {  	v52 =	vld [tilespmem:s26+$0x5EF0];
	v30 =	vmul.bf16 v40, v42;
	v42 =	vmul.bf16 v46, v57;
	v33 =	vadd.f32 v62, v33  }
0x1f5: {  	v57 =	vld [tilespmem:s26+$0x5F30];
	v41 =	vunpack.i.u.bf16.f32 v55;
	v46 =	vmul.bf16 v58, v36;
	v36 =	vmul.bf16 v53, v59  }
0x1f6: {  	v55 =	vld [tilespmem:s26+$0x4AF0];
	v4 =	vadd.f32 v47, v4;
	v62 =	vunpack.i.l.bf16.f32 v50;
	v40 =	vunpack.i.u.bf16.f32 v42  }
0x1f7: {  	v58 =	vld [tilespmem:s26+$0x4B30];
	v33 =	vadd.f32 v33, v41;
	v41 =	vadd.f32 $0.0e+00, v62;
	v62 =	vunpack.i.u.bf16.f32 v50  }
0x1f8: {  	v47 =	vunpack.i.l.bf16.f32 v42;
	v42 =	vunpack.i.u.bf16.f32 v46;
	v4 =	vadd.f32 v4, v45  }
0x1f9: {  	v59 =	vld [tilespmem:s26+$0x4AB0];
	v46 =	vunpack.i.l.bf16.f32 v46;
	v50 =	vadd.f32 v48, v33;
	v33 =	vadd.f32 v41, v62  }
0x1fa: {  	p0 =	sne.s32 s29, $0x4FC0;
	(xrf2) =	vadd.scan.msk.f32 $0xffff, v35;
	v62 =	vld [tilespmem:s26+$0x5EB0];
	v41 =	vunpack.i.l.bf16.f32 v36;
	v56 =	vmul.bf16 v54, v56;
	v4 =	vadd.f32 v39, v4  }
.Ltmp0:
0x1fb: {  	(xrf2) =	vadd.scan.msk.f32 $0xffff, v43;
	v43 =	vld [tilespmem:s26+$0x5E70];
	v39 =	vmul.bf16 v60, v63;
	v53 =	vmul.bf16 v52, v55;
	v49 =	vadd.f32 v50, v49;
	(pc) =	sbr.rel @p0 .LBB2_3-.Ltmp0, $4  }
0x1fc: {  	v48 =	vld [tilespmem:s26+$0x5E40];
	v63 =	vmul.bf16 v51, v61;
	v54 =	vmul.bf16 v57, v58;
	v37 =	vadd.f32 v4, v37  }
0x1fd: {  	v52 =	vld [tilespmem:s26+$0x4A30];
	v45 =	vunpack.i.l.bf16.f32 v39;
	v60 =	vunpack.i.l.bf16.f32 v53;
	v4 =	vadd.f32 v44, v49  }
0x1fe: {  	v50 =	vld [tilespmem:s26+$0x5E30];
	v51 =	vunpack.i.l.bf16.f32 v63;
	v44 =	vunpack.i.u.bf16.f32 v63;
	v57 =	vadd.f32 $0.0e+00, v60  }
0x1ff: {  	s29 =	sadd.s32 $0x1000, s29;
	v49 =	vld [tilespmem:s26+$0x4A40];
	v55 =	vmul.bf16 v62, v59;
	v35 =	vadd.f32 v4, v38;
	v38 =	vunpack.i.u.bf16.f32 v56  }
0x200: {  	v56 =	vunpack.i.l.bf16.f32 v56;
	v53 =	vunpack.i.u.bf16.f32 v53;
	v58 =	vunpack.i.l.bf16.f32 v54  }
0x201: {  	v4 =	vld [tilespmem:s26+$0x4A70];
	v63 =	vunpack.i.u.bf16.f32 v54;
	v21 =	vadd.f32 v21, v33;
	v16 =	vadd.f32 v16, v19  }
0x202: {  	v10 =	vadd.f32 v10, v13;
	v59 =	vunpack.i.l.bf16.f32 v55;
	v53 =	vadd.f32 v57, v53  }
0x203: {  	v61 =	vadd.f32 $0.0e+00, v58;
	v60 =	vunpack.i.u.bf16.f32 v55;
	v62 =	vadd.f32 $0.0e+00, v59  }
0x204: {  	v59 =	vld [tilespmem:s26+$0x4A80];
	v20 =	vadd.f32 v21, v20;
	v14 =	vadd.f32 v16, v14;
	v50 =	vmul.bf16 v50, v52  }
0x205: {  	v52 =	vld [tilespmem:s26+$0x5E80];
	v51 =	vadd.f32 v51, v53;
	v53 =	vadd.f32 v61, v63;
	v48 =	vmul.bf16 v48, v49  }
0x206: {  	v62 =	vadd.f32 v62, v60;
	v61 =	vunpack.i.l.bf16.f32 v50;
	v4 =	vmul.bf16 v43, v4  }
0x207: {  	v63 =	vadd.f32 v51, v44;
	v57 =	vunpack.i.u.bf16.f32 v50;
	v54 =	vadd.f32 $0.0e+00, v61  }
0x208: {  	v60 =	vld [tilespmem:s26+$0x5E90];
	v58 =	vunpack.i.l.bf16.f32 v48;
	v49 =	vadd.f32 v56, v62;
	v61 =	vunpack.i.l.bf16.f32 v4  }
0x209: {  	v62 =	vld [tilespmem:s26+$0x4A90];
	v43 =	vadd.f32 v47, v63;
	v4 =	vunpack.i.u.bf16.f32 v4;
	v63 =	vadd.f32 $0.0e+00, v61  }
0x20a: {  	v44 =	vadd.f32 v54, v57;
	v52 =	vmul.bf16 v52, v59;
	v38 =	vadd.f32 v49, v38  }
0x20b: {  	v54 =	vunpack.i.u.bf16.f32 v48;
	v61 =	vadd.f32 v41, v53;
	v4 =	vadd.f32 v63, v4  }
0x20c: {  	v40 =	vadd.f32 v43, v40;
	v38 =	vadd.f32 v46, v38;
	v56 =	vunpack.i.l.bf16.f32 v52  }
0x20d: {  	v44 =	vadd.f32 v58, v44;
	v59 =	vunpack.i.u.bf16.f32 v52;
	v4 =	vadd.f32 v56, v4  }
0x20e: {  	v26 =	vadd.f32 v26, v40;
	v57 =	vmul.bf16 v60, v62;
	v38 =	vadd.f32 v38, v42  }
0x20f: {  	v43 =	vadd.f32 v44, v54;
	v4 =	vadd.f32 v4, v59  }
0x210: {  	v24 =	vadd.f32 v26, v24;
	v60 =	vunpack.i.l.bf16.f32 v57;
	v28 =	vadd.f32 v28, v38  }
0x211: {  	v29 =	vunpack.i.u.bf16.f32 v29;
	v58 =	vadd.f32 v45, v43;
	v4 =	vadd.f32 v60, v4  }
0x212: {  	(xrf2) =	vadd.scan.msk.f32 $0xffff, v23;
	v23 =	vadd.f32 v28, v27;
	v27 =	vunpack.i.u.bf16.f32 v36;
	v28 =	vunpack.i.u.bf16.f32 v57  }
0x213: {  	(xrf2) =	vadd.scan.msk.f32 $0xffff, v31;
	v26 =	vunpack.i.u.bf16.f32 v39;
	v27 =	vadd.f32 v61, v27;
	v4 =	vadd.f32 v4, v28  }
0x214: {  	v17 =	vadd.f32 v17, v20;
	v26 =	vadd.f32 v58, v26;
	v28 =	vunpack.i.l.bf16.f32 v30  }
0x215: {  	v22 =	vunpack.i.u.bf16.f32 v22;
	(xrf2) =	vadd.scan.msk.f32 $0xffff, v34;
	v25 =	vadd.f32 v25, v27;
	v4 =	vadd.f32 v28, v4  }
0x216: {  	v21 =	vunpack.i.u.bf16.f32 v30;
	(xrf2) =	vadd.scan.msk.f32 $0xffff, v37;
	v11 =	vadd.f32 v11, v14;
	v26 =	vadd.f32 v32, v26  }
0x217: {  	v9 =	vunpack.i.u.bf16.f32 v9;
	(xrf2) =	vadd.scan.msk.f32 $0xffff, v35;
	v22 =	vadd.f32 v25, v22;
	v4 =	vadd.f32 v4, v21  }
0x218: {  	v19 =	vunpack.i.l.bf16.f32 v18;
	v9 =	vadd.f32 v11, v9;
	v11 =	vld [tilespmem:$0x1FFF0];
	(xrf2) =	vadd.scan.msk.f32 $0xffff, v24;
	v26 =	vadd.f32 v26, v29  }
0x219: {  	v15 =	vunpack.i.u.bf16.f32 v15;
	(xrf2) =	vadd.scan.msk.f32 $0xffff, v23;
	v19 =	vadd.f32 v19, v22  }
0x21a: {  	v18 =	vunpack.i.u.bf16.f32 v18;
	v8 =	vadd.f32 v10, v8;
	v16, _, _ =	vpop (xrf2);
	v15 =	vadd.f32 v17, v15;
	(xrf2) =	vadd.scan.msk.f32 $0xffff, v26  }
0x21b: {  	v17 =	vunpack.i.l.bf16.f32 v12;
	(xrf2) =	vadd.scan.msk.f32 $0xffff, v4;
	v13 =	vadd.f32 v19, v18;
	v4, _, _ =	vpop (xrf2)  }
0x21c: {  	v6 =	vadd.f32 v6, v8;
	v8 =	vld [tilespmem:s26+$0x4E20];
	v15 =	vadd.f32 v17, v15;
	v14, _, _ =	vpop (xrf2)  }
0x21d: {  	v12 =	vunpack.i.u.bf16.f32 v12;
	v7 =	vadd.f32 v11, v7;
	v11 =	vld [tilespmem:s26+$0x6220];
	v10, _, _ =	vpop (xrf2);
	(xrf2) =	vadd.scan.msk.f32 $0xffff, v13  }
0x21e: {  	v12 =	vadd.f32 v15, v12;
	v15 =	vunpack.i.l.bf16.f32 v5  }
0x21f: {  	v2 =	vunpack.i.u.bf16.f32 v2;
	v9 =	vadd.f32 v15, v9  }
0x220: {  	v3 =	vunpack.i.u.bf16.f32 v3;
	v5 =	vunpack.i.u.bf16.f32 v5;
	v2 =	vadd.f32 v7, v2;
	v13, _, _ =	vpop (xrf2)  }
0x221: {  	v3 =	vadd.f32 v6, v3;
	v5 =	vadd.f32 v9, v5;
	v9 =	vunpack.i.l.bf16.f32 v1;
	v17, _, _ =	vpop (xrf2)  }
0x222: {  	v7 =	vunpack.i.l.bf16.f32 v0;
	v2 =	vadd.f32 v9, v2;
	v8 =	vmul.bf16 v11, v8;
	v15, _, _ =	vpop (xrf2);
	(xrf2) =	vadd.scan.msk.f32 $0xffff, v12  }
0x223: {  	v6, _, _ =	vpop (xrf2)  }
0x224: {  	v1 =	vunpack.i.u.bf16.f32 v1;
	v3 =	vadd.f32 v7, v3;
	(xrf2) =	vadd.scan.msk.f32 $0xffff, v5;
	v5 =	vunpack.i.l.bf16.f32 v8;
	v12, _, _ =	vpop (xrf2)  }
0x225: {  	v0 =	vunpack.i.u.bf16.f32 v0;
	v1 =	vadd.f32 v2, v1;
	v7, _, _ =	vpop (xrf2)  }
0x226: {  	v0 =	vadd.f32 v3, v0;
	v2, _, _ =	vpop (xrf2)  }
0x227: {  	v1 =	vadd.f32 v5, v1;
	v3 =	vbroadcast v7, $0xF;
	v2 =	vbroadcast v2, $0xF;
	v5, _, _ =	vpop (xrf2)  }
0x228: {  	(xrf2) =	vadd.scan.msk.f32 $0xffff, v0;
	v7 =	vbroadcast v12, $0xF;
	v5 =	vbroadcast v5, $0xF  }
0x229: {  	v0 =	vsel vm0, v3, v2;
	v2 =	vbroadcast v6, $0xF;
	v3 =	vunpack.i.u.bf16.f32 v8  }
0x22a: {  	v0 =	vsel vm1, v0, v7;
	v1 =	vadd.f32 v1, v3  }
0x22b: {  	v3 =	vbroadcast v17, $0xF;
	v0 =	vsel vm2, v0, v2;
	v2 =	vbroadcast v15, $0xF  }
0x22c: {  	v0 =	vsel vm3, v0, v5;
	v5, _, _ =	vpop (xrf2)  }
0x22d: {  	(xrf2) =	vadd.scan.msk.f32 $0xffff, v1;
	v0 =	vsel vm4, v0, v2;
	v1 =	vbroadcast v5, $0xF  }
0x22e: {  	v2 =	vbroadcast v13, $0xF;
	v0 =	vsel vm5, v0, v3  }
0x22f: {  	v3, _, _ =	vpop (xrf2);
	v0 =	vsel vm6, v0, v1;
	v1 =	vbroadcast v10, $0xF  }
0x230: {  	v0 =	vsel vm7, v0, v2;
	v2 =	vbroadcast v3, $0xF  }
0x231: {  	v0 =	vsel vm8, v0, v1;
	v1 =	vbroadcast v14, $0xF  }
0x232: {  	v3, _, _ =	vpop (xrf2);
	v0 =	vsel vm9, v0, v2  }
0x233: {  	v2 =	vbroadcast v4, $0xF;
	v0 =	vsel vm10, v0, v1;
	v1 =	vbroadcast v3, $0xF;
	_ =	sdelay $0x1  }
0x234: {  	v0 =	vsel vm11, v0, v2;
	v2 =	vbroadcast v16, $0xF  }
0x235: {  	v0 =	vsel vm12, v0, v1  }
0x236: {  	v0 =	vsel vm13, v0, v2;
	v1, _, _ =	vpop (xrf2)  }
0x237: {  	s31 =	sadd.s32 $0x10, s28;
	v0 =	vsel vm14, v0, v1  }
0x238: {  	s29 =	sadd.s32 $0xA0, s25;
	[tilespmem:s31+$0x0] =	vst v0  }
0x239: {  	[tilespmem:s12], [sflag:$0x1] =	stream.indirect.gather [hbm4b:s3+s11], $0x40, s29, s11, $0xb8;
	[tilespmem:$0xC530] =	vst v63  }
0x23a: {  	s30 =	sadd.s32 $0x27B0, s25  }
0x23b: {  	[tilespmem:s13], [sflag:$0x2] =	stream.indirect.gather [hbm4b:s4+s11], $0x40, s30, s11, $0xb8;
	[tilespmem:$0xC530] =	vst v63  }
0x23c: {  	_ =	swait.ge [sflag:s18], $0x1400  }
0x23d: {  	[sflag:s18] =	ssyncset.done $0x0  }
0x23e: {  	[sflag:s18] =	ssyncadd.s32 $0xFFFFEC00  }
0x23f: {  	_ =	swait.ge [sflag:s19], $0x1400  }
0x240: {  	[sflag:s19] =	ssyncset.done $0x0  }
0x241: {  	s31 =	simm.s32 $0x3F0;
	[sflag:s19] =	ssyncadd.s32 $0xFFFFEC00  }
0x242: {  	v0 =	vld [tilespmem:s31+$0x89E0]  }
0x243: {  	v1 =	vld [tilespmem:s31+$0x75E0]  }
0x244: {  	v2 =	vld [tilespmem:s31+$0x8A10]  }
0x245: {  	v3 =	vld [tilespmem:s31+$0x7610]  }
0x246: {  	v4 =	vld [tilespmem:s31+$0x89A0]  }
0x247: {  	v5 =	vld [tilespmem:s31+$0x75A0]  }
0x248: {  	v6 =	vld [tilespmem:s31+$0x8960]  }
0x249: {  	v7 =	vld [tilespmem:s31+$0x7560]  }
0x24a: {  	v8 =	vld [tilespmem:s31+$0x89D0]  }
0x24b: {  	v9 =	vld [tilespmem:s31+$0x75D0]  }
0x24c: {  	v10 =	vld [tilespmem:s31+$0x8A00]  }
0x24d: {  	v11 =	vld [tilespmem:s31+$0x7600]  }
0x24e: {  	v12 =	vld [tilespmem:s31+$0x8920]  }
0x24f: {  	v13 =	vld [tilespmem:s31+$0x7520]  }
0x250: {  	v14 =	vld [tilespmem:s31+$0x8990]  }
0x251: {  	v15 =	vld [tilespmem:s31+$0x7590]  }
0x252: {  	v16 =	vld [tilespmem:s31+$0x88E0]  }
0x253: {  	v17 =	vld [tilespmem:s31+$0x74E0]  }
0x254: {  	v18 =	vld [tilespmem:s31+$0x8950]  }
0x255: {  	v19 =	vld [tilespmem:s31+$0x7550]  }
0x256: {  	v20 =	vld [tilespmem:s31+$0x89C0]  }
0x257: {  	v22 =	vld [tilespmem:s31+$0x75C0]  }
0x258: {  	v23 =	vld [tilespmem:s31+$0x89F0]  }
0x259: {  	v24 =	vld [tilespmem:s31+$0x75F0]  }
0x25a: {  	v25 =	vld [tilespmem:s31+$0x88A0]  }
0x25b: {  	v26 =	vld [tilespmem:s31+$0x74A0]  }
0x25c: {  	v27 =	vld [tilespmem:s31+$0x8910]  }
0x25d: {  	v28 =	vld [tilespmem:s31+$0x7510]  }
0x25e: {  	v29 =	vld [tilespmem:s31+$0x8980]  }
0x25f: {  	v30 =	vld [tilespmem:s31+$0x7580]  }
0x260: {  	v31 =	vld [tilespmem:s31+$0x8860]  }
0x261: {  	v32 =	vld [tilespmem:s31+$0x7460]  }
0x262: {  	v33 =	vld [tilespmem:s31+$0x88D0]  }
0x263: {  	v34 =	vld [tilespmem:s31+$0x74D0]  }
0x264: {  	v35 =	vld [tilespmem:s31+$0x8940]  }
0x265: {  	v36 =	vld [tilespmem:s31+$0x7540]  }
0x266: {  	v21 =	vld [tilespmem:s31+$0x89B0]  }
0x267: {  	v62 =	vld [tilespmem:s31+$0x75B0]  }
0x268: {  	v38 =	vld [tilespmem:s31+$0x8820]  }
0x269: {  	v39 =	vld [tilespmem:s31+$0x7420]  }
0x26a: {  	v40 =	vld [tilespmem:s31+$0x8890]  }
0x26b: {  	v41 =	vld [tilespmem:s31+$0x7490]  }
0x26c: {  	v42 =	vld [tilespmem:s31+$0x8900]  }
0x26d: {  	v43 =	vld [tilespmem:s31+$0x7500]  }
0x26e: {  	v44 =	vld [tilespmem:s31+$0x8970]  }
0x26f: {  	v45 =	vld [tilespmem:s31+$0x7570]  }
0x270: {  	v46 =	vld [tilespmem:s31+$0x87E0]  }
0x271: {  	v37 =	vld [tilespmem:s31+$0x87A0]  }
0x272: {  	v57 =	vld [tilespmem:s31+$0x73A0]  }
0x273: {  	v47 =	vld [tilespmem:s31+$0x73E0];
	v1 =	vmul.bf16 v0, v1  }
0x274: {  	v48 =	vld [tilespmem:s31+$0x8850];
	v6 =	vmul.bf16 v6, v7;
	v0 =	vmul.bf16 v4, v5  }
0x275: {  	v49 =	vld [tilespmem:s31+$0x7450];
	v5 =	vmul.bf16 v12, v13;
	v7 =	vmul.bf16 v18, v19  }
0x276: {  	v50 =	vld [tilespmem:s31+$0x88C0];
	v13 =	vmul.bf16 v20, v22;
	v40 =	vmul.bf16 v40, v41  }
0x277: {  	v52 =	vld [tilespmem:s31+$0x74C0];
	v37 =	vmul.bf16 v37, v57;
	v51 =	vunpack.i.u.bf16.f32 v1;
	v53 =	vunpack.i.l.bf16.f32 v1  }
0x278: {  	v54 =	vld [tilespmem:s31+$0x8930];
	v1 =	vmul.bf16 v2, v3;
	v55 =	vunpack.i.u.bf16.f32 v6;
	v3 =	vmul.bf16 v8, v9  }
0x279: {  	v19 =	vld [tilespmem:s31+$0x8880];
	v2 =	vmul.bf16 v10, v11;
	v56 =	vunpack.i.l.bf16.f32 v6;
	v6 =	vmul.bf16 v21, v62  }
0x27a: {  	v22 =	vld [tilespmem:s31+$0x7480];
	v21 =	vunpack.i.u.bf16.f32 v5;
	v58 =	vunpack.i.l.bf16.f32 v5;
	v20 =	vunpack.i.l.bf16.f32 v7  }
0x27b: {  	v59 =	vld [tilespmem:s31+$0x8810];
	v12 =	vunpack.i.u.bf16.f32 v3;
	v8 =	vunpack.i.l.bf16.f32 v3;
	v5 =	vunpack.i.l.bf16.f32 v6  }
0x27c: {  	v60 =	vld [tilespmem:s31+$0x7360];
	v4 =	vunpack.i.l.bf16.f32 v2;
	v3 =	vmul.bf16 v14, v15;
	v9 =	vadd.f32 $0.0e+00, v5  }
0x27d: {  	v11 =	vld [tilespmem:s31+$0x7530];
	v10 =	vunpack.i.u.bf16.f32 v6;
	v14 =	vmul.bf16 v23, v24;
	v15 =	vunpack.i.u.bf16.f32 v7  }
0x27e: {  	v18 =	vld [tilespmem:s31+$0x7410];
	v24 =	vmul.bf16 v27, v28;
	v5 =	vmul.bf16 v16, v17;
	v9 =	vadd.f32 v9, v10  }
0x27f: {  	v41 =	vld [tilespmem:s31+$0x7320];
	v19 =	vmul.bf16 v19, v22;
	v16 =	vunpack.i.l.bf16.f32 v14;
	v10 =	vunpack.i.l.bf16.f32 v13  }
0x280: {  	v57 =	vld [tilespmem:s31+$0x8660];
	v14 =	vunpack.i.u.bf16.f32 v14;
	v7 =	vadd.f32 v10, v9;
	v9 =	vadd.f32 $0.0e+00, v16  }
0x281: {  	v62 =	vld [tilespmem:s31+$0x73D0];
	v61 =	vunpack.i.u.bf16.f32 v24;
	v13 =	vunpack.i.u.bf16.f32 v13;
	v10 =	vmul.bf16 v25, v26  }
0x282: {  	v17 =	vld [tilespmem:s31+$0x88F0];
	v26 =	vmul.bf16 v54, v11;
	v13 =	vadd.f32 v7, v13;
	v7 =	vadd.f32 v9, v14  }
0x283: {  	v16 =	vld [tilespmem:s31+$0x74F0];
	v27 =	vunpack.i.u.bf16.f32 v10;
	v23 =	vunpack.i.l.bf16.f32 v10;
	v9 =	vmul.bf16 v29, v30  }
0x284: {  	v25 =	vld [tilespmem:s31+$0x8760];
	v30 =	vunpack.i.l.bf16.f32 v24;
	v14 =	vmul.bf16 v31, v32;
	v13 =	vadd.f32 v8, v13  }
0x285: {  	v29 =	vld [tilespmem:s31+$0x87D0];
	v8 =	vunpack.i.u.bf16.f32 v9;
	v10 =	vunpack.i.l.bf16.f32 v9;
	v9 =	vmul.bf16 v33, v34  }
0x286: {  	v31 =	vld [tilespmem:s31+$0x8840];
	v24 =	vunpack.i.u.bf16.f32 v14;
	v28 =	vunpack.i.l.bf16.f32 v14;
	v14 =	vunpack.i.l.bf16.f32 v26  }
0x287: {  	v32 =	vld [tilespmem:s31+$0x7440];
	v26 =	vunpack.i.u.bf16.f32 v26;
	v33 =	vmul.bf16 v44, v45;
	v4 =	vadd.f32 v4, v7  }
0x288: {  	v34 =	vld [tilespmem:s31+$0x88B0];
	v63 =	vadd.f32 $0.0e+00, v14;
	v16 =	vmul.bf16 v17, v16;
	v12 =	vadd.f32 v13, v12  }
0x289: {  	v44 =	vld [tilespmem:s31+$0x8800];
	v13 =	vmul.bf16 v35, v36;
	v11 =	vunpack.i.l.bf16.f32 v9;
	v45 =	vunpack.i.l.bf16.f32 v33  }
0x28a: {  	v35 =	vld [tilespmem:s31+$0x74B0];
	v17 =	vadd.f32 v63, v26;
	v26 =	vmul.bf16 v42, v43;
	v54 =	vunpack.i.l.bf16.f32 v16  }
0x28b: {  	v16 =	vunpack.i.u.bf16.f32 v16;
	v63 =	vmul.bf16 v46, v47;
	v46 =	vld [tilespmem:s31+$0x8870];
	v29 =	vmul.bf16 v29, v62  }
0x28c: {  	v47 =	vld [tilespmem:s31+$0x7470];
	v12 =	vadd.f32 v53, v12;
	v36 =	vunpack.i.u.bf16.f32 v13;
	v13 =	vunpack.i.l.bf16.f32 v13  }
0x28d: {  	v42 =	vld [tilespmem:s31+$0x7390];
	v13 =	vadd.f32 v13, v17;
	v17 =	vadd.f32 $0.0e+00, v54;
	v43 =	vunpack.i.u.bf16.f32 v26  }
0x28e: {  	v53 =	vld [tilespmem:s31+$0x8720];
	v54 =	vunpack.i.l.bf16.f32 v26;
	v26 =	vunpack.i.u.bf16.f32 v63;
	v62 =	vunpack.i.u.bf16.f32 v29  }
0x28f: {  	v14 =	vadd.f32 v12, v51;
	v12 =	vmul.bf16 v38, v39;
	v38 =	vld [tilespmem:s31+$0x8790];
	v39 =	vunpack.i.u.bf16.f32 v40  }
0x290: {  	v40 =	vunpack.i.l.bf16.f32 v40;
	v51 =	vld [tilespmem:s31+$0x7400];
	v13 =	vadd.f32 v13, v36;
	v36 =	vadd.f32 $0.0e+00, v45  }
0x291: {  	v16 =	vadd.f32 v17, v16;
	v17 =	vunpack.i.u.bf16.f32 v33;
	v46 =	vmul.bf16 v46, v47;
	v47 =	vld [tilespmem:s31+$0x73C0]  }
0x292: {  	v20 =	vadd.f32 v20, v13;
	v13 =	vadd.f32 v36, v17;
	v36 =	vld [tilespmem:s31+$0x86E0];
	v17 =	vmul.bf16 v48, v49  }
0x293: {  	v33 =	vunpack.i.l.bf16.f32 v63;
	v63 =	vmul.bf16 v50, v52;
	v16 =	vadd.f32 v54, v16;
	v48 =	vld [tilespmem:s31+$0x72E0]  }
0x294: {  	v49 =	vld [tilespmem:s31+$0x8750];
	v41 =	vmul.bf16 v53, v41;
	v20 =	vadd.f32 v20, v15;
	v50 =	vunpack.i.u.bf16.f32 v17  }
0x295: {  	v54 =	vld [tilespmem:s31+$0x87C0];
	v52 =	vunpack.i.l.bf16.f32 v17;
	v16 =	vadd.f32 v16, v43;
	v15 =	vunpack.i.u.bf16.f32 v63  }
0x296: {  	v53 =	vld [tilespmem:s31+$0x87B0];
	v17 =	vunpack.i.l.bf16.f32 v63;
	v63 =	vunpack.i.l.bf16.f32 v46;
	v46 =	vunpack.i.u.bf16.f32 v46  }
0x297: {  	v43 =	vld [tilespmem:s31+$0x7350];
	v38 =	vmul.bf16 v38, v42;
	v10 =	vadd.f32 v10, v13;
	v20 =	vadd.f32 v56, v20  }
0x298: {  	v42 =	vld [tilespmem:s31+$0x73B0];
	v45 =	vadd.f32 v30, v16;
	v16 =	vmul.bf16 v59, v18;
	v56 =	vadd.f32 $0.0e+00, v63  }
0x299: {  	v59 =	vunpack.i.u.bf16.f32 v19;
	v36 =	vmul.bf16 v36, v48;
	v20 =	vadd.f32 v20, v55;
	v55 =	vld [tilespmem:s31+$0x8830]  }
0x29a: {  	v47 =	vmul.bf16 v54, v47;
	v22 =	vadd.f32 v45, v61;
	v45 =	vld [tilespmem:s31+$0x7430];
	v46 =	vadd.f32 v56, v46  }
0x29b: {  	v48 =	vld [tilespmem:s31+$0x87F0];
	v56 =	vunpack.i.l.bf16.f32 v19;
	v19 =	vmul.bf16 v25, v60;
	v25 =	vmul.bf16 v31, v32  }
0x29c: {  	v30 =	vunpack.i.u.bf16.f32 v37;
	v37 =	vunpack.i.l.bf16.f32 v37;
	v61 =	vld [tilespmem:s31+$0x86A0];
	v22 =	vadd.f32 v58, v22  }
0x29d: {  	v31 =	vmul.bf16 v34, v35;
	v54 =	vunpack.i.u.bf16.f32 v47;
	v58 =	vld [tilespmem:s31+$0x7260];
	v32 =	vunpack.i.u.bf16.f32 v25  }
0x29e: {  	v60 =	vld [tilespmem:s31+$0x72A0];
	v25 =	vunpack.i.l.bf16.f32 v25;
	v21 =	vadd.f32 v22, v21;
	v22 =	vadd.f32 v56, v46  }
0x29f: {  	v34 =	vunpack.i.l.bf16.f32 v31;
	v46 =	vld [tilespmem:s31+$0x8710];
	v56 =	vunpack.i.l.bf16.f32 v29;
	v29 =	vmul.bf16 v55, v45  }
0x2a0: {  	v31 =	vunpack.i.u.bf16.f32 v31;
	v34 =	vadd.f32 $0.0e+00, v34;
	v45 =	vld [tilespmem:s31+$0x7310];
	v22 =	vadd.f32 v22, v59  }
0x2a1: {  	v55 =	vld [tilespmem:s31+$0x8780];
	v63 =	vunpack.i.l.bf16.f32 v29;
	v59 =	vunpack.i.u.bf16.f32 v29;
	v29 =	vunpack.i.u.bf16.f32 v41  }
0x2a2: {  	v57 =	vmul.bf16 v57, v58;
	v35 =	vadd.f32 $0.0e+00, v63;
	v40 =	vadd.f32 v40, v22;
	v63 =	vld [tilespmem:s31+$0x7380]  }
0x2a3: {  	v22 =	vadd.f32 v34, v31;
	v34 =	vunpack.i.l.bf16.f32 v41;
	v41 =	vmul.bf16 v53, v42;
	v42 =	vld [tilespmem:s31+$0x73F0]  }
0x2a4: {  	v31 =	vadd.f32 v35, v59;
	v35 =	vadd.f32 v40, v39;
	v39 =	vld [tilespmem:s31+$0x8770];
	v40 =	vunpack.i.u.bf16.f32 v38  }
0x2a5: {  	v59 =	vmul.bf16 v44, v51;
	v44 =	vld [tilespmem:s31+$0x7370];
	v38 =	vunpack.i.l.bf16.f32 v38;
	v17 =	vadd.f32 v17, v22  }
0x2a6: {  	v45 =	vmul.bf16 v46, v45;
	v31 =	vadd.f32 v25, v31;
	v35 =	vadd.f32 v23, v35  }
0x2a7: {  	v53 =	vld [tilespmem:s31+$0x8740];
	v23 =	vunpack.i.u.bf16.f32 v59;
	v25 =	vunpack.i.l.bf16.f32 v59;
	v59 =	vunpack.i.l.bf16.f32 v41  }
0x2a8: {  	v51 =	vld [tilespmem:s31+$0x86D0];
	v41 =	vunpack.i.u.bf16.f32 v41;
	v55 =	vmul.bf16 v55, v63;
	v42 =	vmul.bf16 v48, v42  }
0x2a9: {  	v46 =	vld [tilespmem:s31+$0x8730];
	v48 =	vmul.bf16 v61, v60;
	v31 =	vadd.f32 v31, v32;
	v32 =	vadd.f32 v35, v27  }
0x2aa: {  	v27 =	vmul.bf16 v49, v43;
	v43 =	vld [tilespmem:s31+$0x72D0];
	v39 =	vmul.bf16 v39, v44;
	v44 =	vadd.f32 $0.0e+00, v59  }
0x2ab: {  	v60 =	vunpack.i.u.bf16.f32 v45;
	v45 =	vunpack.i.l.bf16.f32 v45;
	v49 =	vld [tilespmem:s31+$0x7340];
	v52 =	vadd.f32 v52, v31  }
0x2ac: {  	v59 =	vunpack.i.l.bf16.f32 v39;
	v41 =	vadd.f32 v44, v41;
	v44 =	vunpack.i.l.bf16.f32 v47;
	v47 =	vld [tilespmem:s31+$0x7250]  }
0x2ad: {  	v35 =	vunpack.i.u.bf16.f32 v36;
	v50 =	vadd.f32 v52, v50;
	v52 =	vld [tilespmem:s31+$0x8650];
	v58 =	vadd.f32 $0.0e+00, v59  }
0x2ae: {  	v36 =	vunpack.i.l.bf16.f32 v36;
	v39 =	vunpack.i.u.bf16.f32 v39;
	v59 =	vld [tilespmem:s31+$0x7300];
	v41 =	vadd.f32 v44, v41  }
0x2af: {  	v63 =	vunpack.i.l.bf16.f32 v55;
	v28 =	vadd.f32 v28, v50;
	v50 =	vld [tilespmem:s31+$0x8700];
	v39 =	vadd.f32 v58, v39  }
0x2b0: {  	v55 =	vunpack.i.u.bf16.f32 v55;
	v31 =	vunpack.i.l.bf16.f32 v27;
	v58 =	vld [tilespmem:s31+$0x86F0];
	v41 =	vadd.f32 v41, v54  }
0x2b1: {  	v44 =	vunpack.i.l.bf16.f32 v57;
	v43 =	vmul.bf16 v51, v43;
	v54 =	vld [tilespmem:s31+$0x72C0];
	v39 =	vadd.f32 v63, v39  }
0x2b2: {  	v49 =	vmul.bf16 v53, v49;
	v24 =	vadd.f32 v28, v24;
	v63 =	vld [tilespmem:s31+$0x72F0];
	v41 =	vadd.f32 v56, v41  }
0x2b3: {  	v28 =	vld [tilespmem:s31+$0x86C0];
	v56 =	vunpack.i.l.bf16.f32 v42;
	v42 =	vunpack.i.u.bf16.f32 v42;
	v39 =	vadd.f32 v39, v55  }
0x2b4: {  	v61 =	vadd.f32 $0.0e+00, v56;
	v56 =	vld [tilespmem:s31+$0x7330];
	v55 =	vunpack.i.u.bf16.f32 v43;
	v41 =	vadd.f32 v41, v62  }
0x2b5: {  	v43 =	vunpack.i.l.bf16.f32 v43;
	v62 =	vld [tilespmem:s31+$0x72B0];
	v50 =	vmul.bf16 v50, v59;
	v38 =	vadd.f32 v38, v39  }
0x2b6: {  	v39 =	vadd.f32 v61, v42;
	v61 =	vld [tilespmem:s31+$0x86B0];
	v33 =	vadd.f32 v33, v41;
	v41 =	vmul.bf16 v52, v47  }
0x2b7: {  	v52 =	vunpack.i.l.bf16.f32 v49;
	v51 =	vmul.bf16 v58, v63;
	v58 =	vld [tilespmem:s31+$0x7240];
	v38 =	vadd.f32 v38, v40  }
0x2b8: {  	v28 =	vmul.bf16 v28, v54;
	v54 =	vunpack.i.u.bf16.f32 v50;
	v26 =	vadd.f32 v33, v26;
	v33 =	vld [tilespmem:s31+$0x8630]  }
0x2b9: {  	v50 =	vunpack.i.l.bf16.f32 v50;
	v25 =	vadd.f32 v25, v39;
	v37 =	vadd.f32 v37, v38;
	v38 =	vld [tilespmem:s31+$0x7230]  }
0x2ba: {  	v40 =	vld [tilespmem:s31+$0x8640];
	v63 =	vunpack.i.l.bf16.f32 v51;
	v46 =	vmul.bf16 v46, v56;
	v47 =	vunpack.i.u.bf16.f32 v28  }
0x2bb: {  	v59 =	vld [tilespmem:s31+$0x7270];
	v28 =	vunpack.i.l.bf16.f32 v28;
	v56 =	vadd.f32 $0.0e+00, v63;
	v42 =	vmul.bf16 v61, v62  }
0x2bc: {  	v51 =	vunpack.i.u.bf16.f32 v51;
	v61 =	vunpack.i.l.bf16.f32 v46;
	v30 =	vadd.f32 v37, v30;
	v37 =	vld [tilespmem:s31+$0x8670]  }
0x2bd: {  	v46 =	vunpack.i.u.bf16.f32 v46;
	v51 =	vadd.f32 v56, v51;
	v62 =	vunpack.i.l.bf16.f32 v42  }
0x2be: {  	v56 =	vadd.f32 $0.0e+00, v61;
	v61 =	vadd.f32 $0.0e+00, v62;
	v33 =	vmul.bf16 v33, v38  }
0x2bf: {  	v42 =	vunpack.i.u.bf16.f32 v42;
	v40 =	vmul.bf16 v40, v58;
	v62 =	vld [tilespmem:s31+$0x7280];
	v50 =	vadd.f32 v50, v51  }
0x2c0: {  	v46 =	vadd.f32 v56, v46;
	v38 =	vld [tilespmem:s31+$0x8680];
	v42 =	vadd.f32 v61, v42;
	v56 =	vunpack.i.l.bf16.f32 v33  }
0x2c1: {  	v50 =	vadd.f32 v50, v54;
	v37 =	vmul.bf16 v37, v59;
	v51 =	vadd.f32 $0.0e+00, v56  }
0x2c2: {  	v54 =	vunpack.i.l.bf16.f32 v40;
	v33 =	vunpack.i.u.bf16.f32 v33;
	v28 =	vadd.f32 v28, v42  }
0x2c3: {  	v63 =	vld [tilespmem:s31+$0x7290];
	v45 =	vadd.f32 v45, v50;
	v61 =	vunpack.i.l.bf16.f32 v37;
	v33 =	vadd.f32 v51, v33  }
0x2c4: {  	v56 =	vld [tilespmem:s31+$0x8690];
	v37 =	vunpack.i.u.bf16.f32 v37;
	v42 =	vadd.f32 $0.0e+00, v61;
	v28 =	vadd.f32 v28, v47  }
0x2c5: {  	v38 =	vmul.bf16 v38, v62;
	v45 =	vadd.f32 v45, v60;
	v33 =	vadd.f32 v54, v33  }
0x2c6: {  	v40 =	vunpack.i.u.bf16.f32 v40;
	v37 =	vadd.f32 v42, v37;
	v28 =	vadd.f32 v43, v28  }
0x2c7: {  	v60 =	vadd.f32 v52, v46;
	v54 =	vunpack.i.l.bf16.f32 v38;
	v33 =	vadd.f32 v33, v40  }
0x2c8: {  	v53 =	vunpack.i.l.bf16.f32 v41;
	v37 =	vadd.f32 v54, v37;
	v28 =	vadd.f32 v28, v55  }
0x2c9: {  	v38 =	vunpack.i.u.bf16.f32 v38;
	v58 =	vmul.bf16 v56, v63;
	v33 =	vadd.f32 v53, v33  }
0x2ca: {  	(xrf2) =	vadd.scan.msk.f32 $0xffff, v14;
	v14 =	vunpack.i.u.bf16.f32 v41;
	v59 =	vadd.f32 v37, v38;
	v28 =	vadd.f32 v36, v28  }
0x2cb: {  	(xrf2) =	vadd.scan.msk.f32 $0xffff, v20;
	v34 =	vadd.f32 v34, v45;
	v20 =	vunpack.i.l.bf16.f32 v58;
	v14 =	vadd.f32 v33, v14  }
0x2cc: {  	(xrf2) =	vadd.scan.msk.f32 $0xffff, v21;
	v20 =	vadd.f32 v20, v59;
	v21 =	vadd.f32 v28, v35;
	v28 =	vunpack.i.u.bf16.f32 v49  }
0x2cd: {  	(xrf2) =	vadd.scan.msk.f32 $0xffff, v32;
	v61 =	vunpack.i.u.bf16.f32 v58;
	v28 =	vadd.f32 v60, v28;
	v14 =	vadd.f32 v44, v14  }
0x2ce: {  	(xrf2) =	vadd.scan.msk.f32 $0xffff, v24;
	v24 =	vunpack.i.u.bf16.f32 v57;
	v29 =	vadd.f32 v34, v29;
	v20 =	vadd.f32 v20, v61  }
0x2cf: {  	(xrf2) =	vadd.scan.msk.f32 $0xffff, v26;
	v26 =	vadd.f32 v31, v28;
	v14 =	vadd.f32 v14, v24;
	v24 =	vunpack.i.l.bf16.f32 v48  }
0x2d0: {  	v23 =	vadd.f32 v25, v23;
	(xrf2) =	vadd.scan.msk.f32 $0xffff, v30;
	v20 =	vadd.f32 v24, v20;
	v24 =	vunpack.i.u.bf16.f32 v27  }
0x2d1: {  	v18 =	vunpack.i.l.bf16.f32 v16;
	v15 =	vadd.f32 v17, v15;
	(xrf2) =	vadd.scan.msk.f32 $0xffff, v29;
	v24 =	vadd.f32 v26, v24  }
0x2d2: {  	v25 =	vunpack.i.u.bf16.f32 v48;
	v18 =	vadd.f32 v18, v23;
	(xrf2) =	vadd.scan.msk.f32 $0xffff, v21;
	v21 =	vunpack.i.l.bf16.f32 v19  }
0x2d3: {  	v16 =	vunpack.i.u.bf16.f32 v16;
	(xrf2) =	vadd.scan.msk.f32 $0xffff, v14;
	v20 =	vadd.f32 v20, v25;
	v14 =	vadd.f32 v21, v24  }
0x2d4: {  	v11 =	vadd.f32 v11, v15;
	v16 =	vadd.f32 v18, v16;
	v19 =	vunpack.i.u.bf16.f32 v19  }
0x2d5: {  	v9 =	vunpack.i.u.bf16.f32 v9;
	v17, _, _ =	vpop (xrf2);
	v18 =	vunpack.i.l.bf16.f32 v12;
	(xrf2) =	vadd.scan.msk.f32 $0xffff, v20;
	v14 =	vadd.f32 v14, v19  }
0x2d6: {  	v2 =	vunpack.i.u.bf16.f32 v2;
	v13, _, _ =	vpop (xrf2);
	v9 =	vadd.f32 v11, v9;
	v16 =	vadd.f32 v18, v16  }
0x2d7: {  	v6 =	vunpack.i.l.bf16.f32 v3;
	v8 =	vadd.f32 v10, v8;
	v15, _, _ =	vpop (xrf2);
	(xrf2) =	vadd.scan.msk.f32 $0xffff, v14;
	v14 =	vunpack.i.l.bf16.f32 v5  }
0x2d8: {  	v2 =	vadd.f32 v4, v2;
	v10, _, _ =	vpop (xrf2);
	v12 =	vunpack.i.u.bf16.f32 v12;
	v9 =	vadd.f32 v14, v9  }
0x2d9: {  	v7 =	vld [tilespmem:s31+$0x8A20];
	v6 =	vadd.f32 v6, v8;
	v11, _, _ =	vpop (xrf2);
	v12 =	vadd.f32 v16, v12;
	v5 =	vunpack.i.u.bf16.f32 v5  }
0x2da: {  	v3 =	vunpack.i.u.bf16.f32 v3;
	v8 =	vld [tilespmem:s31+$0x7620];
	v16, _, _ =	vpop (xrf2);
	v5 =	vadd.f32 v9, v5;
	v9 =	vunpack.i.l.bf16.f32 v1  }
0x2db: {  	v3 =	vadd.f32 v6, v3;
	v6 =	vunpack.i.l.bf16.f32 v0;
	v14, _, _ =	vpop (xrf2);
	v2 =	vadd.f32 v9, v2  }
0x2dc: {  	v4, _, _ =	vpop (xrf2)  }
0x2dd: {  	(xrf2) =	vadd.scan.msk.f32 $0xffff, v12;
	v12, _, _ =	vpop (xrf2)  }
0x2de: {  	v3 =	vadd.f32 v6, v3;
	v1 =	vunpack.i.u.bf16.f32 v1;
	v6, _, _ =	vpop (xrf2)  }
0x2df: {  	v0 =	vunpack.i.u.bf16.f32 v0;
	v7 =	vmul.bf16 v7, v8;
	v1 =	vadd.f32 v2, v1;
	v2, _, _ =	vpop (xrf2)  }
0x2e0: {  	v0 =	vadd.f32 v3, v0;
	(xrf2) =	vadd.scan.msk.f32 $0xffff, v5;
	v3 =	vbroadcast v6, $0xF;
	v2 =	vbroadcast v2, $0xF;
	_ =	sdelay $0x1  }
0x2e1: {  	v5 =	vunpack.i.l.bf16.f32 v7;
	(xrf2) =	vadd.scan.msk.f32 $0xffff, v0;
	v0 =	vsel vm0, v3, v2;
	v2 =	vbroadcast v4, $0xF;
	v4, _, _ =	vpop (xrf2)  }
0x2e2: {  	v6 =	vbroadcast v12, $0xF;
	v1 =	vadd.f32 v5, v1;
	v4 =	vbroadcast v4, $0xF  }
0x2e3: {  	v3 =	vunpack.i.u.bf16.f32 v7  }
0x2e4: {  	v0 =	vsel vm1, v0, v6;
	v1 =	vadd.f32 v1, v3  }
0x2e5: {  	v3 =	vbroadcast v16, $0xF;
	v0 =	vsel vm2, v0, v2;
	v2 =	vbroadcast v14, $0xF  }
0x2e6: {  	v0 =	vsel vm3, v0, v4;
	v4, _, _ =	vpop (xrf2)  }
0x2e7: {  	(xrf2) =	vadd.scan.msk.f32 $0xffff, v1;
	v0 =	vsel vm4, v0, v2;
	v1 =	vbroadcast v4, $0xF  }
0x2e8: {  	v2 =	vbroadcast v11, $0xF;
	v0 =	vsel vm5, v0, v3  }
0x2e9: {  	v3, _, _ =	vpop (xrf2);
	v0 =	vsel vm6, v0, v1;
	v1 =	vbroadcast v10, $0xF  }
0x2ea: {  	v0 =	vsel vm7, v0, v2;
	v2 =	vbroadcast v3, $0xF  }
0x2eb: {  	v0 =	vsel vm8, v0, v1;
	v1 =	vbroadcast v15, $0xF  }
0x2ec: {  	v3, _, _ =	vpop (xrf2);
	v0 =	vsel vm9, v0, v2  }
0x2ed: {  	v2 =	vbroadcast v13, $0xF;
	v0 =	vsel vm10, v0, v1;
	v1 =	vbroadcast v3, $0xF;
	_ =	sdelay $0x1  }
0x2ee: {  	v0 =	vsel vm11, v0, v2;
	v2 =	vbroadcast v17, $0xF  }
0x2ef: {  	v0 =	vsel vm12, v0, v1  }
0x2f0: {  	v0 =	vsel vm13, v0, v2;
	v1, _, _ =	vpop (xrf2)  }
0x2f1: {  	v0 =	vsel vm14, v0, v1  }
0x2f2: {  	s25 =	simm.s32 $0x7F0;
	[tilespmem:s22+$0x0] =	vst v0  }
0x2f3: {  	v0 =	vld [tilespmem:s25+$0x89E0]  }
0x2f4: {  	v1 =	vld [tilespmem:s25+$0x75E0]  }
0x2f5: {  	v2 =	vld [tilespmem:s25+$0x8A10]  }
0x2f6: {  	v3 =	vld [tilespmem:s25+$0x7610]  }
0x2f7: {  	v4 =	vld [tilespmem:s25+$0x89A0]  }
0x2f8: {  	v5 =	vld [tilespmem:s25+$0x75A0]  }
0x2f9: {  	v6 =	vld [tilespmem:s25+$0x8960]  }
0x2fa: {  	v7 =	vld [tilespmem:s25+$0x7560]  }
0x2fb: {  	v8 =	vld [tilespmem:s25+$0x89D0]  }
0x2fc: {  	v9 =	vld [tilespmem:s25+$0x75D0]  }
0x2fd: {  	v10 =	vld [tilespmem:s25+$0x8A00]  }
0x2fe: {  	v11 =	vld [tilespmem:s25+$0x7600]  }
0x2ff: {  	v12 =	vld [tilespmem:s25+$0x8920]  }
0x300: {  	v13 =	vld [tilespmem:s25+$0x7520]  }
0x301: {  	v14 =	vld [tilespmem:s25+$0x8990]  }
0x302: {  	v15 =	vld [tilespmem:s25+$0x7590]  }
0x303: {  	v16 =	vld [tilespmem:s25+$0x88E0]  }
0x304: {  	v17 =	vld [tilespmem:s25+$0x74E0]  }
0x305: {  	v18 =	vld [tilespmem:s25+$0x8950]  }
0x306: {  	v20 =	vld [tilespmem:s25+$0x7550]  }
0x307: {  	v21 =	vld [tilespmem:s25+$0x89C0]  }
0x308: {  	v22 =	vld [tilespmem:s25+$0x75C0]  }
0x309: {  	v23 =	vld [tilespmem:s25+$0x89F0]  }
0x30a: {  	v24 =	vld [tilespmem:s25+$0x75F0]  }
0x30b: {  	v25 =	vld [tilespmem:s25+$0x88A0]  }
0x30c: {  	v26 =	vld [tilespmem:s25+$0x74A0]  }
0x30d: {  	v27 =	vld [tilespmem:s25+$0x8910]  }
0x30e: {  	v28 =	vld [tilespmem:s25+$0x7510]  }
0x30f: {  	v29 =	vld [tilespmem:s25+$0x8980]  }
0x310: {  	v30 =	vld [tilespmem:s25+$0x7580]  }
0x311: {  	v31 =	vld [tilespmem:s25+$0x8860]  }
0x312: {  	v32 =	vld [tilespmem:s25+$0x7460]  }
0x313: {  	v33 =	vld [tilespmem:s25+$0x88D0]  }
0x314: {  	v34 =	vld [tilespmem:s25+$0x74D0]  }
0x315: {  	v35 =	vld [tilespmem:s25+$0x8940]  }
0x316: {  	v36 =	vld [tilespmem:s25+$0x7540]  }
0x317: {  	v19 =	vld [tilespmem:s25+$0x89B0]  }
0x318: {  	v62 =	vld [tilespmem:s25+$0x75B0]  }
0x319: {  	v38 =	vld [tilespmem:s25+$0x8820]  }
0x31a: {  	v39 =	vld [tilespmem:s25+$0x7420]  }
0x31b: {  	v40 =	vld [tilespmem:s25+$0x8890]  }
0x31c: {  	v41 =	vld [tilespmem:s25+$0x7490]  }
0x31d: {  	v42 =	vld [tilespmem:s25+$0x8900]  }
0x31e: {  	v43 =	vld [tilespmem:s25+$0x7500]  }
0x31f: {  	v44 =	vld [tilespmem:s25+$0x8970]  }
0x320: {  	v45 =	vld [tilespmem:s25+$0x7570]  }
0x321: {  	v46 =	vld [tilespmem:s25+$0x87E0]  }
0x322: {  	v47 =	vld [tilespmem:s25+$0x73E0]  }
0x323: {  	v48 =	vld [tilespmem:s25+$0x8850]  }
0x324: {  	v49 =	vld [tilespmem:s25+$0x7450]  }
0x325: {  	v50 =	vld [tilespmem:s25+$0x88C0]  }
0x326: {  	v52 =	vld [tilespmem:s25+$0x74C0];
	v1 =	vmul.bf16 v0, v1;
	v6 =	vmul.bf16 v6, v7  }
0x327: {  	v54 =	vld [tilespmem:s25+$0x8930];
	v0 =	vmul.bf16 v4, v5;
	v5 =	vmul.bf16 v12, v13  }
0x328: {  	v57 =	vld [tilespmem:s25+$0x87A0];
	v7 =	vmul.bf16 v18, v20;
	v13 =	vmul.bf16 v21, v22  }
0x329: {  	v58 =	vld [tilespmem:s25+$0x73A0];
	v40 =	vmul.bf16 v40, v41;
	v51 =	vunpack.i.u.bf16.f32 v1;
	v53 =	vunpack.i.l.bf16.f32 v1  }
0x32a: {  	v60 =	vld [tilespmem:s25+$0x8810];
	v1 =	vmul.bf16 v2, v3;
	v55 =	vunpack.i.u.bf16.f32 v6;
	v3 =	vmul.bf16 v8, v9  }
0x32b: {  	v18 =	vld [tilespmem:s25+$0x8880];
	v2 =	vmul.bf16 v10, v11;
	v56 =	vunpack.i.l.bf16.f32 v6;
	v6 =	vmul.bf16 v19, v62  }
0x32c: {  	v21 =	vld [tilespmem:s25+$0x88F0];
	v19 =	vunpack.i.u.bf16.f32 v5;
	v59 =	vunpack.i.l.bf16.f32 v5;
	v12 =	vunpack.i.u.bf16.f32 v3  }
0x32d: {  	v11 =	vld [tilespmem:s25+$0x7530];
	v8 =	vunpack.i.l.bf16.f32 v3;
	v3 =	vunpack.i.l.bf16.f32 v2;
	v5 =	vunpack.i.l.bf16.f32 v6  }
0x32e: {  	v48 =	vmul.bf16 v48, v49;
	[tilespmem:$0x1FFE0] =	vst v3;
	v3 =	vmul.bf16 v14, v15;
	v9 =	vadd.f32 $0.0e+00, v5;
	v15 =	vld [tilespmem:s25+$0x7410]  }
0x32f: {  	v10 =	vunpack.i.u.bf16.f32 v6;
	v14 =	vmul.bf16 v23, v24;
	v5 =	vmul.bf16 v16, v17;
	v24 =	vld [tilespmem:s25+$0x74F0]  }
0x330: {  	v17 =	vld [tilespmem:s25+$0x7480];
	v16 =	vunpack.i.u.bf16.f32 v7;
	v23 =	vunpack.i.l.bf16.f32 v7;
	v9 =	vadd.f32 v9, v10  }
0x331: {  	v61 =	vld [tilespmem:s25+$0x73D0];
	v6 =	vunpack.i.l.bf16.f32 v3;
	v10 =	vunpack.i.l.bf16.f32 v13;
	v20 =	vunpack.i.l.bf16.f32 v14  }
0x332: {  	v41 =	vld [tilespmem:s25+$0x7320];
	v13 =	vunpack.i.u.bf16.f32 v13;
	v63 =	vmul.bf16 v54, v11;
	v7 =	vadd.f32 v10, v9  }
0x333: {  	v54 =	vld [tilespmem:s25+$0x8720];
	v9 =	vadd.f32 $0.0e+00, v20;
	v10 =	vmul.bf16 v25, v26;
	v26 =	vmul.bf16 v27, v28  }
0x334: {  	v49 =	vld [tilespmem:s25+$0x72E0];
	v14 =	vunpack.i.u.bf16.f32 v14;
	v21 =	vmul.bf16 v21, v24;
	v15 =	vmul.bf16 v60, v15  }
0x335: {  	v25 =	vld [tilespmem:s25+$0x8760];
	v18 =	vmul.bf16 v18, v17;
	v13 =	vadd.f32 v7, v13;
	v7 =	vadd.f32 v9, v14  }
0x336: {  	v27 =	vld [tilespmem:s25+$0x7360];
	v22 =	vunpack.i.u.bf16.f32 v10;
	v20 =	vunpack.i.l.bf16.f32 v10;
	v9 =	vmul.bf16 v29, v30  }
0x337: {  	v28 =	vld [tilespmem:s25+$0x87D0];
	v29 =	vunpack.i.u.bf16.f32 v26;
	v26 =	vunpack.i.l.bf16.f32 v26;
	v14 =	vmul.bf16 v31, v32  }
0x338: {  	v24 =	vld [tilespmem:s25+$0x8790];
	v17 =	vunpack.i.l.bf16.f32 v15;
	v41 =	vmul.bf16 v54, v41;
	v13 =	vadd.f32 v8, v13  }
0x339: {  	v60 =	vld [tilespmem:s25+$0x86A0];
	v8 =	vunpack.i.u.bf16.f32 v9;
	v10 =	vunpack.i.l.bf16.f32 v9;
	v9 =	vmul.bf16 v33, v34  }
0x33a: {  	v31 =	vld [tilespmem:s25+$0x8840];
	v30 =	vunpack.i.u.bf16.f32 v14;
	v32 =	vunpack.i.l.bf16.f32 v14;
	v14 =	vunpack.i.l.bf16.f32 v63  }
0x33b: {  	v54 =	vld [tilespmem:s25+$0x87B0];
	v33 =	vunpack.i.u.bf16.f32 v63;
	v63 =	vunpack.i.l.bf16.f32 v21;
	v14 =	vadd.f32 $0.0e+00, v14  }
0x33c: {  	v34 =	vld [tilespmem:s25+$0x7440];
	v21 =	vunpack.i.u.bf16.f32 v21;
	v12 =	vadd.f32 v13, v12;
	v13 =	vmul.bf16 v35, v36  }
0x33d: {  	v28 =	vmul.bf16 v28, v61;
	v61 =	vld [tilespmem:s25+$0x72A0];
	v11 =	vunpack.i.l.bf16.f32 v9;
	v14 =	vadd.f32 v14, v33  }
0x33e: {  	v36 =	vld [tilespmem:s25+$0x88B0];
	v12 =	vadd.f32 v53, v12;
	v62 =	vunpack.i.u.bf16.f32 v13;
	v13 =	vunpack.i.l.bf16.f32 v13  }
0x33f: {  	v33 =	vunpack.i.u.bf16.f32 v40;
	v53 =	vld [tilespmem:s25+$0x74B0];
	v13 =	vadd.f32 v13, v14;
	v14 =	vadd.f32 $0.0e+00, v63  }
0x340: {  	v63 =	vmul.bf16 v46, v47;
	v46 =	vld [tilespmem:s25+$0x8870];
	v4 =	vadd.f32 v12, v51;
	v12 =	vmul.bf16 v38, v39  }
0x341: {  	v40 =	vunpack.i.l.bf16.f32 v40;
	v47 =	vld [tilespmem:s25+$0x7470];
	v38 =	vmul.bf16 v42, v43;
	v39 =	vmul.bf16 v44, v45  }
0x342: {  	v42 =	vld [tilespmem:s25+$0x7390];
	v13 =	vadd.f32 v13, v62;
	v14 =	vadd.f32 v14, v21;
	v37 =	vunpack.i.u.bf16.f32 v63  }
0x343: {  	v45 =	vld [tilespmem:s25+$0x8800];
	v35 =	vunpack.i.u.bf16.f32 v38;
	v44 =	vunpack.i.l.bf16.f32 v39;
	v21 =	vunpack.i.u.bf16.f32 v39  }
0x344: {  	v51 =	vld [tilespmem:s25+$0x7400];
	v38 =	vunpack.i.l.bf16.f32 v38;
	v39 =	vunpack.i.l.bf16.f32 v63;
	v23 =	vadd.f32 v23, v13  }
0x345: {  	v62 =	vadd.f32 $0.0e+00, v44;
	v14 =	vadd.f32 v38, v14;
	v38 =	vmul.bf16 v50, v52;
	v50 =	vld [tilespmem:s25+$0x8750]  }
0x346: {  	v52 =	vunpack.i.u.bf16.f32 v48;
	v44 =	vmul.bf16 v57, v58;
	v57 =	vld [tilespmem:s25+$0x8660];
	v16 =	vadd.f32 v23, v16  }
0x347: {  	v48 =	vunpack.i.l.bf16.f32 v48;
	v46 =	vmul.bf16 v46, v47;
	v47 =	vld [tilespmem:s25+$0x73C0];
	v23 =	vadd.f32 v14, v35  }
0x348: {  	v58 =	vunpack.i.u.bf16.f32 v18;
	v13 =	vadd.f32 v62, v21;
	v21 =	vld [tilespmem:s25+$0x86E0];
	v35 =	vadd.f32 v56, v16  }
0x349: {  	v14 =	vunpack.i.u.bf16.f32 v38;
	v42 =	vmul.bf16 v24, v42;
	v56 =	vld [tilespmem:s25+$0x87C0];
	v23 =	vadd.f32 v26, v23  }
0x34a: {  	v24 =	vunpack.i.u.bf16.f32 v41;
	v63 =	vunpack.i.l.bf16.f32 v46;
	v26 =	vld [tilespmem:s25+$0x8830];
	v43 =	vadd.f32 v35, v55  }
0x34b: {  	v46 =	vunpack.i.u.bf16.f32 v46;
	v23 =	vadd.f32 v23, v29;
	v29 =	vld [tilespmem:s25+$0x7430];
	v55 =	vadd.f32 $0.0e+00, v63  }
0x34c: {  	v62 =	vld [tilespmem:s25+$0x7350];
	v16 =	vunpack.i.l.bf16.f32 v38;
	v35 =	vunpack.i.l.bf16.f32 v18;
	v18 =	vmul.bf16 v25, v27  }
0x34d: {  	v27 =	vmul.bf16 v36, v53;
	v36 =	vld [tilespmem:s25+$0x8710];
	v23 =	vadd.f32 v59, v23;
	v46 =	vadd.f32 v55, v46  }
0x34e: {  	v38 =	vunpack.i.u.bf16.f32 v44;
	v44 =	vunpack.i.l.bf16.f32 v44;
	v25 =	vmul.bf16 v31, v34;
	v53 =	vld [tilespmem:s25+$0x7310]  }
0x34f: {  	v63 =	vunpack.i.u.bf16.f32 v28;
	v34 =	vld [tilespmem:s25+$0x8780];
	v23 =	vadd.f32 v23, v19;
	v19 =	vadd.f32 v35, v46  }
0x350: {  	v59 =	vld [tilespmem:s25+$0x7260];
	v47 =	vmul.bf16 v56, v47;
	v46 =	vunpack.i.l.bf16.f32 v28;
	v26 =	vmul.bf16 v26, v29  }
0x351: {  	v55 =	vld [tilespmem:s25+$0x73B0];
	v28 =	vunpack.i.u.bf16.f32 v25;
	v29 =	vunpack.i.l.bf16.f32 v27;
	v19 =	vadd.f32 v19, v58  }
0x352: {  	v25 =	vunpack.i.l.bf16.f32 v25;
	v29 =	vadd.f32 $0.0e+00, v29;
	v58 =	vld [tilespmem:s25+$0x7380];
	v31 =	vunpack.i.l.bf16.f32 v26  }
0x353: {  	v56 =	vld [tilespmem:s25+$0x7340];
	v27 =	vunpack.i.u.bf16.f32 v27;
	v31 =	vadd.f32 $0.0e+00, v31;
	v40 =	vadd.f32 v40, v19  }
0x354: {  	v35 =	vld [tilespmem:s25+$0x7370];
	v36 =	vmul.bf16 v36, v53;
	v26 =	vunpack.i.u.bf16.f32 v26;
	v19 =	vadd.f32 v29, v27  }
0x355: {  	v27 =	vadd.f32 v31, v26;
	v29 =	vadd.f32 v40, v33;
	v26 =	vunpack.i.l.bf16.f32 v41;
	v33 =	vld [tilespmem:s25+$0x8770]  }
0x356: {  	v41 =	vunpack.i.u.bf16.f32 v42;
	v31 =	vmul.bf16 v45, v51;
	v42 =	vunpack.i.l.bf16.f32 v42;
	v45 =	vld [tilespmem:s25+$0x87F0]  }
0x357: {  	v51 =	vld [tilespmem:s25+$0x73F0];
	v58 =	vmul.bf16 v34, v58;
	v25 =	vadd.f32 v25, v27;
	v27 =	vadd.f32 v20, v29  }
0x358: {  	v53 =	vld [tilespmem:s25+$0x72F0];
	v29 =	vmul.bf16 v21, v49;
	v20 =	vunpack.i.u.bf16.f32 v31;
	v49 =	vmul.bf16 v54, v55  }
0x359: {  	v21 =	vunpack.i.l.bf16.f32 v31;
	v54 =	vld [tilespmem:s25+$0x86D0];
	v25 =	vadd.f32 v25, v28;
	v31 =	vadd.f32 v27, v22  }
0x35a: {  	v55 =	vld [tilespmem:s25+$0x8740];
	v27 =	vunpack.i.u.bf16.f32 v29;
	v28 =	vunpack.i.l.bf16.f32 v29;
	v29 =	vunpack.i.l.bf16.f32 v49  }
0x35b: {  	v22 =	vmul.bf16 v50, v62;
	v50 =	vld [tilespmem:s25+$0x72D0];
	v33 =	vmul.bf16 v33, v35;
	v29 =	vadd.f32 $0.0e+00, v29  }
0x35c: {  	v35 =	vunpack.i.u.bf16.f32 v49;
	v49 =	vunpack.i.u.bf16.f32 v47;
	v45 =	vmul.bf16 v45, v51;
	v51 =	vld [tilespmem:s25+$0x86F0]  }
0x35d: {  	v47 =	vunpack.i.l.bf16.f32 v47;
	v48 =	vadd.f32 v48, v25;
	v40 =	vadd.f32 v29, v35;
	v35 =	vld [tilespmem:s25+$0x7250]  }
0x35e: {  	v25 =	vunpack.i.l.bf16.f32 v22;
	v62 =	vunpack.i.l.bf16.f32 v33;
	v29 =	vmul.bf16 v57, v59;
	v59 =	vld [tilespmem:s25+$0x8700]  }
0x35f: {  	v33 =	vunpack.i.u.bf16.f32 v33;
	v48 =	vadd.f32 v48, v52;
	v52 =	vld [tilespmem:s25+$0x8650];
	v57 =	vadd.f32 $0.0e+00, v62  }
0x360: {  	v62 =	vld [tilespmem:s25+$0x7300];
	v40 =	vadd.f32 v47, v40;
	v47 =	vunpack.i.l.bf16.f32 v58;
	v58 =	vunpack.i.u.bf16.f32 v58  }
0x361: {  	v50 =	vmul.bf16 v54, v50;
	v54 =	vld [tilespmem:s25+$0x7330];
	v48 =	vadd.f32 v32, v48;
	v33 =	vadd.f32 v57, v33  }
0x362: {  	v32 =	vunpack.i.l.bf16.f32 v29;
	v57 =	vld [tilespmem:s25+$0x86C0];
	v53 =	vmul.bf16 v51, v53;
	v40 =	vadd.f32 v40, v49  }
0x363: {  	v49 =	vld [tilespmem:s25+$0x72C0];
	v34 =	vadd.f32 v48, v30;
	v30 =	vmul.bf16 v60, v61;
	v33 =	vadd.f32 v47, v33  }
0x364: {  	v60 =	vld [tilespmem:s25+$0x8730];
	v61 =	vunpack.i.l.bf16.f32 v45;
	v45 =	vunpack.i.u.bf16.f32 v45;
	v46 =	vadd.f32 v46, v40  }
0x365: {  	v48 =	vadd.f32 $0.0e+00, v61;
	v61 =	vld [tilespmem:s25+$0x86B0];
	v62 =	vmul.bf16 v59, v62;
	v33 =	vadd.f32 v33, v58  }
0x366: {  	v47 =	vunpack.i.l.bf16.f32 v36;
	v40 =	vunpack.i.u.bf16.f32 v36;
	v36 =	vmul.bf16 v55, v56;
	v55 =	vld [tilespmem:s25+$0x72B0]  }
0x367: {  	v46 =	vadd.f32 v46, v63;
	v51 =	vunpack.i.l.bf16.f32 v62;
	v58 =	vadd.f32 v42, v33  }
0x368: {  	(xrf2) =	vadd.scan.msk.f32 $0xffff, v4;
	v33 =	vadd.f32 v48, v45;
	v42 =	vunpack.i.u.bf16.f32 v50;
	v56 =	vmul.bf16 v57, v49  }
0x369: {  	(xrf2) =	vadd.scan.msk.f32 $0xffff, v43;
	v43 =	vld [tilespmem:s25+$0x8670];
	v45 =	vadd.f32 v39, v46;
	v39 =	vmul.bf16 v52, v35;
	v63 =	vadd.f32 v58, v41  }
0x36a: {  	v48 =	vld [tilespmem:s25+$0x8640];
	v46 =	vunpack.i.l.bf16.f32 v50;
	v54 =	vmul.bf16 v60, v54;
	v41 =	vunpack.i.l.bf16.f32 v36  }
0x36b: {  	v50 =	vld [tilespmem:s25+$0x8630];
	v55 =	vmul.bf16 v61, v55;
	v37 =	vadd.f32 v45, v37;
	v35 =	vadd.f32 v44, v63  }
0x36c: {  	v52 =	vld [tilespmem:s25+$0x7230];
	v45 =	vunpack.i.l.bf16.f32 v39;
	v44 =	vunpack.i.u.bf16.f32 v62;
	v63 =	vunpack.i.l.bf16.f32 v53  }
0x36d: {  	s28 =	simm.s32 $0x2FC0;
	s26 =	smov.u32 s22;
	v49 =	vld [tilespmem:s25+$0x7240];
	v57 =	vadd.f32 $0.0e+00, v63;
	v35 =	vadd.f32 v35, v38;
	v38 =	vunpack.i.u.bf16.f32 v56  }
.LBB2_5:
0x36e: {  	v56 =	vunpack.i.l.bf16.f32 v56;
	v53 =	vunpack.i.u.bf16.f32 v53;
	v21 =	vadd.f32 v21, v33  }
0x36f: {  	v58 =	vld [tilespmem:s25+$0x7270];
	(xrf2) =	vadd.scan.msk.f32 $0xffff, v23;
	v59 =	vunpack.i.l.bf16.f32 v54;
	v23 =	vunpack.i.l.bf16.f32 v55;
	v53 =	vadd.f32 v57, v53  }
0x370: {  	v60 =	vunpack.i.u.bf16.f32 v54;
	v63 =	vadd.f32 $0.0e+00, v59;
	v4 =	vadd.f32 $0.0e+00, v23  }
0x371: {  	v61 =	vunpack.i.u.bf16.f32 v55;
	v59 =	vld [tilespmem:s25+$0x7280];
	v51 =	vadd.f32 v51, v53;
	v50 =	vmul.bf16 v50, v52  }
0x372: {  	v39 =	vunpack.i.u.bf16.f32 v39;
	v52 =	vld [tilespmem:s25+$0x8680];
	v53 =	vadd.f32 v63, v60;
	v62 =	vadd.f32 v4, v61  }
0x373: {  	(xrf2) =	vadd.scan.msk.f32 $0xffff, v31;
	v48 =	vmul.bf16 v48, v49;
	v44 =	vadd.f32 v51, v44;
	v31 =	vunpack.i.l.bf16.f32 v50  }
0x374: {  	v43 =	vmul.bf16 v43, v58;
	v49 =	vadd.f32 v56, v62;
	v4 =	vadd.f32 $0.0e+00, v31  }
0x375: {  	v54 =	vld [tilespmem:s25+$0x8690];
	v50 =	vunpack.i.u.bf16.f32 v50;
	v63 =	vunpack.i.l.bf16.f32 v48;
	v44 =	vadd.f32 v47, v44  }
0x376: {  	v58 =	vld [tilespmem:s25+$0x7290];
	v57 =	vunpack.i.l.bf16.f32 v43;
	v23, _, _ =	vpop (xrf2);
	(xrf2) =	vadd.scan.msk.f32 $0xffff, v34;
	v38 =	vadd.f32 v49, v38;
	v34 =	vadd.f32 v4, v50  }
0x377: {  	v60 =	vadd.f32 $0.0e+00, v57;
	v61 =	vmul.bf16 v52, v59;
	v40 =	vadd.f32 v44, v40  }
0x378: {  	v4 =	vunpack.i.u.bf16.f32 v43;
	v38 =	vadd.f32 v46, v38;
	v62 =	vadd.f32 v63, v34  }
0x379: {  	v43 =	vadd.f32 v60, v4;
	v60 =	vadd.f32 v41, v53;
	v63 =	vunpack.i.u.bf16.f32 v48  }
0x37a: {  	v31, _, _ =	vpop (xrf2);
	(xrf2) =	vadd.scan.msk.f32 $0xffff, v37;
	v51 =	vunpack.i.l.bf16.f32 v61;
	v38 =	vadd.f32 v38, v42;
	v37 =	vadd.f32 v62, v63  }
0x37b: {  	v56 =	vmul.bf16 v54, v58;
	v26 =	vadd.f32 v26, v40;
	v52 =	vadd.f32 v51, v43  }
0x37c: {  	v58 =	vunpack.i.u.bf16.f32 v61;
	v28 =	vadd.f32 v28, v38;
	v57 =	vadd.f32 v45, v37  }
0x37d: {  	v48, _, _ =	vpop (xrf2);
	(xrf2) =	vadd.scan.msk.f32 $0xffff, v35;
	v59 =	vunpack.i.l.bf16.f32 v56;
	v26 =	vadd.f32 v26, v24;
	v37 =	vadd.f32 v52, v58  }
0x37e: {  	v27 =	vadd.f32 v28, v27;
	v28 =	vunpack.i.u.bf16.f32 v36;
	v35 =	vadd.f32 v57, v39  }
0x37f: {  	v29 =	vunpack.i.u.bf16.f32 v29;
	v24, _, _ =	vpop (xrf2);
	(xrf2) =	vadd.scan.msk.f32 $0xffff, v26;
	v26 =	vadd.f32 v59, v37;
	v4 =	vadd.f32 v60, v28  }
0x380: {  	v16 =	vadd.f32 v16, v19;
	v62 =	vunpack.i.u.bf16.f32 v56;
	v32 =	vadd.f32 v32, v35  }
0x381: {  	v22 =	vunpack.i.u.bf16.f32 v22;
	v26 =	vadd.f32 v26, v62;
	v25 =	vadd.f32 v25, v4  }
0x382: {  	v61, _, _ =	vpop (xrf2);
	(xrf2) =	vadd.scan.msk.f32 $0xffff, v27;
	v4 =	vadd.f32 v21, v20;
	v27 =	vadd.f32 v32, v29;
	v29 =	vunpack.i.l.bf16.f32 v30  }
0x383: {  	v22 =	vadd.f32 v25, v22;
	v26 =	vadd.f32 v29, v26  }
0x384: {  	v21 =	vunpack.i.u.bf16.f32 v30;
	v17 =	vadd.f32 v17, v4;
	v4 =	vadd.f32 v16, v14  }
0x385: {  	v10 =	vadd.f32 v10, v13;
	v19 =	vadd.f32 v26, v21;
	v21 =	vunpack.i.l.bf16.f32 v18  }
0x386: {  	v15 =	vunpack.i.u.bf16.f32 v15;
	v28, _, _ =	vpop (xrf2);
	(xrf2) =	vadd.scan.msk.f32 $0xffff, v27;
	v11 =	vadd.f32 v11, v4;
	v4 =	vld [tilespmem:$0x1FFE0];
	v21 =	vadd.f32 v21, v22  }
0x387: {  	v20, _, _ =	vpop (xrf2);
	v16 =	vunpack.i.u.bf16.f32 v18;
	v15 =	vadd.f32 v17, v15;
	(xrf2) =	vadd.scan.msk.f32 $0xffff, v19  }
0x388: {  	v8 =	vadd.f32 v10, v8;
	v13 =	vadd.f32 v21, v16;
	v16 =	vunpack.i.l.bf16.f32 v12  }
0x389: {  	v9 =	vunpack.i.u.bf16.f32 v9;
	v15 =	vadd.f32 v16, v15  }
0x38a: {  	v10 =	vunpack.i.u.bf16.f32 v12;
	v6 =	vadd.f32 v6, v8;
	v8 =	vld [tilespmem:s25+$0x7620];
	v14, _, _ =	vpop (xrf2);
	v9 =	vadd.f32 v11, v9;
	(xrf2) =	vadd.scan.msk.f32 $0xffff, v13  }
0x38b: {  	v11 =	vunpack.i.l.bf16.f32 v5;
	v4 =	vadd.f32 v4, v7;
	v7 =	vld [tilespmem:s25+$0x8A20];
	v10 =	vadd.f32 v15, v10  }
0x38c: {  	v3 =	vunpack.i.u.bf16.f32 v3;
	v2 =	vunpack.i.u.bf16.f32 v2;
	v11 =	vadd.f32 v11, v9  }
0x38d: {  	v3 =	vadd.f32 v6, v3;
	v5 =	vunpack.i.u.bf16.f32 v5;
	v12, _, _ =	vpop (xrf2);
	v2 =	vadd.f32 v4, v2;
	(xrf2) =	vadd.scan.msk.f32 $0xffff, v10  }
0x38e: {  	v6 =	vunpack.i.l.bf16.f32 v1;
	v4 =	vadd.f32 v11, v5;
	v5 =	vunpack.i.l.bf16.f32 v0  }
0x38f: {  	v3 =	vadd.f32 v5, v3;
	v6 =	vadd.f32 v6, v2  }
0x390: {  	v1 =	vunpack.i.u.bf16.f32 v1;
	v0 =	vunpack.i.u.bf16.f32 v0;
	v9, _, _ =	vpop (xrf2);
	v5 =	vmul.bf16 v7, v8;
	(xrf2) =	vadd.scan.msk.f32 $0xffff, v4  }
0x391: {  	v0 =	vadd.f32 v3, v0;
	v1 =	vadd.f32 v6, v1;
	v2, _, _ =	vpop (xrf2)  }
0x392: {  	v3 =	vbroadcast v9, $0xF;
	v7 =	vunpack.i.l.bf16.f32 v5;
	v2 =	vbroadcast v2, $0xF  }
0x393: {  	v6 =	vbroadcast v12, $0xF;
	v1 =	vadd.f32 v7, v1;
	(xrf2) =	vadd.scan.msk.f32 $0xffff, v0  }
0x394: {  	v0 =	vsel vm0, v3, v2;
	v2 =	vbroadcast v14, $0xF;
	v3 =	vunpack.i.u.bf16.f32 v5;
	v4, _, _ =	vpop (xrf2)  }
0x395: {  	v0 =	vsel vm1, v0, v6;
	v5 =	vbroadcast v4, $0xF;
	v1 =	vadd.f32 v1, v3  }
0x396: {  	v0 =	vsel vm2, v0, v2;
	v2 =	vbroadcast v20, $0xF  }
0x397: {  	v0 =	vsel vm3, v0, v5;
	v5 =	vbroadcast v28, $0xF;
	v4, _, _ =	vpop (xrf2);
	(xrf2) =	vadd.scan.msk.f32 $0xffff, v1  }
0x398: {  	v0 =	vsel vm4, v0, v2;
	v1 =	vbroadcast v4, $0xF  }
0x399: {  	v2 =	vbroadcast v61, $0xF;
	v0 =	vsel vm5, v0, v5  }
0x39a: {  	v3, _, _ =	vpop (xrf2);
	v0 =	vsel vm6, v0, v1;
	v1 =	vbroadcast v24, $0xF  }
0x39b: {  	v0 =	vsel vm7, v0, v2;
	v2 =	vbroadcast v3, $0xF  }
0x39c: {  	v0 =	vsel vm8, v0, v1;
	v1 =	vbroadcast v48, $0xF  }
0x39d: {  	v3, _, _ =	vpop (xrf2);
	v0 =	vsel vm9, v0, v2;
	v2 =	vbroadcast v31, $0xF  }
0x39e: {  	v3 =	vbroadcast v3, $0xF;
	v0 =	vsel vm10, v0, v1  }
0x39f: {  	v0 =	vsel vm11, v0, v2;
	v2 =	vbroadcast v23, $0xF  }
0x3a0: {  	v0 =	vsel vm12, v0, v3  }
0x3a1: {  	v0 =	vsel vm13, v0, v2;
	v1, _, _ =	vpop (xrf2)  }
0x3a2: {  	s26 =	sadd.s32 $0x10, s26;
	v0 =	vsel vm14, v0, v1  }
0x3a3: {  	s25 =	sshra.s32 s28, $0x2;
	[tilespmem:s26+$0x0] =	vst v0  }
0x3a4: {  	v0 =	vld [tilespmem:s25+$0x89E0]  }
0x3a5: {  	v1 =	vld [tilespmem:s25+$0x75E0]  }
0x3a6: {  	v2 =	vld [tilespmem:s25+$0x8A10]  }
0x3a7: {  	v3 =	vld [tilespmem:s25+$0x7610]  }
0x3a8: {  	v4 =	vld [tilespmem:s25+$0x89A0]  }
0x3a9: {  	v5 =	vld [tilespmem:s25+$0x75A0]  }
0x3aa: {  	v6 =	vld [tilespmem:s25+$0x8960]  }
0x3ab: {  	v7 =	vld [tilespmem:s25+$0x7560]  }
0x3ac: {  	v8 =	vld [tilespmem:s25+$0x89D0]  }
0x3ad: {  	v9 =	vld [tilespmem:s25+$0x75D0]  }
0x3ae: {  	v10 =	vld [tilespmem:s25+$0x8A00]  }
0x3af: {  	v11 =	vld [tilespmem:s25+$0x7600]  }
0x3b0: {  	v18 =	vld [tilespmem:s25+$0x8920]  }
0x3b1: {  	v19 =	vld [tilespmem:s25+$0x7520]  }
0x3b2: {  	v20 =	vld [tilespmem:s25+$0x8990]  }
0x3b3: {  	v22 =	vld [tilespmem:s25+$0x7590]  }
0x3b4: {  	v29 =	vld [tilespmem:s25+$0x88E0]  }
0x3b5: {  	v30 =	vld [tilespmem:s25+$0x74E0]  }
0x3b6: {  	v27 =	vld [tilespmem:s25+$0x8950]  }
0x3b7: {  	v28 =	vld [tilespmem:s25+$0x7550]  }
0x3b8: {  	v63 =	vld [tilespmem:s25+$0x89C0]  }
0x3b9: {  	v60 =	vld [tilespmem:s25+$0x75C0]  }
0x3ba: {  	v61 =	vld [tilespmem:s25+$0x89F0]  }
0x3bb: {  	v62 =	vld [tilespmem:s25+$0x75F0]  }
0x3bc: {  	v36 =	vld [tilespmem:s25+$0x88A0]  }
0x3bd: {  	v37 =	vld [tilespmem:s25+$0x74A0]  }
0x3be: {  	v38 =	vld [tilespmem:s25+$0x8910]  }
0x3bf: {  	v39 =	vld [tilespmem:s25+$0x7510]  }
0x3c0: {  	v40 =	vld [tilespmem:s25+$0x8980]  }
0x3c1: {  	v41 =	vld [tilespmem:s25+$0x7580]  }
0x3c2: {  	v42 =	vld [tilespmem:s25+$0x8860]  }
0x3c3: {  	v43 =	vld [tilespmem:s25+$0x7460]  }
0x3c4: {  	v44 =	vld [tilespmem:s25+$0x88D0]  }
0x3c5: {  	v45 =	vld [tilespmem:s25+$0x74D0]  }
0x3c6: {  	v46 =	vld [tilespmem:s25+$0x8940]  }
0x3c7: {  	v47 =	vld [tilespmem:s25+$0x7540]  }
0x3c8: {  	v24 =	vld [tilespmem:s25+$0x89B0]  }
0x3c9: {  	v25 =	vld [tilespmem:s25+$0x75B0]  }
0x3ca: {  	v12 =	vld [tilespmem:s25+$0x8820]  }
0x3cb: {  	v48 =	vld [tilespmem:s25+$0x7420]  }
0x3cc: {  	v49 =	vld [tilespmem:s25+$0x8890]  }
0x3cd: {  	v50 =	vld [tilespmem:s25+$0x7490]  }
0x3ce: {  	v51 =	vld [tilespmem:s25+$0x8900]  }
0x3cf: {  	v52 =	vld [tilespmem:s25+$0x7500]  }
0x3d0: {  	v13 =	vld [tilespmem:s25+$0x87E0]  }
0x3d1: {  	v26 =	vld [tilespmem:s25+$0x73E0]  }
0x3d2: {  	v14 =	vld [tilespmem:s25+$0x8850]  }
0x3d3: {  	v16 =	vld [tilespmem:s25+$0x7450]  }
0x3d4: {  	v15 =	vld [tilespmem:s25+$0x88C0]  }
0x3d5: {  	v21 =	vld [tilespmem:s25+$0x74C0];
	v1 =	vmul.bf16 v0, v1  }
0x3d6: {  	v53 =	vld [tilespmem:s25+$0x8970];
	v6 =	vmul.bf16 v6, v7;
	v0 =	vmul.bf16 v4, v5  }
0x3d7: {  	v54 =	vld [tilespmem:s25+$0x7570];
	v5 =	vmul.bf16 v18, v19;
	v7 =	vmul.bf16 v27, v28  }
0x3d8: {  	v57 =	vld [tilespmem:s25+$0x8930];
	v49 =	vmul.bf16 v49, v50;
	v12 =	vmul.bf16 v12, v48  }
0x3d9: {  	v31 =	vld [tilespmem:s25+$0x73A0];
	v26 =	vmul.bf16 v13, v26;
	v14 =	vmul.bf16 v14, v16  }
0x3da: {  	v33 =	vld [tilespmem:s25+$0x7480];
	v15 =	vmul.bf16 v15, v21;
	v55 =	vunpack.i.u.bf16.f32 v1;
	v56 =	vunpack.i.l.bf16.f32 v1  }
0x3db: {  	v59 =	vld [tilespmem:s25+$0x88F0];
	v1 =	vmul.bf16 v2, v3;
	v17 =	vunpack.i.u.bf16.f32 v6;
	v3 =	vmul.bf16 v8, v9  }
0x3dc: {  	v27 =	vld [tilespmem:s25+$0x7410];
	v2 =	vmul.bf16 v10, v11;
	v23 =	vunpack.i.l.bf16.f32 v6;
	v6 =	vmul.bf16 v24, v25  }
0x3dd: {  	v28 =	vld [tilespmem:s25+$0x8880];
	v19 =	vunpack.i.u.bf16.f32 v5;
	v18 =	vunpack.i.l.bf16.f32 v5;
	v34 =	vunpack.i.u.bf16.f32 v7  }
0x3de: {  	v48 =	vld [tilespmem:s25+$0x8790];
	v50 =	vunpack.i.u.bf16.f32 v49;
	v49 =	vunpack.i.l.bf16.f32 v49;
	v58 =	vunpack.i.u.bf16.f32 v3  }
0x3df: {  	v4 =	vld [tilespmem:s25+$0x87C0];
	v8 =	vunpack.i.l.bf16.f32 v3;
	v3 =	vunpack.i.l.bf16.f32 v2;
	v5 =	vunpack.i.l.bf16.f32 v6  }
0x3e0: {  	v11 =	vld [tilespmem:s25+$0x7530];
	[tilespmem:$0x1FFE0] =	vst v3;
	v3 =	vmul.bf16 v20, v22;
	v9 =	vadd.f32 $0.0e+00, v5;
	v20 =	vmul.bf16 v63, v60  }
0x3e1: {  	v25 =	vld [tilespmem:s25+$0x87A0];
	v10 =	vunpack.i.u.bf16.f32 v6;
	v22 =	vmul.bf16 v61, v62;
	v5 =	vmul.bf16 v29, v30  }
0x3e2: {  	v24 =	vld [tilespmem:s25+$0x8810];
	v60 =	vunpack.i.l.bf16.f32 v7;
	v30 =	vmul.bf16 v38, v39;
	v9 =	vadd.f32 v9, v10  }
0x3e3: {  	v61 =	vld [tilespmem:s25+$0x7360];
	v63 =	vmul.bf16 v42, v43;
	v6 =	vunpack.i.l.bf16.f32 v3;
	v10 =	vunpack.i.l.bf16.f32 v20  }
0x3e4: {  	v62 =	vld [tilespmem:s25+$0x73D0];
	v29 =	vunpack.i.l.bf16.f32 v22;
	v20 =	vunpack.i.u.bf16.f32 v20;
	v7 =	vadd.f32 v10, v9  }
0x3e5: {  	v42 =	vld [tilespmem:s25+$0x8840];
	v22 =	vunpack.i.u.bf16.f32 v22;
	v9 =	vadd.f32 $0.0e+00, v29;
	v10 =	vmul.bf16 v36, v37  }
0x3e6: {  	v38 =	vunpack.i.l.bf16.f32 v30;
	v35 =	vmul.bf16 v57, v11;
	v36 =	vld [tilespmem:s25+$0x74F0];
	v32 =	vadd.f32 v7, v20  }
0x3e7: {  	v7 =	vadd.f32 v9, v22;
	v22 =	vunpack.i.u.bf16.f32 v10;
	v9 =	vmul.bf16 v40, v41;
	v40 =	vld [tilespmem:s25+$0x87D0]  }
0x3e8: {  	v29 =	vld [tilespmem:s25+$0x8760];
	v20 =	vunpack.i.l.bf16.f32 v10;
	v41 =	vunpack.i.u.bf16.f32 v30;
	v30 =	vadd.f32 v8, v32  }
0x3e9: {  	v8 =	vunpack.i.u.bf16.f32 v9;
	v10 =	vunpack.i.l.bf16.f32 v9;
	v9 =	vmul.bf16 v44, v45;
	v45 =	vld [tilespmem:s25+$0x7440]  }
0x3ea: {  	v25 =	vmul.bf16 v25, v31;
	v57 =	vadd.f32 v30, v58;
	v58 =	vmul.bf16 v46, v47;
	v46 =	vld [tilespmem:s25+$0x88B0]  }
0x3eb: {  	v32 =	vunpack.i.l.bf16.f32 v63;
	v30 =	vunpack.i.u.bf16.f32 v63;
	v63 =	vunpack.i.l.bf16.f32 v35;
	v47 =	vld [tilespmem:s25+$0x74B0]  }
0x3ec: {  	v36 =	vmul.bf16 v59, v36;
	v43 =	vadd.f32 $0.0e+00, v63;
	v31 =	vmul.bf16 v40, v62;
	v40 =	vld [tilespmem:s25+$0x86A0]  }
0x3ed: {  	v37 =	vadd.f32 v56, v57;
	v44 =	vunpack.i.u.bf16.f32 v58;
	v56 =	vld [tilespmem:s25+$0x8720];
	v57 =	vunpack.i.u.bf16.f32 v35  }
0x3ee: {  	v39 =	vunpack.i.l.bf16.f32 v58;
	v58 =	vadd.f32 v43, v57;
	v43 =	vmul.bf16 v51, v52;
	v52 =	vld [tilespmem:s25+$0x7390]  }
0x3ef: {  	v11 =	vunpack.i.l.bf16.f32 v9;
	v59 =	vunpack.i.l.bf16.f32 v36;
	v51 =	vmul.bf16 v53, v54;
	v54 =	vld [tilespmem:s25+$0x8800]  }
0x3f0: {  	v36 =	vunpack.i.u.bf16.f32 v36;
	v57 =	vld [tilespmem:s25+$0x8870];
	v35 =	vadd.f32 v37, v55;
	v37 =	vadd.f32 v39, v58  }
0x3f1: {  	v39 =	vadd.f32 $0.0e+00, v59;
	v53 =	vunpack.i.u.bf16.f32 v43;
	v63 =	vunpack.i.l.bf16.f32 v51;
	v58 =	vld [tilespmem:s25+$0x7400]  }
0x3f2: {  	v55 =	vld [tilespmem:s25+$0x7320];
	v13 =	vunpack.i.u.bf16.f32 v51;
	v37 =	vadd.f32 v37, v44;
	v44 =	vadd.f32 $0.0e+00, v63  }
0x3f3: {  	v51 =	vld [tilespmem:s25+$0x7470];
	v36 =	vadd.f32 v39, v36;
	v63 =	vunpack.i.l.bf16.f32 v43;
	v39 =	vunpack.i.l.bf16.f32 v26  }
0x3f4: {  	v59 =	vld [tilespmem:s25+$0x86E0];
	v48 =	vmul.bf16 v48, v52;
	v60 =	vadd.f32 v60, v37;
	v13 =	vadd.f32 v44, v13  }
0x3f5: {  	v52 =	vld [tilespmem:s25+$0x73B0];
	v37 =	vunpack.i.u.bf16.f32 v26;
	v16 =	vadd.f32 v63, v36;
	v63 =	vunpack.i.l.bf16.f32 v14  }
0x3f6: {  	v36 =	vld [tilespmem:s25+$0x72E0];
	v44 =	vunpack.i.l.bf16.f32 v25;
	v62 =	vmul.bf16 v54, v58;
	v21 =	vadd.f32 v60, v34  }
0x3f7: {  	v54 =	vld [tilespmem:s25+$0x7370];
	v60 =	vunpack.i.u.bf16.f32 v14;
	v26 =	vadd.f32 v16, v53;
	v14 =	vunpack.i.u.bf16.f32 v15  }
0x3f8: {  	v58 =	vld [tilespmem:s25+$0x86D0];
	v16 =	vunpack.i.l.bf16.f32 v15;
	v21 =	vadd.f32 v23, v21;
	v23 =	vmul.bf16 v57, v51  }
0x3f9: {  	v34 =	vld [tilespmem:s25+$0x8750];
	v15 =	vmul.bf16 v24, v27;
	v27 =	vmul.bf16 v28, v33;
	v26 =	vadd.f32 v38, v26  }
0x3fa: {  	v38 =	vunpack.i.u.bf16.f32 v25;
	v25 =	vld [tilespmem:s25+$0x7430];
	v43 =	vadd.f32 v21, v17;
	v24 =	vunpack.i.l.bf16.f32 v23  }
0x3fb: {  	v28 =	vunpack.i.u.bf16.f32 v27;
	v21 =	vld [tilespmem:s25+$0x8830];
	v26 =	vadd.f32 v26, v41;
	v24 =	vadd.f32 $0.0e+00, v24  }
0x3fc: {  	v53 =	vld [tilespmem:s25+$0x7350];
	v27 =	vunpack.i.l.bf16.f32 v27;
	v36 =	vmul.bf16 v59, v36;
	v23 =	vunpack.i.u.bf16.f32 v23  }
0x3fd: {  	v33 =	vld [tilespmem:s25+$0x8660];
	v17 =	vunpack.i.l.bf16.f32 v15;
	v26 =	vadd.f32 v18, v26;
	v24 =	vadd.f32 v24, v23  }
0x3fe: {  	v51 =	vld [tilespmem:s25+$0x73C0];
	v18 =	vmul.bf16 v29, v61;
	v29 =	vmul.bf16 v42, v45;
	v45 =	vunpack.i.u.bf16.f32 v31  }
0x3ff: {  	v57 =	vld [tilespmem:s25+$0x7310];
	v23 =	vadd.f32 v26, v19;
	v19 =	vadd.f32 v27, v24;
	v24 =	vmul.bf16 v46, v47  }
0x400: {  	v61 =	vld [tilespmem:s25+$0x8780];
	v47 =	vunpack.i.l.bf16.f32 v31;
	v21 =	vmul.bf16 v21, v25;
	v25 =	vunpack.i.u.bf16.f32 v29  }
0x401: {  	v27 =	vunpack.i.l.bf16.f32 v29;
	v29 =	vmul.bf16 v56, v55;
	v55 =	vld [tilespmem:s25+$0x7380];
	v26 =	vunpack.i.l.bf16.f32 v24  }
0x402: {  	v31 =	vld [tilespmem:s25+$0x87B0];
	v19 =	vadd.f32 v19, v28;
	v28 =	vunpack.i.l.bf16.f32 v21;
	v26 =	vadd.f32 $0.0e+00, v26  }
0x403: {  	v59 =	vld [tilespmem:s25+$0x7340];
	v4 =	vmul.bf16 v4, v51;
	v24 =	vunpack.i.u.bf16.f32 v24;
	v28 =	vadd.f32 $0.0e+00, v28  }
0x404: {  	v41 =	vld [tilespmem:s25+$0x7260];
	v21 =	vunpack.i.u.bf16.f32 v21;
	v49 =	vadd.f32 v49, v19;
	v19 =	vadd.f32 v26, v24  }
0x405: {  	v42 =	vld [tilespmem:s25+$0x72A0];
	v24 =	vunpack.i.u.bf16.f32 v29;
	v21 =	vadd.f32 v28, v21;
	v26 =	vunpack.i.l.bf16.f32 v29  }
0x406: {  	v29 =	vld [tilespmem:s25+$0x8770];
	v55 =	vmul.bf16 v61, v55;
	v28 =	vadd.f32 v49, v50;
	v49 =	vunpack.i.u.bf16.f32 v48  }
0x407: {  	v46 =	vld [tilespmem:s25+$0x8710];
	v48 =	vunpack.i.l.bf16.f32 v48;
	v50 =	vmul.bf16 v31, v52;
	v27 =	vadd.f32 v27, v21  }
0x408: {  	v56 =	vld [tilespmem:s25+$0x87F0];
	v21 =	vunpack.i.l.bf16.f32 v62;
	v28 =	vadd.f32 v20, v28;
	v20 =	vunpack.i.u.bf16.f32 v62  }
0x409: {  	v61 =	vld [tilespmem:s25+$0x7300];
	v62 =	vunpack.i.l.bf16.f32 v50;
	v25 =	vadd.f32 v27, v25;
	v27 =	vunpack.i.u.bf16.f32 v36  }
0x40a: {  	v52 =	vld [tilespmem:s25+$0x73F0];
	v31 =	vadd.f32 v28, v22;
	v28 =	vunpack.i.l.bf16.f32 v36;
	v22 =	vmul.bf16 v34, v53  }
0x40b: {  	v36 =	vld [tilespmem:s25+$0x72D0];
	v54 =	vmul.bf16 v29, v54;
	v29 =	vadd.f32 $0.0e+00, v62;
	v63 =	vadd.f32 v63, v25  }
0x40c: {  	v53 =	vld [tilespmem:s25+$0x8740];
	v34 =	vunpack.i.u.bf16.f32 v50;
	v50 =	vunpack.i.u.bf16.f32 v4;
	v4 =	vunpack.i.l.bf16.f32 v4  }
0x40d: {  	v62 =	vunpack.i.l.bf16.f32 v54;
	v34 =	vadd.f32 v29, v34;
	v51 =	vadd.f32 v63, v60;
	v60 =	vld [tilespmem:s25+$0x8650]  }
0x40e: {  	v25 =	vunpack.i.l.bf16.f32 v22;
	v29 =	vmul.bf16 v33, v41;
	v63 =	vld [tilespmem:s25+$0x7250];
	v33 =	vadd.f32 $0.0e+00, v62  }
0x40f: {  	v54 =	vunpack.i.u.bf16.f32 v54;
	v4 =	vadd.f32 v4, v34;
	v41 =	vadd.f32 v32, v51;
	v51 =	vld [tilespmem:s25+$0x8700]  }
0x410: {  	v62 =	vunpack.i.l.bf16.f32 v55;
	v32 =	vunpack.i.l.bf16.f32 v29;
	v33 =	vadd.f32 v33, v54;
	v54 =	vld [tilespmem:s25+$0x86C0]  }
0x411: {  	v4 =	vadd.f32 v4, v50;
	v50 =	vmul.bf16 v56, v52;
	v56 =	vld [tilespmem:s25+$0x72C0];
	v34 =	vadd.f32 v41, v30  }
0x412: {  	v52 =	vld [tilespmem:s25+$0x86F0];
	v30 =	vmul.bf16 v40, v42;
	v42 =	vmul.bf16 v46, v57;
	v33 =	vadd.f32 v62, v33  }
0x413: {  	v57 =	vld [tilespmem:s25+$0x8730];
	v41 =	vunpack.i.u.bf16.f32 v55;
	v46 =	vmul.bf16 v58, v36;
	v36 =	vmul.bf16 v53, v59  }
0x414: {  	v55 =	vld [tilespmem:s25+$0x72F0];
	v4 =	vadd.f32 v47, v4;
	v62 =	vunpack.i.l.bf16.f32 v50;
	v40 =	vunpack.i.u.bf16.f32 v42  }
0x415: {  	v58 =	vld [tilespmem:s25+$0x7330];
	v33 =	vadd.f32 v33, v41;
	v41 =	vadd.f32 $0.0e+00, v62;
	v62 =	vunpack.i.u.bf16.f32 v50  }
0x416: {  	v47 =	vunpack.i.l.bf16.f32 v42;
	v42 =	vunpack.i.u.bf16.f32 v46;
	v4 =	vadd.f32 v4, v45  }
0x417: {  	v59 =	vld [tilespmem:s25+$0x72B0];
	v46 =	vunpack.i.l.bf16.f32 v46;
	v50 =	vadd.f32 v48, v33;
	v33 =	vadd.f32 v41, v62  }
0x418: {  	p0 =	sne.s32 s28, $0x4FC0;
	(xrf2) =	vadd.scan.msk.f32 $0xffff, v35;
	v62 =	vld [tilespmem:s25+$0x86B0];
	v41 =	vunpack.i.l.bf16.f32 v36;
	v56 =	vmul.bf16 v54, v56;
	v4 =	vadd.f32 v39, v4  }
.Ltmp1:
0x419: {  	(xrf2) =	vadd.scan.msk.f32 $0xffff, v43;
	v43 =	vld [tilespmem:s25+$0x8670];
	v39 =	vmul.bf16 v60, v63;
	v53 =	vmul.bf16 v52, v55;
	v49 =	vadd.f32 v50, v49;
	(pc) =	sbr.rel @p0 .LBB2_5-.Ltmp1, $4  }
0x41a: {  	v48 =	vld [tilespmem:s25+$0x8640];
	v63 =	vmul.bf16 v51, v61;
	v54 =	vmul.bf16 v57, v58;
	v37 =	vadd.f32 v4, v37  }
0x41b: {  	v52 =	vld [tilespmem:s25+$0x7230];
	v45 =	vunpack.i.l.bf16.f32 v39;
	v60 =	vunpack.i.l.bf16.f32 v53;
	v4 =	vadd.f32 v44, v49  }
0x41c: {  	v50 =	vld [tilespmem:s25+$0x8630];
	v51 =	vunpack.i.l.bf16.f32 v63;
	v44 =	vunpack.i.u.bf16.f32 v63;
	v57 =	vadd.f32 $0.0e+00, v60  }
0x41d: {  	s28 =	sadd.s32 $0x1000, s28;
	v49 =	vld [tilespmem:s25+$0x7240];
	v55 =	vmul.bf16 v62, v59;
	v35 =	vadd.f32 v4, v38;
	v38 =	vunpack.i.u.bf16.f32 v56  }
0x41e: {  	v4 =	vld [tilespmem:s25+$0x7270];
	v56 =	vunpack.i.l.bf16.f32 v56;
	v53 =	vunpack.i.u.bf16.f32 v53;
	v58 =	vunpack.i.l.bf16.f32 v54  }
0x41f: {  	v61 =	vunpack.i.u.bf16.f32 v54;
	v21 =	vadd.f32 v21, v33;
	v16 =	vadd.f32 v16, v19  }
0x420: {  	v53 =	vadd.f32 v57, v53;
	v60 =	vunpack.i.l.bf16.f32 v55;
	v58 =	vadd.f32 $0.0e+00, v58  }
0x421: {  	v62 =	vunpack.i.u.bf16.f32 v55;
	v57 =	vadd.f32 $0.0e+00, v60;
	v50 =	vmul.bf16 v50, v52  }
0x422: {  	v52 =	vld [tilespmem:s25+$0x8680];
	v51 =	vadd.f32 v51, v53;
	v54 =	vadd.f32 v58, v61;
	v48 =	vmul.bf16 v48, v49  }
0x423: {  	v53 =	vld [tilespmem:s25+$0x7280];
	v60 =	vadd.f32 v57, v62;
	v63 =	vunpack.i.l.bf16.f32 v50;
	v4 =	vmul.bf16 v43, v4  }
0x424: {  	v43 =	vadd.f32 v51, v44;
	v62 =	vunpack.i.u.bf16.f32 v50;
	v61 =	vadd.f32 $0.0e+00, v63  }
0x425: {  	v55 =	vadd.f32 v41, v54;
	v63 =	vunpack.i.l.bf16.f32 v48;
	v49 =	vadd.f32 v56, v60  }
0x426: {  	v51 =	vld [tilespmem:s25+$0x8690];
	v60 =	vunpack.i.l.bf16.f32 v4;
	v43 =	vadd.f32 v47, v43;
	v44 =	vadd.f32 v61, v62  }
0x427: {  	v4 =	vunpack.i.u.bf16.f32 v4;
	v61 =	vld [tilespmem:s25+$0x7290];
	v62 =	vadd.f32 $0.0e+00, v60;
	v38 =	vadd.f32 v49, v38  }
0x428: {  	v52 =	vmul.bf16 v52, v53;
	v40 =	vadd.f32 v43, v40;
	v44 =	vadd.f32 v63, v44  }
0x429: {  	v63 =	vunpack.i.u.bf16.f32 v48;
	v4 =	vadd.f32 v62, v4;
	v38 =	vadd.f32 v46, v38  }
0x42a: {  	v48 =	vunpack.i.l.bf16.f32 v52;
	v26 =	vadd.f32 v26, v40;
	v43 =	vadd.f32 v44, v63  }
0x42b: {  	v4 =	vadd.f32 v48, v4;
	v38 =	vadd.f32 v38, v42  }
0x42c: {  	v49 =	vmul.bf16 v51, v61;
	v51 =	vunpack.i.u.bf16.f32 v52;
	v24 =	vadd.f32 v26, v24  }
0x42d: {  	v50 =	vadd.f32 v45, v43;
	v4 =	vadd.f32 v4, v51  }
0x42e: {  	v52 =	vunpack.i.u.bf16.f32 v39;
	v28 =	vadd.f32 v28, v38;
	v53 =	vunpack.i.l.bf16.f32 v49  }
0x42f: {  	(xrf2) =	vadd.scan.msk.f32 $0xffff, v23;
	v57 =	vunpack.i.u.bf16.f32 v36;
	v26 =	vadd.f32 v50, v52;
	v4 =	vadd.f32 v53, v4  }
0x430: {  	(xrf2) =	vadd.scan.msk.f32 $0xffff, v31;
	v58 =	vunpack.i.u.bf16.f32 v49;
	v56 =	vadd.f32 v28, v27;
	v27 =	vadd.f32 v55, v57  }
0x431: {  	v29 =	vunpack.i.u.bf16.f32 v29;
	v10 =	vadd.f32 v10, v13;
	(xrf2) =	vadd.scan.msk.f32 $0xffff, v34;
	v4 =	vadd.f32 v4, v58  }
0x432: {  	v59 =	vunpack.i.l.bf16.f32 v30;
	(xrf2) =	vadd.scan.msk.f32 $0xffff, v37;
	v26 =	vadd.f32 v32, v26;
	v25 =	vadd.f32 v25, v27  }
0x433: {  	v22 =	vunpack.i.u.bf16.f32 v22;
	v20 =	vadd.f32 v21, v20;
	(xrf2) =	vadd.scan.msk.f32 $0xffff, v35;
	v4 =	vadd.f32 v59, v4  }
0x434: {  	v60 =	vunpack.i.u.bf16.f32 v30;
	(xrf2) =	vadd.scan.msk.f32 $0xffff, v24;
	v26 =	vadd.f32 v26, v29;
	v22 =	vadd.f32 v25, v22  }
0x435: {  	v17 =	vadd.f32 v17, v20;
	v61 =	vunpack.i.l.bf16.f32 v18;
	(xrf2) =	vadd.scan.msk.f32 $0xffff, v56;
	v4 =	vadd.f32 v4, v60  }
0x436: {  	v15 =	vunpack.i.u.bf16.f32 v15;
	v14 =	vadd.f32 v16, v14;
	v27 =	vld [tilespmem:$0x1FFE0];
	(xrf2) =	vadd.scan.msk.f32 $0xffff, v26;
	v19 =	vadd.f32 v61, v22  }
0x437: {  	v8 =	vadd.f32 v10, v8;
	v15 =	vadd.f32 v17, v15;
	v62, _, _ =	vpop (xrf2);
	v63 =	vunpack.i.u.bf16.f32 v18;
	(xrf2) =	vadd.scan.msk.f32 $0xffff, v4  }
0x438: {  	v23 =	vunpack.i.l.bf16.f32 v12;
	v11 =	vadd.f32 v11, v14;
	v21, _, _ =	vpop (xrf2);
	v22 =	vadd.f32 v19, v63  }
0x439: {  	v9 =	vunpack.i.u.bf16.f32 v9;
	v15 =	vadd.f32 v23, v15;
	v24, _, _ =	vpop (xrf2)  }
0x43a: {  	v31 =	vld [tilespmem:s25+$0x7620];
	v6 =	vadd.f32 v6, v8;
	v9 =	vadd.f32 v11, v9;
	v25, _, _ =	vpop (xrf2);
	v26 =	vunpack.i.u.bf16.f32 v12;
	(xrf2) =	vadd.scan.msk.f32 $0xffff, v22  }
0x43b: {  	v30 =	vunpack.i.l.bf16.f32 v5;
	v28 =	vld [tilespmem:s25+$0x8A20];
	v7 =	vadd.f32 v27, v7;
	v29, _, _ =	vpop (xrf2);
	v12 =	vadd.f32 v15, v26  }
0x43c: {  	v3 =	vunpack.i.u.bf16.f32 v3;
	v2 =	vunpack.i.u.bf16.f32 v2;
	v9 =	vadd.f32 v30, v9;
	v32, _, _ =	vpop (xrf2)  }
0x43d: {  	v34 =	vunpack.i.u.bf16.f32 v5;
	v3 =	vadd.f32 v6, v3;
	v33, _, _ =	vpop (xrf2);
	v2 =	vadd.f32 v7, v2;
	(xrf2) =	vadd.scan.msk.f32 $0xffff, v12  }
0x43e: {  	v37 =	vunpack.i.l.bf16.f32 v1;
	v36 =	vunpack.i.l.bf16.f32 v0;
	v5 =	vadd.f32 v9, v34;
	v35, _, _ =	vpop (xrf2)  }
0x43f: {  	v3 =	vadd.f32 v36, v3;
	v2 =	vadd.f32 v37, v2;
	v38, _, _ =	vpop (xrf2)  }
0x440: {  	v41 =	vunpack.i.u.bf16.f32 v1;
	v40 =	vunpack.i.u.bf16.f32 v0;
	v8 =	vmul.bf16 v28, v31;
	(xrf2) =	vadd.scan.msk.f32 $0xffff, v5;
	v39, _, _ =	vpop (xrf2)  }
0x441: {  	v0 =	vadd.f32 v3, v40;
	v1 =	vadd.f32 v2, v41;
	v42, _, _ =	vpop (xrf2)  }
0x442: {  	v44 =	vunpack.i.l.bf16.f32 v8;
	v43 =	vbroadcast v39, $0xF;
	v2 =	vbroadcast v42, $0xF  }
0x443: {  	v45 =	vbroadcast v38, $0xF;
	v1 =	vadd.f32 v44, v1;
	(xrf2) =	vadd.scan.msk.f32 $0xffff, v0  }
0x444: {  	v48 =	vunpack.i.u.bf16.f32 v8;
	v47 =	vbroadcast v35, $0xF;
	v49, _, _ =	vpop (xrf2);
	v46 =	vsel vm0, v43, v2  }
0x445: {  	v1 =	vadd.f32 v1, v48;
	v5 =	vbroadcast v49, $0xF;
	v0 =	vsel vm1, v46, v45  }
0x446: {  	v50 =	vbroadcast v33, $0xF;
	v0 =	vsel vm2, v0, v47  }
0x447: {  	v51 =	vbroadcast v32, $0xF;
	(xrf2) =	vadd.scan.msk.f32 $0xffff, v1;
	v52, _, _ =	vpop (xrf2);
	v0 =	vsel vm3, v0, v5  }
0x448: {  	v53 =	vbroadcast v52, $0xF;
	v0 =	vsel vm4, v0, v50  }
0x449: {  	v54 =	vbroadcast v29, $0xF;
	v0 =	vsel vm5, v0, v51  }
0x44a: {  	v55 =	vbroadcast v25, $0xF;
	v56, _, _ =	vpop (xrf2);
	v0 =	vsel vm6, v0, v53  }
0x44b: {  	v57 =	vbroadcast v56, $0xF;
	v0 =	vsel vm7, v0, v54  }
0x44c: {  	v58 =	vbroadcast v24, $0xF;
	v0 =	vsel vm8, v0, v55  }
0x44d: {  	s24 =	sadd.s32 $0x1, s24;
	v59 =	vbroadcast v21, $0xF;
	v60, _, _ =	vpop (xrf2);
	v0 =	vsel vm9, v0, v57  }
0x44e: {  	p0 =	sne.s32 s24, $0x3E;
	v61 =	vbroadcast v60, $0xF;
	v0 =	vsel vm10, v0, v58  }
.Ltmp2:
0x44f: {  	v62 =	vbroadcast v62, $0xF;
	v0 =	vsel vm11, v0, v59;
	(pc) =	sbr.rel @p0 .LBB2_2-.Ltmp2, $4  }
0x450: {  	v0 =	vsel vm12, v0, v61  }
0x451: {  	v63, _, _ =	vpop (xrf2);
	v0 =	vsel vm13, v0, v62  }
0x452: {  	s31 =	sadd.s32 $0x10, s26;
	v0 =	vsel vm14, v0, v63  }
0x453: {  	s23 =	sadd.s32 $0xA0, s23;
	s22 =	sadd.s32 $0xA0, s22;
	[tilespmem:s31+$0x0] =	vst v0  }
0x454: {  	_ =	swait.ge [sflag:s16], $0x1400  }
0x455: {  	[sflag:s16] =	ssyncset.done $0x0  }
0x456: {  	[sflag:s16] =	ssyncadd.s32 $0xFFFFEC00  }
0x457: {  	_ =	swait.ge [sflag:s17], $0x1400  }
0x458: {  	[sflag:s17] =	ssyncset.done $0x0  }
0x459: {  	s22 =	simm.s32 $0x3F0;
	[sflag:s17] =	ssyncadd.s32 $0xFFFFEC00  }
0x45a: {  	v0 =	vld [tilespmem:s22+$0x61E0]  }
0x45b: {  	v1 =	vld [tilespmem:s22+$0x4DE0]  }
0x45c: {  	v2 =	vld [tilespmem:s22+$0x6210]  }
0x45d: {  	v3 =	vld [tilespmem:s22+$0x4E10]  }
0x45e: {  	v4 =	vld [tilespmem:s22+$0x61A0]  }
0x45f: {  	v5 =	vld [tilespmem:s22+$0x4DA0]  }
0x460: {  	v6 =	vld [tilespmem:s22+$0x6160]  }
0x461: {  	v7 =	vld [tilespmem:s22+$0x4D60]  }
0x462: {  	v8 =	vld [tilespmem:s22+$0x61D0]  }
0x463: {  	v9 =	vld [tilespmem:s22+$0x4DD0]  }
0x464: {  	v10 =	vld [tilespmem:s22+$0x6200]  }
0x465: {  	v11 =	vld [tilespmem:s22+$0x4E00]  }
0x466: {  	v12 =	vld [tilespmem:s22+$0x6120]  }
0x467: {  	v13 =	vld [tilespmem:s22+$0x4D20]  }
0x468: {  	v14 =	vld [tilespmem:s22+$0x6190]  }
0x469: {  	v15 =	vld [tilespmem:s22+$0x4D90]  }
0x46a: {  	v16 =	vld [tilespmem:s22+$0x60E0]  }
0x46b: {  	v17 =	vld [tilespmem:s22+$0x4CE0]  }
0x46c: {  	v18 =	vld [tilespmem:s22+$0x6150]  }
0x46d: {  	v19 =	vld [tilespmem:s22+$0x4D50]  }
0x46e: {  	v20 =	vld [tilespmem:s22+$0x61C0]  }
0x46f: {  	v22 =	vld [tilespmem:s22+$0x4DC0]  }
0x470: {  	v23 =	vld [tilespmem:s22+$0x61F0]  }
0x471: {  	v24 =	vld [tilespmem:s22+$0x4DF0]  }
0x472: {  	v25 =	vld [tilespmem:s22+$0x60A0]  }
0x473: {  	v26 =	vld [tilespmem:s22+$0x4CA0]  }
0x474: {  	v27 =	vld [tilespmem:s22+$0x6110]  }
0x475: {  	v28 =	vld [tilespmem:s22+$0x4D10]  }
0x476: {  	v29 =	vld [tilespmem:s22+$0x6180]  }
0x477: {  	v30 =	vld [tilespmem:s22+$0x4D80]  }
0x478: {  	v31 =	vld [tilespmem:s22+$0x6060]  }
0x479: {  	v32 =	vld [tilespmem:s22+$0x4C60]  }
0x47a: {  	v33 =	vld [tilespmem:s22+$0x60D0]  }
0x47b: {  	v34 =	vld [tilespmem:s22+$0x4CD0]  }
0x47c: {  	v35 =	vld [tilespmem:s22+$0x6140]  }
0x47d: {  	v36 =	vld [tilespmem:s22+$0x4D40]  }
0x47e: {  	v21 =	vld [tilespmem:s22+$0x61B0]  }
0x47f: {  	v37 =	vld [tilespmem:s22+$0x4DB0]  }
0x480: {  	v38 =	vld [tilespmem:s22+$0x6020]  }
0x481: {  	v39 =	vld [tilespmem:s22+$0x4C20]  }
0x482: {  	v40 =	vld [tilespmem:s22+$0x6090]  }
0x483: {  	v41 =	vld [tilespmem:s22+$0x4C90]  }
0x484: {  	v42 =	vld [tilespmem:s22+$0x6100]  }
0x485: {  	v43 =	vld [tilespmem:s22+$0x4D00]  }
0x486: {  	v44 =	vld [tilespmem:s22+$0x6170]  }
0x487: {  	v45 =	vld [tilespmem:s22+$0x4D70]  }
0x488: {  	v46 =	vld [tilespmem:s22+$0x5FE0]  }
0x489: {  	v47 =	vld [tilespmem:s22+$0x4BE0]  }
0x48a: {  	v48 =	vld [tilespmem:s22+$0x6050]  }
0x48b: {  	v49 =	vld [tilespmem:s22+$0x4C50];
	v1 =	vmul.bf16 v0, v1  }
0x48c: {  	v50 =	vld [tilespmem:s22+$0x60C0];
	v6 =	vmul.bf16 v6, v7;
	v0 =	vmul.bf16 v4, v5  }
0x48d: {  	v52 =	vld [tilespmem:s22+$0x4CC0];
	v5 =	vmul.bf16 v12, v13;
	v7 =	vmul.bf16 v18, v19  }
0x48e: {  	v54 =	vld [tilespmem:s22+$0x6130];
	v13 =	vmul.bf16 v20, v22;
	v40 =	vmul.bf16 v40, v41  }
0x48f: {  	v57 =	vld [tilespmem:s22+$0x4BA0];
	v51 =	vunpack.i.u.bf16.f32 v1;
	v53 =	vunpack.i.l.bf16.f32 v1;
	v1 =	vmul.bf16 v2, v3  }
0x490: {  	v19 =	vld [tilespmem:s22+$0x6080];
	v55 =	vunpack.i.u.bf16.f32 v6;
	v3 =	vmul.bf16 v8, v9;
	v2 =	vmul.bf16 v10, v11  }
0x491: {  	v22 =	vld [tilespmem:s22+$0x4C80];
	v56 =	vunpack.i.l.bf16.f32 v6;
	v6 =	vmul.bf16 v21, v37;
	v21 =	vunpack.i.u.bf16.f32 v5  }
0x492: {  	v59 =	vld [tilespmem:s22+$0x6010];
	v58 =	vunpack.i.l.bf16.f32 v5;
	v20 =	vunpack.i.l.bf16.f32 v7;
	v12 =	vunpack.i.u.bf16.f32 v3  }
0x493: {  	v60 =	vld [tilespmem:s22+$0x4B60];
	v8 =	vunpack.i.l.bf16.f32 v3;
	v4 =	vunpack.i.l.bf16.f32 v2;
	v5 =	vunpack.i.l.bf16.f32 v6  }
0x494: {  	v37 =	vld [tilespmem:s22+$0x5FA0];
	v3 =	vmul.bf16 v14, v15;
	v10 =	vunpack.i.u.bf16.f32 v6;
	v9 =	vadd.f32 $0.0e+00, v5  }
0x495: {  	v11 =	vld [tilespmem:s22+$0x4D30];
	v14 =	vmul.bf16 v23, v24;
	v15 =	vunpack.i.u.bf16.f32 v7;
	v24 =	vmul.bf16 v27, v28  }
0x496: {  	v62 =	vld [tilespmem:s22+$0x4BD0];
	v5 =	vmul.bf16 v16, v17;
	v19 =	vmul.bf16 v19, v22;
	v9 =	vadd.f32 v9, v10  }
0x497: {  	v18 =	vld [tilespmem:s22+$0x4C10];
	v16 =	vunpack.i.l.bf16.f32 v14;
	v14 =	vunpack.i.u.bf16.f32 v14;
	v10 =	vunpack.i.l.bf16.f32 v13  }
0x498: {  	v41 =	vld [tilespmem:s22+$0x4B20];
	v61 =	vunpack.i.u.bf16.f32 v24;
	v7 =	vadd.f32 v10, v9;
	v9 =	vadd.f32 $0.0e+00, v16  }
0x499: {  	v17 =	vld [tilespmem:s22+$0x60F0];
	v13 =	vunpack.i.u.bf16.f32 v13;
	v37 =	vmul.bf16 v37, v57;
	v10 =	vmul.bf16 v25, v26  }
0x49a: {  	v57 =	vld [tilespmem:s22+$0x5E60];
	v26 =	vmul.bf16 v54, v11;
	v13 =	vadd.f32 v7, v13;
	v7 =	vadd.f32 v9, v14  }
0x49b: {  	v16 =	vld [tilespmem:s22+$0x4CF0];
	v27 =	vunpack.i.u.bf16.f32 v10;
	v23 =	vunpack.i.l.bf16.f32 v10;
	v9 =	vmul.bf16 v29, v30  }
0x49c: {  	v25 =	vld [tilespmem:s22+$0x5F60];
	v30 =	vunpack.i.l.bf16.f32 v24;
	v14 =	vmul.bf16 v31, v32;
	v13 =	vadd.f32 v8, v13  }
0x49d: {  	v29 =	vld [tilespmem:s22+$0x5FD0];
	v8 =	vunpack.i.u.bf16.f32 v9;
	v10 =	vunpack.i.l.bf16.f32 v9;
	v9 =	vmul.bf16 v33, v34  }
0x49e: {  	v31 =	vld [tilespmem:s22+$0x6040];
	v24 =	vunpack.i.u.bf16.f32 v14;
	v28 =	vunpack.i.l.bf16.f32 v14;
	v14 =	vunpack.i.l.bf16.f32 v26  }
0x49f: {  	v32 =	vld [tilespmem:s22+$0x4C40];
	v26 =	vunpack.i.u.bf16.f32 v26;
	v33 =	vmul.bf16 v44, v45;
	v4 =	vadd.f32 v4, v7  }
0x4a0: {  	v34 =	vld [tilespmem:s22+$0x60B0];
	v63 =	vadd.f32 $0.0e+00, v14;
	v16 =	vmul.bf16 v17, v16;
	v12 =	vadd.f32 v13, v12  }
0x4a1: {  	v44 =	vld [tilespmem:s22+$0x6000];
	v13 =	vmul.bf16 v35, v36;
	v11 =	vunpack.i.l.bf16.f32 v9;
	v45 =	vunpack.i.l.bf16.f32 v33  }
0x4a2: {  	v35 =	vld [tilespmem:s22+$0x4CB0];
	v17 =	vadd.f32 v63, v26;
	v26 =	vmul.bf16 v42, v43;
	v54 =	vunpack.i.l.bf16.f32 v16  }
0x4a3: {  	v16 =	vunpack.i.u.bf16.f32 v16;
	v63 =	vmul.bf16 v46, v47;
	v46 =	vld [tilespmem:s22+$0x6070];
	v29 =	vmul.bf16 v29, v62  }
0x4a4: {  	v47 =	vld [tilespmem:s22+$0x4C70];
	v12 =	vadd.f32 v53, v12;
	v36 =	vunpack.i.u.bf16.f32 v13;
	v13 =	vunpack.i.l.bf16.f32 v13  }
0x4a5: {  	v42 =	vld [tilespmem:s22+$0x4B90];
	v13 =	vadd.f32 v13, v17;
	v17 =	vadd.f32 $0.0e+00, v54;
	v43 =	vunpack.i.u.bf16.f32 v26  }
0x4a6: {  	v53 =	vld [tilespmem:s22+$0x5F20];
	v54 =	vunpack.i.l.bf16.f32 v26;
	v26 =	vunpack.i.u.bf16.f32 v63;
	v62 =	vunpack.i.u.bf16.f32 v29  }
0x4a7: {  	v14 =	vadd.f32 v12, v51;
	v12 =	vmul.bf16 v38, v39;
	v38 =	vld [tilespmem:s22+$0x5F90];
	v39 =	vunpack.i.u.bf16.f32 v40  }
0x4a8: {  	v40 =	vunpack.i.l.bf16.f32 v40;
	v51 =	vld [tilespmem:s22+$0x4C00];
	v13 =	vadd.f32 v13, v36;
	v36 =	vadd.f32 $0.0e+00, v45  }
0x4a9: {  	v16 =	vadd.f32 v17, v16;
	v17 =	vunpack.i.u.bf16.f32 v33;
	v46 =	vmul.bf16 v46, v47;
	v47 =	vld [tilespmem:s22+$0x4BC0]  }
0x4aa: {  	v20 =	vadd.f32 v20, v13;
	v13 =	vadd.f32 v36, v17;
	v36 =	vld [tilespmem:s22+$0x5EE0];
	v17 =	vmul.bf16 v48, v49  }
0x4ab: {  	v33 =	vunpack.i.l.bf16.f32 v63;
	v63 =	vmul.bf16 v50, v52;
	v16 =	vadd.f32 v54, v16;
	v48 =	vld [tilespmem:s22+$0x4AE0]  }
0x4ac: {  	v49 =	vld [tilespmem:s22+$0x5F50];
	v41 =	vmul.bf16 v53, v41;
	v20 =	vadd.f32 v20, v15;
	v50 =	vunpack.i.u.bf16.f32 v17  }
0x4ad: {  	v54 =	vld [tilespmem:s22+$0x5FC0];
	v52 =	vunpack.i.l.bf16.f32 v17;
	v16 =	vadd.f32 v16, v43;
	v15 =	vunpack.i.u.bf16.f32 v63  }
0x4ae: {  	v53 =	vld [tilespmem:s22+$0x5FB0];
	v17 =	vunpack.i.l.bf16.f32 v63;
	v63 =	vunpack.i.l.bf16.f32 v46;
	v46 =	vunpack.i.u.bf16.f32 v46  }
0x4af: {  	v43 =	vld [tilespmem:s22+$0x4B50];
	v38 =	vmul.bf16 v38, v42;
	v10 =	vadd.f32 v10, v13;
	v20 =	vadd.f32 v56, v20  }
0x4b0: {  	v42 =	vld [tilespmem:s22+$0x4BB0];
	v45 =	vadd.f32 v30, v16;
	v16 =	vmul.bf16 v59, v18;
	v56 =	vadd.f32 $0.0e+00, v63  }
0x4b1: {  	v59 =	vunpack.i.u.bf16.f32 v19;
	v36 =	vmul.bf16 v36, v48;
	v20 =	vadd.f32 v20, v55;
	v55 =	vld [tilespmem:s22+$0x6030]  }
0x4b2: {  	v47 =	vmul.bf16 v54, v47;
	v22 =	vadd.f32 v45, v61;
	v45 =	vld [tilespmem:s22+$0x4C30];
	v46 =	vadd.f32 v56, v46  }
0x4b3: {  	v48 =	vld [tilespmem:s22+$0x5FF0];
	v56 =	vunpack.i.l.bf16.f32 v19;
	v19 =	vmul.bf16 v25, v60;
	v25 =	vmul.bf16 v31, v32  }
0x4b4: {  	v30 =	vunpack.i.u.bf16.f32 v37;
	v37 =	vunpack.i.l.bf16.f32 v37;
	v61 =	vld [tilespmem:s22+$0x5EA0];
	v22 =	vadd.f32 v58, v22  }
0x4b5: {  	v31 =	vmul.bf16 v34, v35;
	v54 =	vunpack.i.u.bf16.f32 v47;
	v58 =	vld [tilespmem:s22+$0x4A60];
	v32 =	vunpack.i.u.bf16.f32 v25  }
0x4b6: {  	v60 =	vld [tilespmem:s22+$0x4AA0];
	v25 =	vunpack.i.l.bf16.f32 v25;
	v21 =	vadd.f32 v22, v21;
	v22 =	vadd.f32 v56, v46  }
0x4b7: {  	v34 =	vunpack.i.l.bf16.f32 v31;
	v46 =	vld [tilespmem:s22+$0x5F10];
	v56 =	vunpack.i.l.bf16.f32 v29;
	v29 =	vmul.bf16 v55, v45  }
0x4b8: {  	v31 =	vunpack.i.u.bf16.f32 v31;
	v34 =	vadd.f32 $0.0e+00, v34;
	v45 =	vld [tilespmem:s22+$0x4B10];
	v22 =	vadd.f32 v22, v59  }
0x4b9: {  	v55 =	vld [tilespmem:s22+$0x5F80];
	v63 =	vunpack.i.l.bf16.f32 v29;
	v59 =	vunpack.i.u.bf16.f32 v29;
	v29 =	vunpack.i.u.bf16.f32 v41  }
0x4ba: {  	v57 =	vmul.bf16 v57, v58;
	v35 =	vadd.f32 $0.0e+00, v63;
	v40 =	vadd.f32 v40, v22;
	v63 =	vld [tilespmem:s22+$0x4B80]  }
0x4bb: {  	v22 =	vadd.f32 v34, v31;
	v34 =	vunpack.i.l.bf16.f32 v41;
	v41 =	vmul.bf16 v53, v42;
	v42 =	vld [tilespmem:s22+$0x4BF0]  }
0x4bc: {  	v31 =	vadd.f32 v35, v59;
	v35 =	vadd.f32 v40, v39;
	v39 =	vld [tilespmem:s22+$0x5F70];
	v40 =	vunpack.i.u.bf16.f32 v38  }
0x4bd: {  	v59 =	vmul.bf16 v44, v51;
	v44 =	vld [tilespmem:s22+$0x4B70];
	v38 =	vunpack.i.l.bf16.f32 v38;
	v17 =	vadd.f32 v17, v22  }
0x4be: {  	v45 =	vmul.bf16 v46, v45;
	v31 =	vadd.f32 v25, v31;
	v35 =	vadd.f32 v23, v35  }
0x4bf: {  	v53 =	vld [tilespmem:s22+$0x5F40];
	v23 =	vunpack.i.u.bf16.f32 v59;
	v25 =	vunpack.i.l.bf16.f32 v59;
	v59 =	vunpack.i.l.bf16.f32 v41  }
0x4c0: {  	v51 =	vld [tilespmem:s22+$0x5ED0];
	v41 =	vunpack.i.u.bf16.f32 v41;
	v55 =	vmul.bf16 v55, v63;
	v42 =	vmul.bf16 v48, v42  }
0x4c1: {  	v46 =	vld [tilespmem:s22+$0x5F30];
	v48 =	vmul.bf16 v61, v60;
	v31 =	vadd.f32 v31, v32;
	v32 =	vadd.f32 v35, v27  }
0x4c2: {  	v27 =	vmul.bf16 v49, v43;
	v43 =	vld [tilespmem:s22+$0x4AD0];
	v39 =	vmul.bf16 v39, v44;
	v44 =	vadd.f32 $0.0e+00, v59  }
0x4c3: {  	v60 =	vunpack.i.u.bf16.f32 v45;
	v45 =	vunpack.i.l.bf16.f32 v45;
	v49 =	vld [tilespmem:s22+$0x4B40];
	v52 =	vadd.f32 v52, v31  }
0x4c4: {  	v59 =	vunpack.i.l.bf16.f32 v39;
	v41 =	vadd.f32 v44, v41;
	v44 =	vunpack.i.l.bf16.f32 v47;
	v47 =	vld [tilespmem:s22+$0x4A50]  }
0x4c5: {  	v35 =	vunpack.i.u.bf16.f32 v36;
	v50 =	vadd.f32 v52, v50;
	v52 =	vld [tilespmem:s22+$0x5E50];
	v58 =	vadd.f32 $0.0e+00, v59  }
0x4c6: {  	v36 =	vunpack.i.l.bf16.f32 v36;
	v39 =	vunpack.i.u.bf16.f32 v39;
	v59 =	vld [tilespmem:s22+$0x4B00];
	v41 =	vadd.f32 v44, v41  }
0x4c7: {  	v63 =	vunpack.i.l.bf16.f32 v55;
	v28 =	vadd.f32 v28, v50;
	v50 =	vld [tilespmem:s22+$0x5F00];
	v39 =	vadd.f32 v58, v39  }
0x4c8: {  	v55 =	vunpack.i.u.bf16.f32 v55;
	v31 =	vunpack.i.l.bf16.f32 v27;
	v58 =	vld [tilespmem:s22+$0x5EF0];
	v41 =	vadd.f32 v41, v54  }
0x4c9: {  	v44 =	vunpack.i.l.bf16.f32 v57;
	v43 =	vmul.bf16 v51, v43;
	v54 =	vld [tilespmem:s22+$0x4AC0];
	v39 =	vadd.f32 v63, v39  }
0x4ca: {  	v49 =	vmul.bf16 v53, v49;
	v24 =	vadd.f32 v28, v24;
	v63 =	vld [tilespmem:s22+$0x4AF0];
	v41 =	vadd.f32 v56, v41  }
0x4cb: {  	v28 =	vld [tilespmem:s22+$0x5EC0];
	v56 =	vunpack.i.l.bf16.f32 v42;
	v42 =	vunpack.i.u.bf16.f32 v42;
	v39 =	vadd.f32 v39, v55  }
0x4cc: {  	v61 =	vadd.f32 $0.0e+00, v56;
	v56 =	vld [tilespmem:s22+$0x4B30];
	v55 =	vunpack.i.u.bf16.f32 v43;
	v41 =	vadd.f32 v41, v62  }
0x4cd: {  	v43 =	vunpack.i.l.bf16.f32 v43;
	v62 =	vld [tilespmem:s22+$0x4AB0];
	v50 =	vmul.bf16 v50, v59;
	v38 =	vadd.f32 v38, v39  }
0x4ce: {  	v39 =	vadd.f32 v61, v42;
	v61 =	vld [tilespmem:s22+$0x5EB0];
	v33 =	vadd.f32 v33, v41;
	v41 =	vmul.bf16 v52, v47  }
0x4cf: {  	v52 =	vunpack.i.l.bf16.f32 v49;
	v51 =	vmul.bf16 v58, v63;
	v58 =	vld [tilespmem:s22+$0x4A40];
	v38 =	vadd.f32 v38, v40  }
0x4d0: {  	v28 =	vmul.bf16 v28, v54;
	v54 =	vunpack.i.u.bf16.f32 v50;
	v26 =	vadd.f32 v33, v26;
	v33 =	vld [tilespmem:s22+$0x5E30]  }
0x4d1: {  	v50 =	vunpack.i.l.bf16.f32 v50;
	v25 =	vadd.f32 v25, v39;
	v37 =	vadd.f32 v37, v38;
	v38 =	vld [tilespmem:s22+$0x4A30]  }
0x4d2: {  	v40 =	vld [tilespmem:s22+$0x5E40];
	v63 =	vunpack.i.l.bf16.f32 v51;
	v46 =	vmul.bf16 v46, v56;
	v47 =	vunpack.i.u.bf16.f32 v28  }
0x4d3: {  	v59 =	vld [tilespmem:s22+$0x4A70];
	v28 =	vunpack.i.l.bf16.f32 v28;
	v56 =	vadd.f32 $0.0e+00, v63;
	v42 =	vmul.bf16 v61, v62  }
0x4d4: {  	v51 =	vunpack.i.u.bf16.f32 v51;
	v61 =	vunpack.i.l.bf16.f32 v46;
	v30 =	vadd.f32 v37, v30;
	v37 =	vld [tilespmem:s22+$0x5E70]  }
0x4d5: {  	v46 =	vunpack.i.u.bf16.f32 v46;
	v51 =	vadd.f32 v56, v51;
	v62 =	vunpack.i.l.bf16.f32 v42  }
0x4d6: {  	v56 =	vadd.f32 $0.0e+00, v61;
	v61 =	vadd.f32 $0.0e+00, v62;
	v33 =	vmul.bf16 v33, v38  }
0x4d7: {  	v42 =	vunpack.i.u.bf16.f32 v42;
	v40 =	vmul.bf16 v40, v58;
	v62 =	vld [tilespmem:s22+$0x4A80];
	v50 =	vadd.f32 v50, v51  }
0x4d8: {  	v46 =	vadd.f32 v56, v46;
	v38 =	vld [tilespmem:s22+$0x5E80];
	v42 =	vadd.f32 v61, v42;
	v56 =	vunpack.i.l.bf16.f32 v33  }
0x4d9: {  	v50 =	vadd.f32 v50, v54;
	v37 =	vmul.bf16 v37, v59;
	v51 =	vadd.f32 $0.0e+00, v56  }
0x4da: {  	v54 =	vunpack.i.l.bf16.f32 v40;
	v33 =	vunpack.i.u.bf16.f32 v33;
	v28 =	vadd.f32 v28, v42  }
0x4db: {  	v63 =	vld [tilespmem:s22+$0x4A90];
	v45 =	vadd.f32 v45, v50;
	v61 =	vunpack.i.l.bf16.f32 v37;
	v33 =	vadd.f32 v51, v33  }
0x4dc: {  	v56 =	vld [tilespmem:s22+$0x5E90];
	v37 =	vunpack.i.u.bf16.f32 v37;
	v42 =	vadd.f32 $0.0e+00, v61;
	v28 =	vadd.f32 v28, v47  }
0x4dd: {  	v38 =	vmul.bf16 v38, v62;
	v45 =	vadd.f32 v45, v60;
	v33 =	vadd.f32 v54, v33  }
0x4de: {  	v40 =	vunpack.i.u.bf16.f32 v40;
	v37 =	vadd.f32 v42, v37;
	v28 =	vadd.f32 v43, v28  }
0x4df: {  	v60 =	vadd.f32 v52, v46;
	v54 =	vunpack.i.l.bf16.f32 v38;
	v33 =	vadd.f32 v33, v40  }
0x4e0: {  	v53 =	vunpack.i.l.bf16.f32 v41;
	v37 =	vadd.f32 v54, v37;
	v28 =	vadd.f32 v28, v55  }
0x4e1: {  	v38 =	vunpack.i.u.bf16.f32 v38;
	v58 =	vmul.bf16 v56, v63;
	v33 =	vadd.f32 v53, v33  }
0x4e2: {  	(xrf2) =	vadd.scan.msk.f32 $0xffff, v14;
	v14 =	vunpack.i.u.bf16.f32 v41;
	v59 =	vadd.f32 v37, v38;
	v28 =	vadd.f32 v36, v28  }
0x4e3: {  	(xrf2) =	vadd.scan.msk.f32 $0xffff, v20;
	v34 =	vadd.f32 v34, v45;
	v20 =	vunpack.i.l.bf16.f32 v58;
	v14 =	vadd.f32 v33, v14  }
0x4e4: {  	(xrf2) =	vadd.scan.msk.f32 $0xffff, v21;
	v20 =	vadd.f32 v20, v59;
	v21 =	vadd.f32 v28, v35;
	v28 =	vunpack.i.u.bf16.f32 v49  }
0x4e5: {  	(xrf2) =	vadd.scan.msk.f32 $0xffff, v32;
	v61 =	vunpack.i.u.bf16.f32 v58;
	v28 =	vadd.f32 v60, v28;
	v14 =	vadd.f32 v44, v14  }
0x4e6: {  	(xrf2) =	vadd.scan.msk.f32 $0xffff, v24;
	v24 =	vunpack.i.u.bf16.f32 v57;
	v29 =	vadd.f32 v34, v29;
	v20 =	vadd.f32 v20, v61  }
0x4e7: {  	(xrf2) =	vadd.scan.msk.f32 $0xffff, v26;
	v26 =	vadd.f32 v31, v28;
	v14 =	vadd.f32 v14, v24;
	v24 =	vunpack.i.l.bf16.f32 v48  }
0x4e8: {  	v23 =	vadd.f32 v25, v23;
	(xrf2) =	vadd.scan.msk.f32 $0xffff, v30;
	v20 =	vadd.f32 v24, v20;
	v24 =	vunpack.i.u.bf16.f32 v27  }
0x4e9: {  	v18 =	vunpack.i.l.bf16.f32 v16;
	v15 =	vadd.f32 v17, v15;
	(xrf2) =	vadd.scan.msk.f32 $0xffff, v29;
	v24 =	vadd.f32 v26, v24  }
0x4ea: {  	v25 =	vunpack.i.u.bf16.f32 v48;
	v18 =	vadd.f32 v18, v23;
	(xrf2) =	vadd.scan.msk.f32 $0xffff, v21;
	v21 =	vunpack.i.l.bf16.f32 v19  }
0x4eb: {  	v16 =	vunpack.i.u.bf16.f32 v16;
	(xrf2) =	vadd.scan.msk.f32 $0xffff, v14;
	v20 =	vadd.f32 v20, v25;
	v14 =	vadd.f32 v21, v24  }
0x4ec: {  	v11 =	vadd.f32 v11, v15;
	v16 =	vadd.f32 v18, v16;
	v19 =	vunpack.i.u.bf16.f32 v19  }
0x4ed: {  	v9 =	vunpack.i.u.bf16.f32 v9;
	v17, _, _ =	vpop (xrf2);
	v18 =	vunpack.i.l.bf16.f32 v12;
	(xrf2) =	vadd.scan.msk.f32 $0xffff, v20;
	v14 =	vadd.f32 v14, v19  }
0x4ee: {  	v2 =	vunpack.i.u.bf16.f32 v2;
	v13, _, _ =	vpop (xrf2);
	v9 =	vadd.f32 v11, v9;
	v16 =	vadd.f32 v18, v16  }
0x4ef: {  	v6 =	vunpack.i.l.bf16.f32 v3;
	v8 =	vadd.f32 v10, v8;
	v15, _, _ =	vpop (xrf2);
	(xrf2) =	vadd.scan.msk.f32 $0xffff, v14;
	v14 =	vunpack.i.l.bf16.f32 v5  }
0x4f0: {  	v2 =	vadd.f32 v4, v2;
	v10, _, _ =	vpop (xrf2);
	v12 =	vunpack.i.u.bf16.f32 v12;
	v9 =	vadd.f32 v14, v9  }
0x4f1: {  	v7 =	vld [tilespmem:s22+$0x6220];
	v6 =	vadd.f32 v6, v8;
	v11, _, _ =	vpop (xrf2);
	v12 =	vadd.f32 v16, v12;
	v5 =	vunpack.i.u.bf16.f32 v5  }
0x4f2: {  	v3 =	vunpack.i.u.bf16.f32 v3;
	v8 =	vld [tilespmem:s22+$0x4E20];
	v16, _, _ =	vpop (xrf2);
	v5 =	vadd.f32 v9, v5;
	v9 =	vunpack.i.l.bf16.f32 v1  }
0x4f3: {  	v3 =	vadd.f32 v6, v3;
	v6 =	vunpack.i.l.bf16.f32 v0;
	v14, _, _ =	vpop (xrf2);
	v2 =	vadd.f32 v9, v2  }
0x4f4: {  	v4, _, _ =	vpop (xrf2)  }
0x4f5: {  	(xrf2) =	vadd.scan.msk.f32 $0xffff, v12;
	v12, _, _ =	vpop (xrf2)  }
0x4f6: {  	v3 =	vadd.f32 v6, v3;
	v1 =	vunpack.i.u.bf16.f32 v1;
	v6, _, _ =	vpop (xrf2)  }
0x4f7: {  	v0 =	vunpack.i.u.bf16.f32 v0;
	v7 =	vmul.bf16 v7, v8;
	v1 =	vadd.f32 v2, v1;
	v2, _, _ =	vpop (xrf2)  }
0x4f8: {  	v0 =	vadd.f32 v3, v0;
	(xrf2) =	vadd.scan.msk.f32 $0xffff, v5;
	v3 =	vbroadcast v6, $0xF;
	v2 =	vbroadcast v2, $0xF;
	_ =	sdelay $0x1  }
0x4f9: {  	v5 =	vunpack.i.l.bf16.f32 v7;
	(xrf2) =	vadd.scan.msk.f32 $0xffff, v0;
	v0 =	vsel vm0, v3, v2;
	v2 =	vbroadcast v4, $0xF;
	v4, _, _ =	vpop (xrf2)  }
0x4fa: {  	v6 =	vbroadcast v12, $0xF;
	v1 =	vadd.f32 v5, v1;
	v4 =	vbroadcast v4, $0xF  }
0x4fb: {  	v3 =	vunpack.i.u.bf16.f32 v7  }
0x4fc: {  	v0 =	vsel vm1, v0, v6;
	v1 =	vadd.f32 v1, v3  }
0x4fd: {  	v3 =	vbroadcast v16, $0xF;
	v0 =	vsel vm2, v0, v2;
	v2 =	vbroadcast v14, $0xF  }
0x4fe: {  	v0 =	vsel vm3, v0, v4;
	v4, _, _ =	vpop (xrf2)  }
0x4ff: {  	(xrf2) =	vadd.scan.msk.f32 $0xffff, v1;
	v0 =	vsel vm4, v0, v2;
	v1 =	vbroadcast v4, $0xF  }
0x500: {  	v2 =	vbroadcast v11, $0xF;
	v0 =	vsel vm5, v0, v3  }
0x501: {  	v3, _, _ =	vpop (xrf2);
	v0 =	vsel vm6, v0, v1;
	v1 =	vbroadcast v10, $0xF  }
0x502: {  	v0 =	vsel vm7, v0, v2;
	v2 =	vbroadcast v3, $0xF  }
0x503: {  	v0 =	vsel vm8, v0, v1;
	v1 =	vbroadcast v15, $0xF  }
0x504: {  	v3, _, _ =	vpop (xrf2);
	v0 =	vsel vm9, v0, v2  }
0x505: {  	v2 =	vbroadcast v13, $0xF;
	v0 =	vsel vm10, v0, v1;
	v1 =	vbroadcast v3, $0xF;
	_ =	sdelay $0x1  }
0x506: {  	v0 =	vsel vm11, v0, v2;
	v2 =	vbroadcast v17, $0xF  }
0x507: {  	v0 =	vsel vm12, v0, v1  }
0x508: {  	v0 =	vsel vm13, v0, v2;
	v1, _, _ =	vpop (xrf2)  }
0x509: {  	s22 =	simm.s32 $0xC4E0;
	v0 =	vsel vm14, v0, v1  }
0x50a: {  	s23 =	simm.s32 $0x7F0;
	[tilespmem:s22+$0x0] =	vst v0  }
0x50b: {  	v0 =	vld [tilespmem:s23+$0x61E0]  }
0x50c: {  	v1 =	vld [tilespmem:s23+$0x4DE0]  }
0x50d: {  	v2 =	vld [tilespmem:s23+$0x6210]  }
0x50e: {  	v3 =	vld [tilespmem:s23+$0x4E10]  }
0x50f: {  	v4 =	vld [tilespmem:s23+$0x61A0]  }
0x510: {  	v5 =	vld [tilespmem:s23+$0x4DA0]  }
0x511: {  	v6 =	vld [tilespmem:s23+$0x6160]  }
0x512: {  	v7 =	vld [tilespmem:s23+$0x4D60]  }
0x513: {  	v8 =	vld [tilespmem:s23+$0x61D0]  }
0x514: {  	v9 =	vld [tilespmem:s23+$0x4DD0]  }
0x515: {  	v10 =	vld [tilespmem:s23+$0x6200]  }
0x516: {  	v11 =	vld [tilespmem:s23+$0x4E00]  }
0x517: {  	v12 =	vld [tilespmem:s23+$0x6120]  }
0x518: {  	v13 =	vld [tilespmem:s23+$0x4D20]  }
0x519: {  	v14 =	vld [tilespmem:s23+$0x6190]  }
0x51a: {  	v15 =	vld [tilespmem:s23+$0x4D90]  }
0x51b: {  	v16 =	vld [tilespmem:s23+$0x60E0]  }
0x51c: {  	v17 =	vld [tilespmem:s23+$0x4CE0]  }
0x51d: {  	v18 =	vld [tilespmem:s23+$0x6150]  }
0x51e: {  	v20 =	vld [tilespmem:s23+$0x4D50]  }
0x51f: {  	v21 =	vld [tilespmem:s23+$0x61C0]  }
0x520: {  	v22 =	vld [tilespmem:s23+$0x4DC0]  }
0x521: {  	v23 =	vld [tilespmem:s23+$0x61F0]  }
0x522: {  	v24 =	vld [tilespmem:s23+$0x4DF0]  }
0x523: {  	v25 =	vld [tilespmem:s23+$0x60A0]  }
0x524: {  	v26 =	vld [tilespmem:s23+$0x4CA0]  }
0x525: {  	v27 =	vld [tilespmem:s23+$0x6110]  }
0x526: {  	v28 =	vld [tilespmem:s23+$0x4D10]  }
0x527: {  	v29 =	vld [tilespmem:s23+$0x6180]  }
0x528: {  	v30 =	vld [tilespmem:s23+$0x4D80]  }
0x529: {  	v31 =	vld [tilespmem:s23+$0x6060]  }
0x52a: {  	v32 =	vld [tilespmem:s23+$0x4C60]  }
0x52b: {  	v33 =	vld [tilespmem:s23+$0x60D0]  }
0x52c: {  	v34 =	vld [tilespmem:s23+$0x4CD0]  }
0x52d: {  	v35 =	vld [tilespmem:s23+$0x6140]  }
0x52e: {  	v36 =	vld [tilespmem:s23+$0x4D40]  }
0x52f: {  	v19 =	vld [tilespmem:s23+$0x61B0]  }
0x530: {  	v62 =	vld [tilespmem:s23+$0x4DB0]  }
0x531: {  	v38 =	vld [tilespmem:s23+$0x6020]  }
0x532: {  	v39 =	vld [tilespmem:s23+$0x4C20]  }
0x533: {  	v40 =	vld [tilespmem:s23+$0x6090]  }
0x534: {  	v41 =	vld [tilespmem:s23+$0x4C90]  }
0x535: {  	v42 =	vld [tilespmem:s23+$0x6100]  }
0x536: {  	v43 =	vld [tilespmem:s23+$0x4D00]  }
0x537: {  	v44 =	vld [tilespmem:s23+$0x6170]  }
0x538: {  	v45 =	vld [tilespmem:s23+$0x4D70]  }
0x539: {  	v46 =	vld [tilespmem:s23+$0x5FE0]  }
0x53a: {  	v47 =	vld [tilespmem:s23+$0x4BE0]  }
0x53b: {  	v48 =	vld [tilespmem:s23+$0x6050]  }
0x53c: {  	v49 =	vld [tilespmem:s23+$0x4C50];
	v1 =	vmul.bf16 v0, v1;
	v6 =	vmul.bf16 v6, v7  }
0x53d: {  	v50 =	vld [tilespmem:s23+$0x60C0];
	v0 =	vmul.bf16 v4, v5;
	v5 =	vmul.bf16 v12, v13  }
0x53e: {  	v52 =	vld [tilespmem:s23+$0x4CC0];
	v7 =	vmul.bf16 v18, v20;
	v13 =	vmul.bf16 v21, v22  }
0x53f: {  	v54 =	vld [tilespmem:s23+$0x6130];
	v40 =	vmul.bf16 v40, v41;
	v51 =	vunpack.i.u.bf16.f32 v1;
	v53 =	vunpack.i.l.bf16.f32 v1  }
0x540: {  	v60 =	vld [tilespmem:s23+$0x6010];
	v1 =	vmul.bf16 v2, v3;
	v55 =	vunpack.i.u.bf16.f32 v6;
	v3 =	vmul.bf16 v8, v9  }
0x541: {  	v18 =	vld [tilespmem:s23+$0x6080];
	v2 =	vmul.bf16 v10, v11;
	v56 =	vunpack.i.l.bf16.f32 v6;
	v6 =	vmul.bf16 v19, v62  }
0x542: {  	v21 =	vld [tilespmem:s23+$0x60F0];
	v19 =	vunpack.i.u.bf16.f32 v5;
	v59 =	vunpack.i.l.bf16.f32 v5;
	v12 =	vunpack.i.u.bf16.f32 v3  }
0x543: {  	v11 =	vld [tilespmem:s23+$0x4D30];
	v8 =	vunpack.i.l.bf16.f32 v3;
	v3 =	vunpack.i.l.bf16.f32 v2;
	v5 =	vunpack.i.l.bf16.f32 v6  }
0x544: {  	v48 =	vmul.bf16 v48, v49;
	[tilespmem:$0x1FFD0] =	vst v3;
	v3 =	vmul.bf16 v14, v15;
	v9 =	vadd.f32 $0.0e+00, v5;
	v15 =	vld [tilespmem:s23+$0x4C10]  }
0x545: {  	v10 =	vunpack.i.u.bf16.f32 v6;
	v14 =	vmul.bf16 v23, v24;
	v5 =	vmul.bf16 v16, v17;
	v24 =	vld [tilespmem:s23+$0x4CF0]  }
0x546: {  	v17 =	vld [tilespmem:s23+$0x4C80];
	v16 =	vunpack.i.u.bf16.f32 v7;
	v23 =	vunpack.i.l.bf16.f32 v7;
	v9 =	vadd.f32 v9, v10  }
0x547: {  	v57 =	vld [tilespmem:s23+$0x5FA0];
	v6 =	vunpack.i.l.bf16.f32 v3;
	v10 =	vunpack.i.l.bf16.f32 v13;
	v20 =	vunpack.i.l.bf16.f32 v14  }
0x548: {  	v58 =	vld [tilespmem:s23+$0x4BA0];
	v13 =	vunpack.i.u.bf16.f32 v13;
	v63 =	vmul.bf16 v54, v11;
	v7 =	vadd.f32 v10, v9  }
0x549: {  	v61 =	vld [tilespmem:s23+$0x4BD0];
	v9 =	vadd.f32 $0.0e+00, v20;
	v10 =	vmul.bf16 v25, v26;
	v26 =	vmul.bf16 v27, v28  }
0x54a: {  	v41 =	vld [tilespmem:s23+$0x4B20];
	v14 =	vunpack.i.u.bf16.f32 v14;
	v21 =	vmul.bf16 v21, v24;
	v15 =	vmul.bf16 v60, v15  }
0x54b: {  	v49 =	vld [tilespmem:s23+$0x4AE0];
	v18 =	vmul.bf16 v18, v17;
	v13 =	vadd.f32 v7, v13;
	v7 =	vadd.f32 v9, v14  }
0x54c: {  	v54 =	vld [tilespmem:s23+$0x4C40];
	v22 =	vunpack.i.u.bf16.f32 v10;
	v20 =	vunpack.i.l.bf16.f32 v10;
	v9 =	vmul.bf16 v29, v30  }
0x54d: {  	v28 =	vld [tilespmem:s23+$0x5FD0];
	v29 =	vunpack.i.u.bf16.f32 v26;
	v26 =	vunpack.i.l.bf16.f32 v26;
	v14 =	vmul.bf16 v31, v32  }
0x54e: {  	v25 =	vld [tilespmem:s23+$0x5F60];
	v17 =	vunpack.i.l.bf16.f32 v15;
	v13 =	vadd.f32 v8, v13;
	v8 =	vunpack.i.u.bf16.f32 v9  }
0x54f: {  	v27 =	vld [tilespmem:s23+$0x4B60];
	v10 =	vunpack.i.l.bf16.f32 v9;
	v9 =	vmul.bf16 v33, v34;
	v30 =	vunpack.i.u.bf16.f32 v14  }
0x550: {  	v24 =	vld [tilespmem:s23+$0x5F90];
	v32 =	vunpack.i.l.bf16.f32 v14;
	v14 =	vunpack.i.l.bf16.f32 v63;
	v33 =	vunpack.i.u.bf16.f32 v63  }
0x551: {  	v60 =	vld [tilespmem:s23+$0x5EA0];
	v63 =	vunpack.i.l.bf16.f32 v21;
	v21 =	vunpack.i.u.bf16.f32 v21;
	v14 =	vadd.f32 $0.0e+00, v14  }
0x552: {  	v31 =	vld [tilespmem:s23+$0x6040];
	v28 =	vmul.bf16 v28, v61;
	v12 =	vadd.f32 v13, v12;
	v13 =	vmul.bf16 v35, v36  }
0x553: {  	v35 =	vld [tilespmem:s23+$0x60B0];
	v11 =	vunpack.i.l.bf16.f32 v9;
	v14 =	vadd.f32 v14, v33;
	v33 =	vunpack.i.u.bf16.f32 v40  }
0x554: {  	v36 =	vld [tilespmem:s23+$0x4CB0];
	v12 =	vadd.f32 v53, v12;
	v62 =	vunpack.i.u.bf16.f32 v13;
	v13 =	vunpack.i.l.bf16.f32 v13  }
0x555: {  	v40 =	vunpack.i.l.bf16.f32 v40;
	v53 =	vld [tilespmem:s23+$0x5F20];
	v13 =	vadd.f32 v13, v14;
	v14 =	vadd.f32 $0.0e+00, v63  }
0x556: {  	v63 =	vmul.bf16 v46, v47;
	v46 =	vld [tilespmem:s23+$0x6070];
	v4 =	vadd.f32 v12, v51;
	v12 =	vmul.bf16 v38, v39  }
0x557: {  	v61 =	vunpack.i.u.bf16.f32 v28;
	v47 =	vld [tilespmem:s23+$0x4C70];
	v38 =	vmul.bf16 v42, v43;
	v39 =	vmul.bf16 v44, v45  }
0x558: {  	v43 =	vld [tilespmem:s23+$0x4B90];
	v13 =	vadd.f32 v13, v62;
	v14 =	vadd.f32 v14, v21;
	v37 =	vunpack.i.u.bf16.f32 v63  }
0x559: {  	v45 =	vld [tilespmem:s23+$0x6000];
	v34 =	vunpack.i.u.bf16.f32 v38;
	v44 =	vunpack.i.l.bf16.f32 v39;
	v21 =	vunpack.i.u.bf16.f32 v39  }
0x55a: {  	v51 =	vld [tilespmem:s23+$0x4C00];
	v38 =	vunpack.i.l.bf16.f32 v38;
	v39 =	vunpack.i.l.bf16.f32 v63;
	v23 =	vadd.f32 v23, v13  }
0x55b: {  	v62 =	vadd.f32 $0.0e+00, v44;
	v14 =	vadd.f32 v38, v14;
	v38 =	vmul.bf16 v50, v52;
	v50 =	vld [tilespmem:s23+$0x5F50]  }
0x55c: {  	v52 =	vunpack.i.u.bf16.f32 v48;
	v44 =	vmul.bf16 v57, v58;
	v57 =	vld [tilespmem:s23+$0x5E60];
	v16 =	vadd.f32 v23, v16  }
0x55d: {  	v48 =	vunpack.i.l.bf16.f32 v48;
	v41 =	vmul.bf16 v53, v41;
	v53 =	vld [tilespmem:s23+$0x5FB0];
	v23 =	vadd.f32 v14, v34  }
0x55e: {  	v58 =	vunpack.i.u.bf16.f32 v18;
	v46 =	vmul.bf16 v46, v47;
	v47 =	vld [tilespmem:s23+$0x4BC0];
	v34 =	vadd.f32 v56, v16  }
0x55f: {  	v13 =	vadd.f32 v62, v21;
	v14 =	vunpack.i.u.bf16.f32 v38;
	v56 =	vld [tilespmem:s23+$0x5FC0];
	v23 =	vadd.f32 v26, v23  }
0x560: {  	v43 =	vmul.bf16 v24, v43;
	v63 =	vunpack.i.l.bf16.f32 v46;
	v26 =	vld [tilespmem:s23+$0x6030];
	v42 =	vadd.f32 v34, v55  }
0x561: {  	v24 =	vunpack.i.u.bf16.f32 v41;
	v23 =	vadd.f32 v23, v29;
	v29 =	vld [tilespmem:s23+$0x4C30];
	v55 =	vadd.f32 $0.0e+00, v63  }
0x562: {  	v21 =	vld [tilespmem:s23+$0x5EE0];
	v46 =	vunpack.i.u.bf16.f32 v46;
	v16 =	vunpack.i.l.bf16.f32 v38;
	v38 =	vunpack.i.u.bf16.f32 v44  }
0x563: {  	v62 =	vld [tilespmem:s23+$0x4B50];
	v44 =	vunpack.i.l.bf16.f32 v44;
	v23 =	vadd.f32 v59, v23;
	v46 =	vadd.f32 v55, v46  }
0x564: {  	v34 =	vunpack.i.l.bf16.f32 v18;
	v18 =	vmul.bf16 v25, v27;
	v27 =	vmul.bf16 v35, v36;
	v36 =	vld [tilespmem:s23+$0x5F10]  }
0x565: {  	v25 =	vmul.bf16 v31, v54;
	v55 =	vld [tilespmem:s23+$0x4B10];
	v23 =	vadd.f32 v23, v19;
	v19 =	vadd.f32 v34, v46  }
0x566: {  	v54 =	vld [tilespmem:s23+$0x4AA0];
	v47 =	vmul.bf16 v56, v47;
	v46 =	vunpack.i.l.bf16.f32 v28;
	v26 =	vmul.bf16 v26, v29  }
0x567: {  	v35 =	vld [tilespmem:s23+$0x5F80];
	v28 =	vunpack.i.u.bf16.f32 v25;
	v29 =	vunpack.i.l.bf16.f32 v27;
	v19 =	vadd.f32 v19, v58  }
0x568: {  	v63 =	vld [tilespmem:s23+$0x4B80];
	v25 =	vunpack.i.l.bf16.f32 v25;
	v29 =	vadd.f32 $0.0e+00, v29;
	v31 =	vunpack.i.l.bf16.f32 v26  }
0x569: {  	v27 =	vunpack.i.u.bf16.f32 v27;
	v58 =	vld [tilespmem:s23+$0x4BB0];
	v31 =	vadd.f32 $0.0e+00, v31;
	v40 =	vadd.f32 v40, v19  }
0x56a: {  	v59 =	vld [tilespmem:s23+$0x4A60];
	v26 =	vunpack.i.u.bf16.f32 v26;
	v36 =	vmul.bf16 v36, v55;
	v19 =	vadd.f32 v29, v27  }
0x56b: {  	v34 =	vld [tilespmem:s23+$0x4B70];
	v27 =	vadd.f32 v31, v26;
	v29 =	vadd.f32 v40, v33;
	v26 =	vunpack.i.l.bf16.f32 v41  }
0x56c: {  	v33 =	vld [tilespmem:s23+$0x5F70];
	v41 =	vunpack.i.u.bf16.f32 v43;
	v31 =	vmul.bf16 v45, v51;
	v43 =	vunpack.i.l.bf16.f32 v43  }
0x56d: {  	v45 =	vld [tilespmem:s23+$0x5FF0];
	v25 =	vadd.f32 v25, v27;
	v27 =	vadd.f32 v20, v29;
	v29 =	vmul.bf16 v21, v49  }
0x56e: {  	v51 =	vld [tilespmem:s23+$0x4BF0];
	v20 =	vunpack.i.u.bf16.f32 v31;
	v21 =	vunpack.i.l.bf16.f32 v31;
	v49 =	vmul.bf16 v53, v58  }
0x56f: {  	v56 =	vld [tilespmem:s23+$0x5F40];
	v25 =	vadd.f32 v25, v28;
	v31 =	vadd.f32 v27, v22;
	v27 =	vunpack.i.u.bf16.f32 v29  }
0x570: {  	v53 =	vld [tilespmem:s23+$0x5ED0];
	v28 =	vunpack.i.l.bf16.f32 v29;
	v22 =	vmul.bf16 v50, v62;
	v29 =	vunpack.i.l.bf16.f32 v49  }
0x571: {  	v50 =	vld [tilespmem:s23+$0x4AD0];
	v33 =	vmul.bf16 v33, v34;
	v29 =	vadd.f32 $0.0e+00, v29;
	v34 =	vunpack.i.u.bf16.f32 v49  }
0x572: {  	v58 =	vld [tilespmem:s23+$0x4B40];
	v49 =	vunpack.i.u.bf16.f32 v47;
	v47 =	vunpack.i.l.bf16.f32 v47;
	v48 =	vadd.f32 v48, v25  }
0x573: {  	v45 =	vmul.bf16 v45, v51;
	v51 =	vld [tilespmem:s23+$0x5EF0];
	v25 =	vunpack.i.l.bf16.f32 v22;
	v62 =	vunpack.i.l.bf16.f32 v33  }
0x574: {  	v40 =	vadd.f32 v29, v34;
	v34 =	vld [tilespmem:s23+$0x4A50];
	v29 =	vmul.bf16 v57, v59;
	v48 =	vadd.f32 v48, v52  }
0x575: {  	v59 =	vld [tilespmem:s23+$0x5F00];
	v33 =	vunpack.i.u.bf16.f32 v33;
	v57 =	vadd.f32 $0.0e+00, v62;
	v62 =	vmul.bf16 v35, v63  }
0x576: {  	v52 =	vld [tilespmem:s23+$0x5E50];
	v40 =	vadd.f32 v47, v40;
	v50 =	vmul.bf16 v53, v50;
	v48 =	vadd.f32 v32, v48  }
0x577: {  	v53 =	vld [tilespmem:s23+$0x4AF0];
	v32 =	vunpack.i.l.bf16.f32 v29;
	v33 =	vadd.f32 v57, v33;
	v47 =	vunpack.i.l.bf16.f32 v62  }
0x578: {  	v57 =	vld [tilespmem:s23+$0x5EC0];
	v55 =	vunpack.i.u.bf16.f32 v62;
	v40 =	vadd.f32 v40, v49;
	v35 =	vadd.f32 v48, v30  }
0x579: {  	v49 =	vld [tilespmem:s23+$0x4AC0];
	v30 =	vmul.bf16 v60, v54;
	v33 =	vadd.f32 v47, v33;
	v60 =	vunpack.i.l.bf16.f32 v45  }
0x57a: {  	v63 =	vld [tilespmem:s23+$0x4B00];
	v45 =	vunpack.i.u.bf16.f32 v45;
	v47 =	vunpack.i.l.bf16.f32 v36;
	v46 =	vadd.f32 v46, v40  }
0x57b: {  	v54 =	vld [tilespmem:s23+$0x5F30];
	v40 =	vunpack.i.u.bf16.f32 v36;
	v48 =	vadd.f32 $0.0e+00, v60;
	v33 =	vadd.f32 v33, v55  }
0x57c: {  	v36 =	vmul.bf16 v56, v58;
	v55 =	vld [tilespmem:s23+$0x4B30];
	v53 =	vmul.bf16 v51, v53;
	v46 =	vadd.f32 v46, v61  }
0x57d: {  	v61 =	vld [tilespmem:s23+$0x5EB0];
	v60 =	vadd.f32 v43, v33;
	v33 =	vadd.f32 v48, v45;
	v43 =	vunpack.i.u.bf16.f32 v50  }
0x57e: {  	(xrf2) =	vadd.scan.msk.f32 $0xffff, v4;
	v56 =	vmul.bf16 v57, v49;
	v45 =	vadd.f32 v39, v46;
	v39 =	vmul.bf16 v52, v34;
	v34 =	vld [tilespmem:s23+$0x4AB0]  }
0x57f: {  	(xrf2) =	vadd.scan.msk.f32 $0xffff, v42;
	v42 =	vld [tilespmem:s23+$0x5E70];
	v46 =	vunpack.i.l.bf16.f32 v50;
	v62 =	vadd.f32 v60, v41;
	v60 =	vmul.bf16 v59, v63  }
0x580: {  	v48 =	vld [tilespmem:s23+$0x5E40];
	v41 =	vunpack.i.l.bf16.f32 v36;
	v63 =	vunpack.i.l.bf16.f32 v53;
	v37 =	vadd.f32 v45, v37  }
0x581: {  	v50 =	vld [tilespmem:s23+$0x5E30];
	v45 =	vunpack.i.l.bf16.f32 v39;
	v54 =	vmul.bf16 v54, v55;
	v62 =	vadd.f32 v44, v62  }
0x582: {  	v52 =	vld [tilespmem:s23+$0x4A30];
	v57 =	vadd.f32 $0.0e+00, v63;
	v44 =	vunpack.i.u.bf16.f32 v60;
	v51 =	vunpack.i.l.bf16.f32 v60  }
0x583: {  	s24 =	simm.s32 $0x2FC0;
	v49 =	vld [tilespmem:s23+$0x4A40];
	v38 =	vadd.f32 v62, v38;
	v55 =	vmul.bf16 v61, v34;
	v34 =	vunpack.i.u.bf16.f32 v56  }
.LBB2_8:
0x584: {  	v58 =	vld [tilespmem:s23+$0x4A70];
	v56 =	vunpack.i.l.bf16.f32 v56;
	v53 =	vunpack.i.u.bf16.f32 v53;
	v21 =	vadd.f32 v21, v33  }
0x585: {  	(xrf2) =	vadd.scan.msk.f32 $0xffff, v23;
	v59 =	vunpack.i.l.bf16.f32 v54;
	v23 =	vunpack.i.l.bf16.f32 v55;
	v53 =	vadd.f32 v57, v53  }
0x586: {  	v61 =	vunpack.i.u.bf16.f32 v54;
	v60 =	vadd.f32 $0.0e+00, v59;
	v4 =	vadd.f32 $0.0e+00, v23  }
0x587: {  	v62 =	vunpack.i.u.bf16.f32 v55;
	v57 =	vld [tilespmem:s23+$0x5E90];
	v51 =	vadd.f32 v51, v53;
	v50 =	vmul.bf16 v50, v52  }
0x588: {  	v59 =	vld [tilespmem:s23+$0x4A80];
	v53 =	vadd.f32 v60, v61;
	v48 =	vmul.bf16 v48, v49;
	v63 =	vadd.f32 v4, v62  }
0x589: {  	(xrf2) =	vadd.scan.msk.f32 $0xffff, v31;
	v52 =	vld [tilespmem:s23+$0x5E80];
	v42 =	vmul.bf16 v42, v58;
	v44 =	vadd.f32 v51, v44;
	v31 =	vunpack.i.l.bf16.f32 v50  }
0x58a: {  	v61 =	vld [tilespmem:s23+$0x4A90];
	v50 =	vunpack.i.u.bf16.f32 v50;
	v49 =	vadd.f32 v56, v63;
	v4 =	vadd.f32 $0.0e+00, v31  }
0x58b: {  	v51 =	vunpack.i.l.bf16.f32 v48;
	v48 =	vunpack.i.u.bf16.f32 v48;
	v44 =	vadd.f32 v47, v44  }
0x58c: {  	v60 =	vunpack.i.l.bf16.f32 v42;
	v58 =	vadd.f32 v4, v50;
	v4 =	vadd.f32 v49, v34  }
0x58d: {  	v42 =	vunpack.i.u.bf16.f32 v42;
	v62 =	vadd.f32 $0.0e+00, v60;
	v60 =	vadd.f32 v41, v53  }
0x58e: {  	v23, _, _ =	vpop (xrf2);
	(xrf2) =	vadd.scan.msk.f32 $0xffff, v35;
	v63 =	vmul.bf16 v52, v59;
	v35 =	vadd.f32 v51, v58;
	v49 =	vadd.f32 v46, v4  }
0x58f: {  	v40 =	vadd.f32 v44, v40;
	v56 =	vmul.bf16 v57, v61;
	v42 =	vadd.f32 v62, v42  }
0x590: {  	v52 =	vunpack.i.l.bf16.f32 v63;
	v35 =	vadd.f32 v35, v48;
	v57 =	vadd.f32 v49, v43  }
0x591: {  	v39 =	vunpack.i.u.bf16.f32 v39;
	v31, _, _ =	vpop (xrf2);
	(xrf2) =	vadd.scan.msk.f32 $0xffff, v37;
	v26 =	vadd.f32 v26, v40;
	v37 =	vadd.f32 v52, v42  }
0x592: {  	v58 =	vunpack.i.u.bf16.f32 v63;
	v35 =	vadd.f32 v45, v35;
	v28 =	vadd.f32 v28, v57  }
0x593: {  	v51, _, _ =	vpop (xrf2);
	(xrf2) =	vadd.scan.msk.f32 $0xffff, v38;
	v59 =	vunpack.i.l.bf16.f32 v56;
	v26 =	vadd.f32 v26, v24;
	v37 =	vadd.f32 v37, v58  }
0x594: {  	v35 =	vadd.f32 v35, v39;
	v27 =	vadd.f32 v28, v27;
	v28 =	vunpack.i.u.bf16.f32 v36  }
0x595: {  	v29 =	vunpack.i.u.bf16.f32 v29;
	v24, _, _ =	vpop (xrf2);
	(xrf2) =	vadd.scan.msk.f32 $0xffff, v26;
	v26 =	vadd.f32 v59, v37;
	v4 =	vadd.f32 v60, v28  }
0x596: {  	v16 =	vadd.f32 v16, v19;
	v62 =	vunpack.i.u.bf16.f32 v56;
	v32 =	vadd.f32 v32, v35  }
0x597: {  	v22 =	vunpack.i.u.bf16.f32 v22;
	v26 =	vadd.f32 v26, v62;
	v25 =	vadd.f32 v25, v4  }
0x598: {  	v61, _, _ =	vpop (xrf2);
	(xrf2) =	vadd.scan.msk.f32 $0xffff, v27;
	v4 =	vadd.f32 v21, v20;
	v27 =	vadd.f32 v32, v29;
	v29 =	vunpack.i.l.bf16.f32 v30  }
0x599: {  	v26 =	vadd.f32 v29, v26;
	v22 =	vadd.f32 v25, v22  }
0x59a: {  	v21 =	vunpack.i.u.bf16.f32 v30;
	v17 =	vadd.f32 v17, v4;
	v4 =	vadd.f32 v16, v14  }
0x59b: {  	v10 =	vadd.f32 v10, v13;
	v19 =	vadd.f32 v26, v21;
	v21 =	vunpack.i.l.bf16.f32 v18  }
0x59c: {  	v15 =	vunpack.i.u.bf16.f32 v15;
	v28, _, _ =	vpop (xrf2);
	(xrf2) =	vadd.scan.msk.f32 $0xffff, v27;
	v11 =	vadd.f32 v11, v4;
	v4 =	vld [tilespmem:$0x1FFD0];
	v21 =	vadd.f32 v21, v22  }
0x59d: {  	v20, _, _ =	vpop (xrf2);
	v16 =	vunpack.i.u.bf16.f32 v18;
	v15 =	vadd.f32 v17, v15;
	(xrf2) =	vadd.scan.msk.f32 $0xffff, v19  }
0x59e: {  	v8 =	vadd.f32 v10, v8;
	v13 =	vadd.f32 v21, v16;
	v16 =	vunpack.i.l.bf16.f32 v12  }
0x59f: {  	v9 =	vunpack.i.u.bf16.f32 v9;
	v15 =	vadd.f32 v16, v15  }
0x5a0: {  	v10 =	vunpack.i.u.bf16.f32 v12;
	v6 =	vadd.f32 v6, v8;
	v8 =	vld [tilespmem:s23+$0x4E20];
	v14, _, _ =	vpop (xrf2);
	v9 =	vadd.f32 v11, v9;
	(xrf2) =	vadd.scan.msk.f32 $0xffff, v13  }
0x5a1: {  	v11 =	vunpack.i.l.bf16.f32 v5;
	v4 =	vadd.f32 v4, v7;
	v7 =	vld [tilespmem:s23+$0x6220];
	v10 =	vadd.f32 v15, v10  }
0x5a2: {  	v3 =	vunpack.i.u.bf16.f32 v3;
	v2 =	vunpack.i.u.bf16.f32 v2;
	v11 =	vadd.f32 v11, v9  }
0x5a3: {  	v3 =	vadd.f32 v6, v3;
	v5 =	vunpack.i.u.bf16.f32 v5;
	v12, _, _ =	vpop (xrf2);
	v2 =	vadd.f32 v4, v2;
	(xrf2) =	vadd.scan.msk.f32 $0xffff, v10  }
0x5a4: {  	v6 =	vunpack.i.l.bf16.f32 v1;
	v4 =	vadd.f32 v11, v5;
	v5 =	vunpack.i.l.bf16.f32 v0  }
0x5a5: {  	v3 =	vadd.f32 v5, v3;
	v6 =	vadd.f32 v6, v2  }
0x5a6: {  	v1 =	vunpack.i.u.bf16.f32 v1;
	v0 =	vunpack.i.u.bf16.f32 v0;
	v9, _, _ =	vpop (xrf2);
	(xrf2) =	vadd.scan.msk.f32 $0xffff, v4;
	v5 =	vmul.bf16 v7, v8  }
0x5a7: {  	v0 =	vadd.f32 v3, v0;
	v1 =	vadd.f32 v6, v1;
	v2, _, _ =	vpop (xrf2)  }
0x5a8: {  	v3 =	vbroadcast v9, $0xF;
	v7 =	vunpack.i.l.bf16.f32 v5;
	v2 =	vbroadcast v2, $0xF  }
0x5a9: {  	v6 =	vbroadcast v12, $0xF;
	(xrf2) =	vadd.scan.msk.f32 $0xffff, v0;
	v1 =	vadd.f32 v7, v1  }
0x5aa: {  	v0 =	vsel vm0, v3, v2;
	v2 =	vbroadcast v14, $0xF;
	v3 =	vunpack.i.u.bf16.f32 v5;
	v4, _, _ =	vpop (xrf2)  }
0x5ab: {  	v0 =	vsel vm1, v0, v6;
	v5 =	vbroadcast v4, $0xF;
	v1 =	vadd.f32 v1, v3  }
0x5ac: {  	v0 =	vsel vm2, v0, v2;
	v2 =	vbroadcast v20, $0xF  }
0x5ad: {  	v0 =	vsel vm3, v0, v5;
	v5 =	vbroadcast v28, $0xF;
	v4, _, _ =	vpop (xrf2);
	(xrf2) =	vadd.scan.msk.f32 $0xffff, v1  }
0x5ae: {  	v0 =	vsel vm4, v0, v2;
	v1 =	vbroadcast v4, $0xF  }
0x5af: {  	v2 =	vbroadcast v61, $0xF;
	v0 =	vsel vm5, v0, v5  }
0x5b0: {  	v3, _, _ =	vpop (xrf2);
	v0 =	vsel vm6, v0, v1;
	v1 =	vbroadcast v24, $0xF  }
0x5b1: {  	v0 =	vsel vm7, v0, v2;
	v2 =	vbroadcast v3, $0xF  }
0x5b2: {  	v0 =	vsel vm8, v0, v1;
	v1 =	vbroadcast v51, $0xF  }
0x5b3: {  	v3, _, _ =	vpop (xrf2);
	v0 =	vsel vm9, v0, v2;
	v2 =	vbroadcast v31, $0xF  }
0x5b4: {  	v3 =	vbroadcast v3, $0xF;
	v0 =	vsel vm10, v0, v1  }
0x5b5: {  	v0 =	vsel vm11, v0, v2;
	v2 =	vbroadcast v23, $0xF  }
0x5b6: {  	v0 =	vsel vm12, v0, v3  }
0x5b7: {  	v0 =	vsel vm13, v0, v2;
	v1, _, _ =	vpop (xrf2)  }
0x5b8: {  	s22 =	sadd.s32 $0x10, s22;
	v0 =	vsel vm14, v0, v1  }
0x5b9: {  	s23 =	sshra.s32 s24, $0x2;
	[tilespmem:s22+$0x0] =	vst v0  }
0x5ba: {  	v0 =	vld [tilespmem:s23+$0x61E0]  }
0x5bb: {  	v1 =	vld [tilespmem:s23+$0x4DE0]  }
0x5bc: {  	v2 =	vld [tilespmem:s23+$0x6210]  }
0x5bd: {  	v3 =	vld [tilespmem:s23+$0x4E10]  }
0x5be: {  	v4 =	vld [tilespmem:s23+$0x61A0]  }
0x5bf: {  	v5 =	vld [tilespmem:s23+$0x4DA0]  }
0x5c0: {  	v6 =	vld [tilespmem:s23+$0x6160]  }
0x5c1: {  	v7 =	vld [tilespmem:s23+$0x4D60]  }
0x5c2: {  	v8 =	vld [tilespmem:s23+$0x61D0]  }
0x5c3: {  	v9 =	vld [tilespmem:s23+$0x4DD0]  }
0x5c4: {  	v10 =	vld [tilespmem:s23+$0x6200]  }
0x5c5: {  	v11 =	vld [tilespmem:s23+$0x4E00]  }
0x5c6: {  	v18 =	vld [tilespmem:s23+$0x6120]  }
0x5c7: {  	v19 =	vld [tilespmem:s23+$0x4D20]  }
0x5c8: {  	v20 =	vld [tilespmem:s23+$0x6190]  }
0x5c9: {  	v22 =	vld [tilespmem:s23+$0x4D90]  }
0x5ca: {  	v29 =	vld [tilespmem:s23+$0x60E0]  }
0x5cb: {  	v30 =	vld [tilespmem:s23+$0x4CE0]  }
0x5cc: {  	v27 =	vld [tilespmem:s23+$0x6150]  }
0x5cd: {  	v28 =	vld [tilespmem:s23+$0x4D50]  }
0x5ce: {  	v63 =	vld [tilespmem:s23+$0x61C0]  }
0x5cf: {  	v60 =	vld [tilespmem:s23+$0x4DC0]  }
0x5d0: {  	v61 =	vld [tilespmem:s23+$0x61F0]  }
0x5d1: {  	v62 =	vld [tilespmem:s23+$0x4DF0]  }
0x5d2: {  	v36 =	vld [tilespmem:s23+$0x60A0]  }
0x5d3: {  	v37 =	vld [tilespmem:s23+$0x4CA0]  }
0x5d4: {  	v38 =	vld [tilespmem:s23+$0x6110]  }
0x5d5: {  	v39 =	vld [tilespmem:s23+$0x4D10]  }
0x5d6: {  	v40 =	vld [tilespmem:s23+$0x6180]  }
0x5d7: {  	v41 =	vld [tilespmem:s23+$0x4D80]  }
0x5d8: {  	v42 =	vld [tilespmem:s23+$0x6060]  }
0x5d9: {  	v43 =	vld [tilespmem:s23+$0x4C60]  }
0x5da: {  	v44 =	vld [tilespmem:s23+$0x60D0]  }
0x5db: {  	v45 =	vld [tilespmem:s23+$0x4CD0]  }
0x5dc: {  	v46 =	vld [tilespmem:s23+$0x6140]  }
0x5dd: {  	v47 =	vld [tilespmem:s23+$0x4D40]  }
0x5de: {  	v24 =	vld [tilespmem:s23+$0x61B0]  }
0x5df: {  	v25 =	vld [tilespmem:s23+$0x4DB0]  }
0x5e0: {  	v12 =	vld [tilespmem:s23+$0x6020]  }
0x5e1: {  	v48 =	vld [tilespmem:s23+$0x4C20]  }
0x5e2: {  	v49 =	vld [tilespmem:s23+$0x6090]  }
0x5e3: {  	v50 =	vld [tilespmem:s23+$0x4C90]  }
0x5e4: {  	v51 =	vld [tilespmem:s23+$0x6100]  }
0x5e5: {  	v52 =	vld [tilespmem:s23+$0x4D00]  }
0x5e6: {  	v13 =	vld [tilespmem:s23+$0x5FE0]  }
0x5e7: {  	v26 =	vld [tilespmem:s23+$0x4BE0]  }
0x5e8: {  	v14 =	vld [tilespmem:s23+$0x6050]  }
0x5e9: {  	v16 =	vld [tilespmem:s23+$0x4C50]  }
0x5ea: {  	v15 =	vld [tilespmem:s23+$0x60C0]  }
0x5eb: {  	v21 =	vld [tilespmem:s23+$0x4CC0];
	v1 =	vmul.bf16 v0, v1  }
0x5ec: {  	v53 =	vld [tilespmem:s23+$0x6170];
	v6 =	vmul.bf16 v6, v7;
	v0 =	vmul.bf16 v4, v5  }
0x5ed: {  	v54 =	vld [tilespmem:s23+$0x4D70];
	v5 =	vmul.bf16 v18, v19;
	v7 =	vmul.bf16 v27, v28  }
0x5ee: {  	v57 =	vld [tilespmem:s23+$0x6130];
	v49 =	vmul.bf16 v49, v50;
	v12 =	vmul.bf16 v12, v48  }
0x5ef: {  	v31 =	vld [tilespmem:s23+$0x4BA0];
	v26 =	vmul.bf16 v13, v26;
	v14 =	vmul.bf16 v14, v16  }
0x5f0: {  	v33 =	vld [tilespmem:s23+$0x4C80];
	v15 =	vmul.bf16 v15, v21;
	v55 =	vunpack.i.u.bf16.f32 v1;
	v56 =	vunpack.i.l.bf16.f32 v1  }
0x5f1: {  	v59 =	vld [tilespmem:s23+$0x60F0];
	v1 =	vmul.bf16 v2, v3;
	v17 =	vunpack.i.u.bf16.f32 v6;
	v3 =	vmul.bf16 v8, v9  }
0x5f2: {  	v27 =	vld [tilespmem:s23+$0x4C10];
	v2 =	vmul.bf16 v10, v11;
	v23 =	vunpack.i.l.bf16.f32 v6;
	v6 =	vmul.bf16 v24, v25  }
0x5f3: {  	v28 =	vld [tilespmem:s23+$0x6080];
	v19 =	vunpack.i.u.bf16.f32 v5;
	v18 =	vunpack.i.l.bf16.f32 v5;
	v35 =	vunpack.i.u.bf16.f32 v7  }
0x5f4: {  	v48 =	vld [tilespmem:s23+$0x5F90];
	v50 =	vunpack.i.u.bf16.f32 v49;
	v49 =	vunpack.i.l.bf16.f32 v49;
	v58 =	vunpack.i.u.bf16.f32 v3  }
0x5f5: {  	v4 =	vld [tilespmem:s23+$0x5FC0];
	v8 =	vunpack.i.l.bf16.f32 v3;
	v3 =	vunpack.i.l.bf16.f32 v2;
	v5 =	vunpack.i.l.bf16.f32 v6  }
0x5f6: {  	v11 =	vld [tilespmem:s23+$0x4D30];
	[tilespmem:$0x1FFD0] =	vst v3;
	v3 =	vmul.bf16 v20, v22;
	v9 =	vadd.f32 $0.0e+00, v5;
	v20 =	vmul.bf16 v63, v60  }
0x5f7: {  	v25 =	vld [tilespmem:s23+$0x5FA0];
	v10 =	vunpack.i.u.bf16.f32 v6;
	v22 =	vmul.bf16 v61, v62;
	v5 =	vmul.bf16 v29, v30  }
0x5f8: {  	v24 =	vld [tilespmem:s23+$0x6010];
	v60 =	vunpack.i.l.bf16.f32 v7;
	v30 =	vmul.bf16 v38, v39;
	v9 =	vadd.f32 v9, v10  }
0x5f9: {  	v61 =	vld [tilespmem:s23+$0x4B60];
	v63 =	vmul.bf16 v42, v43;
	v6 =	vunpack.i.l.bf16.f32 v3;
	v10 =	vunpack.i.l.bf16.f32 v20  }
0x5fa: {  	v62 =	vld [tilespmem:s23+$0x4BD0];
	v29 =	vunpack.i.l.bf16.f32 v22;
	v20 =	vunpack.i.u.bf16.f32 v20;
	v7 =	vadd.f32 v10, v9  }
0x5fb: {  	v43 =	vld [tilespmem:s23+$0x6040];
	v22 =	vunpack.i.u.bf16.f32 v22;
	v9 =	vadd.f32 $0.0e+00, v29;
	v10 =	vmul.bf16 v36, v37  }
0x5fc: {  	v38 =	vunpack.i.l.bf16.f32 v30;
	v34 =	vmul.bf16 v57, v11;
	v36 =	vld [tilespmem:s23+$0x4CF0];
	v32 =	vadd.f32 v7, v20  }
0x5fd: {  	v7 =	vadd.f32 v9, v22;
	v22 =	vunpack.i.u.bf16.f32 v10;
	v9 =	vmul.bf16 v40, v41;
	v40 =	vld [tilespmem:s23+$0x5FD0]  }
0x5fe: {  	v29 =	vld [tilespmem:s23+$0x5F60];
	v20 =	vunpack.i.l.bf16.f32 v10;
	v41 =	vunpack.i.u.bf16.f32 v30;
	v30 =	vadd.f32 v8, v32  }
0x5ff: {  	v8 =	vunpack.i.u.bf16.f32 v9;
	v10 =	vunpack.i.l.bf16.f32 v9;
	v9 =	vmul.bf16 v44, v45;
	v45 =	vld [tilespmem:s23+$0x4C40]  }
0x600: {  	v25 =	vmul.bf16 v25, v31;
	v57 =	vadd.f32 v30, v58;
	v58 =	vmul.bf16 v46, v47;
	v46 =	vld [tilespmem:s23+$0x60B0]  }
0x601: {  	v32 =	vunpack.i.l.bf16.f32 v63;
	v30 =	vunpack.i.u.bf16.f32 v63;
	v63 =	vunpack.i.l.bf16.f32 v34;
	v47 =	vld [tilespmem:s23+$0x4CB0]  }
0x602: {  	v36 =	vmul.bf16 v59, v36;
	v42 =	vadd.f32 $0.0e+00, v63;
	v31 =	vmul.bf16 v40, v62;
	v40 =	vld [tilespmem:s23+$0x5EA0]  }
0x603: {  	v37 =	vadd.f32 v56, v57;
	v44 =	vunpack.i.u.bf16.f32 v58;
	v56 =	vld [tilespmem:s23+$0x5F20];
	v57 =	vunpack.i.u.bf16.f32 v34  }
0x604: {  	v39 =	vunpack.i.l.bf16.f32 v58;
	v58 =	vadd.f32 v42, v57;
	v42 =	vmul.bf16 v51, v52;
	v52 =	vld [tilespmem:s23+$0x4B90]  }
0x605: {  	v11 =	vunpack.i.l.bf16.f32 v9;
	v59 =	vunpack.i.l.bf16.f32 v36;
	v51 =	vmul.bf16 v53, v54;
	v54 =	vld [tilespmem:s23+$0x6000]  }
0x606: {  	v36 =	vunpack.i.u.bf16.f32 v36;
	v57 =	vld [tilespmem:s23+$0x6070];
	v34 =	vadd.f32 v37, v55;
	v37 =	vadd.f32 v39, v58  }
0x607: {  	v39 =	vadd.f32 $0.0e+00, v59;
	v53 =	vunpack.i.u.bf16.f32 v42;
	v63 =	vunpack.i.l.bf16.f32 v51;
	v58 =	vld [tilespmem:s23+$0x4C00]  }
0x608: {  	v55 =	vld [tilespmem:s23+$0x4B20];
	v13 =	vunpack.i.u.bf16.f32 v51;
	v37 =	vadd.f32 v37, v44;
	v44 =	vadd.f32 $0.0e+00, v63  }
0x609: {  	v51 =	vld [tilespmem:s23+$0x4C70];
	v36 =	vadd.f32 v39, v36;
	v63 =	vunpack.i.l.bf16.f32 v42;
	v39 =	vunpack.i.l.bf16.f32 v26  }
0x60a: {  	v59 =	vld [tilespmem:s23+$0x5EE0];
	v48 =	vmul.bf16 v48, v52;
	v60 =	vadd.f32 v60, v37;
	v13 =	vadd.f32 v44, v13  }
0x60b: {  	v52 =	vld [tilespmem:s23+$0x4BB0];
	v37 =	vunpack.i.u.bf16.f32 v26;
	v16 =	vadd.f32 v63, v36;
	v63 =	vunpack.i.l.bf16.f32 v14  }
0x60c: {  	v36 =	vld [tilespmem:s23+$0x4AE0];
	v44 =	vunpack.i.l.bf16.f32 v25;
	v62 =	vmul.bf16 v54, v58;
	v21 =	vadd.f32 v60, v35  }
0x60d: {  	v54 =	vld [tilespmem:s23+$0x4B70];
	v60 =	vunpack.i.u.bf16.f32 v14;
	v26 =	vadd.f32 v16, v53;
	v14 =	vunpack.i.u.bf16.f32 v15  }
0x60e: {  	v58 =	vld [tilespmem:s23+$0x5ED0];
	v16 =	vunpack.i.l.bf16.f32 v15;
	v21 =	vadd.f32 v23, v21;
	v23 =	vmul.bf16 v57, v51  }
0x60f: {  	v35 =	vld [tilespmem:s23+$0x5F50];
	v15 =	vmul.bf16 v24, v27;
	v27 =	vmul.bf16 v28, v33;
	v26 =	vadd.f32 v38, v26  }
0x610: {  	v38 =	vunpack.i.u.bf16.f32 v25;
	v25 =	vld [tilespmem:s23+$0x4C30];
	v42 =	vadd.f32 v21, v17;
	v24 =	vunpack.i.l.bf16.f32 v23  }
0x611: {  	v28 =	vunpack.i.u.bf16.f32 v27;
	v21 =	vld [tilespmem:s23+$0x6030];
	v26 =	vadd.f32 v26, v41;
	v24 =	vadd.f32 $0.0e+00, v24  }
0x612: {  	v53 =	vld [tilespmem:s23+$0x4B50];
	v27 =	vunpack.i.l.bf16.f32 v27;
	v36 =	vmul.bf16 v59, v36;
	v23 =	vunpack.i.u.bf16.f32 v23  }
0x613: {  	v33 =	vld [tilespmem:s23+$0x5E60];
	v17 =	vunpack.i.l.bf16.f32 v15;
	v26 =	vadd.f32 v18, v26;
	v24 =	vadd.f32 v24, v23  }
0x614: {  	v51 =	vld [tilespmem:s23+$0x4BC0];
	v18 =	vmul.bf16 v29, v61;
	v29 =	vmul.bf16 v43, v45;
	v45 =	vunpack.i.u.bf16.f32 v31  }
0x615: {  	v57 =	vld [tilespmem:s23+$0x4B10];
	v23 =	vadd.f32 v26, v19;
	v19 =	vadd.f32 v27, v24;
	v24 =	vmul.bf16 v46, v47  }
0x616: {  	v61 =	vld [tilespmem:s23+$0x5F80];
	v47 =	vunpack.i.l.bf16.f32 v31;
	v21 =	vmul.bf16 v21, v25;
	v25 =	vunpack.i.u.bf16.f32 v29  }
0x617: {  	v27 =	vunpack.i.l.bf16.f32 v29;
	v29 =	vmul.bf16 v56, v55;
	v55 =	vld [tilespmem:s23+$0x4B80];
	v26 =	vunpack.i.l.bf16.f32 v24  }
0x618: {  	v31 =	vld [tilespmem:s23+$0x5FB0];
	v19 =	vadd.f32 v19, v28;
	v28 =	vunpack.i.l.bf16.f32 v21;
	v26 =	vadd.f32 $0.0e+00, v26  }
0x619: {  	v59 =	vld [tilespmem:s23+$0x4B40];
	v4 =	vmul.bf16 v4, v51;
	v24 =	vunpack.i.u.bf16.f32 v24;
	v28 =	vadd.f32 $0.0e+00, v28  }
0x61a: {  	v41 =	vld [tilespmem:s23+$0x4A60];
	v21 =	vunpack.i.u.bf16.f32 v21;
	v49 =	vadd.f32 v49, v19;
	v19 =	vadd.f32 v26, v24  }
0x61b: {  	v43 =	vld [tilespmem:s23+$0x4AA0];
	v24 =	vunpack.i.u.bf16.f32 v29;
	v21 =	vadd.f32 v28, v21;
	v26 =	vunpack.i.l.bf16.f32 v29  }
0x61c: {  	v29 =	vld [tilespmem:s23+$0x5F70];
	v55 =	vmul.bf16 v61, v55;
	v28 =	vadd.f32 v49, v50;
	v49 =	vunpack.i.u.bf16.f32 v48  }
0x61d: {  	v46 =	vld [tilespmem:s23+$0x5F10];
	v48 =	vunpack.i.l.bf16.f32 v48;
	v50 =	vmul.bf16 v31, v52;
	v27 =	vadd.f32 v27, v21  }
0x61e: {  	v56 =	vld [tilespmem:s23+$0x5FF0];
	v21 =	vunpack.i.l.bf16.f32 v62;
	v28 =	vadd.f32 v20, v28;
	v20 =	vunpack.i.u.bf16.f32 v62  }
0x61f: {  	v61 =	vld [tilespmem:s23+$0x4B00];
	v62 =	vunpack.i.l.bf16.f32 v50;
	v25 =	vadd.f32 v27, v25;
	v27 =	vunpack.i.u.bf16.f32 v36  }
0x620: {  	v52 =	vld [tilespmem:s23+$0x4BF0];
	v31 =	vadd.f32 v28, v22;
	v28 =	vunpack.i.l.bf16.f32 v36;
	v22 =	vmul.bf16 v35, v53  }
0x621: {  	v36 =	vld [tilespmem:s23+$0x4AD0];
	v54 =	vmul.bf16 v29, v54;
	v29 =	vadd.f32 $0.0e+00, v62;
	v63 =	vadd.f32 v63, v25  }
0x622: {  	v53 =	vld [tilespmem:s23+$0x5F40];
	v35 =	vunpack.i.u.bf16.f32 v50;
	v50 =	vunpack.i.u.bf16.f32 v4;
	v4 =	vunpack.i.l.bf16.f32 v4  }
0x623: {  	v62 =	vunpack.i.l.bf16.f32 v54;
	v35 =	vadd.f32 v29, v35;
	v51 =	vadd.f32 v63, v60;
	v60 =	vld [tilespmem:s23+$0x5E50]  }
0x624: {  	v25 =	vunpack.i.l.bf16.f32 v22;
	v29 =	vmul.bf16 v33, v41;
	v63 =	vld [tilespmem:s23+$0x4A50];
	v33 =	vadd.f32 $0.0e+00, v62  }
0x625: {  	v54 =	vunpack.i.u.bf16.f32 v54;
	v4 =	vadd.f32 v4, v35;
	v41 =	vadd.f32 v32, v51;
	v51 =	vld [tilespmem:s23+$0x5F00]  }
0x626: {  	v62 =	vunpack.i.l.bf16.f32 v55;
	v32 =	vunpack.i.l.bf16.f32 v29;
	v33 =	vadd.f32 v33, v54;
	v54 =	vld [tilespmem:s23+$0x5EC0]  }
0x627: {  	v4 =	vadd.f32 v4, v50;
	v50 =	vmul.bf16 v56, v52;
	v56 =	vld [tilespmem:s23+$0x4AC0];
	v35 =	vadd.f32 v41, v30  }
0x628: {  	v52 =	vld [tilespmem:s23+$0x5EF0];
	v30 =	vmul.bf16 v40, v43;
	v43 =	vmul.bf16 v46, v57;
	v33 =	vadd.f32 v62, v33  }
0x629: {  	v57 =	vld [tilespmem:s23+$0x5F30];
	v41 =	vunpack.i.u.bf16.f32 v55;
	v46 =	vmul.bf16 v58, v36;
	v36 =	vmul.bf16 v53, v59  }
0x62a: {  	v55 =	vld [tilespmem:s23+$0x4AF0];
	v4 =	vadd.f32 v47, v4;
	v62 =	vunpack.i.l.bf16.f32 v50;
	v40 =	vunpack.i.u.bf16.f32 v43  }
0x62b: {  	v58 =	vld [tilespmem:s23+$0x4B30];
	v33 =	vadd.f32 v33, v41;
	v41 =	vadd.f32 $0.0e+00, v62;
	v62 =	vunpack.i.u.bf16.f32 v50  }
0x62c: {  	v47 =	vunpack.i.l.bf16.f32 v43;
	v43 =	vunpack.i.u.bf16.f32 v46;
	v4 =	vadd.f32 v4, v45  }
0x62d: {  	v59 =	vld [tilespmem:s23+$0x4AB0];
	v46 =	vunpack.i.l.bf16.f32 v46;
	v50 =	vadd.f32 v48, v33;
	v33 =	vadd.f32 v41, v62  }
0x62e: {  	p0 =	sne.s32 s24, $0x4FC0;
	(xrf2) =	vadd.scan.msk.f32 $0xffff, v34;
	v62 =	vld [tilespmem:s23+$0x5EB0];
	v41 =	vunpack.i.l.bf16.f32 v36;
	v56 =	vmul.bf16 v54, v56;
	v4 =	vadd.f32 v39, v4  }
.Ltmp3:
0x62f: {  	(xrf2) =	vadd.scan.msk.f32 $0xffff, v42;
	v42 =	vld [tilespmem:s23+$0x5E70];
	v39 =	vmul.bf16 v60, v63;
	v63 =	vmul.bf16 v51, v61;
	v49 =	vadd.f32 v50, v49;
	(pc) =	sbr.rel @p0 .LBB2_8-.Ltmp3, $4  }
0x630: {  	v48 =	vld [tilespmem:s23+$0x5E40];
	v53 =	vmul.bf16 v52, v55;
	v54 =	vmul.bf16 v57, v58;
	v34 =	vunpack.i.u.bf16.f32 v56  }
0x631: {  	v52 =	vld [tilespmem:s23+$0x4A30];
	v37 =	vadd.f32 v4, v37;
	v45 =	vunpack.i.l.bf16.f32 v39;
	v4 =	vadd.f32 v44, v49  }
0x632: {  	v50 =	vld [tilespmem:s23+$0x5E30];
	v51 =	vunpack.i.l.bf16.f32 v63;
	v60 =	vunpack.i.l.bf16.f32 v53;
	v44 =	vunpack.i.u.bf16.f32 v63  }
0x633: {  	s24 =	sadd.s32 $0x1000, s24;
	v49 =	vld [tilespmem:s23+$0x4A40];
	v57 =	vadd.f32 $0.0e+00, v60;
	v55 =	vmul.bf16 v62, v59;
	v38 =	vadd.f32 v4, v38  }
0x634: {  	v56 =	vunpack.i.l.bf16.f32 v56  }
0x635: {  	v4 =	vld [tilespmem:s23+$0x4A70];
	v53 =	vunpack.i.u.bf16.f32 v53;
	v58 =	vunpack.i.l.bf16.f32 v54;
	v21 =	vadd.f32 v21, v33  }
0x636: {  	v16 =	vadd.f32 v16, v19;
	v53 =	vadd.f32 v57, v53;
	v61 =	vunpack.i.l.bf16.f32 v55  }
0x637: {  	v62 =	vunpack.i.u.bf16.f32 v54;
	v58 =	vadd.f32 $0.0e+00, v58;
	v57 =	vadd.f32 $0.0e+00, v61  }
0x638: {  	v63 =	vunpack.i.u.bf16.f32 v55;
	v50 =	vmul.bf16 v50, v52;
	v52 =	vld [tilespmem:s23+$0x5E80];
	v51 =	vadd.f32 v51, v53  }
0x639: {  	v53 =	vld [tilespmem:s23+$0x4A80];
	v54 =	vadd.f32 v58, v62;
	v48 =	vmul.bf16 v48, v49;
	v61 =	vadd.f32 v57, v63  }
0x63a: {  	v60 =	vunpack.i.l.bf16.f32 v50;
	v4 =	vmul.bf16 v42, v4;
	v63 =	vadd.f32 v51, v44  }
0x63b: {  	v59 =	vunpack.i.u.bf16.f32 v50;
	v55 =	vadd.f32 v41, v54;
	v62 =	vadd.f32 $0.0e+00, v60  }
0x63c: {  	v60 =	vld [tilespmem:s23+$0x5E90];
	v49 =	vadd.f32 v56, v61;
	v61 =	vunpack.i.l.bf16.f32 v4;
	v42 =	vadd.f32 v47, v63  }
0x63d: {  	v50 =	vunpack.i.l.bf16.f32 v48;
	v44 =	vadd.f32 v62, v59;
	v62 =	vld [tilespmem:s23+$0x4A90];
	v63 =	vadd.f32 $0.0e+00, v61  }
0x63e: {  	v4 =	vunpack.i.u.bf16.f32 v4;
	v52 =	vmul.bf16 v52, v53;
	v34 =	vadd.f32 v49, v34  }
0x63f: {  	v48 =	vunpack.i.u.bf16.f32 v48;
	v44 =	vadd.f32 v50, v44;
	v4 =	vadd.f32 v63, v4  }
0x640: {  	v40 =	vadd.f32 v42, v40;
	v34 =	vadd.f32 v46, v34;
	v49 =	vunpack.i.l.bf16.f32 v52  }
0x641: {  	v51 =	vunpack.i.u.bf16.f32 v52;
	v42 =	vadd.f32 v44, v48;
	v4 =	vadd.f32 v49, v4  }
0x642: {  	v26 =	vadd.f32 v26, v40;
	v34 =	vadd.f32 v34, v43;
	v50 =	vmul.bf16 v60, v62  }
0x643: {  	v52 =	vunpack.i.u.bf16.f32 v39;
	v42 =	vadd.f32 v45, v42;
	v4 =	vadd.f32 v4, v51  }
0x644: {  	v24 =	vadd.f32 v26, v24;
	v28 =	vadd.f32 v28, v34;
	v53 =	vunpack.i.l.bf16.f32 v50  }
0x645: {  	(xrf2) =	vadd.scan.msk.f32 $0xffff, v23;
	v57 =	vunpack.i.u.bf16.f32 v36;
	v26 =	vadd.f32 v42, v52;
	v4 =	vadd.f32 v53, v4  }
0x646: {  	(xrf2) =	vadd.scan.msk.f32 $0xffff, v31;
	v58 =	vunpack.i.u.bf16.f32 v50;
	v56 =	vadd.f32 v28, v27;
	v27 =	vadd.f32 v55, v57  }
0x647: {  	v29 =	vunpack.i.u.bf16.f32 v29;
	v10 =	vadd.f32 v10, v13;
	(xrf2) =	vadd.scan.msk.f32 $0xffff, v35;
	v4 =	vadd.f32 v4, v58  }
0x648: {  	(xrf2) =	vadd.scan.msk.f32 $0xffff, v37;
	v59 =	vunpack.i.l.bf16.f32 v30;
	v26 =	vadd.f32 v32, v26;
	v25 =	vadd.f32 v25, v27  }
0x649: {  	v22 =	vunpack.i.u.bf16.f32 v22;
	v20 =	vadd.f32 v21, v20;
	(xrf2) =	vadd.scan.msk.f32 $0xffff, v38;
	v4 =	vadd.f32 v59, v4  }
0x64a: {  	v60 =	vunpack.i.u.bf16.f32 v30;
	(xrf2) =	vadd.scan.msk.f32 $0xffff, v24;
	v26 =	vadd.f32 v26, v29;
	v22 =	vadd.f32 v25, v22  }
0x64b: {  	v17 =	vadd.f32 v17, v20;
	v61 =	vunpack.i.l.bf16.f32 v18;
	(xrf2) =	vadd.scan.msk.f32 $0xffff, v56;
	v4 =	vadd.f32 v4, v60  }
0x64c: {  	v15 =	vunpack.i.u.bf16.f32 v15;
	v14 =	vadd.f32 v16, v14;
	v27 =	vld [tilespmem:$0x1FFD0];
	(xrf2) =	vadd.scan.msk.f32 $0xffff, v26;
	v19 =	vadd.f32 v61, v22  }
0x64d: {  	v8 =	vadd.f32 v10, v8;
	v15 =	vadd.f32 v17, v15;
	v63 =	vunpack.i.u.bf16.f32 v18;
	v62, _, _ =	vpop (xrf2);
	(xrf2) =	vadd.scan.msk.f32 $0xffff, v4  }
0x64e: {  	v23 =	vunpack.i.l.bf16.f32 v12;
	v11 =	vadd.f32 v11, v14;
	v21, _, _ =	vpop (xrf2);
	v22 =	vadd.f32 v19, v63  }
0x64f: {  	v9 =	vunpack.i.u.bf16.f32 v9;
	v15 =	vadd.f32 v23, v15;
	v24, _, _ =	vpop (xrf2)  }
0x650: {  	v31 =	vld [tilespmem:s23+$0x4E20];
	v6 =	vadd.f32 v6, v8;
	v9 =	vadd.f32 v11, v9;
	v25, _, _ =	vpop (xrf2);
	v26 =	vunpack.i.u.bf16.f32 v12;
	(xrf2) =	vadd.scan.msk.f32 $0xffff, v22  }
0x651: {  	v30 =	vunpack.i.l.bf16.f32 v5;
	v28 =	vld [tilespmem:s23+$0x6220];
	v7 =	vadd.f32 v27, v7;
	v29, _, _ =	vpop (xrf2);
	v12 =	vadd.f32 v15, v26  }
0x652: {  	v3 =	vunpack.i.u.bf16.f32 v3;
	v2 =	vunpack.i.u.bf16.f32 v2;
	v9 =	vadd.f32 v30, v9;
	v32, _, _ =	vpop (xrf2)  }
0x653: {  	v3 =	vadd.f32 v6, v3;
	v34 =	vunpack.i.u.bf16.f32 v5;
	v33, _, _ =	vpop (xrf2);
	v2 =	vadd.f32 v7, v2;
	(xrf2) =	vadd.scan.msk.f32 $0xffff, v12  }
0x654: {  	v37 =	vunpack.i.l.bf16.f32 v1;
	v36 =	vunpack.i.l.bf16.f32 v0;
	v5 =	vadd.f32 v9, v34;
	v35, _, _ =	vpop (xrf2)  }
0x655: {  	v3 =	vadd.f32 v36, v3;
	v2 =	vadd.f32 v37, v2;
	v38, _, _ =	vpop (xrf2)  }
0x656: {  	v41 =	vunpack.i.u.bf16.f32 v1;
	v40 =	vunpack.i.u.bf16.f32 v0;
	v8 =	vmul.bf16 v28, v31;
	(xrf2) =	vadd.scan.msk.f32 $0xffff, v5;
	v39, _, _ =	vpop (xrf2)  }
0x657: {  	v0 =	vadd.f32 v3, v40;
	v1 =	vadd.f32 v2, v41;
	v42, _, _ =	vpop (xrf2)  }
0x658: {  	v44 =	vunpack.i.l.bf16.f32 v8;
	v43 =	vbroadcast v39, $0xF;
	v2 =	vbroadcast v42, $0xF  }
0x659: {  	v45 =	vbroadcast v38, $0xF;
	v1 =	vadd.f32 v44, v1;
	(xrf2) =	vadd.scan.msk.f32 $0xffff, v0  }
0x65a: {  	v48 =	vunpack.i.u.bf16.f32 v8;
	v47 =	vbroadcast v35, $0xF;
	v49, _, _ =	vpop (xrf2);
	v46 =	vsel vm0, v43, v2  }
0x65b: {  	v1 =	vadd.f32 v1, v48;
	v5 =	vbroadcast v49, $0xF;
	v0 =	vsel vm1, v46, v45  }
0x65c: {  	v50 =	vbroadcast v33, $0xF;
	v0 =	vsel vm2, v0, v47  }
0x65d: {  	v51 =	vbroadcast v32, $0xF;
	(xrf2) =	vadd.scan.msk.f32 $0xffff, v1;
	v52, _, _ =	vpop (xrf2);
	v0 =	vsel vm3, v0, v5  }
0x65e: {  	v53 =	vbroadcast v52, $0xF;
	v0 =	vsel vm4, v0, v50  }
0x65f: {  	v54 =	vbroadcast v29, $0xF;
	v0 =	vsel vm5, v0, v51  }
0x660: {  	v55 =	vbroadcast v25, $0xF;
	v56, _, _ =	vpop (xrf2);
	v0 =	vsel vm6, v0, v53  }
0x661: {  	v57 =	vbroadcast v56, $0xF;
	v0 =	vsel vm7, v0, v54  }
0x662: {  	v58 =	vbroadcast v24, $0xF;
	v0 =	vsel vm8, v0, v55  }
0x663: {  	v59 =	vbroadcast v21, $0xF;
	v60, _, _ =	vpop (xrf2);
	v0 =	vsel vm9, v0, v57  }
0x664: {  	v61 =	vbroadcast v60, $0xF;
	v0 =	vsel vm10, v0, v58  }
0x665: {  	v62 =	vbroadcast v62, $0xF;
	v0 =	vsel vm11, v0, v59  }
0x666: {  	v0 =	vsel vm12, v0, v61  }
0x667: {  	s21 =	sadd.s32 $0x1, s21;
	v63, _, _ =	vpop (xrf2);
	v0 =	vsel vm13, v0, v62  }
0x668: {  	s22 =	sadd.s32 $0x10, s22;
	p0 =	sne.s32 s21, s8;
	v0 =	vsel vm14, v0, v63  }
.Ltmp4:
0x669: {  	[tilespmem:s22+$0x0] =	vst v0;
	(pc) =	sbr.rel @p0 .LBB2_1-.Ltmp4, $4  }
0x66a: {  	[hbm4b:s7+s2] =	stream.linear.scatter [tilespmem:s20], [sflag:$0x5], $0x2710, $0x38;
	[tilespmem:$0xC530] =	vst v63  }
0x66b: {  	_ =	swait.ge [sflag:s9], $0x2710  }
0x66c: {  	[sflag:s9] =	ssyncset.done $0x0  }
0x66d: {  	[sflag:s9] =	ssyncadd.s32 $0xFFFFD8F0  }
0x66e: {  	_ =	sfence.sel $0x180000  }
0x66f: {  	[bflag:$0x0] =	sbarrier.arrive $0xFFFF  }
0x670: {  	p0 =	sne.s32 s0, $0x0;
	_ =	strace $0x90000047  }
0x671: {  	s0 =	sadd.s32 @!p0 $0x100000, s1;
	[bflag:$0x2] =	sbarrier.arrive $0xFFFF  }
0x672: {  	[sflag:s0] =	ssyncadd.tile.s32 @!p0 $0x1;
	_ =	shalt  }
.Lfunc_end2:
_tile_overlayer_lowered:
.L_overlay_start_2:
0x673: {  	(tag) =	ssettag $0x2  }
0x674: {  	s0 =	rddreg [dreg:$0x0];
	s2 =	stileid.u32  }
0x675: {  	s1 =	rddreg [dreg:$0x1];
	p0 =	sne.s32 s2, $0x0  }
0x676: {  	s3 =	rddreg [dreg:$0x2];
	[bflag:$0x3] =	sbarrier.arrive $0xFFFF;
	s2 =	simm.s32 @!p0 $0x1C05  }
0x677: {  	[timem:s3], [sflag:s2] =	dma.local @!p0 [hbm:s0], s1  }
0x678: {  	s0 =	simm.s32 @!p0 $0x5  }
0x679: {  	_ =	swait.ge @!p0 [sflag:s0], s1  }
0x67a: {  	s1 =	ssub.s32 @!p0 $0x0, s1;
	[sflag:s0] =	ssyncset.done @!p0 $0x0  }
0x67b: {  	[sflag:s0] =	ssyncadd.s32 @!p0 s1  }
0x67c: {  	[bflag:$0x3] =	sbarrier.arrive $0xFFFF  }
0x67d: {  	_ =	shalt  }

</sc_bundles>
